<compile_context>
chip_gen: v7x
topology: tpu7x:2x2x1
jax: 0.10.2.dev20260603
libtpu: 0.0.44.dev20260713+nightly
codegen_flags: <defaults>
</compile_context>

<pallas_src>
import functools

import jax
import jax.numpy as jnp
from jax import lax
from jax.experimental import pallas as pl
from jax.experimental.pallas import tpu as pltpu
from jax.experimental.pallas import tpu_sc as plsc

N_NODES = 10000
N_EDGES = 320000
D = 128
K_BASIS = 9

CHUNK = 128
N_CHUNKS = N_EDGES // CHUNK
NW = 32
NCH_W = 80
N_CHUNKS_PAD = NW * NCH_W
NSLOT = 6
LOOK = 3
ROWS_PER_TILE = 632
N_PAD = 16 * ROWS_PER_TILE

SCHUNK = 64
S_N_CHUNKS = N_EDGES // SCHUNK
S_NCH_W = 160
S_N_CHUNKS_PAD = NW * S_NCH_W
S_NSLOT = 4
S_LOOK = 2

EB = 2560
GRID_E = N_EDGES // EB
NB = 2000
GRID_N = N_NODES // NB

_mesh = plsc.VectorSubcoreMesh(core_axis_name="c", subcore_axis_name="s")

_row_scratch = [pltpu.VMEM((CHUNK, D), jnp.float32) for _ in range(NSLOT)]
_sem_scratch = [pltpu.SemaphoreType.DMA for _ in range(2 * NSLOT)]


@functools.partial(
    pl.kernel,
    mesh=_mesh,
    out_type=jax.ShapeDtypeStruct((N_EDGES, D), jnp.float32),
    scratch_types=[pltpu.VMEM((NCH_W, CHUNK), jnp.int32)]
    + _row_scratch
    + _sem_scratch,
)
def _sc_gather(x_hbm, src_hbm, out_hbm, idx_all,
               r0, r1, r2, r3, r4, r5,
               g0, g1, g2, g3, g4, g5,
               o0, o1, o2, o3, o4, o5):
    rows = (r0, r1, r2, r3, r4, r5)
    sg = (g0, g1, g2, g3, g4, g5)
    so = (o0, o1, o2, o3, o4, o5)
    wid = lax.axis_index("s") * 2 + lax.axis_index("c")
    base = pl.multiple_of(wid * NCH_W, 8)
    lim = jnp.minimum(NCH_W, N_CHUNKS - base)

    pltpu.sync_copy(src_hbm.at[pl.ds(base, NCH_W)], idx_all)
    for b in range(LOOK):
        pltpu.async_copy(x_hbm.at[idx_all.at[b]], rows[b], sg[b])

    def outer(i, carry):
        gg = i * NSLOT
        for b in range(NSLOT):
            t = gg + b
            sq = (b + LOOK) % NSLOT
            @pl.when(t < lim)
            def _():
                pltpu.make_async_copy(
                    x_hbm.at[idx_all.at[t]], rows[b], sg[b]).wait()
                pltpu.async_copy(
                    rows[b], out_hbm.at[pl.ds((base + t) * CHUNK, CHUNK)],
                    so[b])

            @pl.when(t + LOOK < lim)
            def _():
                @pl.when(t >= LOOK)
                def _():
                    pltpu.make_async_copy(
                        rows[sq],
                        out_hbm.at[pl.ds(base * CHUNK, CHUNK)],
                        so[sq]).wait()
                pltpu.async_copy(
                    x_hbm.at[idx_all.at[t + LOOK]], rows[sq], sg[sq])
        return carry

    lax.fori_loop(0, (NCH_W + NSLOT - 1) // NSLOT, outer, 0)
    for b in range(NSLOT):
        pltpu.make_async_copy(
            rows[b], out_hbm.at[pl.ds(base * CHUNK, CHUNK)], so[b]).wait()


@functools.partial(
    pl.kernel,
    mesh=_mesh,
    out_type=jax.ShapeDtypeStruct((2, N_PAD, D), jnp.float32),
    scratch_types=[pltpu.VMEM((SCHUNK,), jnp.int32) for _ in range(S_NSLOT)]
    + [pltpu.VMEM((SCHUNK, D), jnp.float32) for _ in range(S_NSLOT)]
    + [pltpu.VMEM_SHARED((N_PAD, D), jnp.float32)]
    + [pltpu.SemaphoreType.DMA for _ in range(3 * S_NSLOT)],
)
def _sc_scatter(acc_hbm, dst_hbm, zero_hbm, out_hbm,
                i0, i1, i2, i3,
                r0, r1, r2, r3, acc_sh,
                x0, x1, x2, x3,
                l0, l1, l2, l3,
                s0, s1, s2, s3):
    idxs = (i0, i1, i2, i3)
    rows = (r0, r1, r2, r3)
    sx = (x0, x1, x2, x3)
    sl = (l0, l1, l2, l3)
    ss = (s0, s1, s2, s3)
    c = lax.axis_index("c")
    s = lax.axis_index("s")
    wid = s * 2 + c
    base = pl.multiple_of(wid * S_NCH_W, 8)
    lim = jnp.minimum(S_NCH_W, S_N_CHUNKS - base)
    shard = pl.multiple_of(s * ROWS_PER_TILE, 8)

    pltpu.sync_copy(zero_hbm, acc_sh.at[pl.ds(shard, ROWS_PER_TILE)])
    plsc.subcore_barrier()

    for b in range(S_LOOK):
        pltpu.async_copy(dst_hbm.at[base + b], idxs[b], sx[b])
        pltpu.async_copy(
            acc_hbm.at[pl.ds((base + b) * SCHUNK, SCHUNK)], rows[b], sl[b])

    def outer(i, carry):
        gg = i * S_NSLOT
        for b in range(S_NSLOT):
            t = gg + b
            sq = (b + S_LOOK) % S_NSLOT
            @pl.when(t < lim)
            def _():
                pltpu.make_async_copy(
                    dst_hbm.at[base + t], idxs[b], sx[b]).wait()
                pltpu.make_async_copy(
                    acc_hbm.at[pl.ds((base + t) * SCHUNK, SCHUNK)],
                    rows[b], sl[b]).wait()
                pltpu.async_copy(
                    rows[b], acc_sh.at[idxs[b]], ss[b], add=True)

            @pl.when(t + S_LOOK < lim)
            def _():
                @pl.when(t >= S_LOOK)
                def _():
                    pltpu.make_async_copy(
                        rows[sq], acc_sh.at[idxs[sq]], ss[sq]).wait()
                pltpu.async_copy(
                    dst_hbm.at[base + t + S_LOOK], idxs[sq], sx[sq])
                pltpu.async_copy(
                    acc_hbm.at[pl.ds((base + t + S_LOOK) * SCHUNK, SCHUNK)],
                    rows[sq], sl[sq])
        return carry

    lax.fori_loop(0, S_NCH_W // S_NSLOT, outer, 0)
    for b in range(S_NSLOT):
        pltpu.make_async_copy(
            rows[b], acc_sh.at[idxs[b]], ss[b]).wait()

    plsc.subcore_barrier()
    pltpu.sync_copy(
        acc_sh.at[pl.ds(shard, ROWS_PER_TILE)],
        out_hbm.at[c].at[pl.ds(shard, ROWS_PER_TILE)],
    )


def _edge_body(attr_ref, xs_ref, w_ref, out_ref):
    u = attr_ref[...]
    ux = u[:, 0:1]
    uy = u[:, 1:2]
    bxs = (0.5 * (1.0 - ux) ** 2, -ux * ux + ux + 0.5, 0.5 * ux * ux)
    bys = (0.5 * (1.0 - uy) ** 2, -uy * uy + uy + 0.5, 0.5 * uy * uy)
    xs = xs_ref[...].astype(jnp.bfloat16)
    us = [bys[j].astype(jnp.bfloat16) * xs for j in range(3)]
    acc = jnp.zeros((EB, D), jnp.float32)
    for i in range(3):
        v = jnp.zeros((EB, D), jnp.float32)
        for j in range(3):
            v = v + jnp.dot(
                us[j], w_ref[i, j], preferred_element_type=jnp.float32
            )
        acc = acc + bxs[i] * v
    out_ref[...] = acc


def _edge_matmul(edge_attr, xs, W):
    return pl.pallas_call(
        _edge_body,
        grid=(GRID_E,),
        in_specs=[
            pl.BlockSpec((EB, 2), lambda i: (i, 0)),
            pl.BlockSpec((EB, D), lambda i: (i, 0)),
            pl.BlockSpec((3, 3, D, D), lambda i: (0, 0, 0, 0)),
        ],
        out_specs=pl.BlockSpec((EB, D), lambda i: (i, 0)),
        out_shape=jax.ShapeDtypeStruct((N_EDGES, D), jnp.float32),
    )(edge_attr, xs, W)


def _combine_body(p_ref, x_ref, root_ref, b_ref, out_ref):
    t = (
        p_ref[0]
        + p_ref[1]
        + jnp.dot(x_ref[...], root_ref[...], preferred_element_type=jnp.float32)
        + b_ref[...]
    )
    out_ref[...] = jnp.maximum(t, 0.0)


def _combine(parts, x, root, b):
    return pl.pallas_call(
        _combine_body,
        grid=(GRID_N,),
        in_specs=[
            pl.BlockSpec((2, NB, D), lambda i: (0, i, 0)),
            pl.BlockSpec((NB, D), lambda i: (i, 0)),
            pl.BlockSpec((D, D), lambda i: (0, 0)),
            pl.BlockSpec((1, D), lambda i: (0, 0)),
        ],
        out_specs=pl.BlockSpec((NB, D), lambda i: (i, 0)),
        out_shape=jax.ShapeDtypeStruct((N_NODES, D), jnp.float32),
    )(parts, x, root, b)


def _pad_idx(v, n_rows, n_cols):
    pad = n_rows * n_cols - N_EDGES
    v = jnp.concatenate([v.astype(jnp.int32), jnp.zeros((pad,), jnp.int32)])
    return v.reshape(n_rows, n_cols)


def kernel(x, edge_index, edge_attr, W1, root1, b1, W2, root2, b2):
    src = _pad_idx(edge_index[0], N_CHUNKS_PAD, CHUNK)
    dst = _pad_idx(edge_index[1], S_N_CHUNKS_PAD, SCHUNK)
    zero = jnp.zeros((ROWS_PER_TILE, D), jnp.float32)

    def stack_w(W):
        return W.reshape(3, 3, D, D).astype(jnp.bfloat16)

    def layer(h, W, root, b):
        xs = _sc_gather(h, src)
        acc = _edge_matmul(edge_attr, xs, stack_w(W))
        parts = _sc_scatter(acc, dst, zero)
        return _combine(parts, h, root, b.reshape(1, D))

    h = layer(x, W1, root1, b1)
    return layer(h, W2, root2, b2)

# --- scband reference (transcript-rebuilt; emitter-appended) ---
"""Pipeline reference for scband-mesh-encoder-39444979647130 (READ-ONLY COPY).

The authoritative reference and input builder live on the scoring server;
editing this copy changes nothing except your own understanding.
"""

import jax, jax.numpy as jnp
import numpy as np

N_NODES = 10000
N_EDGES = 320000
D = 128
K_BASIS = 9  # (degree+1)^dim with kernel_size=[3,3], degree=2, dim=2


def _bspline_basis_2d(u):
    # u: [E, 2] pseudo-coordinates in [0, 1].
    # Open degree-2 B-spline with kernel_size=3 per dim: v = u * (K - degree) = u,
    # floor(v) == 0, so all 3 basis functions per dim are active.
    b0 = 0.5 * (1.0 - u) ** 2
    b1 = -u ** 2 + u + 0.5
    b2 = 0.5 * u ** 2
    b = jnp.stack([b0, b1, b2], axis=-1)  # [E, 2, 3]
    bx = b[:, 0, :]
    by = b[:, 1, :]
    return (bx[:, :, None] * by[:, None, :]).reshape(u.shape[0], K_BASIS)  # [E, 9]


def _spline_conv(x, src, dst, basis, W, root, bias, n_nodes):
    # SplineConv(in, out, dim=2, kernel_size=[3,3], degree=2, aggr='add')
    x_src = jnp.take(x, src, axis=0)  # gather source node features [E, in]
    acc = jnp.zeros((x_src.shape[0], W.shape[2]), dtype=x.dtype)
    for k in range(W.shape[0]):
        acc = acc + basis[:, k:k + 1] * (x_src @ W[k])
    agg = jax.ops.segment_sum(acc, dst, num_segments=n_nodes)  # scatter-add
    return agg + x @ root + bias


def setup_inputs(seed: int = 0) -> dict:
    key = jax.random.key(seed)
    ks = jax.random.split(key, 10)
    x = jax.random.normal(ks[0], (N_NODES, D), dtype=jnp.float32)
    edge_index = jax.random.randint(ks[1], (2, N_EDGES), 0, N_NODES, dtype=jnp.int64)
    edge_attr = jax.random.uniform(ks[2], (N_EDGES, 2), dtype=jnp.float32)
    s = 0.05
    W1 = jax.random.normal(ks[3], (K_BASIS, D, D), dtype=jnp.float32) * s
    root1 = jax.random.normal(ks[4], (D, D), dtype=jnp.float32) * s
    b1 = jnp.zeros((D,), dtype=jnp.float32)
    W2 = jax.random.normal(ks[5], (K_BASIS, D, D), dtype=jnp.float32) * s
    root2 = jax.random.normal(ks[6], (D, D), dtype=jnp.float32) * s
    b2 = jnp.zeros((D,), dtype=jnp.float32)
    return {"x": x, "edge_index": edge_index, "edge_attr": edge_attr,
            "W1": W1, "root1": root1, "b1": b1,
            "W2": W2, "root2": root2, "b2": b2}


def reference(x, edge_index, edge_attr, W1, root1, b1, W2, root2, b2):
    # MeshEncoder(convs=[128,128]) -> single DownConv(pool=False):
    #   v = relu(conv1(x, edges, attr)); v = relu(conv2(v, edges, attr))
    src = edge_index[0]
    dst = edge_index[1]
    basis = _bspline_basis_2d(edge_attr)
    n = x.shape[0]
    h = jax.nn.relu(_spline_conv(x, src, dst, basis, W1, root1, b1, n))
    h = jax.nn.relu(_spline_conv(h, src, dst, basis, W2, root2, b2, n))
    return h

if __name__ == "__main__":
    import jax
    _d = setup_inputs()
    print(jax.jit(kernel)(*tuple(_d.values())))

</pallas_src>

<mosaic_0001>
#map = affine_map<(d0, d1) -> (0, 0)>
#map1 = affine_map<(d0, d1) -> (0, 0, 0)>
module attributes {stable_mosaic.version = 14 : i64} {
  func.func @_sc_scatter(%arg0: i32, %arg1: i32, %arg2: memref<320000x128xf32, #tpu.memory_space<hbm>>, %arg3: memref<5120x64xi32, #tpu.memory_space<hbm>>, %arg4: memref<632x128xf32, #tpu.memory_space<hbm>>, %arg5: memref<2x10112x128xf32, #tpu.memory_space<hbm>>, %arg6: memref<64xi32, #tpu.memory_space<vmem>>, %arg7: memref<64xi32, #tpu.memory_space<vmem>>, %arg8: memref<64xi32, #tpu.memory_space<vmem>>, %arg9: memref<64xi32, #tpu.memory_space<vmem>>, %arg10: memref<64x128xf32, #tpu.memory_space<vmem>>, %arg11: memref<64x128xf32, #tpu.memory_space<vmem>>, %arg12: memref<64x128xf32, #tpu.memory_space<vmem>>, %arg13: memref<64x128xf32, #tpu.memory_space<vmem>>, %arg14: memref<10112x128xf32, #tpu.memory_space<vmem_shared>>, %arg15: memref<!tpu.dma_semaphore, #tpu.memory_space<semaphore_mem>>, %arg16: memref<!tpu.dma_semaphore, #tpu.memory_space<semaphore_mem>>, %arg17: memref<!tpu.dma_semaphore, #tpu.memory_space<semaphore_mem>>, %arg18: memref<!tpu.dma_semaphore, #tpu.memory_space<semaphore_mem>>, %arg19: memref<!tpu.dma_semaphore, #tpu.memory_space<semaphore_mem>>, %arg20: memref<!tpu.dma_semaphore, #tpu.memory_space<semaphore_mem>>, %arg21: memref<!tpu.dma_semaphore, #tpu.memory_space<semaphore_mem>>, %arg22: memref<!tpu.dma_semaphore, #tpu.memory_space<semaphore_mem>>, %arg23: memref<!tpu.dma_semaphore, #tpu.memory_space<semaphore_mem>>, %arg24: memref<!tpu.dma_semaphore, #tpu.memory_space<semaphore_mem>>, %arg25: memref<!tpu.dma_semaphore, #tpu.memory_space<semaphore_mem>>, %arg26: memref<!tpu.dma_semaphore, #tpu.memory_space<semaphore_mem>>) attributes {dimension_semantics = [#tpu.dimension_semantics<core_parallel>, #tpu.dimension_semantics<subcore_parallel>], iteration_bounds = array<i64: 2, 16>, scalar_prefetch = 0 : i64, scratch_operands = 21 : i64, tpu.core_type = #tpu.core_type<sc_vector_subcore>, window_params = [{transform_indices = #map}, {transform_indices = #map}, {transform_indices = #map}, {transform_indices = #map1}]} {
    %mul3A = arith.constant 2 : i32
    %mul3A_0 = arith.muli %arg1, %mul3A : i32
    %add3A = arith.addi %mul3A_0, %arg0 : i32
    %mul3A_1 = arith.constant 160 : i32
    %mul3A_2 = arith.muli %add3A, %mul3A_1 : i32
    %multiple_of3A = tpu.assume_multiple %mul3A_2, 8 : i32
    %sub3A = arith.constant 5000 : i32
    %sub3A_3 = arith.subi %sub3A, %multiple_of3A : i32
    %min3A = arith.constant 160 : i32
    %min3A_4 = arith.minsi %min3A, %sub3A_3 : i32
    %mul3A_5 = arith.constant 632 : i32
    %mul3A_6 = arith.muli %arg1, %mul3A_5 : i32
    %multiple_of3A_7 = tpu.assume_multiple %mul3A_6, 8 : i32
    "tpu.region"() ({
      %run_scoped3A = tpu.sem_alloc : memref<!tpu.dma_semaphore, #tpu.memory_space<semaphore_mem>>
      %dma_start3A_56 = arith.constant 0 : i32
      %dma_start3A_57 = tpu.memref_slice %arg14[%multiple_of3A_7, %dma_start3A_56] : memref<10112x128xf32, #tpu.memory_space<vmem_shared>> -> memref<632x128xf32, #tpu.memory_space<vmem_shared>>
      tpu.enqueue_dma source(%arg4 : memref<632x128xf32, #tpu.memory_space<hbm>>) target(%dma_start3A_57 : memref<632x128xf32, #tpu.memory_space<vmem_shared>>) target_semaphore(%run_scoped3A : memref<!tpu.dma_semaphore, #tpu.memory_space<semaphore_mem>>)
      %dma_wait3A_58 = arith.constant 0 : i32
      %dma_wait3A_59 = tpu.memref_slice %arg14[%multiple_of3A_7, %dma_wait3A_58] : memref<10112x128xf32, #tpu.memory_space<vmem_shared>> -> memref<632x128xf32, #tpu.memory_space<vmem_shared>>
      tpu.wait_dma2 semaphore(%run_scoped3A : memref<!tpu.dma_semaphore, #tpu.memory_space<semaphore_mem>>) src(%arg4 : memref<632x128xf32, #tpu.memory_space<hbm>>) dst(%dma_wait3A_59 : memref<632x128xf32, #tpu.memory_space<vmem_shared>>)
      tpu.yield
    }) : () -> ()
    %barrier3A = arith.constant 0 : index
    tpu.barrier barrier_id(%barrier3A)
    %add3A_8 = arith.constant 0 : i32
    %add3A_9 = arith.addi %multiple_of3A, %add3A_8 : i32
    %dma_start3A = arith.constant 0 : i32
    %dma_start3A_10 = tpu.memref_slice %arg3[%add3A_9, %dma_start3A] : memref<5120x64xi32, #tpu.memory_space<hbm>> -> memref<1x64xi32, #tpu.memory_space<hbm>>
    %dma_start3A_11 = tpu.memref_squeeze %dma_start3A_10 : memref<1x64xi32, #tpu.memory_space<hbm>> -> memref<64xi32, #tpu.memory_space<hbm>>
    %dma_start3A_12 = arith.constant 0 : i32
    %dma_start3A_13 = tpu.memref_slice %arg3[%add3A_9, %dma_start3A_12] : memref<5120x64xi32, #tpu.memory_space<hbm>> -> memref<1x64xi32, #tpu.memory_space<hbm>>
    %dma_start3A_14 = tpu.memref_squeeze %dma_start3A_13 : memref<1x64xi32, #tpu.memory_space<hbm>> -> memref<64xi32, #tpu.memory_space<hbm>>
    tpu.enqueue_dma source(%dma_start3A_14 : memref<64xi32, #tpu.memory_space<hbm>>) target(%arg6 : memref<64xi32, #tpu.memory_space<vmem>>) target_semaphore(%arg15 : memref<!tpu.dma_semaphore, #tpu.memory_space<semaphore_mem>>)
    %add3A_15 = arith.constant 0 : i32
    %add3A_16 = arith.addi %multiple_of3A, %add3A_15 : i32
    %mul3A_17 = arith.constant 64 : i32
    %mul3A_18 = arith.muli %add3A_16, %mul3A_17 : i32
    %dma_start3A_19 = arith.constant 0 : i32
    %dma_start3A_20 = tpu.memref_slice %arg2[%mul3A_18, %dma_start3A_19] : memref<320000x128xf32, #tpu.memory_space<hbm>> -> memref<64x128xf32, #tpu.memory_space<hbm>>
    %dma_start3A_21 = arith.constant 0 : i32
    %dma_start3A_22 = tpu.memref_slice %arg2[%mul3A_18, %dma_start3A_21] : memref<320000x128xf32, #tpu.memory_space<hbm>> -> memref<64x128xf32, #tpu.memory_space<hbm>>
    tpu.enqueue_dma source(%dma_start3A_22 : memref<64x128xf32, #tpu.memory_space<hbm>>) target(%arg10 : memref<64x128xf32, #tpu.memory_space<vmem>>) target_semaphore(%arg19 : memref<!tpu.dma_semaphore, #tpu.memory_space<semaphore_mem>>)
    %add3A_23 = arith.constant 1 : i32
    %add3A_24 = arith.addi %multiple_of3A, %add3A_23 : i32
    %dma_start3A_25 = arith.constant 0 : i32
    %dma_start3A_26 = tpu.memref_slice %arg3[%add3A_24, %dma_start3A_25] : memref<5120x64xi32, #tpu.memory_space<hbm>> -> memref<1x64xi32, #tpu.memory_space<hbm>>
    %dma_start3A_27 = tpu.memref_squeeze %dma_start3A_26 : memref<1x64xi32, #tpu.memory_space<hbm>> -> memref<64xi32, #tpu.memory_space<hbm>>
    %dma_start3A_28 = arith.constant 0 : i32
    %dma_start3A_29 = tpu.memref_slice %arg3[%add3A_24, %dma_start3A_28] : memref<5120x64xi32, #tpu.memory_space<hbm>> -> memref<1x64xi32, #tpu.memory_space<hbm>>
    %dma_start3A_30 = tpu.memref_squeeze %dma_start3A_29 : memref<1x64xi32, #tpu.memory_space<hbm>> -> memref<64xi32, #tpu.memory_space<hbm>>
    tpu.enqueue_dma source(%dma_start3A_30 : memref<64xi32, #tpu.memory_space<hbm>>) target(%arg7 : memref<64xi32, #tpu.memory_space<vmem>>) target_semaphore(%arg16 : memref<!tpu.dma_semaphore, #tpu.memory_space<semaphore_mem>>)
    %add3A_31 = arith.constant 1 : i32
    %add3A_32 = arith.addi %multiple_of3A, %add3A_31 : i32
    %mul3A_33 = arith.constant 64 : i32
    %mul3A_34 = arith.muli %add3A_32, %mul3A_33 : i32
    %dma_start3A_35 = arith.constant 0 : i32
    %dma_start3A_36 = tpu.memref_slice %arg2[%mul3A_34, %dma_start3A_35] : memref<320000x128xf32, #tpu.memory_space<hbm>> -> memref<64x128xf32, #tpu.memory_space<hbm>>
    %dma_start3A_37 = arith.constant 0 : i32
    %dma_start3A_38 = tpu.memref_slice %arg2[%mul3A_34, %dma_start3A_37] : memref<320000x128xf32, #tpu.memory_space<hbm>> -> memref<64x128xf32, #tpu.memory_space<hbm>>
    tpu.enqueue_dma source(%dma_start3A_38 : memref<64x128xf32, #tpu.memory_space<hbm>>) target(%arg11 : memref<64x128xf32, #tpu.memory_space<vmem>>) target_semaphore(%arg20 : memref<!tpu.dma_semaphore, #tpu.memory_space<semaphore_mem>>)
    %scan3A = arith.constant 0 : i32
    %scan3A_39 = arith.constant 0 : i32
    %scan3A_40 = arith.constant 40 : i32
    %scan3A_41 = arith.addi %scan3A_39, %scan3A_40 : i32
    %scan3A_42 = arith.constant 1 : i32
    scf.for %scan3A_56 = %scan3A_39 to %scan3A_41 step %scan3A_42  : i32 {
      %mul3A_57 = arith.constant 4 : i32
      %mul3A_58 = arith.muli %scan3A_56, %mul3A_57 : i32
      %add3A_59 = arith.constant 0 : i32
      %add3A_60 = arith.addi %mul3A_58, %add3A_59 : i32
      %lt3A = arith.cmpi slt, %add3A_60, %min3A_4 : i32
      %convert_element_type3A = arith.extui %lt3A : i1 to i32
      %cond3A = arith.constant 0 : i32
      %cond3A_61 = arith.cmpi ne, %convert_element_type3A, %cond3A : i32
      scf.if %cond3A_61 {
        %add3A_104 = arith.addi %multiple_of3A, %add3A_60 : i32
        %dma_wait3A_105 = arith.constant 0 : i32
        %dma_wait3A_106 = tpu.memref_slice %arg3[%add3A_104, %dma_wait3A_105] : memref<5120x64xi32, #tpu.memory_space<hbm>> -> memref<1x64xi32, #tpu.memory_space<hbm>>
        %dma_wait3A_107 = tpu.memref_squeeze %dma_wait3A_106 : memref<1x64xi32, #tpu.memory_space<hbm>> -> memref<64xi32, #tpu.memory_space<hbm>>
        %dma_wait3A_108 = arith.constant 0 : i32
        %dma_wait3A_109 = tpu.memref_slice %arg3[%add3A_104, %dma_wait3A_108] : memref<5120x64xi32, #tpu.memory_space<hbm>> -> memref<1x64xi32, #tpu.memory_space<hbm>>
        %dma_wait3A_110 = tpu.memref_squeeze %dma_wait3A_109 : memref<1x64xi32, #tpu.memory_space<hbm>> -> memref<64xi32, #tpu.memory_space<hbm>>
        tpu.wait_dma2 semaphore(%arg15 : memref<!tpu.dma_semaphore, #tpu.memory_space<semaphore_mem>>) src(%dma_wait3A_110 : memref<64xi32, #tpu.memory_space<hbm>>) dst(%arg6 : memref<64xi32, #tpu.memory_space<vmem>>)
        %add3A_111 = arith.addi %multiple_of3A, %add3A_60 : i32
        %mul3A_112 = arith.constant 64 : i32
        %mul3A_113 = arith.muli %add3A_111, %mul3A_112 : i32
        %dma_wait3A_114 = arith.constant 0 : i32
        %dma_wait3A_115 = tpu.memref_slice %arg2[%mul3A_113, %dma_wait3A_114] : memref<320000x128xf32, #tpu.memory_space<hbm>> -> memref<64x128xf32, #tpu.memory_space<hbm>>
        %dma_wait3A_116 = arith.constant 0 : i32
        %dma_wait3A_117 = tpu.memref_slice %arg2[%mul3A_113, %dma_wait3A_116] : memref<320000x128xf32, #tpu.memory_space<hbm>> -> memref<64x128xf32, #tpu.memory_space<hbm>>
        tpu.wait_dma2 semaphore(%arg19 : memref<!tpu.dma_semaphore, #tpu.memory_space<semaphore_mem>>) src(%dma_wait3A_117 : memref<64x128xf32, #tpu.memory_space<hbm>>) dst(%arg10 : memref<64x128xf32, #tpu.memory_space<vmem>>)
        %dma_start3A_118 = arith.constant 0 : i32
        %dma_start3A_119 = arith.constant 0 : i32
        %dma_start3A_120 = tpu.memref_slice %arg14[%dma_start3A_118, %dma_start3A_119] : memref<10112x128xf32, #tpu.memory_space<vmem_shared>> -> memref<10112x128xf32, #tpu.memory_space<vmem_shared>>
        tpu.enqueue_indirect_dma source(%arg10 : memref<64x128xf32, #tpu.memory_space<vmem>>) target(%dma_start3A_120 : memref<10112x128xf32, #tpu.memory_space<vmem_shared>>) offsets(%arg6 : memref<64xi32, #tpu.memory_space<vmem>>) semaphore(%arg23 : memref<!tpu.dma_semaphore, #tpu.memory_space<semaphore_mem>>) {add = true}
      } else {
      }
      %add3A_62 = arith.constant 2 : i32
      %add3A_63 = arith.addi %add3A_60, %add3A_62 : i32
      %lt3A_64 = arith.cmpi slt, %add3A_63, %min3A_4 : i32
      %convert_element_type3A_65 = arith.extui %lt3A_64 : i1 to i32
      %cond3A_66 = arith.constant 0 : i32
      %cond3A_67 = arith.cmpi ne, %convert_element_type3A_65, %cond3A_66 : i32
      scf.if %cond3A_67 {
        %ge3A = arith.constant 2 : i32
        %ge3A_104 = arith.cmpi sge, %add3A_60, %ge3A : i32
        %convert_element_type3A_105 = arith.extui %ge3A_104 : i1 to i32
        %cond3A_106 = arith.constant 0 : i32
        %cond3A_107 = arith.cmpi ne, %convert_element_type3A_105, %cond3A_106 : i32
        scf.if %cond3A_107 {
          %dma_wait3A_126 = arith.constant 0 : i32
          %dma_wait3A_127 = arith.constant 0 : i32
          %dma_wait3A_128 = tpu.memref_slice %arg14[%dma_wait3A_126, %dma_wait3A_127] : memref<10112x128xf32, #tpu.memory_space<vmem_shared>> -> memref<10112x128xf32, #tpu.memory_space<vmem_shared>>
          tpu.wait_indirect_dma semaphore(%arg25 : memref<!tpu.dma_semaphore, #tpu.memory_space<semaphore_mem>>) src(%arg12 : memref<64x128xf32, #tpu.memory_space<vmem>>) dst(%dma_wait3A_128 : memref<10112x128xf32, #tpu.memory_space<vmem_shared>>)
        } else {
        }
        %add3A_108 = arith.addi %multiple_of3A, %add3A_60 : i32
        %add3A_109 = arith.constant 2 : i32
        %add3A_110 = arith.addi %add3A_108, %add3A_109 : i32
        %dma_start3A_111 = arith.constant 0 : i32
        %dma_start3A_112 = tpu.memref_slice %arg3[%add3A_110, %dma_start3A_111] : memref<5120x64xi32, #tpu.memory_space<hbm>> -> memref<1x64xi32, #tpu.memory_space<hbm>>
        %dma_start3A_113 = tpu.memref_squeeze %dma_start3A_112 : memref<1x64xi32, #tpu.memory_space<hbm>> -> memref<64xi32, #tpu.memory_space<hbm>>
        %dma_start3A_114 = arith.constant 0 : i32
        %dma_start3A_115 = tpu.memref_slice %arg3[%add3A_110, %dma_start3A_114] : memref<5120x64xi32, #tpu.memory_space<hbm>> -> memref<1x64xi32, #tpu.memory_space<hbm>>
        %dma_start3A_116 = tpu.memref_squeeze %dma_start3A_115 : memref<1x64xi32, #tpu.memory_space<hbm>> -> memref<64xi32, #tpu.memory_space<hbm>>
        tpu.enqueue_dma source(%dma_start3A_116 : memref<64xi32, #tpu.memory_space<hbm>>) target(%arg8 : memref<64xi32, #tpu.memory_space<vmem>>) target_semaphore(%arg17 : memref<!tpu.dma_semaphore, #tpu.memory_space<semaphore_mem>>)
        %add3A_117 = arith.addi %multiple_of3A, %add3A_60 : i32
        %add3A_118 = arith.constant 2 : i32
        %add3A_119 = arith.addi %add3A_117, %add3A_118 : i32
        %mul3A_120 = arith.constant 64 : i32
        %mul3A_121 = arith.muli %add3A_119, %mul3A_120 : i32
        %dma_start3A_122 = arith.constant 0 : i32
        %dma_start3A_123 = tpu.memref_slice %arg2[%mul3A_121, %dma_start3A_122] : memref<320000x128xf32, #tpu.memory_space<hbm>> -> memref<64x128xf32, #tpu.memory_space<hbm>>
        %dma_start3A_124 = arith.constant 0 : i32
        %dma_start3A_125 = tpu.memref_slice %arg2[%mul3A_121, %dma_start3A_124] : memref<320000x128xf32, #tpu.memory_space<hbm>> -> memref<64x128xf32, #tpu.memory_space<hbm>>
        tpu.enqueue_dma source(%dma_start3A_125 : memref<64x128xf32, #tpu.memory_space<hbm>>) target(%arg12 : memref<64x128xf32, #tpu.memory_space<vmem>>) target_semaphore(%arg21 : memref<!tpu.dma_semaphore, #tpu.memory_space<semaphore_mem>>)
      } else {
      }
      %add3A_68 = arith.constant 1 : i32
      %add3A_69 = arith.addi %mul3A_58, %add3A_68 : i32
      %lt3A_70 = arith.cmpi slt, %add3A_69, %min3A_4 : i32
      %convert_element_type3A_71 = arith.extui %lt3A_70 : i1 to i32
      %cond3A_72 = arith.constant 0 : i32
      %cond3A_73 = arith.cmpi ne, %convert_element_type3A_71, %cond3A_72 : i32
      scf.if %cond3A_73 {
        %add3A_104 = arith.addi %multiple_of3A, %add3A_69 : i32
        %dma_wait3A_105 = arith.constant 0 : i32
        %dma_wait3A_106 = tpu.memref_slice %arg3[%add3A_104, %dma_wait3A_105] : memref<5120x64xi32, #tpu.memory_space<hbm>> -> memref<1x64xi32, #tpu.memory_space<hbm>>
        %dma_wait3A_107 = tpu.memref_squeeze %dma_wait3A_106 : memref<1x64xi32, #tpu.memory_space<hbm>> -> memref<64xi32, #tpu.memory_space<hbm>>
        %dma_wait3A_108 = arith.constant 0 : i32
        %dma_wait3A_109 = tpu.memref_slice %arg3[%add3A_104, %dma_wait3A_108] : memref<5120x64xi32, #tpu.memory_space<hbm>> -> memref<1x64xi32, #tpu.memory_space<hbm>>
        %dma_wait3A_110 = tpu.memref_squeeze %dma_wait3A_109 : memref<1x64xi32, #tpu.memory_space<hbm>> -> memref<64xi32, #tpu.memory_space<hbm>>
        tpu.wait_dma2 semaphore(%arg16 : memref<!tpu.dma_semaphore, #tpu.memory_space<semaphore_mem>>) src(%dma_wait3A_110 : memref<64xi32, #tpu.memory_space<hbm>>) dst(%arg7 : memref<64xi32, #tpu.memory_space<vmem>>)
        %add3A_111 = arith.addi %multiple_of3A, %add3A_69 : i32
        %mul3A_112 = arith.constant 64 : i32
        %mul3A_113 = arith.muli %add3A_111, %mul3A_112 : i32
        %dma_wait3A_114 = arith.constant 0 : i32
        %dma_wait3A_115 = tpu.memref_slice %arg2[%mul3A_113, %dma_wait3A_114] : memref<320000x128xf32, #tpu.memory_space<hbm>> -> memref<64x128xf32, #tpu.memory_space<hbm>>
        %dma_wait3A_116 = arith.constant 0 : i32
        %dma_wait3A_117 = tpu.memref_slice %arg2[%mul3A_113, %dma_wait3A_116] : memref<320000x128xf32, #tpu.memory_space<hbm>> -> memref<64x128xf32, #tpu.memory_space<hbm>>
        tpu.wait_dma2 semaphore(%arg20 : memref<!tpu.dma_semaphore, #tpu.memory_space<semaphore_mem>>) src(%dma_wait3A_117 : memref<64x128xf32, #tpu.memory_space<hbm>>) dst(%arg11 : memref<64x128xf32, #tpu.memory_space<vmem>>)
        %dma_start3A_118 = arith.constant 0 : i32
        %dma_start3A_119 = arith.constant 0 : i32
        %dma_start3A_120 = tpu.memref_slice %arg14[%dma_start3A_118, %dma_start3A_119] : memref<10112x128xf32, #tpu.memory_space<vmem_shared>> -> memref<10112x128xf32, #tpu.memory_space<vmem_shared>>
        tpu.enqueue_indirect_dma source(%arg11 : memref<64x128xf32, #tpu.memory_space<vmem>>) target(%dma_start3A_120 : memref<10112x128xf32, #tpu.memory_space<vmem_shared>>) offsets(%arg7 : memref<64xi32, #tpu.memory_space<vmem>>) semaphore(%arg24 : memref<!tpu.dma_semaphore, #tpu.memory_space<semaphore_mem>>) {add = true}
      } else {
      }
      %add3A_74 = arith.constant 2 : i32
      %add3A_75 = arith.addi %add3A_69, %add3A_74 : i32
      %lt3A_76 = arith.cmpi slt, %add3A_75, %min3A_4 : i32
      %convert_element_type3A_77 = arith.extui %lt3A_76 : i1 to i32
      %cond3A_78 = arith.constant 0 : i32
      %cond3A_79 = arith.cmpi ne, %convert_element_type3A_77, %cond3A_78 : i32
      scf.if %cond3A_79 {
        %ge3A = arith.constant 2 : i32
        %ge3A_104 = arith.cmpi sge, %add3A_69, %ge3A : i32
        %convert_element_type3A_105 = arith.extui %ge3A_104 : i1 to i32
        %cond3A_106 = arith.constant 0 : i32
        %cond3A_107 = arith.cmpi ne, %convert_element_type3A_105, %cond3A_106 : i32
        scf.if %cond3A_107 {
          %dma_wait3A_126 = arith.constant 0 : i32
          %dma_wait3A_127 = arith.constant 0 : i32
          %dma_wait3A_128 = tpu.memref_slice %arg14[%dma_wait3A_126, %dma_wait3A_127] : memref<10112x128xf32, #tpu.memory_space<vmem_shared>> -> memref<10112x128xf32, #tpu.memory_space<vmem_shared>>
          tpu.wait_indirect_dma semaphore(%arg26 : memref<!tpu.dma_semaphore, #tpu.memory_space<semaphore_mem>>) src(%arg13 : memref<64x128xf32, #tpu.memory_space<vmem>>) dst(%dma_wait3A_128 : memref<10112x128xf32, #tpu.memory_space<vmem_shared>>)
        } else {
        }
        %add3A_108 = arith.addi %multiple_of3A, %add3A_69 : i32
        %add3A_109 = arith.constant 2 : i32
        %add3A_110 = arith.addi %add3A_108, %add3A_109 : i32
        %dma_start3A_111 = arith.constant 0 : i32
        %dma_start3A_112 = tpu.memref_slice %arg3[%add3A_110, %dma_start3A_111] : memref<5120x64xi32, #tpu.memory_space<hbm>> -> memref<1x64xi32, #tpu.memory_space<hbm>>
        %dma_start3A_113 = tpu.memref_squeeze %dma_start3A_112 : memref<1x64xi32, #tpu.memory_space<hbm>> -> memref<64xi32, #tpu.memory_space<hbm>>
        %dma_start3A_114 = arith.constant 0 : i32
        %dma_start3A_115 = tpu.memref_slice %arg3[%add3A_110, %dma_start3A_114] : memref<5120x64xi32, #tpu.memory_space<hbm>> -> memref<1x64xi32, #tpu.memory_space<hbm>>
        %dma_start3A_116 = tpu.memref_squeeze %dma_start3A_115 : memref<1x64xi32, #tpu.memory_space<hbm>> -> memref<64xi32, #tpu.memory_space<hbm>>
        tpu.enqueue_dma source(%dma_start3A_116 : memref<64xi32, #tpu.memory_space<hbm>>) target(%arg9 : memref<64xi32, #tpu.memory_space<vmem>>) target_semaphore(%arg18 : memref<!tpu.dma_semaphore, #tpu.memory_space<semaphore_mem>>)
        %add3A_117 = arith.addi %multiple_of3A, %add3A_69 : i32
        %add3A_118 = arith.constant 2 : i32
        %add3A_119 = arith.addi %add3A_117, %add3A_118 : i32
        %mul3A_120 = arith.constant 64 : i32
        %mul3A_121 = arith.muli %add3A_119, %mul3A_120 : i32
        %dma_start3A_122 = arith.constant 0 : i32
        %dma_start3A_123 = tpu.memref_slice %arg2[%mul3A_121, %dma_start3A_122] : memref<320000x128xf32, #tpu.memory_space<hbm>> -> memref<64x128xf32, #tpu.memory_space<hbm>>
        %dma_start3A_124 = arith.constant 0 : i32
        %dma_start3A_125 = tpu.memref_slice %arg2[%mul3A_121, %dma_start3A_124] : memref<320000x128xf32, #tpu.memory_space<hbm>> -> memref<64x128xf32, #tpu.memory_space<hbm>>
        tpu.enqueue_dma source(%dma_start3A_125 : memref<64x128xf32, #tpu.memory_space<hbm>>) target(%arg13 : memref<64x128xf32, #tpu.memory_space<vmem>>) target_semaphore(%arg22 : memref<!tpu.dma_semaphore, #tpu.memory_space<semaphore_mem>>)
      } else {
      }
      %add3A_80 = arith.constant 2 : i32
      %add3A_81 = arith.addi %mul3A_58, %add3A_80 : i32
      %lt3A_82 = arith.cmpi slt, %add3A_81, %min3A_4 : i32
      %convert_element_type3A_83 = arith.extui %lt3A_82 : i1 to i32
      %cond3A_84 = arith.constant 0 : i32
      %cond3A_85 = arith.cmpi ne, %convert_element_type3A_83, %cond3A_84 : i32
      scf.if %cond3A_85 {
        %add3A_104 = arith.addi %multiple_of3A, %add3A_81 : i32
        %dma_wait3A_105 = arith.constant 0 : i32
        %dma_wait3A_106 = tpu.memref_slice %arg3[%add3A_104, %dma_wait3A_105] : memref<5120x64xi32, #tpu.memory_space<hbm>> -> memref<1x64xi32, #tpu.memory_space<hbm>>
        %dma_wait3A_107 = tpu.memref_squeeze %dma_wait3A_106 : memref<1x64xi32, #tpu.memory_space<hbm>> -> memref<64xi32, #tpu.memory_space<hbm>>
        %dma_wait3A_108 = arith.constant 0 : i32
        %dma_wait3A_109 = tpu.memref_slice %arg3[%add3A_104, %dma_wait3A_108] : memref<5120x64xi32, #tpu.memory_space<hbm>> -> memref<1x64xi32, #tpu.memory_space<hbm>>
        %dma_wait3A_110 = tpu.memref_squeeze %dma_wait3A_109 : memref<1x64xi32, #tpu.memory_space<hbm>> -> memref<64xi32, #tpu.memory_space<hbm>>
        tpu.wait_dma2 semaphore(%arg17 : memref<!tpu.dma_semaphore, #tpu.memory_space<semaphore_mem>>) src(%dma_wait3A_110 : memref<64xi32, #tpu.memory_space<hbm>>) dst(%arg8 : memref<64xi32, #tpu.memory_space<vmem>>)
        %add3A_111 = arith.addi %multiple_of3A, %add3A_81 : i32
        %mul3A_112 = arith.constant 64 : i32
        %mul3A_113 = arith.muli %add3A_111, %mul3A_112 : i32
        %dma_wait3A_114 = arith.constant 0 : i32
        %dma_wait3A_115 = tpu.memref_slice %arg2[%mul3A_113, %dma_wait3A_114] : memref<320000x128xf32, #tpu.memory_space<hbm>> -> memref<64x128xf32, #tpu.memory_space<hbm>>
        %dma_wait3A_116 = arith.constant 0 : i32
        %dma_wait3A_117 = tpu.memref_slice %arg2[%mul3A_113, %dma_wait3A_116] : memref<320000x128xf32, #tpu.memory_space<hbm>> -> memref<64x128xf32, #tpu.memory_space<hbm>>
        tpu.wait_dma2 semaphore(%arg21 : memref<!tpu.dma_semaphore, #tpu.memory_space<semaphore_mem>>) src(%dma_wait3A_117 : memref<64x128xf32, #tpu.memory_space<hbm>>) dst(%arg12 : memref<64x128xf32, #tpu.memory_space<vmem>>)
        %dma_start3A_118 = arith.constant 0 : i32
        %dma_start3A_119 = arith.constant 0 : i32
        %dma_start3A_120 = tpu.memref_slice %arg14[%dma_start3A_118, %dma_start3A_119] : memref<10112x128xf32, #tpu.memory_space<vmem_shared>> -> memref<10112x128xf32, #tpu.memory_space<vmem_shared>>
        tpu.enqueue_indirect_dma source(%arg12 : memref<64x128xf32, #tpu.memory_space<vmem>>) target(%dma_start3A_120 : memref<10112x128xf32, #tpu.memory_space<vmem_shared>>) offsets(%arg8 : memref<64xi32, #tpu.memory_space<vmem>>) semaphore(%arg25 : memref<!tpu.dma_semaphore, #tpu.memory_space<semaphore_mem>>) {add = true}
      } else {
      }
      %add3A_86 = arith.constant 2 : i32
      %add3A_87 = arith.addi %add3A_81, %add3A_86 : i32
      %lt3A_88 = arith.cmpi slt, %add3A_87, %min3A_4 : i32
      %convert_element_type3A_89 = arith.extui %lt3A_88 : i1 to i32
      %cond3A_90 = arith.constant 0 : i32
      %cond3A_91 = arith.cmpi ne, %convert_element_type3A_89, %cond3A_90 : i32
      scf.if %cond3A_91 {
        %ge3A = arith.constant 2 : i32
        %ge3A_104 = arith.cmpi sge, %add3A_81, %ge3A : i32
        %convert_element_type3A_105 = arith.extui %ge3A_104 : i1 to i32
        %cond3A_106 = arith.constant 0 : i32
        %cond3A_107 = arith.cmpi ne, %convert_element_type3A_105, %cond3A_106 : i32
        scf.if %cond3A_107 {
          %dma_wait3A_126 = arith.constant 0 : i32
          %dma_wait3A_127 = arith.constant 0 : i32
          %dma_wait3A_128 = tpu.memref_slice %arg14[%dma_wait3A_126, %dma_wait3A_127] : memref<10112x128xf32, #tpu.memory_space<vmem_shared>> -> memref<10112x128xf32, #tpu.memory_space<vmem_shared>>
          tpu.wait_indirect_dma semaphore(%arg23 : memref<!tpu.dma_semaphore, #tpu.memory_space<semaphore_mem>>) src(%arg10 : memref<64x128xf32, #tpu.memory_space<vmem>>) dst(%dma_wait3A_128 : memref<10112x128xf32, #tpu.memory_space<vmem_shared>>)
        } else {
        }
        %add3A_108 = arith.addi %multiple_of3A, %add3A_81 : i32
        %add3A_109 = arith.constant 2 : i32
        %add3A_110 = arith.addi %add3A_108, %add3A_109 : i32
        %dma_start3A_111 = arith.constant 0 : i32
        %dma_start3A_112 = tpu.memref_slice %arg3[%add3A_110, %dma_start3A_111] : memref<5120x64xi32, #tpu.memory_space<hbm>> -> memref<1x64xi32, #tpu.memory_space<hbm>>
        %dma_start3A_113 = tpu.memref_squeeze %dma_start3A_112 : memref<1x64xi32, #tpu.memory_space<hbm>> -> memref<64xi32, #tpu.memory_space<hbm>>
        %dma_start3A_114 = arith.constant 0 : i32
        %dma_start3A_115 = tpu.memref_slice %arg3[%add3A_110, %dma_start3A_114] : memref<5120x64xi32, #tpu.memory_space<hbm>> -> memref<1x64xi32, #tpu.memory_space<hbm>>
        %dma_start3A_116 = tpu.memref_squeeze %dma_start3A_115 : memref<1x64xi32, #tpu.memory_space<hbm>> -> memref<64xi32, #tpu.memory_space<hbm>>
        tpu.enqueue_dma source(%dma_start3A_116 : memref<64xi32, #tpu.memory_space<hbm>>) target(%arg6 : memref<64xi32, #tpu.memory_space<vmem>>) target_semaphore(%arg15 : memref<!tpu.dma_semaphore, #tpu.memory_space<semaphore_mem>>)
        %add3A_117 = arith.addi %multiple_of3A, %add3A_81 : i32
        %add3A_118 = arith.constant 2 : i32
        %add3A_119 = arith.addi %add3A_117, %add3A_118 : i32
        %mul3A_120 = arith.constant 64 : i32
        %mul3A_121 = arith.muli %add3A_119, %mul3A_120 : i32
        %dma_start3A_122 = arith.constant 0 : i32
        %dma_start3A_123 = tpu.memref_slice %arg2[%mul3A_121, %dma_start3A_122] : memref<320000x128xf32, #tpu.memory_space<hbm>> -> memref<64x128xf32, #tpu.memory_space<hbm>>
        %dma_start3A_124 = arith.constant 0 : i32
        %dma_start3A_125 = tpu.memref_slice %arg2[%mul3A_121, %dma_start3A_124] : memref<320000x128xf32, #tpu.memory_space<hbm>> -> memref<64x128xf32, #tpu.memory_space<hbm>>
        tpu.enqueue_dma source(%dma_start3A_125 : memref<64x128xf32, #tpu.memory_space<hbm>>) target(%arg10 : memref<64x128xf32, #tpu.memory_space<vmem>>) target_semaphore(%arg19 : memref<!tpu.dma_semaphore, #tpu.memory_space<semaphore_mem>>)
      } else {
      }
      %add3A_92 = arith.constant 3 : i32
      %add3A_93 = arith.addi %mul3A_58, %add3A_92 : i32
      %lt3A_94 = arith.cmpi slt, %add3A_93, %min3A_4 : i32
      %convert_element_type3A_95 = arith.extui %lt3A_94 : i1 to i32
      %cond3A_96 = arith.constant 0 : i32
      %cond3A_97 = arith.cmpi ne, %convert_element_type3A_95, %cond3A_96 : i32
      scf.if %cond3A_97 {
        %add3A_104 = arith.addi %multiple_of3A, %add3A_93 : i32
        %dma_wait3A_105 = arith.constant 0 : i32
        %dma_wait3A_106 = tpu.memref_slice %arg3[%add3A_104, %dma_wait3A_105] : memref<5120x64xi32, #tpu.memory_space<hbm>> -> memref<1x64xi32, #tpu.memory_space<hbm>>
        %dma_wait3A_107 = tpu.memref_squeeze %dma_wait3A_106 : memref<1x64xi32, #tpu.memory_space<hbm>> -> memref<64xi32, #tpu.memory_space<hbm>>
        %dma_wait3A_108 = arith.constant 0 : i32
        %dma_wait3A_109 = tpu.memref_slice %arg3[%add3A_104, %dma_wait3A_108] : memref<5120x64xi32, #tpu.memory_space<hbm>> -> memref<1x64xi32, #tpu.memory_space<hbm>>
        %dma_wait3A_110 = tpu.memref_squeeze %dma_wait3A_109 : memref<1x64xi32, #tpu.memory_space<hbm>> -> memref<64xi32, #tpu.memory_space<hbm>>
        tpu.wait_dma2 semaphore(%arg18 : memref<!tpu.dma_semaphore, #tpu.memory_space<semaphore_mem>>) src(%dma_wait3A_110 : memref<64xi32, #tpu.memory_space<hbm>>) dst(%arg9 : memref<64xi32, #tpu.memory_space<vmem>>)
        %add3A_111 = arith.addi %multiple_of3A, %add3A_93 : i32
        %mul3A_112 = arith.constant 64 : i32
        %mul3A_113 = arith.muli %add3A_111, %mul3A_112 : i32
        %dma_wait3A_114 = arith.constant 0 : i32
        %dma_wait3A_115 = tpu.memref_slice %arg2[%mul3A_113, %dma_wait3A_114] : memref<320000x128xf32, #tpu.memory_space<hbm>> -> memref<64x128xf32, #tpu.memory_space<hbm>>
        %dma_wait3A_116 = arith.constant 0 : i32
        %dma_wait3A_117 = tpu.memref_slice %arg2[%mul3A_113, %dma_wait3A_116] : memref<320000x128xf32, #tpu.memory_space<hbm>> -> memref<64x128xf32, #tpu.memory_space<hbm>>
        tpu.wait_dma2 semaphore(%arg22 : memref<!tpu.dma_semaphore, #tpu.memory_space<semaphore_mem>>) src(%dma_wait3A_117 : memref<64x128xf32, #tpu.memory_space<hbm>>) dst(%arg13 : memref<64x128xf32, #tpu.memory_space<vmem>>)
        %dma_start3A_118 = arith.constant 0 : i32
        %dma_start3A_119 = arith.constant 0 : i32
        %dma_start3A_120 = tpu.memref_slice %arg14[%dma_start3A_118, %dma_start3A_119] : memref<10112x128xf32, #tpu.memory_space<vmem_shared>> -> memref<10112x128xf32, #tpu.memory_space<vmem_shared>>
        tpu.enqueue_indirect_dma source(%arg13 : memref<64x128xf32, #tpu.memory_space<vmem>>) target(%dma_start3A_120 : memref<10112x128xf32, #tpu.memory_space<vmem_shared>>) offsets(%arg9 : memref<64xi32, #tpu.memory_space<vmem>>) semaphore(%arg26 : memref<!tpu.dma_semaphore, #tpu.memory_space<semaphore_mem>>) {add = true}
      } else {
      }
      %add3A_98 = arith.constant 2 : i32
      %add3A_99 = arith.addi %add3A_93, %add3A_98 : i32
      %lt3A_100 = arith.cmpi slt, %add3A_99, %min3A_4 : i32
      %convert_element_type3A_101 = arith.extui %lt3A_100 : i1 to i32
      %cond3A_102 = arith.constant 0 : i32
      %cond3A_103 = arith.cmpi ne, %convert_element_type3A_101, %cond3A_102 : i32
      scf.if %cond3A_103 {
        %ge3A = arith.constant 2 : i32
        %ge3A_104 = arith.cmpi sge, %add3A_93, %ge3A : i32
        %convert_element_type3A_105 = arith.extui %ge3A_104 : i1 to i32
        %cond3A_106 = arith.constant 0 : i32
        %cond3A_107 = arith.cmpi ne, %convert_element_type3A_105, %cond3A_106 : i32
        scf.if %cond3A_107 {
          %dma_wait3A_126 = arith.constant 0 : i32
          %dma_wait3A_127 = arith.constant 0 : i32
          %dma_wait3A_128 = tpu.memref_slice %arg14[%dma_wait3A_126, %dma_wait3A_127] : memref<10112x128xf32, #tpu.memory_space<vmem_shared>> -> memref<10112x128xf32, #tpu.memory_space<vmem_shared>>
          tpu.wait_indirect_dma semaphore(%arg24 : memref<!tpu.dma_semaphore, #tpu.memory_space<semaphore_mem>>) src(%arg11 : memref<64x128xf32, #tpu.memory_space<vmem>>) dst(%dma_wait3A_128 : memref<10112x128xf32, #tpu.memory_space<vmem_shared>>)
        } else {
        }
        %add3A_108 = arith.addi %multiple_of3A, %add3A_93 : i32
        %add3A_109 = arith.constant 2 : i32
        %add3A_110 = arith.addi %add3A_108, %add3A_109 : i32
        %dma_start3A_111 = arith.constant 0 : i32
        %dma_start3A_112 = tpu.memref_slice %arg3[%add3A_110, %dma_start3A_111] : memref<5120x64xi32, #tpu.memory_space<hbm>> -> memref<1x64xi32, #tpu.memory_space<hbm>>
        %dma_start3A_113 = tpu.memref_squeeze %dma_start3A_112 : memref<1x64xi32, #tpu.memory_space<hbm>> -> memref<64xi32, #tpu.memory_space<hbm>>
        %dma_start3A_114 = arith.constant 0 : i32
        %dma_start3A_115 = tpu.memref_slice %arg3[%add3A_110, %dma_start3A_114] : memref<5120x64xi32, #tpu.memory_space<hbm>> -> memref<1x64xi32, #tpu.memory_space<hbm>>
        %dma_start3A_116 = tpu.memref_squeeze %dma_start3A_115 : memref<1x64xi32, #tpu.memory_space<hbm>> -> memref<64xi32, #tpu.memory_space<hbm>>
        tpu.enqueue_dma source(%dma_start3A_116 : memref<64xi32, #tpu.memory_space<hbm>>) target(%arg7 : memref<64xi32, #tpu.memory_space<vmem>>) target_semaphore(%arg16 : memref<!tpu.dma_semaphore, #tpu.memory_space<semaphore_mem>>)
        %add3A_117 = arith.addi %multiple_of3A, %add3A_93 : i32
        %add3A_118 = arith.constant 2 : i32
        %add3A_119 = arith.addi %add3A_117, %add3A_118 : i32
        %mul3A_120 = arith.constant 64 : i32
        %mul3A_121 = arith.muli %add3A_119, %mul3A_120 : i32
        %dma_start3A_122 = arith.constant 0 : i32
        %dma_start3A_123 = tpu.memref_slice %arg2[%mul3A_121, %dma_start3A_122] : memref<320000x128xf32, #tpu.memory_space<hbm>> -> memref<64x128xf32, #tpu.memory_space<hbm>>
        %dma_start3A_124 = arith.constant 0 : i32
        %dma_start3A_125 = tpu.memref_slice %arg2[%mul3A_121, %dma_start3A_124] : memref<320000x128xf32, #tpu.memory_space<hbm>> -> memref<64x128xf32, #tpu.memory_space<hbm>>
        tpu.enqueue_dma source(%dma_start3A_125 : memref<64x128xf32, #tpu.memory_space<hbm>>) target(%arg11 : memref<64x128xf32, #tpu.memory_space<vmem>>) target_semaphore(%arg20 : memref<!tpu.dma_semaphore, #tpu.memory_space<semaphore_mem>>)
      } else {
      }
    }
    %scan3A_43 = arith.constant 40 : i32
    %dma_wait3A = arith.constant 0 : i32
    %dma_wait3A_44 = arith.constant 0 : i32
    %dma_wait3A_45 = tpu.memref_slice %arg14[%dma_wait3A, %dma_wait3A_44] : memref<10112x128xf32, #tpu.memory_space<vmem_shared>> -> memref<10112x128xf32, #tpu.memory_space<vmem_shared>>
    tpu.wait_indirect_dma semaphore(%arg23 : memref<!tpu.dma_semaphore, #tpu.memory_space<semaphore_mem>>) src(%arg10 : memref<64x128xf32, #tpu.memory_space<vmem>>) dst(%dma_wait3A_45 : memref<10112x128xf32, #tpu.memory_space<vmem_shared>>)
    %dma_wait3A_46 = arith.constant 0 : i32
    %dma_wait3A_47 = arith.constant 0 : i32
    %dma_wait3A_48 = tpu.memref_slice %arg14[%dma_wait3A_46, %dma_wait3A_47] : memref<10112x128xf32, #tpu.memory_space<vmem_shared>> -> memref<10112x128xf32, #tpu.memory_space<vmem_shared>>
    tpu.wait_indirect_dma semaphore(%arg24 : memref<!tpu.dma_semaphore, #tpu.memory_space<semaphore_mem>>) src(%arg11 : memref<64x128xf32, #tpu.memory_space<vmem>>) dst(%dma_wait3A_48 : memref<10112x128xf32, #tpu.memory_space<vmem_shared>>)
    %dma_wait3A_49 = arith.constant 0 : i32
    %dma_wait3A_50 = arith.constant 0 : i32
    %dma_wait3A_51 = tpu.memref_slice %arg14[%dma_wait3A_49, %dma_wait3A_50] : memref<10112x128xf32, #tpu.memory_space<vmem_shared>> -> memref<10112x128xf32, #tpu.memory_space<vmem_shared>>
    tpu.wait_indirect_dma semaphore(%arg25 : memref<!tpu.dma_semaphore, #tpu.memory_space<semaphore_mem>>) src(%arg12 : memref<64x128xf32, #tpu.memory_space<vmem>>) dst(%dma_wait3A_51 : memref<10112x128xf32, #tpu.memory_space<vmem_shared>>)
    %dma_wait3A_52 = arith.constant 0 : i32
    %dma_wait3A_53 = arith.constant 0 : i32
    %dma_wait3A_54 = tpu.memref_slice %arg14[%dma_wait3A_52, %dma_wait3A_53] : memref<10112x128xf32, #tpu.memory_space<vmem_shared>> -> memref<10112x128xf32, #tpu.memory_space<vmem_shared>>
    tpu.wait_indirect_dma semaphore(%arg26 : memref<!tpu.dma_semaphore, #tpu.memory_space<semaphore_mem>>) src(%arg13 : memref<64x128xf32, #tpu.memory_space<vmem>>) dst(%dma_wait3A_54 : memref<10112x128xf32, #tpu.memory_space<vmem_shared>>)
    %barrier3A_55 = arith.constant 0 : index
    tpu.barrier barrier_id(%barrier3A_55)
    "tpu.region"() ({
      %run_scoped3A = tpu.sem_alloc : memref<!tpu.dma_semaphore, #tpu.memory_space<semaphore_mem>>
      %dma_start3A_56 = arith.constant 0 : i32
      %dma_start3A_57 = arith.constant 0 : i32
      %dma_start3A_58 = tpu.memref_slice %arg5[%arg0, %dma_start3A_56, %dma_start3A_57] : memref<2x10112x128xf32, #tpu.memory_space<hbm>> -> memref<1x10112x128xf32, #tpu.memory_space<hbm>>
      %dma_start3A_59 = tpu.memref_squeeze %dma_start3A_58 : memref<1x10112x128xf32, #tpu.memory_space<hbm>> -> memref<10112x128xf32, #tpu.memory_space<hbm>>
      %dma_start3A_60 = arith.constant 0 : i32
      %dma_start3A_61 = tpu.memref_slice %dma_start3A_59[%multiple_of3A_7, %dma_start3A_60] : memref<10112x128xf32, #tpu.memory_space<hbm>> -> memref<632x128xf32, #tpu.memory_space<hbm>>
      %dma_start3A_62 = arith.constant 0 : i32
      %dma_start3A_63 = tpu.memref_slice %arg14[%multiple_of3A_7, %dma_start3A_62] : memref<10112x128xf32, #tpu.memory_space<vmem_shared>> -> memref<632x128xf32, #tpu.memory_space<vmem_shared>>
      tpu.enqueue_dma source(%dma_start3A_63 : memref<632x128xf32, #tpu.memory_space<vmem_shared>>) target(%dma_start3A_61 : memref<632x128xf32, #tpu.memory_space<hbm>>) target_semaphore(%run_scoped3A : memref<!tpu.dma_semaphore, #tpu.memory_space<semaphore_mem>>)
      %dma_wait3A_64 = arith.constant 0 : i32
      %dma_wait3A_65 = arith.constant 0 : i32
      %dma_wait3A_66 = tpu.memref_slice %arg5[%arg0, %dma_wait3A_64, %dma_wait3A_65] : memref<2x10112x128xf32, #tpu.memory_space<hbm>> -> memref<1x10112x128xf32, #tpu.memory_space<hbm>>
      %dma_wait3A_67 = tpu.memref_squeeze %dma_wait3A_66 : memref<1x10112x128xf32, #tpu.memory_space<hbm>> -> memref<10112x128xf32, #tpu.memory_space<hbm>>
      %dma_wait3A_68 = arith.constant 0 : i32
      %dma_wait3A_69 = tpu.memref_slice %dma_wait3A_67[%multiple_of3A_7, %dma_wait3A_68] : memref<10112x128xf32, #tpu.memory_space<hbm>> -> memref<632x128xf32, #tpu.memory_space<hbm>>
      %dma_wait3A_70 = arith.constant 0 : i32
      %dma_wait3A_71 = tpu.memref_slice %arg14[%multiple_of3A_7, %dma_wait3A_70] : memref<10112x128xf32, #tpu.memory_space<vmem_shared>> -> memref<632x128xf32, #tpu.memory_space<vmem_shared>>
      tpu.wait_dma2 semaphore(%run_scoped3A : memref<!tpu.dma_semaphore, #tpu.memory_space<semaphore_mem>>) src(%dma_wait3A_71 : memref<632x128xf32, #tpu.memory_space<vmem_shared>>) dst(%dma_wait3A_69 : memref<632x128xf32, #tpu.memory_space<hbm>>)
      tpu.yield
    }) : () -> ()
    return
  }
}

#map = affine_map<(d0, d1) -> (0, 0)>
module attributes {stable_mosaic.version = 14 : i64} {
  func.func @_sc_gather(%arg0: i32, %arg1: i32, %arg2: memref<10000x128xf32, #tpu.memory_space<hbm>>, %arg3: memref<2560x128xi32, #tpu.memory_space<hbm>>, %arg4: memref<320000x128xf32, #tpu.memory_space<hbm>>, %arg5: memref<80x128xi32, #tpu.memory_space<vmem>>, %arg6: memref<128x128xf32, #tpu.memory_space<vmem>>, %arg7: memref<128x128xf32, #tpu.memory_space<vmem>>, %arg8: memref<128x128xf32, #tpu.memory_space<vmem>>, %arg9: memref<128x128xf32, #tpu.memory_space<vmem>>, %arg10: memref<128x128xf32, #tpu.memory_space<vmem>>, %arg11: memref<128x128xf32, #tpu.memory_space<vmem>>, %arg12: memref<!tpu.dma_semaphore, #tpu.memory_space<semaphore_mem>>, %arg13: memref<!tpu.dma_semaphore, #tpu.memory_space<semaphore_mem>>, %arg14: memref<!tpu.dma_semaphore, #tpu.memory_space<semaphore_mem>>, %arg15: memref<!tpu.dma_semaphore, #tpu.memory_space<semaphore_mem>>, %arg16: memref<!tpu.dma_semaphore, #tpu.memory_space<semaphore_mem>>, %arg17: memref<!tpu.dma_semaphore, #tpu.memory_space<semaphore_mem>>, %arg18: memref<!tpu.dma_semaphore, #tpu.memory_space<semaphore_mem>>, %arg19: memref<!tpu.dma_semaphore, #tpu.memory_space<semaphore_mem>>, %arg20: memref<!tpu.dma_semaphore, #tpu.memory_space<semaphore_mem>>, %arg21: memref<!tpu.dma_semaphore, #tpu.memory_space<semaphore_mem>>, %arg22: memref<!tpu.dma_semaphore, #tpu.memory_space<semaphore_mem>>, %arg23: memref<!tpu.dma_semaphore, #tpu.memory_space<semaphore_mem>>) attributes {dimension_semantics = [#tpu.dimension_semantics<core_parallel>, #tpu.dimension_semantics<subcore_parallel>], iteration_bounds = array<i64: 2, 16>, scalar_prefetch = 0 : i64, scratch_operands = 19 : i64, tpu.core_type = #tpu.core_type<sc_vector_subcore>, window_params = [{transform_indices = #map}, {transform_indices = #map}, {transform_indices = #map}]} {
    %mul3A = arith.constant 2 : i32
    %mul3A_0 = arith.muli %arg1, %mul3A : i32
    %add3A = arith.addi %mul3A_0, %arg0 : i32
    %mul3A_1 = arith.constant 80 : i32
    %mul3A_2 = arith.muli %add3A, %mul3A_1 : i32
    %multiple_of3A = tpu.assume_multiple %mul3A_2, 8 : i32
    %sub3A = arith.constant 2500 : i32
    %sub3A_3 = arith.subi %sub3A, %multiple_of3A : i32
    %min3A = arith.constant 80 : i32
    %min3A_4 = arith.minsi %min3A, %sub3A_3 : i32
    "tpu.region"() ({
      %run_scoped3A = tpu.sem_alloc : memref<!tpu.dma_semaphore, #tpu.memory_space<semaphore_mem>>
      %dma_start3A_65 = arith.constant 0 : i32
      %dma_start3A_66 = tpu.memref_slice %arg3[%multiple_of3A, %dma_start3A_65] : memref<2560x128xi32, #tpu.memory_space<hbm>> -> memref<80x128xi32, #tpu.memory_space<hbm>>
      %dma_start3A_67 = arith.constant 0 : i32
      %dma_start3A_68 = tpu.memref_slice %arg3[%multiple_of3A, %dma_start3A_67] : memref<2560x128xi32, #tpu.memory_space<hbm>> -> memref<80x128xi32, #tpu.memory_space<hbm>>
      tpu.enqueue_dma source(%dma_start3A_68 : memref<80x128xi32, #tpu.memory_space<hbm>>) target(%arg5 : memref<80x128xi32, #tpu.memory_space<vmem>>) target_semaphore(%run_scoped3A : memref<!tpu.dma_semaphore, #tpu.memory_space<semaphore_mem>>)
      %dma_wait3A_69 = arith.constant 0 : i32
      %dma_wait3A_70 = tpu.memref_slice %arg3[%multiple_of3A, %dma_wait3A_69] : memref<2560x128xi32, #tpu.memory_space<hbm>> -> memref<80x128xi32, #tpu.memory_space<hbm>>
      %dma_wait3A_71 = arith.constant 0 : i32
      %dma_wait3A_72 = tpu.memref_slice %arg3[%multiple_of3A, %dma_wait3A_71] : memref<2560x128xi32, #tpu.memory_space<hbm>> -> memref<80x128xi32, #tpu.memory_space<hbm>>
      tpu.wait_dma2 semaphore(%run_scoped3A : memref<!tpu.dma_semaphore, #tpu.memory_space<semaphore_mem>>) src(%dma_wait3A_72 : memref<80x128xi32, #tpu.memory_space<hbm>>) dst(%arg5 : memref<80x128xi32, #tpu.memory_space<vmem>>)
      tpu.yield
    }) : () -> ()
    %dma_start3A = arith.constant 0 : i32
    %dma_start3A_5 = arith.constant 0 : i32
    %dma_start3A_6 = tpu.memref_slice %arg5[%dma_start3A, %dma_start3A_5] : memref<80x128xi32, #tpu.memory_space<vmem>> -> memref<1x128xi32, #tpu.memory_space<vmem>>
    %dma_start3A_7 = tpu.memref_squeeze %dma_start3A_6 : memref<1x128xi32, #tpu.memory_space<vmem>> -> memref<128xi32, #tpu.memory_space<vmem>>
    %dma_start3A_8 = arith.constant 0 : i32
    %dma_start3A_9 = arith.constant 0 : i32
    %dma_start3A_10 = tpu.memref_slice %arg2[%dma_start3A_8, %dma_start3A_9] : memref<10000x128xf32, #tpu.memory_space<hbm>> -> memref<10000x128xf32, #tpu.memory_space<hbm>>
    tpu.enqueue_indirect_dma source(%dma_start3A_10 : memref<10000x128xf32, #tpu.memory_space<hbm>>) target(%arg6 : memref<128x128xf32, #tpu.memory_space<vmem>>) offsets(%dma_start3A_7 : memref<128xi32, #tpu.memory_space<vmem>>) semaphore(%arg12 : memref<!tpu.dma_semaphore, #tpu.memory_space<semaphore_mem>>)
    %dma_start3A_11 = arith.constant 1 : i32
    %dma_start3A_12 = arith.constant 0 : i32
    %dma_start3A_13 = tpu.memref_slice %arg5[%dma_start3A_11, %dma_start3A_12] : memref<80x128xi32, #tpu.memory_space<vmem>> -> memref<1x128xi32, #tpu.memory_space<vmem>>
    %dma_start3A_14 = tpu.memref_squeeze %dma_start3A_13 : memref<1x128xi32, #tpu.memory_space<vmem>> -> memref<128xi32, #tpu.memory_space<vmem>>
    %dma_start3A_15 = arith.constant 0 : i32
    %dma_start3A_16 = arith.constant 0 : i32
    %dma_start3A_17 = tpu.memref_slice %arg2[%dma_start3A_15, %dma_start3A_16] : memref<10000x128xf32, #tpu.memory_space<hbm>> -> memref<10000x128xf32, #tpu.memory_space<hbm>>
    tpu.enqueue_indirect_dma source(%dma_start3A_17 : memref<10000x128xf32, #tpu.memory_space<hbm>>) target(%arg7 : memref<128x128xf32, #tpu.memory_space<vmem>>) offsets(%dma_start3A_14 : memref<128xi32, #tpu.memory_space<vmem>>) semaphore(%arg13 : memref<!tpu.dma_semaphore, #tpu.memory_space<semaphore_mem>>)
    %dma_start3A_18 = arith.constant 2 : i32
    %dma_start3A_19 = arith.constant 0 : i32
    %dma_start3A_20 = tpu.memref_slice %arg5[%dma_start3A_18, %dma_start3A_19] : memref<80x128xi32, #tpu.memory_space<vmem>> -> memref<1x128xi32, #tpu.memory_space<vmem>>
    %dma_start3A_21 = tpu.memref_squeeze %dma_start3A_20 : memref<1x128xi32, #tpu.memory_space<vmem>> -> memref<128xi32, #tpu.memory_space<vmem>>
    %dma_start3A_22 = arith.constant 0 : i32
    %dma_start3A_23 = arith.constant 0 : i32
    %dma_start3A_24 = tpu.memref_slice %arg2[%dma_start3A_22, %dma_start3A_23] : memref<10000x128xf32, #tpu.memory_space<hbm>> -> memref<10000x128xf32, #tpu.memory_space<hbm>>
    tpu.enqueue_indirect_dma source(%dma_start3A_24 : memref<10000x128xf32, #tpu.memory_space<hbm>>) target(%arg8 : memref<128x128xf32, #tpu.memory_space<vmem>>) offsets(%dma_start3A_21 : memref<128xi32, #tpu.memory_space<vmem>>) semaphore(%arg14 : memref<!tpu.dma_semaphore, #tpu.memory_space<semaphore_mem>>)
    %scan3A = arith.constant 0 : i32
    %scan3A_25 = arith.constant 0 : i32
    %scan3A_26 = arith.constant 14 : i32
    %scan3A_27 = arith.addi %scan3A_25, %scan3A_26 : i32
    %scan3A_28 = arith.constant 1 : i32
    scf.for %scan3A_65 = %scan3A_25 to %scan3A_27 step %scan3A_28  : i32 {
      %mul3A_66 = arith.constant 6 : i32
      %mul3A_67 = arith.muli %scan3A_65, %mul3A_66 : i32
      %add3A_68 = arith.constant 0 : i32
      %add3A_69 = arith.addi %mul3A_67, %add3A_68 : i32
      %lt3A = arith.cmpi slt, %add3A_69, %min3A_4 : i32
      %convert_element_type3A = arith.extui %lt3A : i1 to i32
      %cond3A = arith.constant 0 : i32
      %cond3A_70 = arith.cmpi ne, %convert_element_type3A, %cond3A : i32
      scf.if %cond3A_70 {
        %dma_wait3A_137 = arith.constant 0 : i32
        %dma_wait3A_138 = tpu.memref_slice %arg5[%add3A_69, %dma_wait3A_137] : memref<80x128xi32, #tpu.memory_space<vmem>> -> memref<1x128xi32, #tpu.memory_space<vmem>>
        %dma_wait3A_139 = tpu.memref_squeeze %dma_wait3A_138 : memref<1x128xi32, #tpu.memory_space<vmem>> -> memref<128xi32, #tpu.memory_space<vmem>>
        %dma_wait3A_140 = arith.constant 0 : i32
        %dma_wait3A_141 = arith.constant 0 : i32
        %dma_wait3A_142 = tpu.memref_slice %arg2[%dma_wait3A_140, %dma_wait3A_141] : memref<10000x128xf32, #tpu.memory_space<hbm>> -> memref<10000x128xf32, #tpu.memory_space<hbm>>
        tpu.wait_indirect_dma semaphore(%arg12 : memref<!tpu.dma_semaphore, #tpu.memory_space<semaphore_mem>>) src(%dma_wait3A_142 : memref<10000x128xf32, #tpu.memory_space<hbm>>) dst(%arg6 : memref<128x128xf32, #tpu.memory_space<vmem>>)
        %add3A_143 = arith.addi %multiple_of3A, %add3A_69 : i32
        %mul3A_144 = arith.constant 128 : i32
        %mul3A_145 = arith.muli %add3A_143, %mul3A_144 : i32
        %dma_start3A_146 = arith.constant 0 : i32
        %dma_start3A_147 = tpu.memref_slice %arg4[%mul3A_145, %dma_start3A_146] : memref<320000x128xf32, #tpu.memory_space<hbm>> -> memref<128x128xf32, #tpu.memory_space<hbm>>
        %dma_start3A_148 = arith.constant 0 : i32
        %dma_start3A_149 = tpu.memref_slice %arg4[%mul3A_145, %dma_start3A_148] : memref<320000x128xf32, #tpu.memory_space<hbm>> -> memref<128x128xf32, #tpu.memory_space<hbm>>
        tpu.enqueue_dma source(%arg6 : memref<128x128xf32, #tpu.memory_space<vmem>>) target(%dma_start3A_149 : memref<128x128xf32, #tpu.memory_space<hbm>>) target_semaphore(%arg18 : memref<!tpu.dma_semaphore, #tpu.memory_space<semaphore_mem>>)
      } else {
      }
      %add3A_71 = arith.constant 3 : i32
      %add3A_72 = arith.addi %add3A_69, %add3A_71 : i32
      %lt3A_73 = arith.cmpi slt, %add3A_72, %min3A_4 : i32
      %convert_element_type3A_74 = arith.extui %lt3A_73 : i1 to i32
      %cond3A_75 = arith.constant 0 : i32
      %cond3A_76 = arith.cmpi ne, %convert_element_type3A_74, %cond3A_75 : i32
      scf.if %cond3A_76 {
        %ge3A = arith.constant 3 : i32
        %ge3A_137 = arith.cmpi sge, %add3A_69, %ge3A : i32
        %convert_element_type3A_138 = arith.extui %ge3A_137 : i1 to i32
        %cond3A_139 = arith.constant 0 : i32
        %cond3A_140 = arith.cmpi ne, %convert_element_type3A_138, %cond3A_139 : i32
        scf.if %cond3A_140 {
          %mul3A_149 = arith.constant 128 : i32
          %mul3A_150 = arith.muli %multiple_of3A, %mul3A_149 : i32
          %dma_wait3A_151 = arith.constant 0 : i32
          %dma_wait3A_152 = tpu.memref_slice %arg4[%mul3A_150, %dma_wait3A_151] : memref<320000x128xf32, #tpu.memory_space<hbm>> -> memref<128x128xf32, #tpu.memory_space<hbm>>
          %dma_wait3A_153 = arith.constant 0 : i32
          %dma_wait3A_154 = tpu.memref_slice %arg4[%mul3A_150, %dma_wait3A_153] : memref<320000x128xf32, #tpu.memory_space<hbm>> -> memref<128x128xf32, #tpu.memory_space<hbm>>
          tpu.wait_dma2 semaphore(%arg21 : memref<!tpu.dma_semaphore, #tpu.memory_space<semaphore_mem>>) src(%arg9 : memref<128x128xf32, #tpu.memory_space<vmem>>) dst(%dma_wait3A_154 : memref<128x128xf32, #tpu.memory_space<hbm>>)
        } else {
        }
        %add3A_141 = arith.constant 3 : i32
        %add3A_142 = arith.addi %add3A_69, %add3A_141 : i32
        %dma_start3A_143 = arith.constant 0 : i32
        %dma_start3A_144 = tpu.memref_slice %arg5[%add3A_142, %dma_start3A_143] : memref<80x128xi32, #tpu.memory_space<vmem>> -> memref<1x128xi32, #tpu.memory_space<vmem>>
        %dma_start3A_145 = tpu.memref_squeeze %dma_start3A_144 : memref<1x128xi32, #tpu.memory_space<vmem>> -> memref<128xi32, #tpu.memory_space<vmem>>
        %dma_start3A_146 = arith.constant 0 : i32
        %dma_start3A_147 = arith.constant 0 : i32
        %dma_start3A_148 = tpu.memref_slice %arg2[%dma_start3A_146, %dma_start3A_147] : memref<10000x128xf32, #tpu.memory_space<hbm>> -> memref<10000x128xf32, #tpu.memory_space<hbm>>
        tpu.enqueue_indirect_dma source(%dma_start3A_148 : memref<10000x128xf32, #tpu.memory_space<hbm>>) target(%arg9 : memref<128x128xf32, #tpu.memory_space<vmem>>) offsets(%dma_start3A_145 : memref<128xi32, #tpu.memory_space<vmem>>) semaphore(%arg15 : memref<!tpu.dma_semaphore, #tpu.memory_space<semaphore_mem>>)
      } else {
      }
      %add3A_77 = arith.constant 1 : i32
      %add3A_78 = arith.addi %mul3A_67, %add3A_77 : i32
      %lt3A_79 = arith.cmpi slt, %add3A_78, %min3A_4 : i32
      %convert_element_type3A_80 = arith.extui %lt3A_79 : i1 to i32
      %cond3A_81 = arith.constant 0 : i32
      %cond3A_82 = arith.cmpi ne, %convert_element_type3A_80, %cond3A_81 : i32
      scf.if %cond3A_82 {
        %dma_wait3A_137 = arith.constant 0 : i32
        %dma_wait3A_138 = tpu.memref_slice %arg5[%add3A_78, %dma_wait3A_137] : memref<80x128xi32, #tpu.memory_space<vmem>> -> memref<1x128xi32, #tpu.memory_space<vmem>>
        %dma_wait3A_139 = tpu.memref_squeeze %dma_wait3A_138 : memref<1x128xi32, #tpu.memory_space<vmem>> -> memref<128xi32, #tpu.memory_space<vmem>>
        %dma_wait3A_140 = arith.constant 0 : i32
        %dma_wait3A_141 = arith.constant 0 : i32
        %dma_wait3A_142 = tpu.memref_slice %arg2[%dma_wait3A_140, %dma_wait3A_141] : memref<10000x128xf32, #tpu.memory_space<hbm>> -> memref<10000x128xf32, #tpu.memory_space<hbm>>
        tpu.wait_indirect_dma semaphore(%arg13 : memref<!tpu.dma_semaphore, #tpu.memory_space<semaphore_mem>>) src(%dma_wait3A_142 : memref<10000x128xf32, #tpu.memory_space<hbm>>) dst(%arg7 : memref<128x128xf32, #tpu.memory_space<vmem>>)
        %add3A_143 = arith.addi %multiple_of3A, %add3A_78 : i32
        %mul3A_144 = arith.constant 128 : i32
        %mul3A_145 = arith.muli %add3A_143, %mul3A_144 : i32
        %dma_start3A_146 = arith.constant 0 : i32
        %dma_start3A_147 = tpu.memref_slice %arg4[%mul3A_145, %dma_start3A_146] : memref<320000x128xf32, #tpu.memory_space<hbm>> -> memref<128x128xf32, #tpu.memory_space<hbm>>
        %dma_start3A_148 = arith.constant 0 : i32
        %dma_start3A_149 = tpu.memref_slice %arg4[%mul3A_145, %dma_start3A_148] : memref<320000x128xf32, #tpu.memory_space<hbm>> -> memref<128x128xf32, #tpu.memory_space<hbm>>
        tpu.enqueue_dma source(%arg7 : memref<128x128xf32, #tpu.memory_space<vmem>>) target(%dma_start3A_149 : memref<128x128xf32, #tpu.memory_space<hbm>>) target_semaphore(%arg19 : memref<!tpu.dma_semaphore, #tpu.memory_space<semaphore_mem>>)
      } else {
      }
      %add3A_83 = arith.constant 3 : i32
      %add3A_84 = arith.addi %add3A_78, %add3A_83 : i32
      %lt3A_85 = arith.cmpi slt, %add3A_84, %min3A_4 : i32
      %convert_element_type3A_86 = arith.extui %lt3A_85 : i1 to i32
      %cond3A_87 = arith.constant 0 : i32
      %cond3A_88 = arith.cmpi ne, %convert_element_type3A_86, %cond3A_87 : i32
      scf.if %cond3A_88 {
        %ge3A = arith.constant 3 : i32
        %ge3A_137 = arith.cmpi sge, %add3A_78, %ge3A : i32
        %convert_element_type3A_138 = arith.extui %ge3A_137 : i1 to i32
        %cond3A_139 = arith.constant 0 : i32
        %cond3A_140 = arith.cmpi ne, %convert_element_type3A_138, %cond3A_139 : i32
        scf.if %cond3A_140 {
          %mul3A_149 = arith.constant 128 : i32
          %mul3A_150 = arith.muli %multiple_of3A, %mul3A_149 : i32
          %dma_wait3A_151 = arith.constant 0 : i32
          %dma_wait3A_152 = tpu.memref_slice %arg4[%mul3A_150, %dma_wait3A_151] : memref<320000x128xf32, #tpu.memory_space<hbm>> -> memref<128x128xf32, #tpu.memory_space<hbm>>
          %dma_wait3A_153 = arith.constant 0 : i32
          %dma_wait3A_154 = tpu.memref_slice %arg4[%mul3A_150, %dma_wait3A_153] : memref<320000x128xf32, #tpu.memory_space<hbm>> -> memref<128x128xf32, #tpu.memory_space<hbm>>
          tpu.wait_dma2 semaphore(%arg22 : memref<!tpu.dma_semaphore, #tpu.memory_space<semaphore_mem>>) src(%arg10 : memref<128x128xf32, #tpu.memory_space<vmem>>) dst(%dma_wait3A_154 : memref<128x128xf32, #tpu.memory_space<hbm>>)
        } else {
        }
        %add3A_141 = arith.constant 3 : i32
        %add3A_142 = arith.addi %add3A_78, %add3A_141 : i32
        %dma_start3A_143 = arith.constant 0 : i32
        %dma_start3A_144 = tpu.memref_slice %arg5[%add3A_142, %dma_start3A_143] : memref<80x128xi32, #tpu.memory_space<vmem>> -> memref<1x128xi32, #tpu.memory_space<vmem>>
        %dma_start3A_145 = tpu.memref_squeeze %dma_start3A_144 : memref<1x128xi32, #tpu.memory_space<vmem>> -> memref<128xi32, #tpu.memory_space<vmem>>
        %dma_start3A_146 = arith.constant 0 : i32
        %dma_start3A_147 = arith.constant 0 : i32
        %dma_start3A_148 = tpu.memref_slice %arg2[%dma_start3A_146, %dma_start3A_147] : memref<10000x128xf32, #tpu.memory_space<hbm>> -> memref<10000x128xf32, #tpu.memory_space<hbm>>
        tpu.enqueue_indirect_dma source(%dma_start3A_148 : memref<10000x128xf32, #tpu.memory_space<hbm>>) target(%arg10 : memref<128x128xf32, #tpu.memory_space<vmem>>) offsets(%dma_start3A_145 : memref<128xi32, #tpu.memory_space<vmem>>) semaphore(%arg16 : memref<!tpu.dma_semaphore, #tpu.memory_space<semaphore_mem>>)
      } else {
      }
      %add3A_89 = arith.constant 2 : i32
      %add3A_90 = arith.addi %mul3A_67, %add3A_89 : i32
      %lt3A_91 = arith.cmpi slt, %add3A_90, %min3A_4 : i32
      %convert_element_type3A_92 = arith.extui %lt3A_91 : i1 to i32
      %cond3A_93 = arith.constant 0 : i32
      %cond3A_94 = arith.cmpi ne, %convert_element_type3A_92, %cond3A_93 : i32
      scf.if %cond3A_94 {
        %dma_wait3A_137 = arith.constant 0 : i32
        %dma_wait3A_138 = tpu.memref_slice %arg5[%add3A_90, %dma_wait3A_137] : memref<80x128xi32, #tpu.memory_space<vmem>> -> memref<1x128xi32, #tpu.memory_space<vmem>>
        %dma_wait3A_139 = tpu.memref_squeeze %dma_wait3A_138 : memref<1x128xi32, #tpu.memory_space<vmem>> -> memref<128xi32, #tpu.memory_space<vmem>>
        %dma_wait3A_140 = arith.constant 0 : i32
        %dma_wait3A_141 = arith.constant 0 : i32
        %dma_wait3A_142 = tpu.memref_slice %arg2[%dma_wait3A_140, %dma_wait3A_141] : memref<10000x128xf32, #tpu.memory_space<hbm>> -> memref<10000x128xf32, #tpu.memory_space<hbm>>
        tpu.wait_indirect_dma semaphore(%arg14 : memref<!tpu.dma_semaphore, #tpu.memory_space<semaphore_mem>>) src(%dma_wait3A_142 : memref<10000x128xf32, #tpu.memory_space<hbm>>) dst(%arg8 : memref<128x128xf32, #tpu.memory_space<vmem>>)
        %add3A_143 = arith.addi %multiple_of3A, %add3A_90 : i32
        %mul3A_144 = arith.constant 128 : i32
        %mul3A_145 = arith.muli %add3A_143, %mul3A_144 : i32
        %dma_start3A_146 = arith.constant 0 : i32
        %dma_start3A_147 = tpu.memref_slice %arg4[%mul3A_145, %dma_start3A_146] : memref<320000x128xf32, #tpu.memory_space<hbm>> -> memref<128x128xf32, #tpu.memory_space<hbm>>
        %dma_start3A_148 = arith.constant 0 : i32
        %dma_start3A_149 = tpu.memref_slice %arg4[%mul3A_145, %dma_start3A_148] : memref<320000x128xf32, #tpu.memory_space<hbm>> -> memref<128x128xf32, #tpu.memory_space<hbm>>
        tpu.enqueue_dma source(%arg8 : memref<128x128xf32, #tpu.memory_space<vmem>>) target(%dma_start3A_149 : memref<128x128xf32, #tpu.memory_space<hbm>>) target_semaphore(%arg20 : memref<!tpu.dma_semaphore, #tpu.memory_space<semaphore_mem>>)
      } else {
      }
      %add3A_95 = arith.constant 3 : i32
      %add3A_96 = arith.addi %add3A_90, %add3A_95 : i32
      %lt3A_97 = arith.cmpi slt, %add3A_96, %min3A_4 : i32
      %convert_element_type3A_98 = arith.extui %lt3A_97 : i1 to i32
      %cond3A_99 = arith.constant 0 : i32
      %cond3A_100 = arith.cmpi ne, %convert_element_type3A_98, %cond3A_99 : i32
      scf.if %cond3A_100 {
        %ge3A = arith.constant 3 : i32
        %ge3A_137 = arith.cmpi sge, %add3A_90, %ge3A : i32
        %convert_element_type3A_138 = arith.extui %ge3A_137 : i1 to i32
        %cond3A_139 = arith.constant 0 : i32
        %cond3A_140 = arith.cmpi ne, %convert_element_type3A_138, %cond3A_139 : i32
        scf.if %cond3A_140 {
          %mul3A_149 = arith.constant 128 : i32
          %mul3A_150 = arith.muli %multiple_of3A, %mul3A_149 : i32
          %dma_wait3A_151 = arith.constant 0 : i32
          %dma_wait3A_152 = tpu.memref_slice %arg4[%mul3A_150, %dma_wait3A_151] : memref<320000x128xf32, #tpu.memory_space<hbm>> -> memref<128x128xf32, #tpu.memory_space<hbm>>
          %dma_wait3A_153 = arith.constant 0 : i32
          %dma_wait3A_154 = tpu.memref_slice %arg4[%mul3A_150, %dma_wait3A_153] : memref<320000x128xf32, #tpu.memory_space<hbm>> -> memref<128x128xf32, #tpu.memory_space<hbm>>
          tpu.wait_dma2 semaphore(%arg23 : memref<!tpu.dma_semaphore, #tpu.memory_space<semaphore_mem>>) src(%arg11 : memref<128x128xf32, #tpu.memory_space<vmem>>) dst(%dma_wait3A_154 : memref<128x128xf32, #tpu.memory_space<hbm>>)
        } else {
        }
        %add3A_141 = arith.constant 3 : i32
        %add3A_142 = arith.addi %add3A_90, %add3A_141 : i32
        %dma_start3A_143 = arith.constant 0 : i32
        %dma_start3A_144 = tpu.memref_slice %arg5[%add3A_142, %dma_start3A_143] : memref<80x128xi32, #tpu.memory_space<vmem>> -> memref<1x128xi32, #tpu.memory_space<vmem>>
        %dma_start3A_145 = tpu.memref_squeeze %dma_start3A_144 : memref<1x128xi32, #tpu.memory_space<vmem>> -> memref<128xi32, #tpu.memory_space<vmem>>
        %dma_start3A_146 = arith.constant 0 : i32
        %dma_start3A_147 = arith.constant 0 : i32
        %dma_start3A_148 = tpu.memref_slice %arg2[%dma_start3A_146, %dma_start3A_147] : memref<10000x128xf32, #tpu.memory_space<hbm>> -> memref<10000x128xf32, #tpu.memory_space<hbm>>
        tpu.enqueue_indirect_dma source(%dma_start3A_148 : memref<10000x128xf32, #tpu.memory_space<hbm>>) target(%arg11 : memref<128x128xf32, #tpu.memory_space<vmem>>) offsets(%dma_start3A_145 : memref<128xi32, #tpu.memory_space<vmem>>) semaphore(%arg17 : memref<!tpu.dma_semaphore, #tpu.memory_space<semaphore_mem>>)
      } else {
      }
      %add3A_101 = arith.constant 3 : i32
      %add3A_102 = arith.addi %mul3A_67, %add3A_101 : i32
      %lt3A_103 = arith.cmpi slt, %add3A_102, %min3A_4 : i32
      %convert_element_type3A_104 = arith.extui %lt3A_103 : i1 to i32
      %cond3A_105 = arith.constant 0 : i32
      %cond3A_106 = arith.cmpi ne, %convert_element_type3A_104, %cond3A_105 : i32
      scf.if %cond3A_106 {
        %dma_wait3A_137 = arith.constant 0 : i32
        %dma_wait3A_138 = tpu.memref_slice %arg5[%add3A_102, %dma_wait3A_137] : memref<80x128xi32, #tpu.memory_space<vmem>> -> memref<1x128xi32, #tpu.memory_space<vmem>>
        %dma_wait3A_139 = tpu.memref_squeeze %dma_wait3A_138 : memref<1x128xi32, #tpu.memory_space<vmem>> -> memref<128xi32, #tpu.memory_space<vmem>>
        %dma_wait3A_140 = arith.constant 0 : i32
        %dma_wait3A_141 = arith.constant 0 : i32
        %dma_wait3A_142 = tpu.memref_slice %arg2[%dma_wait3A_140, %dma_wait3A_141] : memref<10000x128xf32, #tpu.memory_space<hbm>> -> memref<10000x128xf32, #tpu.memory_space<hbm>>
        tpu.wait_indirect_dma semaphore(%arg15 : memref<!tpu.dma_semaphore, #tpu.memory_space<semaphore_mem>>) src(%dma_wait3A_142 : memref<10000x128xf32, #tpu.memory_space<hbm>>) dst(%arg9 : memref<128x128xf32, #tpu.memory_space<vmem>>)
        %add3A_143 = arith.addi %multiple_of3A, %add3A_102 : i32
        %mul3A_144 = arith.constant 128 : i32
        %mul3A_145 = arith.muli %add3A_143, %mul3A_144 : i32
        %dma_start3A_146 = arith.constant 0 : i32
        %dma_start3A_147 = tpu.memref_slice %arg4[%mul3A_145, %dma_start3A_146] : memref<320000x128xf32, #tpu.memory_space<hbm>> -> memref<128x128xf32, #tpu.memory_space<hbm>>
        %dma_start3A_148 = arith.constant 0 : i32
        %dma_start3A_149 = tpu.memref_slice %arg4[%mul3A_145, %dma_start3A_148] : memref<320000x128xf32, #tpu.memory_space<hbm>> -> memref<128x128xf32, #tpu.memory_space<hbm>>
        tpu.enqueue_dma source(%arg9 : memref<128x128xf32, #tpu.memory_space<vmem>>) target(%dma_start3A_149 : memref<128x128xf32, #tpu.memory_space<hbm>>) target_semaphore(%arg21 : memref<!tpu.dma_semaphore, #tpu.memory_space<semaphore_mem>>)
      } else {
      }
      %add3A_107 = arith.constant 3 : i32
      %add3A_108 = arith.addi %add3A_102, %add3A_107 : i32
      %lt3A_109 = arith.cmpi slt, %add3A_108, %min3A_4 : i32
      %convert_element_type3A_110 = arith.extui %lt3A_109 : i1 to i32
      %cond3A_111 = arith.constant 0 : i32
      %cond3A_112 = arith.cmpi ne, %convert_element_type3A_110, %cond3A_111 : i32
      scf.if %cond3A_112 {
        %ge3A = arith.constant 3 : i32
        %ge3A_137 = arith.cmpi sge, %add3A_102, %ge3A : i32
        %convert_element_type3A_138 = arith.extui %ge3A_137 : i1 to i32
        %cond3A_139 = arith.constant 0 : i32
        %cond3A_140 = arith.cmpi ne, %convert_element_type3A_138, %cond3A_139 : i32
        scf.if %cond3A_140 {
          %mul3A_149 = arith.constant 128 : i32
          %mul3A_150 = arith.muli %multiple_of3A, %mul3A_149 : i32
          %dma_wait3A_151 = arith.constant 0 : i32
          %dma_wait3A_152 = tpu.memref_slice %arg4[%mul3A_150, %dma_wait3A_151] : memref<320000x128xf32, #tpu.memory_space<hbm>> -> memref<128x128xf32, #tpu.memory_space<hbm>>
          %dma_wait3A_153 = arith.constant 0 : i32
          %dma_wait3A_154 = tpu.memref_slice %arg4[%mul3A_150, %dma_wait3A_153] : memref<320000x128xf32, #tpu.memory_space<hbm>> -> memref<128x128xf32, #tpu.memory_space<hbm>>
          tpu.wait_dma2 semaphore(%arg18 : memref<!tpu.dma_semaphore, #tpu.memory_space<semaphore_mem>>) src(%arg6 : memref<128x128xf32, #tpu.memory_space<vmem>>) dst(%dma_wait3A_154 : memref<128x128xf32, #tpu.memory_space<hbm>>)
        } else {
        }
        %add3A_141 = arith.constant 3 : i32
        %add3A_142 = arith.addi %add3A_102, %add3A_141 : i32
        %dma_start3A_143 = arith.constant 0 : i32
        %dma_start3A_144 = tpu.memref_slice %arg5[%add3A_142, %dma_start3A_143] : memref<80x128xi32, #tpu.memory_space<vmem>> -> memref<1x128xi32, #tpu.memory_space<vmem>>
        %dma_start3A_145 = tpu.memref_squeeze %dma_start3A_144 : memref<1x128xi32, #tpu.memory_space<vmem>> -> memref<128xi32, #tpu.memory_space<vmem>>
        %dma_start3A_146 = arith.constant 0 : i32
        %dma_start3A_147 = arith.constant 0 : i32
        %dma_start3A_148 = tpu.memref_slice %arg2[%dma_start3A_146, %dma_start3A_147] : memref<10000x128xf32, #tpu.memory_space<hbm>> -> memref<10000x128xf32, #tpu.memory_space<hbm>>
        tpu.enqueue_indirect_dma source(%dma_start3A_148 : memref<10000x128xf32, #tpu.memory_space<hbm>>) target(%arg6 : memref<128x128xf32, #tpu.memory_space<vmem>>) offsets(%dma_start3A_145 : memref<128xi32, #tpu.memory_space<vmem>>) semaphore(%arg12 : memref<!tpu.dma_semaphore, #tpu.memory_space<semaphore_mem>>)
      } else {
      }
      %add3A_113 = arith.constant 4 : i32
      %add3A_114 = arith.addi %mul3A_67, %add3A_113 : i32
      %lt3A_115 = arith.cmpi slt, %add3A_114, %min3A_4 : i32
      %convert_element_type3A_116 = arith.extui %lt3A_115 : i1 to i32
      %cond3A_117 = arith.constant 0 : i32
      %cond3A_118 = arith.cmpi ne, %convert_element_type3A_116, %cond3A_117 : i32
      scf.if %cond3A_118 {
        %dma_wait3A_137 = arith.constant 0 : i32
        %dma_wait3A_138 = tpu.memref_slice %arg5[%add3A_114, %dma_wait3A_137] : memref<80x128xi32, #tpu.memory_space<vmem>> -> memref<1x128xi32, #tpu.memory_space<vmem>>
        %dma_wait3A_139 = tpu.memref_squeeze %dma_wait3A_138 : memref<1x128xi32, #tpu.memory_space<vmem>> -> memref<128xi32, #tpu.memory_space<vmem>>
        %dma_wait3A_140 = arith.constant 0 : i32
        %dma_wait3A_141 = arith.constant 0 : i32
        %dma_wait3A_142 = tpu.memref_slice %arg2[%dma_wait3A_140, %dma_wait3A_141] : memref<10000x128xf32, #tpu.memory_space<hbm>> -> memref<10000x128xf32, #tpu.memory_space<hbm>>
        tpu.wait_indirect_dma semaphore(%arg16 : memref<!tpu.dma_semaphore, #tpu.memory_space<semaphore_mem>>) src(%dma_wait3A_142 : memref<10000x128xf32, #tpu.memory_space<hbm>>) dst(%arg10 : memref<128x128xf32, #tpu.memory_space<vmem>>)
        %add3A_143 = arith.addi %multiple_of3A, %add3A_114 : i32
        %mul3A_144 = arith.constant 128 : i32
        %mul3A_145 = arith.muli %add3A_143, %mul3A_144 : i32
        %dma_start3A_146 = arith.constant 0 : i32
        %dma_start3A_147 = tpu.memref_slice %arg4[%mul3A_145, %dma_start3A_146] : memref<320000x128xf32, #tpu.memory_space<hbm>> -> memref<128x128xf32, #tpu.memory_space<hbm>>
        %dma_start3A_148 = arith.constant 0 : i32
        %dma_start3A_149 = tpu.memref_slice %arg4[%mul3A_145, %dma_start3A_148] : memref<320000x128xf32, #tpu.memory_space<hbm>> -> memref<128x128xf32, #tpu.memory_space<hbm>>
        tpu.enqueue_dma source(%arg10 : memref<128x128xf32, #tpu.memory_space<vmem>>) target(%dma_start3A_149 : memref<128x128xf32, #tpu.memory_space<hbm>>) target_semaphore(%arg22 : memref<!tpu.dma_semaphore, #tpu.memory_space<semaphore_mem>>)
      } else {
      }
      %add3A_119 = arith.constant 3 : i32
      %add3A_120 = arith.addi %add3A_114, %add3A_119 : i32
      %lt3A_121 = arith.cmpi slt, %add3A_120, %min3A_4 : i32
      %convert_element_type3A_122 = arith.extui %lt3A_121 : i1 to i32
      %cond3A_123 = arith.constant 0 : i32
      %cond3A_124 = arith.cmpi ne, %convert_element_type3A_122, %cond3A_123 : i32
      scf.if %cond3A_124 {
        %ge3A = arith.constant 3 : i32
        %ge3A_137 = arith.cmpi sge, %add3A_114, %ge3A : i32
        %convert_element_type3A_138 = arith.extui %ge3A_137 : i1 to i32
        %cond3A_139 = arith.constant 0 : i32
        %cond3A_140 = arith.cmpi ne, %convert_element_type3A_138, %cond3A_139 : i32
        scf.if %cond3A_140 {
          %mul3A_149 = arith.constant 128 : i32
          %mul3A_150 = arith.muli %multiple_of3A, %mul3A_149 : i32
          %dma_wait3A_151 = arith.constant 0 : i32
          %dma_wait3A_152 = tpu.memref_slice %arg4[%mul3A_150, %dma_wait3A_151] : memref<320000x128xf32, #tpu.memory_space<hbm>> -> memref<128x128xf32, #tpu.memory_space<hbm>>
          %dma_wait3A_153 = arith.constant 0 : i32
          %dma_wait3A_154 = tpu.memref_slice %arg4[%mul3A_150, %dma_wait3A_153] : memref<320000x128xf32, #tpu.memory_space<hbm>> -> memref<128x128xf32, #tpu.memory_space<hbm>>
          tpu.wait_dma2 semaphore(%arg19 : memref<!tpu.dma_semaphore, #tpu.memory_space<semaphore_mem>>) src(%arg7 : memref<128x128xf32, #tpu.memory_space<vmem>>) dst(%dma_wait3A_154 : memref<128x128xf32, #tpu.memory_space<hbm>>)
        } else {
        }
        %add3A_141 = arith.constant 3 : i32
        %add3A_142 = arith.addi %add3A_114, %add3A_141 : i32
        %dma_start3A_143 = arith.constant 0 : i32
        %dma_start3A_144 = tpu.memref_slice %arg5[%add3A_142, %dma_start3A_143] : memref<80x128xi32, #tpu.memory_space<vmem>> -> memref<1x128xi32, #tpu.memory_space<vmem>>
        %dma_start3A_145 = tpu.memref_squeeze %dma_start3A_144 : memref<1x128xi32, #tpu.memory_space<vmem>> -> memref<128xi32, #tpu.memory_space<vmem>>
        %dma_start3A_146 = arith.constant 0 : i32
        %dma_start3A_147 = arith.constant 0 : i32
        %dma_start3A_148 = tpu.memref_slice %arg2[%dma_start3A_146, %dma_start3A_147] : memref<10000x128xf32, #tpu.memory_space<hbm>> -> memref<10000x128xf32, #tpu.memory_space<hbm>>
        tpu.enqueue_indirect_dma source(%dma_start3A_148 : memref<10000x128xf32, #tpu.memory_space<hbm>>) target(%arg7 : memref<128x128xf32, #tpu.memory_space<vmem>>) offsets(%dma_start3A_145 : memref<128xi32, #tpu.memory_space<vmem>>) semaphore(%arg13 : memref<!tpu.dma_semaphore, #tpu.memory_space<semaphore_mem>>)
      } else {
      }
      %add3A_125 = arith.constant 5 : i32
      %add3A_126 = arith.addi %mul3A_67, %add3A_125 : i32
      %lt3A_127 = arith.cmpi slt, %add3A_126, %min3A_4 : i32
      %convert_element_type3A_128 = arith.extui %lt3A_127 : i1 to i32
      %cond3A_129 = arith.constant 0 : i32
      %cond3A_130 = arith.cmpi ne, %convert_element_type3A_128, %cond3A_129 : i32
      scf.if %cond3A_130 {
        %dma_wait3A_137 = arith.constant 0 : i32
        %dma_wait3A_138 = tpu.memref_slice %arg5[%add3A_126, %dma_wait3A_137] : memref<80x128xi32, #tpu.memory_space<vmem>> -> memref<1x128xi32, #tpu.memory_space<vmem>>
        %dma_wait3A_139 = tpu.memref_squeeze %dma_wait3A_138 : memref<1x128xi32, #tpu.memory_space<vmem>> -> memref<128xi32, #tpu.memory_space<vmem>>
        %dma_wait3A_140 = arith.constant 0 : i32
        %dma_wait3A_141 = arith.constant 0 : i32
        %dma_wait3A_142 = tpu.memref_slice %arg2[%dma_wait3A_140, %dma_wait3A_141] : memref<10000x128xf32, #tpu.memory_space<hbm>> -> memref<10000x128xf32, #tpu.memory_space<hbm>>
        tpu.wait_indirect_dma semaphore(%arg17 : memref<!tpu.dma_semaphore, #tpu.memory_space<semaphore_mem>>) src(%dma_wait3A_142 : memref<10000x128xf32, #tpu.memory_space<hbm>>) dst(%arg11 : memref<128x128xf32, #tpu.memory_space<vmem>>)
        %add3A_143 = arith.addi %multiple_of3A, %add3A_126 : i32
        %mul3A_144 = arith.constant 128 : i32
        %mul3A_145 = arith.muli %add3A_143, %mul3A_144 : i32
        %dma_start3A_146 = arith.constant 0 : i32
        %dma_start3A_147 = tpu.memref_slice %arg4[%mul3A_145, %dma_start3A_146] : memref<320000x128xf32, #tpu.memory_space<hbm>> -> memref<128x128xf32, #tpu.memory_space<hbm>>
        %dma_start3A_148 = arith.constant 0 : i32
        %dma_start3A_149 = tpu.memref_slice %arg4[%mul3A_145, %dma_start3A_148] : memref<320000x128xf32, #tpu.memory_space<hbm>> -> memref<128x128xf32, #tpu.memory_space<hbm>>
        tpu.enqueue_dma source(%arg11 : memref<128x128xf32, #tpu.memory_space<vmem>>) target(%dma_start3A_149 : memref<128x128xf32, #tpu.memory_space<hbm>>) target_semaphore(%arg23 : memref<!tpu.dma_semaphore, #tpu.memory_space<semaphore_mem>>)
      } else {
      }
      %add3A_131 = arith.constant 3 : i32
      %add3A_132 = arith.addi %add3A_126, %add3A_131 : i32
      %lt3A_133 = arith.cmpi slt, %add3A_132, %min3A_4 : i32
      %convert_element_type3A_134 = arith.extui %lt3A_133 : i1 to i32
      %cond3A_135 = arith.constant 0 : i32
      %cond3A_136 = arith.cmpi ne, %convert_element_type3A_134, %cond3A_135 : i32
      scf.if %cond3A_136 {
        %ge3A = arith.constant 3 : i32
        %ge3A_137 = arith.cmpi sge, %add3A_126, %ge3A : i32
        %convert_element_type3A_138 = arith.extui %ge3A_137 : i1 to i32
        %cond3A_139 = arith.constant 0 : i32
        %cond3A_140 = arith.cmpi ne, %convert_element_type3A_138, %cond3A_139 : i32
        scf.if %cond3A_140 {
          %mul3A_149 = arith.constant 128 : i32
          %mul3A_150 = arith.muli %multiple_of3A, %mul3A_149 : i32
          %dma_wait3A_151 = arith.constant 0 : i32
          %dma_wait3A_152 = tpu.memref_slice %arg4[%mul3A_150, %dma_wait3A_151] : memref<320000x128xf32, #tpu.memory_space<hbm>> -> memref<128x128xf32, #tpu.memory_space<hbm>>
          %dma_wait3A_153 = arith.constant 0 : i32
          %dma_wait3A_154 = tpu.memref_slice %arg4[%mul3A_150, %dma_wait3A_153] : memref<320000x128xf32, #tpu.memory_space<hbm>> -> memref<128x128xf32, #tpu.memory_space<hbm>>
          tpu.wait_dma2 semaphore(%arg20 : memref<!tpu.dma_semaphore, #tpu.memory_space<semaphore_mem>>) src(%arg8 : memref<128x128xf32, #tpu.memory_space<vmem>>) dst(%dma_wait3A_154 : memref<128x128xf32, #tpu.memory_space<hbm>>)
        } else {
        }
        %add3A_141 = arith.constant 3 : i32
        %add3A_142 = arith.addi %add3A_126, %add3A_141 : i32
        %dma_start3A_143 = arith.constant 0 : i32
        %dma_start3A_144 = tpu.memref_slice %arg5[%add3A_142, %dma_start3A_143] : memref<80x128xi32, #tpu.memory_space<vmem>> -> memref<1x128xi32, #tpu.memory_space<vmem>>
        %dma_start3A_145 = tpu.memref_squeeze %dma_start3A_144 : memref<1x128xi32, #tpu.memory_space<vmem>> -> memref<128xi32, #tpu.memory_space<vmem>>
        %dma_start3A_146 = arith.constant 0 : i32
        %dma_start3A_147 = arith.constant 0 : i32
        %dma_start3A_148 = tpu.memref_slice %arg2[%dma_start3A_146, %dma_start3A_147] : memref<10000x128xf32, #tpu.memory_space<hbm>> -> memref<10000x128xf32, #tpu.memory_space<hbm>>
        tpu.enqueue_indirect_dma source(%dma_start3A_148 : memref<10000x128xf32, #tpu.memory_space<hbm>>) target(%arg8 : memref<128x128xf32, #tpu.memory_space<vmem>>) offsets(%dma_start3A_145 : memref<128xi32, #tpu.memory_space<vmem>>) semaphore(%arg14 : memref<!tpu.dma_semaphore, #tpu.memory_space<semaphore_mem>>)
      } else {
      }
    }
    %scan3A_29 = arith.constant 14 : i32
    %mul3A_30 = arith.constant 128 : i32
    %mul3A_31 = arith.muli %multiple_of3A, %mul3A_30 : i32
    %dma_wait3A = arith.constant 0 : i32
    %dma_wait3A_32 = tpu.memref_slice %arg4[%mul3A_31, %dma_wait3A] : memref<320000x128xf32, #tpu.memory_space<hbm>> -> memref<128x128xf32, #tpu.memory_space<hbm>>
    %dma_wait3A_33 = arith.constant 0 : i32
    %dma_wait3A_34 = tpu.memref_slice %arg4[%mul3A_31, %dma_wait3A_33] : memref<320000x128xf32, #tpu.memory_space<hbm>> -> memref<128x128xf32, #tpu.memory_space<hbm>>
    tpu.wait_dma2 semaphore(%arg18 : memref<!tpu.dma_semaphore, #tpu.memory_space<semaphore_mem>>) src(%arg6 : memref<128x128xf32, #tpu.memory_space<vmem>>) dst(%dma_wait3A_34 : memref<128x128xf32, #tpu.memory_space<hbm>>)
    %mul3A_35 = arith.constant 128 : i32
    %mul3A_36 = arith.muli %multiple_of3A, %mul3A_35 : i32
    %dma_wait3A_37 = arith.constant 0 : i32
    %dma_wait3A_38 = tpu.memref_slice %arg4[%mul3A_36, %dma_wait3A_37] : memref<320000x128xf32, #tpu.memory_space<hbm>> -> memref<128x128xf32, #tpu.memory_space<hbm>>
    %dma_wait3A_39 = arith.constant 0 : i32
    %dma_wait3A_40 = tpu.memref_slice %arg4[%mul3A_36, %dma_wait3A_39] : memref<320000x128xf32, #tpu.memory_space<hbm>> -> memref<128x128xf32, #tpu.memory_space<hbm>>
    tpu.wait_dma2 semaphore(%arg19 : memref<!tpu.dma_semaphore, #tpu.memory_space<semaphore_mem>>) src(%arg7 : memref<128x128xf32, #tpu.memory_space<vmem>>) dst(%dma_wait3A_40 : memref<128x128xf32, #tpu.memory_space<hbm>>)
    %mul3A_41 = arith.constant 128 : i32
    %mul3A_42 = arith.muli %multiple_of3A, %mul3A_41 : i32
    %dma_wait3A_43 = arith.constant 0 : i32
    %dma_wait3A_44 = tpu.memref_slice %arg4[%mul3A_42, %dma_wait3A_43] : memref<320000x128xf32, #tpu.memory_space<hbm>> -> memref<128x128xf32, #tpu.memory_space<hbm>>
    %dma_wait3A_45 = arith.constant 0 : i32
    %dma_wait3A_46 = tpu.memref_slice %arg4[%mul3A_42, %dma_wait3A_45] : memref<320000x128xf32, #tpu.memory_space<hbm>> -> memref<128x128xf32, #tpu.memory_space<hbm>>
    tpu.wait_dma2 semaphore(%arg20 : memref<!tpu.dma_semaphore, #tpu.memory_space<semaphore_mem>>) src(%arg8 : memref<128x128xf32, #tpu.memory_space<vmem>>) dst(%dma_wait3A_46 : memref<128x128xf32, #tpu.memory_space<hbm>>)
    %mul3A_47 = arith.constant 128 : i32
    %mul3A_48 = arith.muli %multiple_of3A, %mul3A_47 : i32
    %dma_wait3A_49 = arith.constant 0 : i32
    %dma_wait3A_50 = tpu.memref_slice %arg4[%mul3A_48, %dma_wait3A_49] : memref<320000x128xf32, #tpu.memory_space<hbm>> -> memref<128x128xf32, #tpu.memory_space<hbm>>
    %dma_wait3A_51 = arith.constant 0 : i32
    %dma_wait3A_52 = tpu.memref_slice %arg4[%mul3A_48, %dma_wait3A_51] : memref<320000x128xf32, #tpu.memory_space<hbm>> -> memref<128x128xf32, #tpu.memory_space<hbm>>
    tpu.wait_dma2 semaphore(%arg21 : memref<!tpu.dma_semaphore, #tpu.memory_space<semaphore_mem>>) src(%arg9 : memref<128x128xf32, #tpu.memory_space<vmem>>) dst(%dma_wait3A_52 : memref<128x128xf32, #tpu.memory_space<hbm>>)
    %mul3A_53 = arith.constant 128 : i32
    %mul3A_54 = arith.muli %multiple_of3A, %mul3A_53 : i32
    %dma_wait3A_55 = arith.constant 0 : i32
    %dma_wait3A_56 = tpu.memref_slice %arg4[%mul3A_54, %dma_wait3A_55] : memref<320000x128xf32, #tpu.memory_space<hbm>> -> memref<128x128xf32, #tpu.memory_space<hbm>>
    %dma_wait3A_57 = arith.constant 0 : i32
    %dma_wait3A_58 = tpu.memref_slice %arg4[%mul3A_54, %dma_wait3A_57] : memref<320000x128xf32, #tpu.memory_space<hbm>> -> memref<128x128xf32, #tpu.memory_space<hbm>>
    tpu.wait_dma2 semaphore(%arg22 : memref<!tpu.dma_semaphore, #tpu.memory_space<semaphore_mem>>) src(%arg10 : memref<128x128xf32, #tpu.memory_space<vmem>>) dst(%dma_wait3A_58 : memref<128x128xf32, #tpu.memory_space<hbm>>)
    %mul3A_59 = arith.constant 128 : i32
    %mul3A_60 = arith.muli %multiple_of3A, %mul3A_59 : i32
    %dma_wait3A_61 = arith.constant 0 : i32
    %dma_wait3A_62 = tpu.memref_slice %arg4[%mul3A_60, %dma_wait3A_61] : memref<320000x128xf32, #tpu.memory_space<hbm>> -> memref<128x128xf32, #tpu.memory_space<hbm>>
    %dma_wait3A_63 = arith.constant 0 : i32
    %dma_wait3A_64 = tpu.memref_slice %arg4[%mul3A_60, %dma_wait3A_63] : memref<320000x128xf32, #tpu.memory_space<hbm>> -> memref<128x128xf32, #tpu.memory_space<hbm>>
    tpu.wait_dma2 semaphore(%arg23 : memref<!tpu.dma_semaphore, #tpu.memory_space<semaphore_mem>>) src(%arg11 : memref<128x128xf32, #tpu.memory_space<vmem>>) dst(%dma_wait3A_64 : memref<128x128xf32, #tpu.memory_space<hbm>>)
    return
  }
}

#map = affine_map<(d0, d1) -> (0, 0)>
#map1 = affine_map<(d0, d1) -> (0, 0, 0)>
module attributes {stable_mosaic.version = 14 : i64} {
  func.func @_sc_scatter(%arg0: i32, %arg1: i32, %arg2: memref<320000x128xf32, #tpu.memory_space<hbm>>, %arg3: memref<5120x64xi32, #tpu.memory_space<hbm>>, %arg4: memref<632x128xf32, #tpu.memory_space<hbm>>, %arg5: memref<2x10112x128xf32, #tpu.memory_space<hbm>>, %arg6: memref<64xi32, #tpu.memory_space<vmem>>, %arg7: memref<64xi32, #tpu.memory_space<vmem>>, %arg8: memref<64xi32, #tpu.memory_space<vmem>>, %arg9: memref<64xi32, #tpu.memory_space<vmem>>, %arg10: memref<64x128xf32, #tpu.memory_space<vmem>>, %arg11: memref<64x128xf32, #tpu.memory_space<vmem>>, %arg12: memref<64x128xf32, #tpu.memory_space<vmem>>, %arg13: memref<64x128xf32, #tpu.memory_space<vmem>>, %arg14: memref<10112x128xf32, #tpu.memory_space<vmem_shared>>, %arg15: memref<!tpu.dma_semaphore, #tpu.memory_space<semaphore_mem>>, %arg16: memref<!tpu.dma_semaphore, #tpu.memory_space<semaphore_mem>>, %arg17: memref<!tpu.dma_semaphore, #tpu.memory_space<semaphore_mem>>, %arg18: memref<!tpu.dma_semaphore, #tpu.memory_space<semaphore_mem>>, %arg19: memref<!tpu.dma_semaphore, #tpu.memory_space<semaphore_mem>>, %arg20: memref<!tpu.dma_semaphore, #tpu.memory_space<semaphore_mem>>, %arg21: memref<!tpu.dma_semaphore, #tpu.memory_space<semaphore_mem>>, %arg22: memref<!tpu.dma_semaphore, #tpu.memory_space<semaphore_mem>>, %arg23: memref<!tpu.dma_semaphore, #tpu.memory_space<semaphore_mem>>, %arg24: memref<!tpu.dma_semaphore, #tpu.memory_space<semaphore_mem>>, %arg25: memref<!tpu.dma_semaphore, #tpu.memory_space<semaphore_mem>>, %arg26: memref<!tpu.dma_semaphore, #tpu.memory_space<semaphore_mem>>) attributes {dimension_semantics = [#tpu.dimension_semantics<core_parallel>, #tpu.dimension_semantics<subcore_parallel>], iteration_bounds = array<i64: 2, 16>, scalar_prefetch = 0 : i64, scratch_operands = 21 : i64, tpu.core_type = #tpu.core_type<sc_vector_subcore>, window_params = [{transform_indices = #map}, {transform_indices = #map}, {transform_indices = #map}, {transform_indices = #map1}]} {
    %mul3A = arith.constant 2 : i32
    %mul3A_0 = arith.muli %arg1, %mul3A : i32
    %add3A = arith.addi %mul3A_0, %arg0 : i32
    %mul3A_1 = arith.constant 160 : i32
    %mul3A_2 = arith.muli %add3A, %mul3A_1 : i32
    %multiple_of3A = tpu.assume_multiple %mul3A_2, 8 : i32
    %sub3A = arith.constant 5000 : i32
    %sub3A_3 = arith.subi %sub3A, %multiple_of3A : i32
    %min3A = arith.constant 160 : i32
    %min3A_4 = arith.minsi %min3A, %sub3A_3 : i32
    %mul3A_5 = arith.constant 632 : i32
    %mul3A_6 = arith.muli %arg1, %mul3A_5 : i32
    %multiple_of3A_7 = tpu.assume_multiple %mul3A_6, 8 : i32
    "tpu.region"() ({
      %run_scoped3A = tpu.sem_alloc : memref<!tpu.dma_semaphore, #tpu.memory_space<semaphore_mem>>
      %dma_start3A_56 = arith.constant 0 : i32
      %dma_start3A_57 = tpu.memref_slice %arg14[%multiple_of3A_7, %dma_start3A_56] : memref<10112x128xf32, #tpu.memory_space<vmem_shared>> -> memref<632x128xf32, #tpu.memory_space<vmem_shared>>
      tpu.enqueue_dma source(%arg4 : memref<632x128xf32, #tpu.memory_space<hbm>>) target(%dma_start3A_57 : memref<632x128xf32, #tpu.memory_space<vmem_shared>>) target_semaphore(%run_scoped3A : memref<!tpu.dma_semaphore, #tpu.memory_space<semaphore_mem>>)
      %dma_wait3A_58 = arith.constant 0 : i32
      %dma_wait3A_59 = tpu.memref_slice %arg14[%multiple_of3A_7, %dma_wait3A_58] : memref<10112x128xf32, #tpu.memory_space<vmem_shared>> -> memref<632x128xf32, #tpu.memory_space<vmem_shared>>
      tpu.wait_dma2 semaphore(%run_scoped3A : memref<!tpu.dma_semaphore, #tpu.memory_space<semaphore_mem>>) src(%arg4 : memref<632x128xf32, #tpu.memory_space<hbm>>) dst(%dma_wait3A_59 : memref<632x128xf32, #tpu.memory_space<vmem_shared>>)
      tpu.yield
    }) : () -> ()
    %barrier3A = arith.constant 0 : index
    tpu.barrier barrier_id(%barrier3A)
    %add3A_8 = arith.constant 0 : i32
    %add3A_9 = arith.addi %multiple_of3A, %add3A_8 : i32
    %dma_start3A = arith.constant 0 : i32
    %dma_start3A_10 = tpu.memref_slice %arg3[%add3A_9, %dma_start3A] : memref<5120x64xi32, #tpu.memory_space<hbm>> -> memref<1x64xi32, #tpu.memory_space<hbm>>
    %dma_start3A_11 = tpu.memref_squeeze %dma_start3A_10 : memref<1x64xi32, #tpu.memory_space<hbm>> -> memref<64xi32, #tpu.memory_space<hbm>>
    %dma_start3A_12 = arith.constant 0 : i32
    %dma_start3A_13 = tpu.memref_slice %arg3[%add3A_9, %dma_start3A_12] : memref<5120x64xi32, #tpu.memory_space<hbm>> -> memref<1x64xi32, #tpu.memory_space<hbm>>
    %dma_start3A_14 = tpu.memref_squeeze %dma_start3A_13 : memref<1x64xi32, #tpu.memory_space<hbm>> -> memref<64xi32, #tpu.memory_space<hbm>>
    tpu.enqueue_dma source(%dma_start3A_14 : memref<64xi32, #tpu.memory_space<hbm>>) target(%arg6 : memref<64xi32, #tpu.memory_space<vmem>>) target_semaphore(%arg15 : memref<!tpu.dma_semaphore, #tpu.memory_space<semaphore_mem>>)
    %add3A_15 = arith.constant 0 : i32
    %add3A_16 = arith.addi %multiple_of3A, %add3A_15 : i32
    %mul3A_17 = arith.constant 64 : i32
    %mul3A_18 = arith.muli %add3A_16, %mul3A_17 : i32
    %dma_start3A_19 = arith.constant 0 : i32
    %dma_start3A_20 = tpu.memref_slice %arg2[%mul3A_18, %dma_start3A_19] : memref<320000x128xf32, #tpu.memory_space<hbm>> -> memref<64x128xf32, #tpu.memory_space<hbm>>
    %dma_start3A_21 = arith.constant 0 : i32
    %dma_start3A_22 = tpu.memref_slice %arg2[%mul3A_18, %dma_start3A_21] : memref<320000x128xf32, #tpu.memory_space<hbm>> -> memref<64x128xf32, #tpu.memory_space<hbm>>
    tpu.enqueue_dma source(%dma_start3A_22 : memref<64x128xf32, #tpu.memory_space<hbm>>) target(%arg10 : memref<64x128xf32, #tpu.memory_space<vmem>>) target_semaphore(%arg19 : memref<!tpu.dma_semaphore, #tpu.memory_space<semaphore_mem>>)
    %add3A_23 = arith.constant 1 : i32
    %add3A_24 = arith.addi %multiple_of3A, %add3A_23 : i32
    %dma_start3A_25 = arith.constant 0 : i32
    %dma_start3A_26 = tpu.memref_slice %arg3[%add3A_24, %dma_start3A_25] : memref<5120x64xi32, #tpu.memory_space<hbm>> -> memref<1x64xi32, #tpu.memory_space<hbm>>
    %dma_start3A_27 = tpu.memref_squeeze %dma_start3A_26 : memref<1x64xi32, #tpu.memory_space<hbm>> -> memref<64xi32, #tpu.memory_space<hbm>>
    %dma_start3A_28 = arith.constant 0 : i32
    %dma_start3A_29 = tpu.memref_slice %arg3[%add3A_24, %dma_start3A_28] : memref<5120x64xi32, #tpu.memory_space<hbm>> -> memref<1x64xi32, #tpu.memory_space<hbm>>
    %dma_start3A_30 = tpu.memref_squeeze %dma_start3A_29 : memref<1x64xi32, #tpu.memory_space<hbm>> -> memref<64xi32, #tpu.memory_space<hbm>>
    tpu.enqueue_dma source(%dma_start3A_30 : memref<64xi32, #tpu.memory_space<hbm>>) target(%arg7 : memref<64xi32, #tpu.memory_space<vmem>>) target_semaphore(%arg16 : memref<!tpu.dma_semaphore, #tpu.memory_space<semaphore_mem>>)
    %add3A_31 = arith.constant 1 : i32
    %add3A_32 = arith.addi %multiple_of3A, %add3A_31 : i32
    %mul3A_33 = arith.constant 64 : i32
    %mul3A_34 = arith.muli %add3A_32, %mul3A_33 : i32
    %dma_start3A_35 = arith.constant 0 : i32
    %dma_start3A_36 = tpu.memref_slice %arg2[%mul3A_34, %dma_start3A_35] : memref<320000x128xf32, #tpu.memory_space<hbm>> -> memref<64x128xf32, #tpu.memory_space<hbm>>
    %dma_start3A_37 = arith.constant 0 : i32
    %dma_start3A_38 = tpu.memref_slice %arg2[%mul3A_34, %dma_start3A_37] : memref<320000x128xf32, #tpu.memory_space<hbm>> -> memref<64x128xf32, #tpu.memory_space<hbm>>
    tpu.enqueue_dma source(%dma_start3A_38 : memref<64x128xf32, #tpu.memory_space<hbm>>) target(%arg11 : memref<64x128xf32, #tpu.memory_space<vmem>>) target_semaphore(%arg20 : memref<!tpu.dma_semaphore, #tpu.memory_space<semaphore_mem>>)
    %scan3A = arith.constant 0 : i32
    %scan3A_39 = arith.constant 0 : i32
    %scan3A_40 = arith.constant 40 : i32
    %scan3A_41 = arith.addi %scan3A_39, %scan3A_40 : i32
    %scan3A_42 = arith.constant 1 : i32
    scf.for %scan3A_56 = %scan3A_39 to %scan3A_41 step %scan3A_42  : i32 {
      %mul3A_57 = arith.constant 4 : i32
      %mul3A_58 = arith.muli %scan3A_56, %mul3A_57 : i32
      %add3A_59 = arith.constant 0 : i32
      %add3A_60 = arith.addi %mul3A_58, %add3A_59 : i32
      %lt3A = arith.cmpi slt, %add3A_60, %min3A_4 : i32
      %convert_element_type3A = arith.extui %lt3A : i1 to i32
      %cond3A = arith.constant 0 : i32
      %cond3A_61 = arith.cmpi ne, %convert_element_type3A, %cond3A : i32
      scf.if %cond3A_61 {
        %add3A_104 = arith.addi %multiple_of3A, %add3A_60 : i32
        %dma_wait3A_105 = arith.constant 0 : i32
        %dma_wait3A_106 = tpu.memref_slice %arg3[%add3A_104, %dma_wait3A_105] : memref<5120x64xi32, #tpu.memory_space<hbm>> -> memref<1x64xi32, #tpu.memory_space<hbm>>
        %dma_wait3A_107 = tpu.memref_squeeze %dma_wait3A_106 : memref<1x64xi32, #tpu.memory_space<hbm>> -> memref<64xi32, #tpu.memory_space<hbm>>
        %dma_wait3A_108 = arith.constant 0 : i32
        %dma_wait3A_109 = tpu.memref_slice %arg3[%add3A_104, %dma_wait3A_108] : memref<5120x64xi32, #tpu.memory_space<hbm>> -> memref<1x64xi32, #tpu.memory_space<hbm>>
        %dma_wait3A_110 = tpu.memref_squeeze %dma_wait3A_109 : memref<1x64xi32, #tpu.memory_space<hbm>> -> memref<64xi32, #tpu.memory_space<hbm>>
        tpu.wait_dma2 semaphore(%arg15 : memref<!tpu.dma_semaphore, #tpu.memory_space<semaphore_mem>>) src(%dma_wait3A_110 : memref<64xi32, #tpu.memory_space<hbm>>) dst(%arg6 : memref<64xi32, #tpu.memory_space<vmem>>)
        %add3A_111 = arith.addi %multiple_of3A, %add3A_60 : i32
        %mul3A_112 = arith.constant 64 : i32
        %mul3A_113 = arith.muli %add3A_111, %mul3A_112 : i32
        %dma_wait3A_114 = arith.constant 0 : i32
        %dma_wait3A_115 = tpu.memref_slice %arg2[%mul3A_113, %dma_wait3A_114] : memref<320000x128xf32, #tpu.memory_space<hbm>> -> memref<64x128xf32, #tpu.memory_space<hbm>>
        %dma_wait3A_116 = arith.constant 0 : i32
        %dma_wait3A_117 = tpu.memref_slice %arg2[%mul3A_113, %dma_wait3A_116] : memref<320000x128xf32, #tpu.memory_space<hbm>> -> memref<64x128xf32, #tpu.memory_space<hbm>>
        tpu.wait_dma2 semaphore(%arg19 : memref<!tpu.dma_semaphore, #tpu.memory_space<semaphore_mem>>) src(%dma_wait3A_117 : memref<64x128xf32, #tpu.memory_space<hbm>>) dst(%arg10 : memref<64x128xf32, #tpu.memory_space<vmem>>)
        %dma_start3A_118 = arith.constant 0 : i32
        %dma_start3A_119 = arith.constant 0 : i32
        %dma_start3A_120 = tpu.memref_slice %arg14[%dma_start3A_118, %dma_start3A_119] : memref<10112x128xf32, #tpu.memory_space<vmem_shared>> -> memref<10112x128xf32, #tpu.memory_space<vmem_shared>>
        tpu.enqueue_indirect_dma source(%arg10 : memref<64x128xf32, #tpu.memory_space<vmem>>) target(%dma_start3A_120 : memref<10112x128xf32, #tpu.memory_space<vmem_shared>>) offsets(%arg6 : memref<64xi32, #tpu.memory_space<vmem>>) semaphore(%arg23 : memref<!tpu.dma_semaphore, #tpu.memory_space<semaphore_mem>>) {add = true}
      } else {
      }
      %add3A_62 = arith.constant 2 : i32
      %add3A_63 = arith.addi %add3A_60, %add3A_62 : i32
      %lt3A_64 = arith.cmpi slt, %add3A_63, %min3A_4 : i32
      %convert_element_type3A_65 = arith.extui %lt3A_64 : i1 to i32
      %cond3A_66 = arith.constant 0 : i32
      %cond3A_67 = arith.cmpi ne, %convert_element_type3A_65, %cond3A_66 : i32
      scf.if %cond3A_67 {
        %ge3A = arith.constant 2 : i32
        %ge3A_104 = arith.cmpi sge, %add3A_60, %ge3A : i32
        %convert_element_type3A_105 = arith.extui %ge3A_104 : i1 to i32
        %cond3A_106 = arith.constant 0 : i32
        %cond3A_107 = arith.cmpi ne, %convert_element_type3A_105, %cond3A_106 : i32
        scf.if %cond3A_107 {
          %dma_wait3A_126 = arith.constant 0 : i32
          %dma_wait3A_127 = arith.constant 0 : i32
          %dma_wait3A_128 = tpu.memref_slice %arg14[%dma_wait3A_126, %dma_wait3A_127] : memref<10112x128xf32, #tpu.memory_space<vmem_shared>> -> memref<10112x128xf32, #tpu.memory_space<vmem_shared>>
          tpu.wait_indirect_dma semaphore(%arg25 : memref<!tpu.dma_semaphore, #tpu.memory_space<semaphore_mem>>) src(%arg12 : memref<64x128xf32, #tpu.memory_space<vmem>>) dst(%dma_wait3A_128 : memref<10112x128xf32, #tpu.memory_space<vmem_shared>>)
        } else {
        }
        %add3A_108 = arith.addi %multiple_of3A, %add3A_60 : i32
        %add3A_109 = arith.constant 2 : i32
        %add3A_110 = arith.addi %add3A_108, %add3A_109 : i32
        %dma_start3A_111 = arith.constant 0 : i32
        %dma_start3A_112 = tpu.memref_slice %arg3[%add3A_110, %dma_start3A_111] : memref<5120x64xi32, #tpu.memory_space<hbm>> -> memref<1x64xi32, #tpu.memory_space<hbm>>
        %dma_start3A_113 = tpu.memref_squeeze %dma_start3A_112 : memref<1x64xi32, #tpu.memory_space<hbm>> -> memref<64xi32, #tpu.memory_space<hbm>>
        %dma_start3A_114 = arith.constant 0 : i32
        %dma_start3A_115 = tpu.memref_slice %arg3[%add3A_110, %dma_start3A_114] : memref<5120x64xi32, #tpu.memory_space<hbm>> -> memref<1x64xi32, #tpu.memory_space<hbm>>
        %dma_start3A_116 = tpu.memref_squeeze %dma_start3A_115 : memref<1x64xi32, #tpu.memory_space<hbm>> -> memref<64xi32, #tpu.memory_space<hbm>>
        tpu.enqueue_dma source(%dma_start3A_116 : memref<64xi32, #tpu.memory_space<hbm>>) target(%arg8 : memref<64xi32, #tpu.memory_space<vmem>>) target_semaphore(%arg17 : memref<!tpu.dma_semaphore, #tpu.memory_space<semaphore_mem>>)
        %add3A_117 = arith.addi %multiple_of3A, %add3A_60 : i32
        %add3A_118 = arith.constant 2 : i32
        %add3A_119 = arith.addi %add3A_117, %add3A_118 : i32
        %mul3A_120 = arith.constant 64 : i32
        %mul3A_121 = arith.muli %add3A_119, %mul3A_120 : i32
        %dma_start3A_122 = arith.constant 0 : i32
        %dma_start3A_123 = tpu.memref_slice %arg2[%mul3A_121, %dma_start3A_122] : memref<320000x128xf32, #tpu.memory_space<hbm>> -> memref<64x128xf32, #tpu.memory_space<hbm>>
        %dma_start3A_124 = arith.constant 0 : i32
        %dma_start3A_125 = tpu.memref_slice %arg2[%mul3A_121, %dma_start3A_124] : memref<320000x128xf32, #tpu.memory_space<hbm>> -> memref<64x128xf32, #tpu.memory_space<hbm>>
        tpu.enqueue_dma source(%dma_start3A_125 : memref<64x128xf32, #tpu.memory_space<hbm>>) target(%arg12 : memref<64x128xf32, #tpu.memory_space<vmem>>) target_semaphore(%arg21 : memref<!tpu.dma_semaphore, #tpu.memory_space<semaphore_mem>>)
      } else {
      }
      %add3A_68 = arith.constant 1 : i32
      %add3A_69 = arith.addi %mul3A_58, %add3A_68 : i32
      %lt3A_70 = arith.cmpi slt, %add3A_69, %min3A_4 : i32
      %convert_element_type3A_71 = arith.extui %lt3A_70 : i1 to i32
      %cond3A_72 = arith.constant 0 : i32
      %cond3A_73 = arith.cmpi ne, %convert_element_type3A_71, %cond3A_72 : i32
      scf.if %cond3A_73 {
        %add3A_104 = arith.addi %multiple_of3A, %add3A_69 : i32
        %dma_wait3A_105 = arith.constant 0 : i32
        %dma_wait3A_106 = tpu.memref_slice %arg3[%add3A_104, %dma_wait3A_105] : memref<5120x64xi32, #tpu.memory_space<hbm>> -> memref<1x64xi32, #tpu.memory_space<hbm>>
        %dma_wait3A_107 = tpu.memref_squeeze %dma_wait3A_106 : memref<1x64xi32, #tpu.memory_space<hbm>> -> memref<64xi32, #tpu.memory_space<hbm>>
        %dma_wait3A_108 = arith.constant 0 : i32
        %dma_wait3A_109 = tpu.memref_slice %arg3[%add3A_104, %dma_wait3A_108] : memref<5120x64xi32, #tpu.memory_space<hbm>> -> memref<1x64xi32, #tpu.memory_space<hbm>>
        %dma_wait3A_110 = tpu.memref_squeeze %dma_wait3A_109 : memref<1x64xi32, #tpu.memory_space<hbm>> -> memref<64xi32, #tpu.memory_space<hbm>>
        tpu.wait_dma2 semaphore(%arg16 : memref<!tpu.dma_semaphore, #tpu.memory_space<semaphore_mem>>) src(%dma_wait3A_110 : memref<64xi32, #tpu.memory_space<hbm>>) dst(%arg7 : memref<64xi32, #tpu.memory_space<vmem>>)
        %add3A_111 = arith.addi %multiple_of3A, %add3A_69 : i32
        %mul3A_112 = arith.constant 64 : i32
        %mul3A_113 = arith.muli %add3A_111, %mul3A_112 : i32
        %dma_wait3A_114 = arith.constant 0 : i32
        %dma_wait3A_115 = tpu.memref_slice %arg2[%mul3A_113, %dma_wait3A_114] : memref<320000x128xf32, #tpu.memory_space<hbm>> -> memref<64x128xf32, #tpu.memory_space<hbm>>
        %dma_wait3A_116 = arith.constant 0 : i32
        %dma_wait3A_117 = tpu.memref_slice %arg2[%mul3A_113, %dma_wait3A_116] : memref<320000x128xf32, #tpu.memory_space<hbm>> -> memref<64x128xf32, #tpu.memory_space<hbm>>
        tpu.wait_dma2 semaphore(%arg20 : memref<!tpu.dma_semaphore, #tpu.memory_space<semaphore_mem>>) src(%dma_wait3A_117 : memref<64x128xf32, #tpu.memory_space<hbm>>) dst(%arg11 : memref<64x128xf32, #tpu.memory_space<vmem>>)
        %dma_start3A_118 = arith.constant 0 : i32
        %dma_start3A_119 = arith.constant 0 : i32
        %dma_start3A_120 = tpu.memref_slice %arg14[%dma_start3A_118, %dma_start3A_119] : memref<10112x128xf32, #tpu.memory_space<vmem_shared>> -> memref<10112x128xf32, #tpu.memory_space<vmem_shared>>
        tpu.enqueue_indirect_dma source(%arg11 : memref<64x128xf32, #tpu.memory_space<vmem>>) target(%dma_start3A_120 : memref<10112x128xf32, #tpu.memory_space<vmem_shared>>) offsets(%arg7 : memref<64xi32, #tpu.memory_space<vmem>>) semaphore(%arg24 : memref<!tpu.dma_semaphore, #tpu.memory_space<semaphore_mem>>) {add = true}
      } else {
      }
      %add3A_74 = arith.constant 2 : i32
      %add3A_75 = arith.addi %add3A_69, %add3A_74 : i32
      %lt3A_76 = arith.cmpi slt, %add3A_75, %min3A_4 : i32
      %convert_element_type3A_77 = arith.extui %lt3A_76 : i1 to i32
      %cond3A_78 = arith.constant 0 : i32
      %cond3A_79 = arith.cmpi ne, %convert_element_type3A_77, %cond3A_78 : i32
      scf.if %cond3A_79 {
        %ge3A = arith.constant 2 : i32
        %ge3A_104 = arith.cmpi sge, %add3A_69, %ge3A : i32
        %convert_element_type3A_105 = arith.extui %ge3A_104 : i1 to i32
        %cond3A_106 = arith.constant 0 : i32
        %cond3A_107 = arith.cmpi ne, %convert_element_type3A_105, %cond3A_106 : i32
        scf.if %cond3A_107 {
          %dma_wait3A_126 = arith.constant 0 : i32
          %dma_wait3A_127 = arith.constant 0 : i32
          %dma_wait3A_128 = tpu.memref_slice %arg14[%dma_wait3A_126, %dma_wait3A_127] : memref<10112x128xf32, #tpu.memory_space<vmem_shared>> -> memref<10112x128xf32, #tpu.memory_space<vmem_shared>>
          tpu.wait_indirect_dma semaphore(%arg26 : memref<!tpu.dma_semaphore, #tpu.memory_space<semaphore_mem>>) src(%arg13 : memref<64x128xf32, #tpu.memory_space<vmem>>) dst(%dma_wait3A_128 : memref<10112x128xf32, #tpu.memory_space<vmem_shared>>)
        } else {
        }
        %add3A_108 = arith.addi %multiple_of3A, %add3A_69 : i32
        %add3A_109 = arith.constant 2 : i32
        %add3A_110 = arith.addi %add3A_108, %add3A_109 : i32
        %dma_start3A_111 = arith.constant 0 : i32
        %dma_start3A_112 = tpu.memref_slice %arg3[%add3A_110, %dma_start3A_111] : memref<5120x64xi32, #tpu.memory_space<hbm>> -> memref<1x64xi32, #tpu.memory_space<hbm>>
        %dma_start3A_113 = tpu.memref_squeeze %dma_start3A_112 : memref<1x64xi32, #tpu.memory_space<hbm>> -> memref<64xi32, #tpu.memory_space<hbm>>
        %dma_start3A_114 = arith.constant 0 : i32
        %dma_start3A_115 = tpu.memref_slice %arg3[%add3A_110, %dma_start3A_114] : memref<5120x64xi32, #tpu.memory_space<hbm>> -> memref<1x64xi32, #tpu.memory_space<hbm>>
        %dma_start3A_116 = tpu.memref_squeeze %dma_start3A_115 : memref<1x64xi32, #tpu.memory_space<hbm>> -> memref<64xi32, #tpu.memory_space<hbm>>
        tpu.enqueue_dma source(%dma_start3A_116 : memref<64xi32, #tpu.memory_space<hbm>>) target(%arg9 : memref<64xi32, #tpu.memory_space<vmem>>) target_semaphore(%arg18 : memref<!tpu.dma_semaphore, #tpu.memory_space<semaphore_mem>>)
        %add3A_117 = arith.addi %multiple_of3A, %add3A_69 : i32
        %add3A_118 = arith.constant 2 : i32
        %add3A_119 = arith.addi %add3A_117, %add3A_118 : i32
        %mul3A_120 = arith.constant 64 : i32
        %mul3A_121 = arith.muli %add3A_119, %mul3A_120 : i32
        %dma_start3A_122 = arith.constant 0 : i32
        %dma_start3A_123 = tpu.memref_slice %arg2[%mul3A_121, %dma_start3A_122] : memref<320000x128xf32, #tpu.memory_space<hbm>> -> memref<64x128xf32, #tpu.memory_space<hbm>>
        %dma_start3A_124 = arith.constant 0 : i32
        %dma_start3A_125 = tpu.memref_slice %arg2[%mul3A_121, %dma_start3A_124] : memref<320000x128xf32, #tpu.memory_space<hbm>> -> memref<64x128xf32, #tpu.memory_space<hbm>>
        tpu.enqueue_dma source(%dma_start3A_125 : memref<64x128xf32, #tpu.memory_space<hbm>>) target(%arg13 : memref<64x128xf32, #tpu.memory_space<vmem>>) target_semaphore(%arg22 : memref<!tpu.dma_semaphore, #tpu.memory_space<semaphore_mem>>)
      } else {
      }
      %add3A_80 = arith.constant 2 : i32
      %add3A_81 = arith.addi %mul3A_58, %add3A_80 : i32
      %lt3A_82 = arith.cmpi slt, %add3A_81, %min3A_4 : i32
      %convert_element_type3A_83 = arith.extui %lt3A_82 : i1 to i32
      %cond3A_84 = arith.constant 0 : i32
      %cond3A_85 = arith.cmpi ne, %convert_element_type3A_83, %cond3A_84 : i32
      scf.if %cond3A_85 {
        %add3A_104 = arith.addi %multiple_of3A, %add3A_81 : i32
        %dma_wait3A_105 = arith.constant 0 : i32
        %dma_wait3A_106 = tpu.memref_slice %arg3[%add3A_104, %dma_wait3A_105] : memref<5120x64xi32, #tpu.memory_space<hbm>> -> memref<1x64xi32, #tpu.memory_space<hbm>>
        %dma_wait3A_107 = tpu.memref_squeeze %dma_wait3A_106 : memref<1x64xi32, #tpu.memory_space<hbm>> -> memref<64xi32, #tpu.memory_space<hbm>>
        %dma_wait3A_108 = arith.constant 0 : i32
        %dma_wait3A_109 = tpu.memref_slice %arg3[%add3A_104, %dma_wait3A_108] : memref<5120x64xi32, #tpu.memory_space<hbm>> -> memref<1x64xi32, #tpu.memory_space<hbm>>
        %dma_wait3A_110 = tpu.memref_squeeze %dma_wait3A_109 : memref<1x64xi32, #tpu.memory_space<hbm>> -> memref<64xi32, #tpu.memory_space<hbm>>
        tpu.wait_dma2 semaphore(%arg17 : memref<!tpu.dma_semaphore, #tpu.memory_space<semaphore_mem>>) src(%dma_wait3A_110 : memref<64xi32, #tpu.memory_space<hbm>>) dst(%arg8 : memref<64xi32, #tpu.memory_space<vmem>>)
        %add3A_111 = arith.addi %multiple_of3A, %add3A_81 : i32
        %mul3A_112 = arith.constant 64 : i32
        %mul3A_113 = arith.muli %add3A_111, %mul3A_112 : i32
        %dma_wait3A_114 = arith.constant 0 : i32
        %dma_wait3A_115 = tpu.memref_slice %arg2[%mul3A_113, %dma_wait3A_114] : memref<320000x128xf32, #tpu.memory_space<hbm>> -> memref<64x128xf32, #tpu.memory_space<hbm>>
        %dma_wait3A_116 = arith.constant 0 : i32
        %dma_wait3A_117 = tpu.memref_slice %arg2[%mul3A_113, %dma_wait3A_116] : memref<320000x128xf32, #tpu.memory_space<hbm>> -> memref<64x128xf32, #tpu.memory_space<hbm>>
        tpu.wait_dma2 semaphore(%arg21 : memref<!tpu.dma_semaphore, #tpu.memory_space<semaphore_mem>>) src(%dma_wait3A_117 : memref<64x128xf32, #tpu.memory_space<hbm>>) dst(%arg12 : memref<64x128xf32, #tpu.memory_space<vmem>>)
        %dma_start3A_118 = arith.constant 0 : i32
        %dma_start3A_119 = arith.constant 0 : i32
        %dma_start3A_120 = tpu.memref_slice %arg14[%dma_start3A_118, %dma_start3A_119] : memref<10112x128xf32, #tpu.memory_space<vmem_shared>> -> memref<10112x128xf32, #tpu.memory_space<vmem_shared>>
        tpu.enqueue_indirect_dma source(%arg12 : memref<64x128xf32, #tpu.memory_space<vmem>>) target(%dma_start3A_120 : memref<10112x128xf32, #tpu.memory_space<vmem_shared>>) offsets(%arg8 : memref<64xi32, #tpu.memory_space<vmem>>) semaphore(%arg25 : memref<!tpu.dma_semaphore, #tpu.memory_space<semaphore_mem>>) {add = true}
      } else {
      }
      %add3A_86 = arith.constant 2 : i32
      %add3A_87 = arith.addi %add3A_81, %add3A_86 : i32
      %lt3A_88 = arith.cmpi slt, %add3A_87, %min3A_4 : i32
      %convert_element_type3A_89 = arith.extui %lt3A_88 : i1 to i32
      %cond3A_90 = arith.constant 0 : i32
      %cond3A_91 = arith.cmpi ne, %convert_element_type3A_89, %cond3A_90 : i32
      scf.if %cond3A_91 {
        %ge3A = arith.constant 2 : i32
        %ge3A_104 = arith.cmpi sge, %add3A_81, %ge3A : i32
        %convert_element_type3A_105 = arith.extui %ge3A_104 : i1 to i32
        %cond3A_106 = arith.constant 0 : i32
        %cond3A_107 = arith.cmpi ne, %convert_element_type3A_105, %cond3A_106 : i32
        scf.if %cond3A_107 {
          %dma_wait3A_126 = arith.constant 0 : i32
          %dma_wait3A_127 = arith.constant 0 : i32
          %dma_wait3A_128 = tpu.memref_slice %arg14[%dma_wait3A_126, %dma_wait3A_127] : memref<10112x128xf32, #tpu.memory_space<vmem_shared>> -> memref<10112x128xf32, #tpu.memory_space<vmem_shared>>
          tpu.wait_indirect_dma semaphore(%arg23 : memref<!tpu.dma_semaphore, #tpu.memory_space<semaphore_mem>>) src(%arg10 : memref<64x128xf32, #tpu.memory_space<vmem>>) dst(%dma_wait3A_128 : memref<10112x128xf32, #tpu.memory_space<vmem_shared>>)
        } else {
        }
        %add3A_108 = arith.addi %multiple_of3A, %add3A_81 : i32
        %add3A_109 = arith.constant 2 : i32
        %add3A_110 = arith.addi %add3A_108, %add3A_109 : i32
        %dma_start3A_111 = arith.constant 0 : i32
        %dma_start3A_112 = tpu.memref_slice %arg3[%add3A_110, %dma_start3A_111] : memref<5120x64xi32, #tpu.memory_space<hbm>> -> memref<1x64xi32, #tpu.memory_space<hbm>>
        %dma_start3A_113 = tpu.memref_squeeze %dma_start3A_112 : memref<1x64xi32, #tpu.memory_space<hbm>> -> memref<64xi32, #tpu.memory_space<hbm>>
        %dma_start3A_114 = arith.constant 0 : i32
        %dma_start3A_115 = tpu.memref_slice %arg3[%add3A_110, %dma_start3A_114] : memref<5120x64xi32, #tpu.memory_space<hbm>> -> memref<1x64xi32, #tpu.memory_space<hbm>>
        %dma_start3A_116 = tpu.memref_squeeze %dma_start3A_115 : memref<1x64xi32, #tpu.memory_space<hbm>> -> memref<64xi32, #tpu.memory_space<hbm>>
        tpu.enqueue_dma source(%dma_start3A_116 : memref<64xi32, #tpu.memory_space<hbm>>) target(%arg6 : memref<64xi32, #tpu.memory_space<vmem>>) target_semaphore(%arg15 : memref<!tpu.dma_semaphore, #tpu.memory_space<semaphore_mem>>)
        %add3A_117 = arith.addi %multiple_of3A, %add3A_81 : i32
        %add3A_118 = arith.constant 2 : i32
        %add3A_119 = arith.addi %add3A_117, %add3A_118 : i32
        %mul3A_120 = arith.constant 64 : i32
        %mul3A_121 = arith.muli %add3A_119, %mul3A_120 : i32
        %dma_start3A_122 = arith.constant 0 : i32
        %dma_start3A_123 = tpu.memref_slice %arg2[%mul3A_121, %dma_start3A_122] : memref<320000x128xf32, #tpu.memory_space<hbm>> -> memref<64x128xf32, #tpu.memory_space<hbm>>
        %dma_start3A_124 = arith.constant 0 : i32
        %dma_start3A_125 = tpu.memref_slice %arg2[%mul3A_121, %dma_start3A_124] : memref<320000x128xf32, #tpu.memory_space<hbm>> -> memref<64x128xf32, #tpu.memory_space<hbm>>
        tpu.enqueue_dma source(%dma_start3A_125 : memref<64x128xf32, #tpu.memory_space<hbm>>) target(%arg10 : memref<64x128xf32, #tpu.memory_space<vmem>>) target_semaphore(%arg19 : memref<!tpu.dma_semaphore, #tpu.memory_space<semaphore_mem>>)
      } else {
      }
      %add3A_92 = arith.constant 3 : i32
      %add3A_93 = arith.addi %mul3A_58, %add3A_92 : i32
      %lt3A_94 = arith.cmpi slt, %add3A_93, %min3A_4 : i32
      %convert_element_type3A_95 = arith.extui %lt3A_94 : i1 to i32
      %cond3A_96 = arith.constant 0 : i32
      %cond3A_97 = arith.cmpi ne, %convert_element_type3A_95, %cond3A_96 : i32
      scf.if %cond3A_97 {
        %add3A_104 = arith.addi %multiple_of3A, %add3A_93 : i32
        %dma_wait3A_105 = arith.constant 0 : i32
        %dma_wait3A_106 = tpu.memref_slice %arg3[%add3A_104, %dma_wait3A_105] : memref<5120x64xi32, #tpu.memory_space<hbm>> -> memref<1x64xi32, #tpu.memory_space<hbm>>
        %dma_wait3A_107 = tpu.memref_squeeze %dma_wait3A_106 : memref<1x64xi32, #tpu.memory_space<hbm>> -> memref<64xi32, #tpu.memory_space<hbm>>
        %dma_wait3A_108 = arith.constant 0 : i32
        %dma_wait3A_109 = tpu.memref_slice %arg3[%add3A_104, %dma_wait3A_108] : memref<5120x64xi32, #tpu.memory_space<hbm>> -> memref<1x64xi32, #tpu.memory_space<hbm>>
        %dma_wait3A_110 = tpu.memref_squeeze %dma_wait3A_109 : memref<1x64xi32, #tpu.memory_space<hbm>> -> memref<64xi32, #tpu.memory_space<hbm>>
        tpu.wait_dma2 semaphore(%arg18 : memref<!tpu.dma_semaphore, #tpu.memory_space<semaphore_mem>>) src(%dma_wait3A_110 : memref<64xi32, #tpu.memory_space<hbm>>) dst(%arg9 : memref<64xi32, #tpu.memory_space<vmem>>)
        %add3A_111 = arith.addi %multiple_of3A, %add3A_93 : i32
        %mul3A_112 = arith.constant 64 : i32
        %mul3A_113 = arith.muli %add3A_111, %mul3A_112 : i32
        %dma_wait3A_114 = arith.constant 0 : i32
        %dma_wait3A_115 = tpu.memref_slice %arg2[%mul3A_113, %dma_wait3A_114] : memref<320000x128xf32, #tpu.memory_space<hbm>> -> memref<64x128xf32, #tpu.memory_space<hbm>>
        %dma_wait3A_116 = arith.constant 0 : i32
        %dma_wait3A_117 = tpu.memref_slice %arg2[%mul3A_113, %dma_wait3A_116] : memref<320000x128xf32, #tpu.memory_space<hbm>> -> memref<64x128xf32, #tpu.memory_space<hbm>>
        tpu.wait_dma2 semaphore(%arg22 : memref<!tpu.dma_semaphore, #tpu.memory_space<semaphore_mem>>) src(%dma_wait3A_117 : memref<64x128xf32, #tpu.memory_space<hbm>>) dst(%arg13 : memref<64x128xf32, #tpu.memory_space<vmem>>)
        %dma_start3A_118 = arith.constant 0 : i32
        %dma_start3A_119 = arith.constant 0 : i32
        %dma_start3A_120 = tpu.memref_slice %arg14[%dma_start3A_118, %dma_start3A_119] : memref<10112x128xf32, #tpu.memory_space<vmem_shared>> -> memref<10112x128xf32, #tpu.memory_space<vmem_shared>>
        tpu.enqueue_indirect_dma source(%arg13 : memref<64x128xf32, #tpu.memory_space<vmem>>) target(%dma_start3A_120 : memref<10112x128xf32, #tpu.memory_space<vmem_shared>>) offsets(%arg9 : memref<64xi32, #tpu.memory_space<vmem>>) semaphore(%arg26 : memref<!tpu.dma_semaphore, #tpu.memory_space<semaphore_mem>>) {add = true}
      } else {
      }
      %add3A_98 = arith.constant 2 : i32
      %add3A_99 = arith.addi %add3A_93, %add3A_98 : i32
      %lt3A_100 = arith.cmpi slt, %add3A_99, %min3A_4 : i32
      %convert_element_type3A_101 = arith.extui %lt3A_100 : i1 to i32
      %cond3A_102 = arith.constant 0 : i32
      %cond3A_103 = arith.cmpi ne, %convert_element_type3A_101, %cond3A_102 : i32
      scf.if %cond3A_103 {
        %ge3A = arith.constant 2 : i32
        %ge3A_104 = arith.cmpi sge, %add3A_93, %ge3A : i32
        %convert_element_type3A_105 = arith.extui %ge3A_104 : i1 to i32
        %cond3A_106 = arith.constant 0 : i32
        %cond3A_107 = arith.cmpi ne, %convert_element_type3A_105, %cond3A_106 : i32
        scf.if %cond3A_107 {
          %dma_wait3A_126 = arith.constant 0 : i32
          %dma_wait3A_127 = arith.constant 0 : i32
          %dma_wait3A_128 = tpu.memref_slice %arg14[%dma_wait3A_126, %dma_wait3A_127] : memref<10112x128xf32, #tpu.memory_space<vmem_shared>> -> memref<10112x128xf32, #tpu.memory_space<vmem_shared>>
          tpu.wait_indirect_dma semaphore(%arg24 : memref<!tpu.dma_semaphore, #tpu.memory_space<semaphore_mem>>) src(%arg11 : memref<64x128xf32, #tpu.memory_space<vmem>>) dst(%dma_wait3A_128 : memref<10112x128xf32, #tpu.memory_space<vmem_shared>>)
        } else {
        }
        %add3A_108 = arith.addi %multiple_of3A, %add3A_93 : i32
        %add3A_109 = arith.constant 2 : i32
        %add3A_110 = arith.addi %add3A_108, %add3A_109 : i32
        %dma_start3A_111 = arith.constant 0 : i32
        %dma_start3A_112 = tpu.memref_slice %arg3[%add3A_110, %dma_start3A_111] : memref<5120x64xi32, #tpu.memory_space<hbm>> -> memref<1x64xi32, #tpu.memory_space<hbm>>
        %dma_start3A_113 = tpu.memref_squeeze %dma_start3A_112 : memref<1x64xi32, #tpu.memory_space<hbm>> -> memref<64xi32, #tpu.memory_space<hbm>>
        %dma_start3A_114 = arith.constant 0 : i32
        %dma_start3A_115 = tpu.memref_slice %arg3[%add3A_110, %dma_start3A_114] : memref<5120x64xi32, #tpu.memory_space<hbm>> -> memref<1x64xi32, #tpu.memory_space<hbm>>
        %dma_start3A_116 = tpu.memref_squeeze %dma_start3A_115 : memref<1x64xi32, #tpu.memory_space<hbm>> -> memref<64xi32, #tpu.memory_space<hbm>>
        tpu.enqueue_dma source(%dma_start3A_116 : memref<64xi32, #tpu.memory_space<hbm>>) target(%arg7 : memref<64xi32, #tpu.memory_space<vmem>>) target_semaphore(%arg16 : memref<!tpu.dma_semaphore, #tpu.memory_space<semaphore_mem>>)
        %add3A_117 = arith.addi %multiple_of3A, %add3A_93 : i32
        %add3A_118 = arith.constant 2 : i32
        %add3A_119 = arith.addi %add3A_117, %add3A_118 : i32
        %mul3A_120 = arith.constant 64 : i32
        %mul3A_121 = arith.muli %add3A_119, %mul3A_120 : i32
        %dma_start3A_122 = arith.constant 0 : i32
        %dma_start3A_123 = tpu.memref_slice %arg2[%mul3A_121, %dma_start3A_122] : memref<320000x128xf32, #tpu.memory_space<hbm>> -> memref<64x128xf32, #tpu.memory_space<hbm>>
        %dma_start3A_124 = arith.constant 0 : i32
        %dma_start3A_125 = tpu.memref_slice %arg2[%mul3A_121, %dma_start3A_124] : memref<320000x128xf32, #tpu.memory_space<hbm>> -> memref<64x128xf32, #tpu.memory_space<hbm>>
        tpu.enqueue_dma source(%dma_start3A_125 : memref<64x128xf32, #tpu.memory_space<hbm>>) target(%arg11 : memref<64x128xf32, #tpu.memory_space<vmem>>) target_semaphore(%arg20 : memref<!tpu.dma_semaphore, #tpu.memory_space<semaphore_mem>>)
      } else {
      }
    }
    %scan3A_43 = arith.constant 40 : i32
    %dma_wait3A = arith.constant 0 : i32
    %dma_wait3A_44 = arith.constant 0 : i32
    %dma_wait3A_45 = tpu.memref_slice %arg14[%dma_wait3A, %dma_wait3A_44] : memref<10112x128xf32, #tpu.memory_space<vmem_shared>> -> memref<10112x128xf32, #tpu.memory_space<vmem_shared>>
    tpu.wait_indirect_dma semaphore(%arg23 : memref<!tpu.dma_semaphore, #tpu.memory_space<semaphore_mem>>) src(%arg10 : memref<64x128xf32, #tpu.memory_space<vmem>>) dst(%dma_wait3A_45 : memref<10112x128xf32, #tpu.memory_space<vmem_shared>>)
    %dma_wait3A_46 = arith.constant 0 : i32
    %dma_wait3A_47 = arith.constant 0 : i32
    %dma_wait3A_48 = tpu.memref_slice %arg14[%dma_wait3A_46, %dma_wait3A_47] : memref<10112x128xf32, #tpu.memory_space<vmem_shared>> -> memref<10112x128xf32, #tpu.memory_space<vmem_shared>>
    tpu.wait_indirect_dma semaphore(%arg24 : memref<!tpu.dma_semaphore, #tpu.memory_space<semaphore_mem>>) src(%arg11 : memref<64x128xf32, #tpu.memory_space<vmem>>) dst(%dma_wait3A_48 : memref<10112x128xf32, #tpu.memory_space<vmem_shared>>)
    %dma_wait3A_49 = arith.constant 0 : i32
    %dma_wait3A_50 = arith.constant 0 : i32
    %dma_wait3A_51 = tpu.memref_slice %arg14[%dma_wait3A_49, %dma_wait3A_50] : memref<10112x128xf32, #tpu.memory_space<vmem_shared>> -> memref<10112x128xf32, #tpu.memory_space<vmem_shared>>
    tpu.wait_indirect_dma semaphore(%arg25 : memref<!tpu.dma_semaphore, #tpu.memory_space<semaphore_mem>>) src(%arg12 : memref<64x128xf32, #tpu.memory_space<vmem>>) dst(%dma_wait3A_51 : memref<10112x128xf32, #tpu.memory_space<vmem_shared>>)
    %dma_wait3A_52 = arith.constant 0 : i32
    %dma_wait3A_53 = arith.constant 0 : i32
    %dma_wait3A_54 = tpu.memref_slice %arg14[%dma_wait3A_52, %dma_wait3A_53] : memref<10112x128xf32, #tpu.memory_space<vmem_shared>> -> memref<10112x128xf32, #tpu.memory_space<vmem_shared>>
    tpu.wait_indirect_dma semaphore(%arg26 : memref<!tpu.dma_semaphore, #tpu.memory_space<semaphore_mem>>) src(%arg13 : memref<64x128xf32, #tpu.memory_space<vmem>>) dst(%dma_wait3A_54 : memref<10112x128xf32, #tpu.memory_space<vmem_shared>>)
    %barrier3A_55 = arith.constant 0 : index
    tpu.barrier barrier_id(%barrier3A_55)
    "tpu.region"() ({
      %run_scoped3A = tpu.sem_alloc : memref<!tpu.dma_semaphore, #tpu.memory_space<semaphore_mem>>
      %dma_start3A_56 = arith.constant 0 : i32
      %dma_start3A_57 = arith.constant 0 : i32
      %dma_start3A_58 = tpu.memref_slice %arg5[%arg0, %dma_start3A_56, %dma_start3A_57] : memref<2x10112x128xf32, #tpu.memory_space<hbm>> -> memref<1x10112x128xf32, #tpu.memory_space<hbm>>
      %dma_start3A_59 = tpu.memref_squeeze %dma_start3A_58 : memref<1x10112x128xf32, #tpu.memory_space<hbm>> -> memref<10112x128xf32, #tpu.memory_space<hbm>>
      %dma_start3A_60 = arith.constant 0 : i32
      %dma_start3A_61 = tpu.memref_slice %dma_start3A_59[%multiple_of3A_7, %dma_start3A_60] : memref<10112x128xf32, #tpu.memory_space<hbm>> -> memref<632x128xf32, #tpu.memory_space<hbm>>
      %dma_start3A_62 = arith.constant 0 : i32
      %dma_start3A_63 = tpu.memref_slice %arg14[%multiple_of3A_7, %dma_start3A_62] : memref<10112x128xf32, #tpu.memory_space<vmem_shared>> -> memref<632x128xf32, #tpu.memory_space<vmem_shared>>
      tpu.enqueue_dma source(%dma_start3A_63 : memref<632x128xf32, #tpu.memory_space<vmem_shared>>) target(%dma_start3A_61 : memref<632x128xf32, #tpu.memory_space<hbm>>) target_semaphore(%run_scoped3A : memref<!tpu.dma_semaphore, #tpu.memory_space<semaphore_mem>>)
      %dma_wait3A_64 = arith.constant 0 : i32
      %dma_wait3A_65 = arith.constant 0 : i32
      %dma_wait3A_66 = tpu.memref_slice %arg5[%arg0, %dma_wait3A_64, %dma_wait3A_65] : memref<2x10112x128xf32, #tpu.memory_space<hbm>> -> memref<1x10112x128xf32, #tpu.memory_space<hbm>>
      %dma_wait3A_67 = tpu.memref_squeeze %dma_wait3A_66 : memref<1x10112x128xf32, #tpu.memory_space<hbm>> -> memref<10112x128xf32, #tpu.memory_space<hbm>>
      %dma_wait3A_68 = arith.constant 0 : i32
      %dma_wait3A_69 = tpu.memref_slice %dma_wait3A_67[%multiple_of3A_7, %dma_wait3A_68] : memref<10112x128xf32, #tpu.memory_space<hbm>> -> memref<632x128xf32, #tpu.memory_space<hbm>>
      %dma_wait3A_70 = arith.constant 0 : i32
      %dma_wait3A_71 = tpu.memref_slice %arg14[%multiple_of3A_7, %dma_wait3A_70] : memref<10112x128xf32, #tpu.memory_space<vmem_shared>> -> memref<632x128xf32, #tpu.memory_space<vmem_shared>>
      tpu.wait_dma2 semaphore(%run_scoped3A : memref<!tpu.dma_semaphore, #tpu.memory_space<semaphore_mem>>) src(%dma_wait3A_71 : memref<632x128xf32, #tpu.memory_space<vmem_shared>>) dst(%dma_wait3A_69 : memref<632x128xf32, #tpu.memory_space<hbm>>)
      tpu.yield
    }) : () -> ()
    return
  }
}

#map = affine_map<(d0, d1) -> (0, 0)>
module attributes {stable_mosaic.version = 14 : i64} {
  func.func @_sc_gather(%arg0: i32, %arg1: i32, %arg2: memref<10000x128xf32, #tpu.memory_space<hbm>>, %arg3: memref<2560x128xi32, #tpu.memory_space<hbm>>, %arg4: memref<320000x128xf32, #tpu.memory_space<hbm>>, %arg5: memref<80x128xi32, #tpu.memory_space<vmem>>, %arg6: memref<128x128xf32, #tpu.memory_space<vmem>>, %arg7: memref<128x128xf32, #tpu.memory_space<vmem>>, %arg8: memref<128x128xf32, #tpu.memory_space<vmem>>, %arg9: memref<128x128xf32, #tpu.memory_space<vmem>>, %arg10: memref<128x128xf32, #tpu.memory_space<vmem>>, %arg11: memref<128x128xf32, #tpu.memory_space<vmem>>, %arg12: memref<!tpu.dma_semaphore, #tpu.memory_space<semaphore_mem>>, %arg13: memref<!tpu.dma_semaphore, #tpu.memory_space<semaphore_mem>>, %arg14: memref<!tpu.dma_semaphore, #tpu.memory_space<semaphore_mem>>, %arg15: memref<!tpu.dma_semaphore, #tpu.memory_space<semaphore_mem>>, %arg16: memref<!tpu.dma_semaphore, #tpu.memory_space<semaphore_mem>>, %arg17: memref<!tpu.dma_semaphore, #tpu.memory_space<semaphore_mem>>, %arg18: memref<!tpu.dma_semaphore, #tpu.memory_space<semaphore_mem>>, %arg19: memref<!tpu.dma_semaphore, #tpu.memory_space<semaphore_mem>>, %arg20: memref<!tpu.dma_semaphore, #tpu.memory_space<semaphore_mem>>, %arg21: memref<!tpu.dma_semaphore, #tpu.memory_space<semaphore_mem>>, %arg22: memref<!tpu.dma_semaphore, #tpu.memory_space<semaphore_mem>>, %arg23: memref<!tpu.dma_semaphore, #tpu.memory_space<semaphore_mem>>) attributes {dimension_semantics = [#tpu.dimension_semantics<core_parallel>, #tpu.dimension_semantics<subcore_parallel>], iteration_bounds = array<i64: 2, 16>, scalar_prefetch = 0 : i64, scratch_operands = 19 : i64, tpu.core_type = #tpu.core_type<sc_vector_subcore>, window_params = [{transform_indices = #map}, {transform_indices = #map}, {transform_indices = #map}]} {
    %mul3A = arith.constant 2 : i32
    %mul3A_0 = arith.muli %arg1, %mul3A : i32
    %add3A = arith.addi %mul3A_0, %arg0 : i32
    %mul3A_1 = arith.constant 80 : i32
    %mul3A_2 = arith.muli %add3A, %mul3A_1 : i32
    %multiple_of3A = tpu.assume_multiple %mul3A_2, 8 : i32
    %sub3A = arith.constant 2500 : i32
    %sub3A_3 = arith.subi %sub3A, %multiple_of3A : i32
    %min3A = arith.constant 80 : i32
    %min3A_4 = arith.minsi %min3A, %sub3A_3 : i32
    "tpu.region"() ({
      %run_scoped3A = tpu.sem_alloc : memref<!tpu.dma_semaphore, #tpu.memory_space<semaphore_mem>>
      %dma_start3A_65 = arith.constant 0 : i32
      %dma_start3A_66 = tpu.memref_slice %arg3[%multiple_of3A, %dma_start3A_65] : memref<2560x128xi32, #tpu.memory_space<hbm>> -> memref<80x128xi32, #tpu.memory_space<hbm>>
      %dma_start3A_67 = arith.constant 0 : i32
      %dma_start3A_68 = tpu.memref_slice %arg3[%multiple_of3A, %dma_start3A_67] : memref<2560x128xi32, #tpu.memory_space<hbm>> -> memref<80x128xi32, #tpu.memory_space<hbm>>
      tpu.enqueue_dma source(%dma_start3A_68 : memref<80x128xi32, #tpu.memory_space<hbm>>) target(%arg5 : memref<80x128xi32, #tpu.memory_space<vmem>>) target_semaphore(%run_scoped3A : memref<!tpu.dma_semaphore, #tpu.memory_space<semaphore_mem>>)
      %dma_wait3A_69 = arith.constant 0 : i32
      %dma_wait3A_70 = tpu.memref_slice %arg3[%multiple_of3A, %dma_wait3A_69] : memref<2560x128xi32, #tpu.memory_space<hbm>> -> memref<80x128xi32, #tpu.memory_space<hbm>>
      %dma_wait3A_71 = arith.constant 0 : i32
      %dma_wait3A_72 = tpu.memref_slice %arg3[%multiple_of3A, %dma_wait3A_71] : memref<2560x128xi32, #tpu.memory_space<hbm>> -> memref<80x128xi32, #tpu.memory_space<hbm>>
      tpu.wait_dma2 semaphore(%run_scoped3A : memref<!tpu.dma_semaphore, #tpu.memory_space<semaphore_mem>>) src(%dma_wait3A_72 : memref<80x128xi32, #tpu.memory_space<hbm>>) dst(%arg5 : memref<80x128xi32, #tpu.memory_space<vmem>>)
      tpu.yield
    }) : () -> ()
    %dma_start3A = arith.constant 0 : i32
    %dma_start3A_5 = arith.constant 0 : i32
    %dma_start3A_6 = tpu.memref_slice %arg5[%dma_start3A, %dma_start3A_5] : memref<80x128xi32, #tpu.memory_space<vmem>> -> memref<1x128xi32, #tpu.memory_space<vmem>>
    %dma_start3A_7 = tpu.memref_squeeze %dma_start3A_6 : memref<1x128xi32, #tpu.memory_space<vmem>> -> memref<128xi32, #tpu.memory_space<vmem>>
    %dma_start3A_8 = arith.constant 0 : i32
    %dma_start3A_9 = arith.constant 0 : i32
    %dma_start3A_10 = tpu.memref_slice %arg2[%dma_start3A_8, %dma_start3A_9] : memref<10000x128xf32, #tpu.memory_space<hbm>> -> memref<10000x128xf32, #tpu.memory_space<hbm>>
    tpu.enqueue_indirect_dma source(%dma_start3A_10 : memref<10000x128xf32, #tpu.memory_space<hbm>>) target(%arg6 : memref<128x128xf32, #tpu.memory_space<vmem>>) offsets(%dma_start3A_7 : memref<128xi32, #tpu.memory_space<vmem>>) semaphore(%arg12 : memref<!tpu.dma_semaphore, #tpu.memory_space<semaphore_mem>>)
    %dma_start3A_11 = arith.constant 1 : i32
    %dma_start3A_12 = arith.constant 0 : i32
    %dma_start3A_13 = tpu.memref_slice %arg5[%dma_start3A_11, %dma_start3A_12] : memref<80x128xi32, #tpu.memory_space<vmem>> -> memref<1x128xi32, #tpu.memory_space<vmem>>
    %dma_start3A_14 = tpu.memref_squeeze %dma_start3A_13 : memref<1x128xi32, #tpu.memory_space<vmem>> -> memref<128xi32, #tpu.memory_space<vmem>>
    %dma_start3A_15 = arith.constant 0 : i32
    %dma_start3A_16 = arith.constant 0 : i32
    %dma_start3A_17 = tpu.memref_slice %arg2[%dma_start3A_15, %dma_start3A_16] : memref<10000x128xf32, #tpu.memory_space<hbm>> -> memref<10000x128xf32, #tpu.memory_space<hbm>>
    tpu.enqueue_indirect_dma source(%dma_start3A_17 : memref<10000x128xf32, #tpu.memory_space<hbm>>) target(%arg7 : memref<128x128xf32, #tpu.memory_space<vmem>>) offsets(%dma_start3A_14 : memref<128xi32, #tpu.memory_space<vmem>>) semaphore(%arg13 : memref<!tpu.dma_semaphore, #tpu.memory_space<semaphore_mem>>)
    %dma_start3A_18 = arith.constant 2 : i32
    %dma_start3A_19 = arith.constant 0 : i32
    %dma_start3A_20 = tpu.memref_slice %arg5[%dma_start3A_18, %dma_start3A_19] : memref<80x128xi32, #tpu.memory_space<vmem>> -> memref<1x128xi32, #tpu.memory_space<vmem>>
    %dma_start3A_21 = tpu.memref_squeeze %dma_start3A_20 : memref<1x128xi32, #tpu.memory_space<vmem>> -> memref<128xi32, #tpu.memory_space<vmem>>
    %dma_start3A_22 = arith.constant 0 : i32
    %dma_start3A_23 = arith.constant 0 : i32
    %dma_start3A_24 = tpu.memref_slice %arg2[%dma_start3A_22, %dma_start3A_23] : memref<10000x128xf32, #tpu.memory_space<hbm>> -> memref<10000x128xf32, #tpu.memory_space<hbm>>
    tpu.enqueue_indirect_dma source(%dma_start3A_24 : memref<10000x128xf32, #tpu.memory_space<hbm>>) target(%arg8 : memref<128x128xf32, #tpu.memory_space<vmem>>) offsets(%dma_start3A_21 : memref<128xi32, #tpu.memory_space<vmem>>) semaphore(%arg14 : memref<!tpu.dma_semaphore, #tpu.memory_space<semaphore_mem>>)
    %scan3A = arith.constant 0 : i32
    %scan3A_25 = arith.constant 0 : i32
    %scan3A_26 = arith.constant 14 : i32
    %scan3A_27 = arith.addi %scan3A_25, %scan3A_26 : i32
    %scan3A_28 = arith.constant 1 : i32
    scf.for %scan3A_65 = %scan3A_25 to %scan3A_27 step %scan3A_28  : i32 {
      %mul3A_66 = arith.constant 6 : i32
      %mul3A_67 = arith.muli %scan3A_65, %mul3A_66 : i32
      %add3A_68 = arith.constant 0 : i32
      %add3A_69 = arith.addi %mul3A_67, %add3A_68 : i32
      %lt3A = arith.cmpi slt, %add3A_69, %min3A_4 : i32
      %convert_element_type3A = arith.extui %lt3A : i1 to i32
      %cond3A = arith.constant 0 : i32
      %cond3A_70 = arith.cmpi ne, %convert_element_type3A, %cond3A : i32
      scf.if %cond3A_70 {
        %dma_wait3A_137 = arith.constant 0 : i32
        %dma_wait3A_138 = tpu.memref_slice %arg5[%add3A_69, %dma_wait3A_137] : memref<80x128xi32, #tpu.memory_space<vmem>> -> memref<1x128xi32, #tpu.memory_space<vmem>>
        %dma_wait3A_139 = tpu.memref_squeeze %dma_wait3A_138 : memref<1x128xi32, #tpu.memory_space<vmem>> -> memref<128xi32, #tpu.memory_space<vmem>>
        %dma_wait3A_140 = arith.constant 0 : i32
        %dma_wait3A_141 = arith.constant 0 : i32
        %dma_wait3A_142 = tpu.memref_slice %arg2[%dma_wait3A_140, %dma_wait3A_141] : memref<10000x128xf32, #tpu.memory_space<hbm>> -> memref<10000x128xf32, #tpu.memory_space<hbm>>
        tpu.wait_indirect_dma semaphore(%arg12 : memref<!tpu.dma_semaphore, #tpu.memory_space<semaphore_mem>>) src(%dma_wait3A_142 : memref<10000x128xf32, #tpu.memory_space<hbm>>) dst(%arg6 : memref<128x128xf32, #tpu.memory_space<vmem>>)
        %add3A_143 = arith.addi %multiple_of3A, %add3A_69 : i32
        %mul3A_144 = arith.constant 128 : i32
        %mul3A_145 = arith.muli %add3A_143, %mul3A_144 : i32
        %dma_start3A_146 = arith.constant 0 : i32
        %dma_start3A_147 = tpu.memref_slice %arg4[%mul3A_145, %dma_start3A_146] : memref<320000x128xf32, #tpu.memory_space<hbm>> -> memref<128x128xf32, #tpu.memory_space<hbm>>
        %dma_start3A_148 = arith.constant 0 : i32
        %dma_start3A_149 = tpu.memref_slice %arg4[%mul3A_145, %dma_start3A_148] : memref<320000x128xf32, #tpu.memory_space<hbm>> -> memref<128x128xf32, #tpu.memory_space<hbm>>
        tpu.enqueue_dma source(%arg6 : memref<128x128xf32, #tpu.memory_space<vmem>>) target(%dma_start3A_149 : memref<128x128xf32, #tpu.memory_space<hbm>>) target_semaphore(%arg18 : memref<!tpu.dma_semaphore, #tpu.memory_space<semaphore_mem>>)
      } else {
      }
      %add3A_71 = arith.constant 3 : i32
      %add3A_72 = arith.addi %add3A_69, %add3A_71 : i32
      %lt3A_73 = arith.cmpi slt, %add3A_72, %min3A_4 : i32
      %convert_element_type3A_74 = arith.extui %lt3A_73 : i1 to i32
      %cond3A_75 = arith.constant 0 : i32
      %cond3A_76 = arith.cmpi ne, %convert_element_type3A_74, %cond3A_75 : i32
      scf.if %cond3A_76 {
        %ge3A = arith.constant 3 : i32
        %ge3A_137 = arith.cmpi sge, %add3A_69, %ge3A : i32
        %convert_element_type3A_138 = arith.extui %ge3A_137 : i1 to i32
        %cond3A_139 = arith.constant 0 : i32
        %cond3A_140 = arith.cmpi ne, %convert_element_type3A_138, %cond3A_139 : i32
        scf.if %cond3A_140 {
          %mul3A_149 = arith.constant 128 : i32
          %mul3A_150 = arith.muli %multiple_of3A, %mul3A_149 : i32
          %dma_wait3A_151 = arith.constant 0 : i32
          %dma_wait3A_152 = tpu.memref_slice %arg4[%mul3A_150, %dma_wait3A_151] : memref<320000x128xf32, #tpu.memory_space<hbm>> -> memref<128x128xf32, #tpu.memory_space<hbm>>
          %dma_wait3A_153 = arith.constant 0 : i32
          %dma_wait3A_154 = tpu.memref_slice %arg4[%mul3A_150, %dma_wait3A_153] : memref<320000x128xf32, #tpu.memory_space<hbm>> -> memref<128x128xf32, #tpu.memory_space<hbm>>
          tpu.wait_dma2 semaphore(%arg21 : memref<!tpu.dma_semaphore, #tpu.memory_space<semaphore_mem>>) src(%arg9 : memref<128x128xf32, #tpu.memory_space<vmem>>) dst(%dma_wait3A_154 : memref<128x128xf32, #tpu.memory_space<hbm>>)
        } else {
        }
        %add3A_141 = arith.constant 3 : i32
        %add3A_142 = arith.addi %add3A_69, %add3A_141 : i32
        %dma_start3A_143 = arith.constant 0 : i32
        %dma_start3A_144 = tpu.memref_slice %arg5[%add3A_142, %dma_start3A_143] : memref<80x128xi32, #tpu.memory_space<vmem>> -> memref<1x128xi32, #tpu.memory_space<vmem>>
        %dma_start3A_145 = tpu.memref_squeeze %dma_start3A_144 : memref<1x128xi32, #tpu.memory_space<vmem>> -> memref<128xi32, #tpu.memory_space<vmem>>
        %dma_start3A_146 = arith.constant 0 : i32
        %dma_start3A_147 = arith.constant 0 : i32
        %dma_start3A_148 = tpu.memref_slice %arg2[%dma_start3A_146, %dma_start3A_147] : memref<10000x128xf32, #tpu.memory_space<hbm>> -> memref<10000x128xf32, #tpu.memory_space<hbm>>
        tpu.enqueue_indirect_dma source(%dma_start3A_148 : memref<10000x128xf32, #tpu.memory_space<hbm>>) target(%arg9 : memref<128x128xf32, #tpu.memory_space<vmem>>) offsets(%dma_start3A_145 : memref<128xi32, #tpu.memory_space<vmem>>) semaphore(%arg15 : memref<!tpu.dma_semaphore, #tpu.memory_space<semaphore_mem>>)
      } else {
      }
      %add3A_77 = arith.constant 1 : i32
      %add3A_78 = arith.addi %mul3A_67, %add3A_77 : i32
      %lt3A_79 = arith.cmpi slt, %add3A_78, %min3A_4 : i32
      %convert_element_type3A_80 = arith.extui %lt3A_79 : i1 to i32
      %cond3A_81 = arith.constant 0 : i32
      %cond3A_82 = arith.cmpi ne, %convert_element_type3A_80, %cond3A_81 : i32
      scf.if %cond3A_82 {
        %dma_wait3A_137 = arith.constant 0 : i32
        %dma_wait3A_138 = tpu.memref_slice %arg5[%add3A_78, %dma_wait3A_137] : memref<80x128xi32, #tpu.memory_space<vmem>> -> memref<1x128xi32, #tpu.memory_space<vmem>>
        %dma_wait3A_139 = tpu.memref_squeeze %dma_wait3A_138 : memref<1x128xi32, #tpu.memory_space<vmem>> -> memref<128xi32, #tpu.memory_space<vmem>>
        %dma_wait3A_140 = arith.constant 0 : i32
        %dma_wait3A_141 = arith.constant 0 : i32
        %dma_wait3A_142 = tpu.memref_slice %arg2[%dma_wait3A_140, %dma_wait3A_141] : memref<10000x128xf32, #tpu.memory_space<hbm>> -> memref<10000x128xf32, #tpu.memory_space<hbm>>
        tpu.wait_indirect_dma semaphore(%arg13 : memref<!tpu.dma_semaphore, #tpu.memory_space<semaphore_mem>>) src(%dma_wait3A_142 : memref<10000x128xf32, #tpu.memory_space<hbm>>) dst(%arg7 : memref<128x128xf32, #tpu.memory_space<vmem>>)
        %add3A_143 = arith.addi %multiple_of3A, %add3A_78 : i32
        %mul3A_144 = arith.constant 128 : i32
        %mul3A_145 = arith.muli %add3A_143, %mul3A_144 : i32
        %dma_start3A_146 = arith.constant 0 : i32
        %dma_start3A_147 = tpu.memref_slice %arg4[%mul3A_145, %dma_start3A_146] : memref<320000x128xf32, #tpu.memory_space<hbm>> -> memref<128x128xf32, #tpu.memory_space<hbm>>
        %dma_start3A_148 = arith.constant 0 : i32
        %dma_start3A_149 = tpu.memref_slice %arg4[%mul3A_145, %dma_start3A_148] : memref<320000x128xf32, #tpu.memory_space<hbm>> -> memref<128x128xf32, #tpu.memory_space<hbm>>
        tpu.enqueue_dma source(%arg7 : memref<128x128xf32, #tpu.memory_space<vmem>>) target(%dma_start3A_149 : memref<128x128xf32, #tpu.memory_space<hbm>>) target_semaphore(%arg19 : memref<!tpu.dma_semaphore, #tpu.memory_space<semaphore_mem>>)
      } else {
      }
      %add3A_83 = arith.constant 3 : i32
      %add3A_84 = arith.addi %add3A_78, %add3A_83 : i32
      %lt3A_85 = arith.cmpi slt, %add3A_84, %min3A_4 : i32
      %convert_element_type3A_86 = arith.extui %lt3A_85 : i1 to i32
      %cond3A_87 = arith.constant 0 : i32
      %cond3A_88 = arith.cmpi ne, %convert_element_type3A_86, %cond3A_87 : i32
      scf.if %cond3A_88 {
        %ge3A = arith.constant 3 : i32
        %ge3A_137 = arith.cmpi sge, %add3A_78, %ge3A : i32
        %convert_element_type3A_138 = arith.extui %ge3A_137 : i1 to i32
        %cond3A_139 = arith.constant 0 : i32
        %cond3A_140 = arith.cmpi ne, %convert_element_type3A_138, %cond3A_139 : i32
        scf.if %cond3A_140 {
          %mul3A_149 = arith.constant 128 : i32
          %mul3A_150 = arith.muli %multiple_of3A, %mul3A_149 : i32
          %dma_wait3A_151 = arith.constant 0 : i32
          %dma_wait3A_152 = tpu.memref_slice %arg4[%mul3A_150, %dma_wait3A_151] : memref<320000x128xf32, #tpu.memory_space<hbm>> -> memref<128x128xf32, #tpu.memory_space<hbm>>
          %dma_wait3A_153 = arith.constant 0 : i32
          %dma_wait3A_154 = tpu.memref_slice %arg4[%mul3A_150, %dma_wait3A_153] : memref<320000x128xf32, #tpu.memory_space<hbm>> -> memref<128x128xf32, #tpu.memory_space<hbm>>
          tpu.wait_dma2 semaphore(%arg22 : memref<!tpu.dma_semaphore, #tpu.memory_space<semaphore_mem>>) src(%arg10 : memref<128x128xf32, #tpu.memory_space<vmem>>) dst(%dma_wait3A_154 : memref<128x128xf32, #tpu.memory_space<hbm>>)
        } else {
        }
        %add3A_141 = arith.constant 3 : i32
        %add3A_142 = arith.addi %add3A_78, %add3A_141 : i32
        %dma_start3A_143 = arith.constant 0 : i32
        %dma_start3A_144 = tpu.memref_slice %arg5[%add3A_142, %dma_start3A_143] : memref<80x128xi32, #tpu.memory_space<vmem>> -> memref<1x128xi32, #tpu.memory_space<vmem>>
        %dma_start3A_145 = tpu.memref_squeeze %dma_start3A_144 : memref<1x128xi32, #tpu.memory_space<vmem>> -> memref<128xi32, #tpu.memory_space<vmem>>
        %dma_start3A_146 = arith.constant 0 : i32
        %dma_start3A_147 = arith.constant 0 : i32
        %dma_start3A_148 = tpu.memref_slice %arg2[%dma_start3A_146, %dma_start3A_147] : memref<10000x128xf32, #tpu.memory_space<hbm>> -> memref<10000x128xf32, #tpu.memory_space<hbm>>
        tpu.enqueue_indirect_dma source(%dma_start3A_148 : memref<10000x128xf32, #tpu.memory_space<hbm>>) target(%arg10 : memref<128x128xf32, #tpu.memory_space<vmem>>) offsets(%dma_start3A_145 : memref<128xi32, #tpu.memory_space<vmem>>) semaphore(%arg16 : memref<!tpu.dma_semaphore, #tpu.memory_space<semaphore_mem>>)
      } else {
      }
      %add3A_89 = arith.constant 2 : i32
      %add3A_90 = arith.addi %mul3A_67, %add3A_89 : i32
      %lt3A_91 = arith.cmpi slt, %add3A_90, %min3A_4 : i32
      %convert_element_type3A_92 = arith.extui %lt3A_91 : i1 to i32
      %cond3A_93 = arith.constant 0 : i32
      %cond3A_94 = arith.cmpi ne, %convert_element_type3A_92, %cond3A_93 : i32
      scf.if %cond3A_94 {
        %dma_wait3A_137 = arith.constant 0 : i32
        %dma_wait3A_138 = tpu.memref_slice %arg5[%add3A_90, %dma_wait3A_137] : memref<80x128xi32, #tpu.memory_space<vmem>> -> memref<1x128xi32, #tpu.memory_space<vmem>>
        %dma_wait3A_139 = tpu.memref_squeeze %dma_wait3A_138 : memref<1x128xi32, #tpu.memory_space<vmem>> -> memref<128xi32, #tpu.memory_space<vmem>>
        %dma_wait3A_140 = arith.constant 0 : i32
        %dma_wait3A_141 = arith.constant 0 : i32
        %dma_wait3A_142 = tpu.memref_slice %arg2[%dma_wait3A_140, %dma_wait3A_141] : memref<10000x128xf32, #tpu.memory_space<hbm>> -> memref<10000x128xf32, #tpu.memory_space<hbm>>
        tpu.wait_indirect_dma semaphore(%arg14 : memref<!tpu.dma_semaphore, #tpu.memory_space<semaphore_mem>>) src(%dma_wait3A_142 : memref<10000x128xf32, #tpu.memory_space<hbm>>) dst(%arg8 : memref<128x128xf32, #tpu.memory_space<vmem>>)
        %add3A_143 = arith.addi %multiple_of3A, %add3A_90 : i32
        %mul3A_144 = arith.constant 128 : i32
        %mul3A_145 = arith.muli %add3A_143, %mul3A_144 : i32
        %dma_start3A_146 = arith.constant 0 : i32
        %dma_start3A_147 = tpu.memref_slice %arg4[%mul3A_145, %dma_start3A_146] : memref<320000x128xf32, #tpu.memory_space<hbm>> -> memref<128x128xf32, #tpu.memory_space<hbm>>
        %dma_start3A_148 = arith.constant 0 : i32
        %dma_start3A_149 = tpu.memref_slice %arg4[%mul3A_145, %dma_start3A_148] : memref<320000x128xf32, #tpu.memory_space<hbm>> -> memref<128x128xf32, #tpu.memory_space<hbm>>
        tpu.enqueue_dma source(%arg8 : memref<128x128xf32, #tpu.memory_space<vmem>>) target(%dma_start3A_149 : memref<128x128xf32, #tpu.memory_space<hbm>>) target_semaphore(%arg20 : memref<!tpu.dma_semaphore, #tpu.memory_space<semaphore_mem>>)
      } else {
      }
      %add3A_95 = arith.constant 3 : i32
      %add3A_96 = arith.addi %add3A_90, %add3A_95 : i32
      %lt3A_97 = arith.cmpi slt, %add3A_96, %min3A_4 : i32
      %convert_element_type3A_98 = arith.extui %lt3A_97 : i1 to i32
      %cond3A_99 = arith.constant 0 : i32
      %cond3A_100 = arith.cmpi ne, %convert_element_type3A_98, %cond3A_99 : i32
      scf.if %cond3A_100 {
        %ge3A = arith.constant 3 : i32
        %ge3A_137 = arith.cmpi sge, %add3A_90, %ge3A : i32
        %convert_element_type3A_138 = arith.extui %ge3A_137 : i1 to i32
        %cond3A_139 = arith.constant 0 : i32
        %cond3A_140 = arith.cmpi ne, %convert_element_type3A_138, %cond3A_139 : i32
        scf.if %cond3A_140 {
          %mul3A_149 = arith.constant 128 : i32
          %mul3A_150 = arith.muli %multiple_of3A, %mul3A_149 : i32
          %dma_wait3A_151 = arith.constant 0 : i32
          %dma_wait3A_152 = tpu.memref_slice %arg4[%mul3A_150, %dma_wait3A_151] : memref<320000x128xf32, #tpu.memory_space<hbm>> -> memref<128x128xf32, #tpu.memory_space<hbm>>
          %dma_wait3A_153 = arith.constant 0 : i32
          %dma_wait3A_154 = tpu.memref_slice %arg4[%mul3A_150, %dma_wait3A_153] : memref<320000x128xf32, #tpu.memory_space<hbm>> -> memref<128x128xf32, #tpu.memory_space<hbm>>
          tpu.wait_dma2 semaphore(%arg23 : memref<!tpu.dma_semaphore, #tpu.memory_space<semaphore_mem>>) src(%arg11 : memref<128x128xf32, #tpu.memory_space<vmem>>) dst(%dma_wait3A_154 : memref<128x128xf32, #tpu.memory_space<hbm>>)
        } else {
        }
        %add3A_141 = arith.constant 3 : i32
        %add3A_142 = arith.addi %add3A_90, %add3A_141 : i32
        %dma_start3A_143 = arith.constant 0 : i32
        %dma_start3A_144 = tpu.memref_slice %arg5[%add3A_142, %dma_start3A_143] : memref<80x128xi32, #tpu.memory_space<vmem>> -> memref<1x128xi32, #tpu.memory_space<vmem>>
        %dma_start3A_145 = tpu.memref_squeeze %dma_start3A_144 : memref<1x128xi32, #tpu.memory_space<vmem>> -> memref<128xi32, #tpu.memory_space<vmem>>
        %dma_start3A_146 = arith.constant 0 : i32
        %dma_start3A_147 = arith.constant 0 : i32
        %dma_start3A_148 = tpu.memref_slice %arg2[%dma_start3A_146, %dma_start3A_147] : memref<10000x128xf32, #tpu.memory_space<hbm>> -> memref<10000x128xf32, #tpu.memory_space<hbm>>
        tpu.enqueue_indirect_dma source(%dma_start3A_148 : memref<10000x128xf32, #tpu.memory_space<hbm>>) target(%arg11 : memref<128x128xf32, #tpu.memory_space<vmem>>) offsets(%dma_start3A_145 : memref<128xi32, #tpu.memory_space<vmem>>) semaphore(%arg17 : memref<!tpu.dma_semaphore, #tpu.memory_space<semaphore_mem>>)
      } else {
      }
      %add3A_101 = arith.constant 3 : i32
      %add3A_102 = arith.addi %mul3A_67, %add3A_101 : i32
      %lt3A_103 = arith.cmpi slt, %add3A_102, %min3A_4 : i32
      %convert_element_type3A_104 = arith.extui %lt3A_103 : i1 to i32
      %cond3A_105 = arith.constant 0 : i32
      %cond3A_106 = arith.cmpi ne, %convert_element_type3A_104, %cond3A_105 : i32
      scf.if %cond3A_106 {
        %dma_wait3A_137 = arith.constant 0 : i32
        %dma_wait3A_138 = tpu.memref_slice %arg5[%add3A_102, %dma_wait3A_137] : memref<80x128xi32, #tpu.memory_space<vmem>> -> memref<1x128xi32, #tpu.memory_space<vmem>>
        %dma_wait3A_139 = tpu.memref_squeeze %dma_wait3A_138 : memref<1x128xi32, #tpu.memory_space<vmem>> -> memref<128xi32, #tpu.memory_space<vmem>>
        %dma_wait3A_140 = arith.constant 0 : i32
        %dma_wait3A_141 = arith.constant 0 : i32
        %dma_wait3A_142 = tpu.memref_slice %arg2[%dma_wait3A_140, %dma_wait3A_141] : memref<10000x128xf32, #tpu.memory_space<hbm>> -> memref<10000x128xf32, #tpu.memory_space<hbm>>
        tpu.wait_indirect_dma semaphore(%arg15 : memref<!tpu.dma_semaphore, #tpu.memory_space<semaphore_mem>>) src(%dma_wait3A_142 : memref<10000x128xf32, #tpu.memory_space<hbm>>) dst(%arg9 : memref<128x128xf32, #tpu.memory_space<vmem>>)
        %add3A_143 = arith.addi %multiple_of3A, %add3A_102 : i32
        %mul3A_144 = arith.constant 128 : i32
        %mul3A_145 = arith.muli %add3A_143, %mul3A_144 : i32
        %dma_start3A_146 = arith.constant 0 : i32
        %dma_start3A_147 = tpu.memref_slice %arg4[%mul3A_145, %dma_start3A_146] : memref<320000x128xf32, #tpu.memory_space<hbm>> -> memref<128x128xf32, #tpu.memory_space<hbm>>
        %dma_start3A_148 = arith.constant 0 : i32
        %dma_start3A_149 = tpu.memref_slice %arg4[%mul3A_145, %dma_start3A_148] : memref<320000x128xf32, #tpu.memory_space<hbm>> -> memref<128x128xf32, #tpu.memory_space<hbm>>
        tpu.enqueue_dma source(%arg9 : memref<128x128xf32, #tpu.memory_space<vmem>>) target(%dma_start3A_149 : memref<128x128xf32, #tpu.memory_space<hbm>>) target_semaphore(%arg21 : memref<!tpu.dma_semaphore, #tpu.memory_space<semaphore_mem>>)
      } else {
      }
      %add3A_107 = arith.constant 3 : i32
      %add3A_108 = arith.addi %add3A_102, %add3A_107 : i32
      %lt3A_109 = arith.cmpi slt, %add3A_108, %min3A_4 : i32
      %convert_element_type3A_110 = arith.extui %lt3A_109 : i1 to i32
      %cond3A_111 = arith.constant 0 : i32
      %cond3A_112 = arith.cmpi ne, %convert_element_type3A_110, %cond3A_111 : i32
      scf.if %cond3A_112 {
        %ge3A = arith.constant 3 : i32
        %ge3A_137 = arith.cmpi sge, %add3A_102, %ge3A : i32
        %convert_element_type3A_138 = arith.extui %ge3A_137 : i1 to i32
        %cond3A_139 = arith.constant 0 : i32
        %cond3A_140 = arith.cmpi ne, %convert_element_type3A_138, %cond3A_139 : i32
        scf.if %cond3A_140 {
          %mul3A_149 = arith.constant 128 : i32
          %mul3A_150 = arith.muli %multiple_of3A, %mul3A_149 : i32
          %dma_wait3A_151 = arith.constant 0 : i32
          %dma_wait3A_152 = tpu.memref_slice %arg4[%mul3A_150, %dma_wait3A_151] : memref<320000x128xf32, #tpu.memory_space<hbm>> -> memref<128x128xf32, #tpu.memory_space<hbm>>
          %dma_wait3A_153 = arith.constant 0 : i32
          %dma_wait3A_154 = tpu.memref_slice %arg4[%mul3A_150, %dma_wait3A_153] : memref<320000x128xf32, #tpu.memory_space<hbm>> -> memref<128x128xf32, #tpu.memory_space<hbm>>
          tpu.wait_dma2 semaphore(%arg18 : memref<!tpu.dma_semaphore, #tpu.memory_space<semaphore_mem>>) src(%arg6 : memref<128x128xf32, #tpu.memory_space<vmem>>) dst(%dma_wait3A_154 : memref<128x128xf32, #tpu.memory_space<hbm>>)
        } else {
        }
        %add3A_141 = arith.constant 3 : i32
        %add3A_142 = arith.addi %add3A_102, %add3A_141 : i32
        %dma_start3A_143 = arith.constant 0 : i32
        %dma_start3A_144 = tpu.memref_slice %arg5[%add3A_142, %dma_start3A_143] : memref<80x128xi32, #tpu.memory_space<vmem>> -> memref<1x128xi32, #tpu.memory_space<vmem>>
        %dma_start3A_145 = tpu.memref_squeeze %dma_start3A_144 : memref<1x128xi32, #tpu.memory_space<vmem>> -> memref<128xi32, #tpu.memory_space<vmem>>
        %dma_start3A_146 = arith.constant 0 : i32
        %dma_start3A_147 = arith.constant 0 : i32
        %dma_start3A_148 = tpu.memref_slice %arg2[%dma_start3A_146, %dma_start3A_147] : memref<10000x128xf32, #tpu.memory_space<hbm>> -> memref<10000x128xf32, #tpu.memory_space<hbm>>
        tpu.enqueue_indirect_dma source(%dma_start3A_148 : memref<10000x128xf32, #tpu.memory_space<hbm>>) target(%arg6 : memref<128x128xf32, #tpu.memory_space<vmem>>) offsets(%dma_start3A_145 : memref<128xi32, #tpu.memory_space<vmem>>) semaphore(%arg12 : memref<!tpu.dma_semaphore, #tpu.memory_space<semaphore_mem>>)
      } else {
      }
      %add3A_113 = arith.constant 4 : i32
      %add3A_114 = arith.addi %mul3A_67, %add3A_113 : i32
      %lt3A_115 = arith.cmpi slt, %add3A_114, %min3A_4 : i32
      %convert_element_type3A_116 = arith.extui %lt3A_115 : i1 to i32
      %cond3A_117 = arith.constant 0 : i32
      %cond3A_118 = arith.cmpi ne, %convert_element_type3A_116, %cond3A_117 : i32
      scf.if %cond3A_118 {
        %dma_wait3A_137 = arith.constant 0 : i32
        %dma_wait3A_138 = tpu.memref_slice %arg5[%add3A_114, %dma_wait3A_137] : memref<80x128xi32, #tpu.memory_space<vmem>> -> memref<1x128xi32, #tpu.memory_space<vmem>>
        %dma_wait3A_139 = tpu.memref_squeeze %dma_wait3A_138 : memref<1x128xi32, #tpu.memory_space<vmem>> -> memref<128xi32, #tpu.memory_space<vmem>>
        %dma_wait3A_140 = arith.constant 0 : i32
        %dma_wait3A_141 = arith.constant 0 : i32
        %dma_wait3A_142 = tpu.memref_slice %arg2[%dma_wait3A_140, %dma_wait3A_141] : memref<10000x128xf32, #tpu.memory_space<hbm>> -> memref<10000x128xf32, #tpu.memory_space<hbm>>
        tpu.wait_indirect_dma semaphore(%arg16 : memref<!tpu.dma_semaphore, #tpu.memory_space<semaphore_mem>>) src(%dma_wait3A_142 : memref<10000x128xf32, #tpu.memory_space<hbm>>) dst(%arg10 : memref<128x128xf32, #tpu.memory_space<vmem>>)
        %add3A_143 = arith.addi %multiple_of3A, %add3A_114 : i32
        %mul3A_144 = arith.constant 128 : i32
        %mul3A_145 = arith.muli %add3A_143, %mul3A_144 : i32
        %dma_start3A_146 = arith.constant 0 : i32
        %dma_start3A_147 = tpu.memref_slice %arg4[%mul3A_145, %dma_start3A_146] : memref<320000x128xf32, #tpu.memory_space<hbm>> -> memref<128x128xf32, #tpu.memory_space<hbm>>
        %dma_start3A_148 = arith.constant 0 : i32
        %dma_start3A_149 = tpu.memref_slice %arg4[%mul3A_145, %dma_start3A_148] : memref<320000x128xf32, #tpu.memory_space<hbm>> -> memref<128x128xf32, #tpu.memory_space<hbm>>
        tpu.enqueue_dma source(%arg10 : memref<128x128xf32, #tpu.memory_space<vmem>>) target(%dma_start3A_149 : memref<128x128xf32, #tpu.memory_space<hbm>>) target_semaphore(%arg22 : memref<!tpu.dma_semaphore, #tpu.memory_space<semaphore_mem>>)
      } else {
      }
      %add3A_119 = arith.constant 3 : i32
      %add3A_120 = arith.addi %add3A_114, %add3A_119 : i32
      %lt3A_121 = arith.cmpi slt, %add3A_120, %min3A_4 : i32
      %convert_element_type3A_122 = arith.extui %lt3A_121 : i1 to i32
      %cond3A_123 = arith.constant 0 : i32
      %cond3A_124 = arith.cmpi ne, %convert_element_type3A_122, %cond3A_123 : i32
      scf.if %cond3A_124 {
        %ge3A = arith.constant 3 : i32
        %ge3A_137 = arith.cmpi sge, %add3A_114, %ge3A : i32
        %convert_element_type3A_138 = arith.extui %ge3A_137 : i1 to i32
        %cond3A_139 = arith.constant 0 : i32
        %cond3A_140 = arith.cmpi ne, %convert_element_type3A_138, %cond3A_139 : i32
        scf.if %cond3A_140 {
          %mul3A_149 = arith.constant 128 : i32
          %mul3A_150 = arith.muli %multiple_of3A, %mul3A_149 : i32
          %dma_wait3A_151 = arith.constant 0 : i32
          %dma_wait3A_152 = tpu.memref_slice %arg4[%mul3A_150, %dma_wait3A_151] : memref<320000x128xf32, #tpu.memory_space<hbm>> -> memref<128x128xf32, #tpu.memory_space<hbm>>
          %dma_wait3A_153 = arith.constant 0 : i32
          %dma_wait3A_154 = tpu.memref_slice %arg4[%mul3A_150, %dma_wait3A_153] : memref<320000x128xf32, #tpu.memory_space<hbm>> -> memref<128x128xf32, #tpu.memory_space<hbm>>
          tpu.wait_dma2 semaphore(%arg19 : memref<!tpu.dma_semaphore, #tpu.memory_space<semaphore_mem>>) src(%arg7 : memref<128x128xf32, #tpu.memory_space<vmem>>) dst(%dma_wait3A_154 : memref<128x128xf32, #tpu.memory_space<hbm>>)
        } else {
        }
        %add3A_141 = arith.constant 3 : i32
        %add3A_142 = arith.addi %add3A_114, %add3A_141 : i32
        %dma_start3A_143 = arith.constant 0 : i32
        %dma_start3A_144 = tpu.memref_slice %arg5[%add3A_142, %dma_start3A_143] : memref<80x128xi32, #tpu.memory_space<vmem>> -> memref<1x128xi32, #tpu.memory_space<vmem>>
        %dma_start3A_145 = tpu.memref_squeeze %dma_start3A_144 : memref<1x128xi32, #tpu.memory_space<vmem>> -> memref<128xi32, #tpu.memory_space<vmem>>
        %dma_start3A_146 = arith.constant 0 : i32
        %dma_start3A_147 = arith.constant 0 : i32
        %dma_start3A_148 = tpu.memref_slice %arg2[%dma_start3A_146, %dma_start3A_147] : memref<10000x128xf32, #tpu.memory_space<hbm>> -> memref<10000x128xf32, #tpu.memory_space<hbm>>
        tpu.enqueue_indirect_dma source(%dma_start3A_148 : memref<10000x128xf32, #tpu.memory_space<hbm>>) target(%arg7 : memref<128x128xf32, #tpu.memory_space<vmem>>) offsets(%dma_start3A_145 : memref<128xi32, #tpu.memory_space<vmem>>) semaphore(%arg13 : memref<!tpu.dma_semaphore, #tpu.memory_space<semaphore_mem>>)
      } else {
      }
      %add3A_125 = arith.constant 5 : i32
      %add3A_126 = arith.addi %mul3A_67, %add3A_125 : i32
      %lt3A_127 = arith.cmpi slt, %add3A_126, %min3A_4 : i32
      %convert_element_type3A_128 = arith.extui %lt3A_127 : i1 to i32
      %cond3A_129 = arith.constant 0 : i32
      %cond3A_130 = arith.cmpi ne, %convert_element_type3A_128, %cond3A_129 : i32
      scf.if %cond3A_130 {
        %dma_wait3A_137 = arith.constant 0 : i32
        %dma_wait3A_138 = tpu.memref_slice %arg5[%add3A_126, %dma_wait3A_137] : memref<80x128xi32, #tpu.memory_space<vmem>> -> memref<1x128xi32, #tpu.memory_space<vmem>>
        %dma_wait3A_139 = tpu.memref_squeeze %dma_wait3A_138 : memref<1x128xi32, #tpu.memory_space<vmem>> -> memref<128xi32, #tpu.memory_space<vmem>>
        %dma_wait3A_140 = arith.constant 0 : i32
        %dma_wait3A_141 = arith.constant 0 : i32
        %dma_wait3A_142 = tpu.memref_slice %arg2[%dma_wait3A_140, %dma_wait3A_141] : memref<10000x128xf32, #tpu.memory_space<hbm>> -> memref<10000x128xf32, #tpu.memory_space<hbm>>
        tpu.wait_indirect_dma semaphore(%arg17 : memref<!tpu.dma_semaphore, #tpu.memory_space<semaphore_mem>>) src(%dma_wait3A_142 : memref<10000x128xf32, #tpu.memory_space<hbm>>) dst(%arg11 : memref<128x128xf32, #tpu.memory_space<vmem>>)
        %add3A_143 = arith.addi %multiple_of3A, %add3A_126 : i32
        %mul3A_144 = arith.constant 128 : i32
        %mul3A_145 = arith.muli %add3A_143, %mul3A_144 : i32
        %dma_start3A_146 = arith.constant 0 : i32
        %dma_start3A_147 = tpu.memref_slice %arg4[%mul3A_145, %dma_start3A_146] : memref<320000x128xf32, #tpu.memory_space<hbm>> -> memref<128x128xf32, #tpu.memory_space<hbm>>
        %dma_start3A_148 = arith.constant 0 : i32
        %dma_start3A_149 = tpu.memref_slice %arg4[%mul3A_145, %dma_start3A_148] : memref<320000x128xf32, #tpu.memory_space<hbm>> -> memref<128x128xf32, #tpu.memory_space<hbm>>
        tpu.enqueue_dma source(%arg11 : memref<128x128xf32, #tpu.memory_space<vmem>>) target(%dma_start3A_149 : memref<128x128xf32, #tpu.memory_space<hbm>>) target_semaphore(%arg23 : memref<!tpu.dma_semaphore, #tpu.memory_space<semaphore_mem>>)
      } else {
      }
      %add3A_131 = arith.constant 3 : i32
      %add3A_132 = arith.addi %add3A_126, %add3A_131 : i32
      %lt3A_133 = arith.cmpi slt, %add3A_132, %min3A_4 : i32
      %convert_element_type3A_134 = arith.extui %lt3A_133 : i1 to i32
      %cond3A_135 = arith.constant 0 : i32
      %cond3A_136 = arith.cmpi ne, %convert_element_type3A_134, %cond3A_135 : i32
      scf.if %cond3A_136 {
        %ge3A = arith.constant 3 : i32
        %ge3A_137 = arith.cmpi sge, %add3A_126, %ge3A : i32
        %convert_element_type3A_138 = arith.extui %ge3A_137 : i1 to i32
        %cond3A_139 = arith.constant 0 : i32
        %cond3A_140 = arith.cmpi ne, %convert_element_type3A_138, %cond3A_139 : i32
        scf.if %cond3A_140 {
          %mul3A_149 = arith.constant 128 : i32
          %mul3A_150 = arith.muli %multiple_of3A, %mul3A_149 : i32
          %dma_wait3A_151 = arith.constant 0 : i32
          %dma_wait3A_152 = tpu.memref_slice %arg4[%mul3A_150, %dma_wait3A_151] : memref<320000x128xf32, #tpu.memory_space<hbm>> -> memref<128x128xf32, #tpu.memory_space<hbm>>
          %dma_wait3A_153 = arith.constant 0 : i32
          %dma_wait3A_154 = tpu.memref_slice %arg4[%mul3A_150, %dma_wait3A_153] : memref<320000x128xf32, #tpu.memory_space<hbm>> -> memref<128x128xf32, #tpu.memory_space<hbm>>
          tpu.wait_dma2 semaphore(%arg20 : memref<!tpu.dma_semaphore, #tpu.memory_space<semaphore_mem>>) src(%arg8 : memref<128x128xf32, #tpu.memory_space<vmem>>) dst(%dma_wait3A_154 : memref<128x128xf32, #tpu.memory_space<hbm>>)
        } else {
        }
        %add3A_141 = arith.constant 3 : i32
        %add3A_142 = arith.addi %add3A_126, %add3A_141 : i32
        %dma_start3A_143 = arith.constant 0 : i32
        %dma_start3A_144 = tpu.memref_slice %arg5[%add3A_142, %dma_start3A_143] : memref<80x128xi32, #tpu.memory_space<vmem>> -> memref<1x128xi32, #tpu.memory_space<vmem>>
        %dma_start3A_145 = tpu.memref_squeeze %dma_start3A_144 : memref<1x128xi32, #tpu.memory_space<vmem>> -> memref<128xi32, #tpu.memory_space<vmem>>
        %dma_start3A_146 = arith.constant 0 : i32
        %dma_start3A_147 = arith.constant 0 : i32
        %dma_start3A_148 = tpu.memref_slice %arg2[%dma_start3A_146, %dma_start3A_147] : memref<10000x128xf32, #tpu.memory_space<hbm>> -> memref<10000x128xf32, #tpu.memory_space<hbm>>
        tpu.enqueue_indirect_dma source(%dma_start3A_148 : memref<10000x128xf32, #tpu.memory_space<hbm>>) target(%arg8 : memref<128x128xf32, #tpu.memory_space<vmem>>) offsets(%dma_start3A_145 : memref<128xi32, #tpu.memory_space<vmem>>) semaphore(%arg14 : memref<!tpu.dma_semaphore, #tpu.memory_space<semaphore_mem>>)
      } else {
      }
    }
    %scan3A_29 = arith.constant 14 : i32
    %mul3A_30 = arith.constant 128 : i32
    %mul3A_31 = arith.muli %multiple_of3A, %mul3A_30 : i32
    %dma_wait3A = arith.constant 0 : i32
    %dma_wait3A_32 = tpu.memref_slice %arg4[%mul3A_31, %dma_wait3A] : memref<320000x128xf32, #tpu.memory_space<hbm>> -> memref<128x128xf32, #tpu.memory_space<hbm>>
    %dma_wait3A_33 = arith.constant 0 : i32
    %dma_wait3A_34 = tpu.memref_slice %arg4[%mul3A_31, %dma_wait3A_33] : memref<320000x128xf32, #tpu.memory_space<hbm>> -> memref<128x128xf32, #tpu.memory_space<hbm>>
    tpu.wait_dma2 semaphore(%arg18 : memref<!tpu.dma_semaphore, #tpu.memory_space<semaphore_mem>>) src(%arg6 : memref<128x128xf32, #tpu.memory_space<vmem>>) dst(%dma_wait3A_34 : memref<128x128xf32, #tpu.memory_space<hbm>>)
    %mul3A_35 = arith.constant 128 : i32
    %mul3A_36 = arith.muli %multiple_of3A, %mul3A_35 : i32
    %dma_wait3A_37 = arith.constant 0 : i32
    %dma_wait3A_38 = tpu.memref_slice %arg4[%mul3A_36, %dma_wait3A_37] : memref<320000x128xf32, #tpu.memory_space<hbm>> -> memref<128x128xf32, #tpu.memory_space<hbm>>
    %dma_wait3A_39 = arith.constant 0 : i32
    %dma_wait3A_40 = tpu.memref_slice %arg4[%mul3A_36, %dma_wait3A_39] : memref<320000x128xf32, #tpu.memory_space<hbm>> -> memref<128x128xf32, #tpu.memory_space<hbm>>
    tpu.wait_dma2 semaphore(%arg19 : memref<!tpu.dma_semaphore, #tpu.memory_space<semaphore_mem>>) src(%arg7 : memref<128x128xf32, #tpu.memory_space<vmem>>) dst(%dma_wait3A_40 : memref<128x128xf32, #tpu.memory_space<hbm>>)
    %mul3A_41 = arith.constant 128 : i32
    %mul3A_42 = arith.muli %multiple_of3A, %mul3A_41 : i32
    %dma_wait3A_43 = arith.constant 0 : i32
    %dma_wait3A_44 = tpu.memref_slice %arg4[%mul3A_42, %dma_wait3A_43] : memref<320000x128xf32, #tpu.memory_space<hbm>> -> memref<128x128xf32, #tpu.memory_space<hbm>>
    %dma_wait3A_45 = arith.constant 0 : i32
    %dma_wait3A_46 = tpu.memref_slice %arg4[%mul3A_42, %dma_wait3A_45] : memref<320000x128xf32, #tpu.memory_space<hbm>> -> memref<128x128xf32, #tpu.memory_space<hbm>>
    tpu.wait_dma2 semaphore(%arg20 : memref<!tpu.dma_semaphore, #tpu.memory_space<semaphore_mem>>) src(%arg8 : memref<128x128xf32, #tpu.memory_space<vmem>>) dst(%dma_wait3A_46 : memref<128x128xf32, #tpu.memory_space<hbm>>)
    %mul3A_47 = arith.constant 128 : i32
    %mul3A_48 = arith.muli %multiple_of3A, %mul3A_47 : i32
    %dma_wait3A_49 = arith.constant 0 : i32
    %dma_wait3A_50 = tpu.memref_slice %arg4[%mul3A_48, %dma_wait3A_49] : memref<320000x128xf32, #tpu.memory_space<hbm>> -> memref<128x128xf32, #tpu.memory_space<hbm>>
    %dma_wait3A_51 = arith.constant 0 : i32
    %dma_wait3A_52 = tpu.memref_slice %arg4[%mul3A_48, %dma_wait3A_51] : memref<320000x128xf32, #tpu.memory_space<hbm>> -> memref<128x128xf32, #tpu.memory_space<hbm>>
    tpu.wait_dma2 semaphore(%arg21 : memref<!tpu.dma_semaphore, #tpu.memory_space<semaphore_mem>>) src(%arg9 : memref<128x128xf32, #tpu.memory_space<vmem>>) dst(%dma_wait3A_52 : memref<128x128xf32, #tpu.memory_space<hbm>>)
    %mul3A_53 = arith.constant 128 : i32
    %mul3A_54 = arith.muli %multiple_of3A, %mul3A_53 : i32
    %dma_wait3A_55 = arith.constant 0 : i32
    %dma_wait3A_56 = tpu.memref_slice %arg4[%mul3A_54, %dma_wait3A_55] : memref<320000x128xf32, #tpu.memory_space<hbm>> -> memref<128x128xf32, #tpu.memory_space<hbm>>
    %dma_wait3A_57 = arith.constant 0 : i32
    %dma_wait3A_58 = tpu.memref_slice %arg4[%mul3A_54, %dma_wait3A_57] : memref<320000x128xf32, #tpu.memory_space<hbm>> -> memref<128x128xf32, #tpu.memory_space<hbm>>
    tpu.wait_dma2 semaphore(%arg22 : memref<!tpu.dma_semaphore, #tpu.memory_space<semaphore_mem>>) src(%arg10 : memref<128x128xf32, #tpu.memory_space<vmem>>) dst(%dma_wait3A_58 : memref<128x128xf32, #tpu.memory_space<hbm>>)
    %mul3A_59 = arith.constant 128 : i32
    %mul3A_60 = arith.muli %multiple_of3A, %mul3A_59 : i32
    %dma_wait3A_61 = arith.constant 0 : i32
    %dma_wait3A_62 = tpu.memref_slice %arg4[%mul3A_60, %dma_wait3A_61] : memref<320000x128xf32, #tpu.memory_space<hbm>> -> memref<128x128xf32, #tpu.memory_space<hbm>>
    %dma_wait3A_63 = arith.constant 0 : i32
    %dma_wait3A_64 = tpu.memref_slice %arg4[%mul3A_60, %dma_wait3A_63] : memref<320000x128xf32, #tpu.memory_space<hbm>> -> memref<128x128xf32, #tpu.memory_space<hbm>>
    tpu.wait_dma2 semaphore(%arg23 : memref<!tpu.dma_semaphore, #tpu.memory_space<semaphore_mem>>) src(%arg11 : memref<128x128xf32, #tpu.memory_space<vmem>>) dst(%dma_wait3A_64 : memref<128x128xf32, #tpu.memory_space<hbm>>)
    return
  }
}

module attributes {stable_mosaic.version = 14 : i64} {
  func.func @_edge_body(%arg0: i32, %arg1: memref<2560x2xf32, #tpu.memory_space<vmem>>, %arg2: memref<2560x128xf32, #tpu.memory_space<vmem>>, %arg3: memref<3x3x128x128xbf16, #tpu.memory_space<vmem>>, %arg4: memref<2560x128xf32, #tpu.memory_space<vmem>>) attributes {dimension_semantics = [#tpu.dimension_semantics<arbitrary>], iteration_bounds = array<i64: 125>, scalar_prefetch = 0 : i64, scratch_operands = 0 : i64, tpu.core_type = #tpu.core_type<tc>, window_params = [{transform_indices = @transform_0, window_bounds = array<i64: 2560, 2>}, {transform_indices = @transform_1, window_bounds = array<i64: 2560, 128>}, {pipeline_mode = #tpu.pipeline_mode<synchronous>, transform_indices = @transform_2, window_bounds = array<i64: 3, 3, 128, 128>}, {transform_indices = @transform_3, window_bounds = array<i64: 2560, 128>}]} {
    %get3A = arith.constant 0 : index
    %get3A_0 = arith.constant 0 : index
    %get3A_1 = vector.load %arg1[%get3A, %get3A_0] : memref<2560x2xf32, #tpu.memory_space<vmem>>, vector<2560x2xf32>
    %slice3A = vector.extract_strided_slice %get3A_1 {offsets = [0, 0], sizes = [2560, 1], strides = [1, 1]} : vector<2560x2xf32> to vector<2560x1xf32>
    %slice3A_2 = vector.extract_strided_slice %get3A_1 {offsets = [0, 1], sizes = [2560, 1], strides = [1, 1]} : vector<2560x2xf32> to vector<2560x1xf32>
    %sub3A = arith.constant 1.000000e+00 : f32
    %sub3A_3 = vector.broadcast %sub3A : f32 to vector<2560x1xf32>
    %sub3A_4 = arith.subf %sub3A_3, %slice3A : vector<2560x1xf32>
    %integer_pow3A = arith.mulf %sub3A_4, %sub3A_4 : vector<2560x1xf32>
    %mul3A = arith.constant 5.000000e-01 : f32
    %mul3A_5 = vector.broadcast %mul3A : f32 to vector<2560x1xf32>
    %mul3A_6 = arith.mulf %mul3A_5, %integer_pow3A : vector<2560x1xf32>
    %neg3A = arith.constant 0.000000e+00 : f32
    %neg3A_7 = vector.broadcast %neg3A : f32 to vector<2560x1xf32>
    %neg3A_8 = arith.subf %neg3A_7, %slice3A : vector<2560x1xf32>
    %mul3A_9 = arith.mulf %neg3A_8, %slice3A : vector<2560x1xf32>
    %add3A = arith.addf %mul3A_9, %slice3A : vector<2560x1xf32>
    %add3A_10 = arith.constant 5.000000e-01 : f32
    %add3A_11 = vector.broadcast %add3A_10 : f32 to vector<2560x1xf32>
    %add3A_12 = arith.addf %add3A, %add3A_11 : vector<2560x1xf32>
    %mul3A_13 = arith.constant 5.000000e-01 : f32
    %mul3A_14 = vector.broadcast %mul3A_13 : f32 to vector<2560x1xf32>
    %mul3A_15 = arith.mulf %mul3A_14, %slice3A : vector<2560x1xf32>
    %mul3A_16 = arith.mulf %mul3A_15, %slice3A : vector<2560x1xf32>
    %sub3A_17 = arith.constant 1.000000e+00 : f32
    %sub3A_18 = vector.broadcast %sub3A_17 : f32 to vector<2560x1xf32>
    %sub3A_19 = arith.subf %sub3A_18, %slice3A_2 : vector<2560x1xf32>
    %integer_pow3A_20 = arith.mulf %sub3A_19, %sub3A_19 : vector<2560x1xf32>
    %mul3A_21 = arith.constant 5.000000e-01 : f32
    %mul3A_22 = vector.broadcast %mul3A_21 : f32 to vector<2560x1xf32>
    %mul3A_23 = arith.mulf %mul3A_22, %integer_pow3A_20 : vector<2560x1xf32>
    %neg3A_24 = arith.constant 0.000000e+00 : f32
    %neg3A_25 = vector.broadcast %neg3A_24 : f32 to vector<2560x1xf32>
    %neg3A_26 = arith.subf %neg3A_25, %slice3A_2 : vector<2560x1xf32>
    %mul3A_27 = arith.mulf %neg3A_26, %slice3A_2 : vector<2560x1xf32>
    %add3A_28 = arith.addf %mul3A_27, %slice3A_2 : vector<2560x1xf32>
    %add3A_29 = arith.constant 5.000000e-01 : f32
    %add3A_30 = vector.broadcast %add3A_29 : f32 to vector<2560x1xf32>
    %add3A_31 = arith.addf %add3A_28, %add3A_30 : vector<2560x1xf32>
    %mul3A_32 = arith.constant 5.000000e-01 : f32
    %mul3A_33 = vector.broadcast %mul3A_32 : f32 to vector<2560x1xf32>
    %mul3A_34 = arith.mulf %mul3A_33, %slice3A_2 : vector<2560x1xf32>
    %mul3A_35 = arith.mulf %mul3A_34, %slice3A_2 : vector<2560x1xf32>
    %get3A_36 = arith.constant 0 : index
    %get3A_37 = arith.constant 0 : index
    %get3A_38 = vector.load %arg2[%get3A_36, %get3A_37] : memref<2560x128xf32, #tpu.memory_space<vmem>>, vector<2560x128xf32>
    %convert_element_type3A = arith.truncf %get3A_38 : vector<2560x128xf32> to vector<2560x128xbf16>
    %convert_element_type3A_39 = arith.truncf %mul3A_23 : vector<2560x1xf32> to vector<2560x1xbf16>
    %mul3A_40 = vector.broadcast %convert_element_type3A_39 : vector<2560x1xbf16> to vector<2560x128xbf16>
    %mul3A_41 = arith.mulf %mul3A_40, %convert_element_type3A : vector<2560x128xbf16>
    %convert_element_type3A_42 = arith.truncf %add3A_31 : vector<2560x1xf32> to vector<2560x1xbf16>
    %mul3A_43 = vector.broadcast %convert_element_type3A_42 : vector<2560x1xbf16> to vector<2560x128xbf16>
    %mul3A_44 = arith.mulf %mul3A_43, %convert_element_type3A : vector<2560x128xbf16>
    %convert_element_type3A_45 = arith.truncf %mul3A_35 : vector<2560x1xf32> to vector<2560x1xbf16>
    %mul3A_46 = vector.broadcast %convert_element_type3A_45 : vector<2560x1xbf16> to vector<2560x128xbf16>
    %mul3A_47 = arith.mulf %mul3A_46, %convert_element_type3A : vector<2560x128xbf16>
    %broadcast_in_dim3A = arith.constant 0.000000e+00 : f32
    %broadcast_in_dim3A_48 = vector.broadcast %broadcast_in_dim3A : f32 to vector<2560x128xf32>
    %broadcast_in_dim3A_49 = arith.constant 0.000000e+00 : f32
    %broadcast_in_dim3A_50 = vector.broadcast %broadcast_in_dim3A_49 : f32 to vector<2560x128xf32>
    %get3A_51 = arith.constant 0 : index
    %get3A_52 = arith.constant 0 : index
    %get3A_53 = arith.constant 0 : index
    %get3A_54 = arith.constant 0 : index
    %get3A_55 = vector.load %arg3[%get3A_51, %get3A_52, %get3A_53, %get3A_54] : memref<3x3x128x128xbf16, #tpu.memory_space<vmem>>, vector<1x1x128x128xbf16>
    %get3A_56 = vector.shape_cast %get3A_55 : vector<1x1x128x128xbf16> to vector<128x128xbf16>
    %dot_general3A = arith.constant dense<0.000000e+00> : vector<2560x128xf32>
    %dot_general3A_57 = tpu.matmul %mul3A_41, %get3A_56, %dot_general3A {dimension_numbers = #tpu.dot_dimension_numbers<[1], [0], [0], [1], [0, 0, 1, 1], [], []>, transpose_lhs_hint = false} : vector<2560x128xbf16>, vector<128x128xbf16>, vector<2560x128xf32> -> vector<2560x128xf32>
    %add3A_58 = arith.addf %broadcast_in_dim3A_50, %dot_general3A_57 : vector<2560x128xf32>
    %get3A_59 = arith.constant 0 : index
    %get3A_60 = arith.constant 1 : index
    %get3A_61 = arith.constant 0 : index
    %get3A_62 = arith.constant 0 : index
    %get3A_63 = vector.load %arg3[%get3A_59, %get3A_60, %get3A_61, %get3A_62] : memref<3x3x128x128xbf16, #tpu.memory_space<vmem>>, vector<1x1x128x128xbf16>
    %get3A_64 = vector.shape_cast %get3A_63 : vector<1x1x128x128xbf16> to vector<128x128xbf16>
    %dot_general3A_65 = arith.constant dense<0.000000e+00> : vector<2560x128xf32>
    %dot_general3A_66 = tpu.matmul %mul3A_44, %get3A_64, %dot_general3A_65 {dimension_numbers = #tpu.dot_dimension_numbers<[1], [0], [0], [1], [0, 0, 1, 1], [], []>, transpose_lhs_hint = false} : vector<2560x128xbf16>, vector<128x128xbf16>, vector<2560x128xf32> -> vector<2560x128xf32>
    %add3A_67 = arith.addf %add3A_58, %dot_general3A_66 : vector<2560x128xf32>
    %get3A_68 = arith.constant 0 : index
    %get3A_69 = arith.constant 2 : index
    %get3A_70 = arith.constant 0 : index
    %get3A_71 = arith.constant 0 : index
    %get3A_72 = vector.load %arg3[%get3A_68, %get3A_69, %get3A_70, %get3A_71] : memref<3x3x128x128xbf16, #tpu.memory_space<vmem>>, vector<1x1x128x128xbf16>
    %get3A_73 = vector.shape_cast %get3A_72 : vector<1x1x128x128xbf16> to vector<128x128xbf16>
    %dot_general3A_74 = arith.constant dense<0.000000e+00> : vector<2560x128xf32>
    %dot_general3A_75 = tpu.matmul %mul3A_47, %get3A_73, %dot_general3A_74 {dimension_numbers = #tpu.dot_dimension_numbers<[1], [0], [0], [1], [0, 0, 1, 1], [], []>, transpose_lhs_hint = false} : vector<2560x128xbf16>, vector<128x128xbf16>, vector<2560x128xf32> -> vector<2560x128xf32>
    %add3A_76 = arith.addf %add3A_67, %dot_general3A_75 : vector<2560x128xf32>
    %mul3A_77 = vector.broadcast %mul3A_6 : vector<2560x1xf32> to vector<2560x128xf32>
    %mul3A_78 = arith.mulf %mul3A_77, %add3A_76 : vector<2560x128xf32>
    %add3A_79 = arith.addf %broadcast_in_dim3A_48, %mul3A_78 : vector<2560x128xf32>
    %broadcast_in_dim3A_80 = arith.constant 0.000000e+00 : f32
    %broadcast_in_dim3A_81 = vector.broadcast %broadcast_in_dim3A_80 : f32 to vector<2560x128xf32>
    %get3A_82 = arith.constant 1 : index
    %get3A_83 = arith.constant 0 : index
    %get3A_84 = arith.constant 0 : index
    %get3A_85 = arith.constant 0 : index
    %get3A_86 = vector.load %arg3[%get3A_82, %get3A_83, %get3A_84, %get3A_85] : memref<3x3x128x128xbf16, #tpu.memory_space<vmem>>, vector<1x1x128x128xbf16>
    %get3A_87 = vector.shape_cast %get3A_86 : vector<1x1x128x128xbf16> to vector<128x128xbf16>
    %dot_general3A_88 = arith.constant dense<0.000000e+00> : vector<2560x128xf32>
    %dot_general3A_89 = tpu.matmul %mul3A_41, %get3A_87, %dot_general3A_88 {dimension_numbers = #tpu.dot_dimension_numbers<[1], [0], [0], [1], [0, 0, 1, 1], [], []>, transpose_lhs_hint = false} : vector<2560x128xbf16>, vector<128x128xbf16>, vector<2560x128xf32> -> vector<2560x128xf32>
    %add3A_90 = arith.addf %broadcast_in_dim3A_81, %dot_general3A_89 : vector<2560x128xf32>
    %get3A_91 = arith.constant 1 : index
    %get3A_92 = arith.constant 1 : index
    %get3A_93 = arith.constant 0 : index
    %get3A_94 = arith.constant 0 : index
    %get3A_95 = vector.load %arg3[%get3A_91, %get3A_92, %get3A_93, %get3A_94] : memref<3x3x128x128xbf16, #tpu.memory_space<vmem>>, vector<1x1x128x128xbf16>
    %get3A_96 = vector.shape_cast %get3A_95 : vector<1x1x128x128xbf16> to vector<128x128xbf16>
    %dot_general3A_97 = arith.constant dense<0.000000e+00> : vector<2560x128xf32>
    %dot_general3A_98 = tpu.matmul %mul3A_44, %get3A_96, %dot_general3A_97 {dimension_numbers = #tpu.dot_dimension_numbers<[1], [0], [0], [1], [0, 0, 1, 1], [], []>, transpose_lhs_hint = false} : vector<2560x128xbf16>, vector<128x128xbf16>, vector<2560x128xf32> -> vector<2560x128xf32>
    %add3A_99 = arith.addf %add3A_90, %dot_general3A_98 : vector<2560x128xf32>
    %get3A_100 = arith.constant 1 : index
    %get3A_101 = arith.constant 2 : index
    %get3A_102 = arith.constant 0 : index
    %get3A_103 = arith.constant 0 : index
    %get3A_104 = vector.load %arg3[%get3A_100, %get3A_101, %get3A_102, %get3A_103] : memref<3x3x128x128xbf16, #tpu.memory_space<vmem>>, vector<1x1x128x128xbf16>
    %get3A_105 = vector.shape_cast %get3A_104 : vector<1x1x128x128xbf16> to vector<128x128xbf16>
    %dot_general3A_106 = arith.constant dense<0.000000e+00> : vector<2560x128xf32>
    %dot_general3A_107 = tpu.matmul %mul3A_47, %get3A_105, %dot_general3A_106 {dimension_numbers = #tpu.dot_dimension_numbers<[1], [0], [0], [1], [0, 0, 1, 1], [], []>, transpose_lhs_hint = false} : vector<2560x128xbf16>, vector<128x128xbf16>, vector<2560x128xf32> -> vector<2560x128xf32>
    %add3A_108 = arith.addf %add3A_99, %dot_general3A_107 : vector<2560x128xf32>
    %mul3A_109 = vector.broadcast %add3A_12 : vector<2560x1xf32> to vector<2560x128xf32>
    %mul3A_110 = arith.mulf %mul3A_109, %add3A_108 : vector<2560x128xf32>
    %add3A_111 = arith.addf %add3A_79, %mul3A_110 : vector<2560x128xf32>
    %broadcast_in_dim3A_112 = arith.constant 0.000000e+00 : f32
    %broadcast_in_dim3A_113 = vector.broadcast %broadcast_in_dim3A_112 : f32 to vector<2560x128xf32>
    %get3A_114 = arith.constant 2 : index
    %get3A_115 = arith.constant 0 : index
    %get3A_116 = arith.constant 0 : index
    %get3A_117 = arith.constant 0 : index
    %get3A_118 = vector.load %arg3[%get3A_114, %get3A_115, %get3A_116, %get3A_117] : memref<3x3x128x128xbf16, #tpu.memory_space<vmem>>, vector<1x1x128x128xbf16>
    %get3A_119 = vector.shape_cast %get3A_118 : vector<1x1x128x128xbf16> to vector<128x128xbf16>
    %dot_general3A_120 = arith.constant dense<0.000000e+00> : vector<2560x128xf32>
    %dot_general3A_121 = tpu.matmul %mul3A_41, %get3A_119, %dot_general3A_120 {dimension_numbers = #tpu.dot_dimension_numbers<[1], [0], [0], [1], [0, 0, 1, 1], [], []>, transpose_lhs_hint = false} : vector<2560x128xbf16>, vector<128x128xbf16>, vector<2560x128xf32> -> vector<2560x128xf32>
    %add3A_122 = arith.addf %broadcast_in_dim3A_113, %dot_general3A_121 : vector<2560x128xf32>
    %get3A_123 = arith.constant 2 : index
    %get3A_124 = arith.constant 1 : index
    %get3A_125 = arith.constant 0 : index
    %get3A_126 = arith.constant 0 : index
    %get3A_127 = vector.load %arg3[%get3A_123, %get3A_124, %get3A_125, %get3A_126] : memref<3x3x128x128xbf16, #tpu.memory_space<vmem>>, vector<1x1x128x128xbf16>
    %get3A_128 = vector.shape_cast %get3A_127 : vector<1x1x128x128xbf16> to vector<128x128xbf16>
    %dot_general3A_129 = arith.constant dense<0.000000e+00> : vector<2560x128xf32>
    %dot_general3A_130 = tpu.matmul %mul3A_44, %get3A_128, %dot_general3A_129 {dimension_numbers = #tpu.dot_dimension_numbers<[1], [0], [0], [1], [0, 0, 1, 1], [], []>, transpose_lhs_hint = false} : vector<2560x128xbf16>, vector<128x128xbf16>, vector<2560x128xf32> -> vector<2560x128xf32>
    %add3A_131 = arith.addf %add3A_122, %dot_general3A_130 : vector<2560x128xf32>
    %get3A_132 = arith.constant 2 : index
    %get3A_133 = arith.constant 2 : index
    %get3A_134 = arith.constant 0 : index
    %get3A_135 = arith.constant 0 : index
    %get3A_136 = vector.load %arg3[%get3A_132, %get3A_133, %get3A_134, %get3A_135] : memref<3x3x128x128xbf16, #tpu.memory_space<vmem>>, vector<1x1x128x128xbf16>
    %get3A_137 = vector.shape_cast %get3A_136 : vector<1x1x128x128xbf16> to vector<128x128xbf16>
    %dot_general3A_138 = arith.constant dense<0.000000e+00> : vector<2560x128xf32>
    %dot_general3A_139 = tpu.matmul %mul3A_47, %get3A_137, %dot_general3A_138 {dimension_numbers = #tpu.dot_dimension_numbers<[1], [0], [0], [1], [0, 0, 1, 1], [], []>, transpose_lhs_hint = false} : vector<2560x128xbf16>, vector<128x128xbf16>, vector<2560x128xf32> -> vector<2560x128xf32>
    %add3A_140 = arith.addf %add3A_131, %dot_general3A_139 : vector<2560x128xf32>
    %mul3A_141 = vector.broadcast %mul3A_16 : vector<2560x1xf32> to vector<2560x128xf32>
    %mul3A_142 = arith.mulf %mul3A_141, %add3A_140 : vector<2560x128xf32>
    %add3A_143 = arith.addf %add3A_111, %mul3A_142 : vector<2560x128xf32>
    %swap3A = arith.constant 0 : index
    %swap3A_144 = arith.constant 0 : index
    %swap3A_145 = vector.load %arg4[%swap3A, %swap3A_144] : memref<2560x128xf32, #tpu.memory_space<vmem>>, vector<2560x128xf32>
    tpu.vector_store %arg4[%swap3A, %swap3A_144], %add3A_143 {strides = array<i32>} : memref<2560x128xf32, #tpu.memory_space<vmem>>, vector<2560x128xf32>,
    return
  }
  func.func @transform_0(%arg0: i32) -> (i32, i32) {
    %c0_i32 = arith.constant 0 : i32
    %c0_i32_0 = arith.constant 0 : i32
    return %arg0, %c0_i32 : i32, i32
  }
  func.func @transform_1(%arg0: i32) -> (i32, i32) {
    %c0_i32 = arith.constant 0 : i32
    %c0_i32_0 = arith.constant 0 : i32
    return %arg0, %c0_i32 : i32, i32
  }
  func.func @transform_2(%arg0: i32) -> (i32, i32, i32, i32) {
    %c0_i32 = arith.constant 0 : i32
    %c0_i32_0 = arith.constant 0 : i32
    %c0_i32_1 = arith.constant 0 : i32
    %c0_i32_2 = arith.constant 0 : i32
    %c0_i32_3 = arith.constant 0 : i32
    return %c0_i32, %c0_i32_0, %c0_i32_1, %c0_i32_2 : i32, i32, i32, i32
  }
  func.func @transform_3(%arg0: i32) -> (i32, i32) {
    %c0_i32 = arith.constant 0 : i32
    %c0_i32_0 = arith.constant 0 : i32
    return %arg0, %c0_i32 : i32, i32
  }
}

module attributes {stable_mosaic.version = 14 : i64} {
  func.func @_combine_body(%arg0: i32, %arg1: memref<2x2000x128xf32, #tpu.memory_space<vmem>>, %arg2: memref<2000x128xf32, #tpu.memory_space<vmem>>, %arg3: memref<128x128xf32, #tpu.memory_space<vmem>>, %arg4: memref<1x128xf32, #tpu.memory_space<vmem>>, %arg5: memref<2000x128xf32, #tpu.memory_space<vmem>>) attributes {dimension_semantics = [#tpu.dimension_semantics<arbitrary>], iteration_bounds = array<i64: 5>, scalar_prefetch = 0 : i64, scratch_operands = 0 : i64, tpu.core_type = #tpu.core_type<tc>, window_params = [{transform_indices = @transform_0, window_bounds = array<i64: 2, 2000, 128>}, {transform_indices = @transform_1, window_bounds = array<i64: 2000, 128>}, {pipeline_mode = #tpu.pipeline_mode<synchronous>, transform_indices = @transform_2, window_bounds = array<i64: 128, 128>}, {pipeline_mode = #tpu.pipeline_mode<synchronous>, transform_indices = @transform_3, window_bounds = array<i64: 1, 128>}, {transform_indices = @transform_4, window_bounds = array<i64: 2000, 128>}]} {
    %get3A = arith.constant 0 : index
    %get3A_0 = arith.constant 0 : index
    %get3A_1 = arith.constant 0 : index
    %get3A_2 = vector.load %arg1[%get3A, %get3A_0, %get3A_1] : memref<2x2000x128xf32, #tpu.memory_space<vmem>>, vector<1x2000x128xf32>
    %get3A_3 = vector.shape_cast %get3A_2 : vector<1x2000x128xf32> to vector<2000x128xf32>
    %get3A_4 = arith.constant 1 : index
    %get3A_5 = arith.constant 0 : index
    %get3A_6 = arith.constant 0 : index
    %get3A_7 = vector.load %arg1[%get3A_4, %get3A_5, %get3A_6] : memref<2x2000x128xf32, #tpu.memory_space<vmem>>, vector<1x2000x128xf32>
    %get3A_8 = vector.shape_cast %get3A_7 : vector<1x2000x128xf32> to vector<2000x128xf32>
    %add3A = arith.addf %get3A_3, %get3A_8 : vector<2000x128xf32>
    %get3A_9 = arith.constant 0 : index
    %get3A_10 = arith.constant 0 : index
    %get3A_11 = vector.load %arg2[%get3A_9, %get3A_10] : memref<2000x128xf32, #tpu.memory_space<vmem>>, vector<2000x128xf32>
    %get3A_12 = arith.constant 0 : index
    %get3A_13 = arith.constant 0 : index
    %get3A_14 = vector.load %arg3[%get3A_12, %get3A_13] : memref<128x128xf32, #tpu.memory_space<vmem>>, vector<128x128xf32>
    %dot_general3A = arith.constant dense<0.000000e+00> : vector<2000x128xf32>
    %dot_general3A_15 = tpu.matmul %get3A_11, %get3A_14, %dot_general3A {dimension_numbers = #tpu.dot_dimension_numbers<[1], [0], [0], [1], [0, 0, 1, 1], [], []>, transpose_lhs_hint = false} : vector<2000x128xf32>, vector<128x128xf32>, vector<2000x128xf32> -> vector<2000x128xf32>
    %add3A_16 = arith.addf %add3A, %dot_general3A_15 : vector<2000x128xf32>
    %get3A_17 = arith.constant 0 : index
    %get3A_18 = arith.constant 0 : index
    %get3A_19 = vector.load %arg4[%get3A_17, %get3A_18] : memref<1x128xf32, #tpu.memory_space<vmem>>, vector<1x128xf32>
    %add3A_20 = vector.broadcast %get3A_19 : vector<1x128xf32> to vector<2000x128xf32>
    %add3A_21 = arith.addf %add3A_16, %add3A_20 : vector<2000x128xf32>
    %max3A = arith.constant 0.000000e+00 : f32
    %max3A_22 = vector.broadcast %max3A : f32 to vector<2000x128xf32>
    %max3A_23 = arith.maximumf %add3A_21, %max3A_22 : vector<2000x128xf32>
    %swap3A = arith.constant 0 : index
    %swap3A_24 = arith.constant 0 : index
    %swap3A_25 = vector.load %arg5[%swap3A, %swap3A_24] : memref<2000x128xf32, #tpu.memory_space<vmem>>, vector<2000x128xf32>
    tpu.vector_store %arg5[%swap3A, %swap3A_24], %max3A_23 {strides = array<i32>} : memref<2000x128xf32, #tpu.memory_space<vmem>>, vector<2000x128xf32>,
    return
  }
  func.func @transform_0(%arg0: i32) -> (i32, i32, i32) {
    %c0_i32 = arith.constant 0 : i32
    %c0_i32_0 = arith.constant 0 : i32
    %c0_i32_1 = arith.constant 0 : i32
    return %c0_i32, %arg0, %c0_i32_0 : i32, i32, i32
  }
  func.func @transform_1(%arg0: i32) -> (i32, i32) {
    %c0_i32 = arith.constant 0 : i32
    %c0_i32_0 = arith.constant 0 : i32
    return %arg0, %c0_i32 : i32, i32
  }
  func.func @transform_2(%arg0: i32) -> (i32, i32) {
    %c0_i32 = arith.constant 0 : i32
    %c0_i32_0 = arith.constant 0 : i32
    %c0_i32_1 = arith.constant 0 : i32
    return %c0_i32, %c0_i32_0 : i32, i32
  }
  func.func @transform_3(%arg0: i32) -> (i32, i32) {
    %c0_i32 = arith.constant 0 : i32
    %c0_i32_0 = arith.constant 0 : i32
    %c0_i32_1 = arith.constant 0 : i32
    return %c0_i32, %c0_i32_0 : i32, i32
  }
  func.func @transform_4(%arg0: i32) -> (i32, i32) {
    %c0_i32 = arith.constant 0 : i32
    %c0_i32_0 = arith.constant 0 : i32
    return %arg0, %c0_i32 : i32, i32
  }
}

module attributes {stable_mosaic.version = 14 : i64} {
  func.func @_combine_body(%arg0: i32, %arg1: memref<2x2000x128xf32, #tpu.memory_space<vmem>>, %arg2: memref<2000x128xf32, #tpu.memory_space<vmem>>, %arg3: memref<128x128xf32, #tpu.memory_space<vmem>>, %arg4: memref<1x128xf32, #tpu.memory_space<vmem>>, %arg5: memref<2000x128xf32, #tpu.memory_space<vmem>>) attributes {dimension_semantics = [#tpu.dimension_semantics<arbitrary>], iteration_bounds = array<i64: 5>, scalar_prefetch = 0 : i64, scratch_operands = 0 : i64, tpu.core_type = #tpu.core_type<tc>, window_params = [{transform_indices = @transform_0, window_bounds = array<i64: 2, 2000, 128>}, {transform_indices = @transform_1, window_bounds = array<i64: 2000, 128>}, {pipeline_mode = #tpu.pipeline_mode<synchronous>, transform_indices = @transform_2, window_bounds = array<i64: 128, 128>}, {pipeline_mode = #tpu.pipeline_mode<synchronous>, transform_indices = @transform_3, window_bounds = array<i64: 1, 128>}, {transform_indices = @transform_4, window_bounds = array<i64: 2000, 128>}]} {
    %get3A = arith.constant 0 : index
    %get3A_0 = arith.constant 0 : index
    %get3A_1 = arith.constant 0 : index
    %get3A_2 = vector.load %arg1[%get3A, %get3A_0, %get3A_1] : memref<2x2000x128xf32, #tpu.memory_space<vmem>>, vector<1x2000x128xf32>
    %get3A_3 = vector.shape_cast %get3A_2 : vector<1x2000x128xf32> to vector<2000x128xf32>
    %get3A_4 = arith.constant 1 : index
    %get3A_5 = arith.constant 0 : index
    %get3A_6 = arith.constant 0 : index
    %get3A_7 = vector.load %arg1[%get3A_4, %get3A_5, %get3A_6] : memref<2x2000x128xf32, #tpu.memory_space<vmem>>, vector<1x2000x128xf32>
    %get3A_8 = vector.shape_cast %get3A_7 : vector<1x2000x128xf32> to vector<2000x128xf32>
    %add3A = arith.addf %get3A_3, %get3A_8 : vector<2000x128xf32>
    %get3A_9 = arith.constant 0 : index
    %get3A_10 = arith.constant 0 : index
    %get3A_11 = vector.load %arg2[%get3A_9, %get3A_10] : memref<2000x128xf32, #tpu.memory_space<vmem>>, vector<2000x128xf32>
    %get3A_12 = arith.constant 0 : index
    %get3A_13 = arith.constant 0 : index
    %get3A_14 = vector.load %arg3[%get3A_12, %get3A_13] : memref<128x128xf32, #tpu.memory_space<vmem>>, vector<128x128xf32>
    %dot_general3A = arith.constant dense<0.000000e+00> : vector<2000x128xf32>
    %dot_general3A_15 = tpu.matmul %get3A_11, %get3A_14, %dot_general3A {dimension_numbers = #tpu.dot_dimension_numbers<[1], [0], [0], [1], [0, 0, 1, 1], [], []>, transpose_lhs_hint = false} : vector<2000x128xf32>, vector<128x128xf32>, vector<2000x128xf32> -> vector<2000x128xf32>
    %add3A_16 = arith.addf %add3A, %dot_general3A_15 : vector<2000x128xf32>
    %get3A_17 = arith.constant 0 : index
    %get3A_18 = arith.constant 0 : index
    %get3A_19 = vector.load %arg4[%get3A_17, %get3A_18] : memref<1x128xf32, #tpu.memory_space<vmem>>, vector<1x128xf32>
    %add3A_20 = vector.broadcast %get3A_19 : vector<1x128xf32> to vector<2000x128xf32>
    %add3A_21 = arith.addf %add3A_16, %add3A_20 : vector<2000x128xf32>
    %max3A = arith.constant 0.000000e+00 : f32
    %max3A_22 = vector.broadcast %max3A : f32 to vector<2000x128xf32>
    %max3A_23 = arith.maximumf %add3A_21, %max3A_22 : vector<2000x128xf32>
    %swap3A = arith.constant 0 : index
    %swap3A_24 = arith.constant 0 : index
    %swap3A_25 = vector.load %arg5[%swap3A, %swap3A_24] : memref<2000x128xf32, #tpu.memory_space<vmem>>, vector<2000x128xf32>
    tpu.vector_store %arg5[%swap3A, %swap3A_24], %max3A_23 {strides = array<i32>} : memref<2000x128xf32, #tpu.memory_space<vmem>>, vector<2000x128xf32>,
    return
  }
  func.func @transform_0(%arg0: i32) -> (i32, i32, i32) {
    %c0_i32 = arith.constant 0 : i32
    %c0_i32_0 = arith.constant 0 : i32
    %c0_i32_1 = arith.constant 0 : i32
    return %c0_i32, %arg0, %c0_i32_0 : i32, i32, i32
  }
  func.func @transform_1(%arg0: i32) -> (i32, i32) {
    %c0_i32 = arith.constant 0 : i32
    %c0_i32_0 = arith.constant 0 : i32
    return %arg0, %c0_i32 : i32, i32
  }
  func.func @transform_2(%arg0: i32) -> (i32, i32) {
    %c0_i32 = arith.constant 0 : i32
    %c0_i32_0 = arith.constant 0 : i32
    %c0_i32_1 = arith.constant 0 : i32
    return %c0_i32, %c0_i32_0 : i32, i32
  }
  func.func @transform_3(%arg0: i32) -> (i32, i32) {
    %c0_i32 = arith.constant 0 : i32
    %c0_i32_0 = arith.constant 0 : i32
    %c0_i32_1 = arith.constant 0 : i32
    return %c0_i32, %c0_i32_0 : i32, i32
  }
  func.func @transform_4(%arg0: i32) -> (i32, i32) {
    %c0_i32 = arith.constant 0 : i32
    %c0_i32_0 = arith.constant 0 : i32
    return %arg0, %c0_i32 : i32, i32
  }
}

</mosaic_0001>

<sc_bundles>
// kernel: kernel.10.cloned.1.call-start
scs
__scs_entry_jumppad:
0x0: {  	(pc) =	sbr.rel $0x88, $3  }
0x1: {  	(tag) =	ssettag $0x0;
	lr =	simm.s32 $0x1  }
0x2: {  	[smem:$0x3F98] =	sst lr;
	_ =	strace $0xD0000000  }
0x3: {  	_ = 	snop  }
0x4: {  	_ = 	snop  }
0x5: {  	_ = 	snop  }
0x6: {  	_ = 	snop  }
0x7: {  	_ = 	snop  }
__scs_overlays_trampoline_lowered:
0x8: {  	[smem:$0x3FA7] =	sst s0  }
0x9: {  	[smem:$0x3FA8] =	sst s1  }
0xa: {  	[smem:$0x3FA9] =	sst s2  }
0xb: {  	[smem:$0x3FAA] =	sst s3  }
0xc: {  	[smem:$0x3FAB] =	sst s4  }
0xd: {  	[smem:$0x3FAC] =	sst s5  }
0xe: {  	[smem:$0x3FAD] =	sst s6  }
0xf: {  	[smem:$0x3FAE] =	sst s7  }
0x10: {  	[smem:$0x3FAF] =	sst s8  }
0x11: {  	[smem:$0x3FB0] =	sst s9;
	s0 =	simm.s32 @!p0 $0x0  }
0x12: {  	s1 =	sld [smem:$0x3F96];
	s0 =	simm.s32 @p0 $0x1  }
0x13: {  	[smem:$0x3FB1] =	sst s0;
	s0 =	simm.s32 @!p1 $0x0  }
0x14: {  	s2 =	sld [smem:$0x3F95];
	s0 =	simm.s32 @p1 $0x1  }
0x15: {  	[smem:$0x3FB2] =	sst s0;
	s0 =	simm.s32 @!p2 $0x0  }
0x16: {  	s3 =	sld [smem:$0x3FDB];
	s0 =	simm.s32 @p2 $0x1  }
0x17: {  	s4 =	simm.s32 $0x1BF5;
	[smem:$0x3FB4] =	sst s0  }
0x18: {  	s0 =	sld [smem:$0x3F97];
	_ =	swait.ge [sflag:s4], $0x0  }
0x19: {  	s7 =	sld [smem:$0x3F98]  }
0x1a: {  	s8 =	sadd.s32 $0xFFFFE003, lr  }
0x1b: {  	s9 =	sadd.s32 $0xFFFFFEF7, lr;
	s5 =	simm.s32 $0xFFFFFFFF;
	p2 =	slt.u32 s8, $0xFFFFF086  }
0x1c: {  	p1 =	slt.u32 s9, $0xF7A;
	s5 =	simm.s32 @!p2 $0x0  }
0x1d: {  	s5 =	simm.s32 @p1 $0x1;
	p0 =	seq.s32 s7, s2  }
0x1e: {  	s7 =	smul.u32 @!p0 $0xF7A, s2;
	p2 =	seq.s32 @!p0 s5, $0x0  }
0x1f: {  	s9 =	smul.u32 $0xF7A, s1;
	s8 =	simm.s32 @!p0 $0x1BF5;
	p2 =	por !p2, p0  }
0x20: {  	[sflag:s8] =	ssyncset.s32 @!p0 $0xFFFFF086;
	s6 =	sadd.s32 @!p0 s3, s7;
	s7 =	simm.s32 @!p0 $0x108  }
0x21: {  	s3 =	sadd.s32 s3, s9;
	s6 =	sadd.s32 @!p0 $0x88, s6;
	s7 =	simm.s32 @p2 $0x1082  }
0x22: {  	[simem:s7], [sflag:s8] =	dma.local @!p0 [hbm:s6], $0xF7A  }
0x23: {  	s9 =	sor.u32 $0xD0000000, s2;
	s6 =	simm.s32 $0x108;
	_ =	swait.ge @!p0 [sflag:s8], $0x0  }
0x24: {  	s3 =	sadd.s32 $0x88, s3;
	s6 =	simm.s32 @!p1 $0x1082;
	[sflag:s4] =	ssyncset.s32 $0xFFFFF086  }
0x25: {  	[simem:s6], [sflag:s4] =	dma.local [hbm:s3], $0xF7A  }
0x26: {  	[smem:$0x3F98] =	sst s1;
	(tag) =	ssettag s2;
	_ =	strace s9  }
0x27: {  	s1 =	sld [smem:$0x3FA8]  }
0x28: {  	s2 =	sld [smem:$0x3FA9]  }
0x29: {  	s4 =	sld [smem:$0x3FAB]  }
0x2a: {  	p0 =	seq.s32 s5, $0x0;
	s5 =	sld [smem:$0x3FAC]  }
0x2b: {  	s6 =	sld [smem:$0x3FAD]  }
0x2c: {  	s7 =	sld [smem:$0x3FAE]  }
0x2d: {  	s3 =	simm.s32 $0x108;
	s8 =	sld [smem:$0x3FAF]  }
0x2e: {  	s3 =	simm.s32 @!p0 $0x1082;
	s9 =	sld [smem:$0x3FB0]  }
0x2f: {  	lr =	sadd.s32 s0, s3;
	s0 =	sld [smem:$0x3FA7]  }
0x30: {  	s3 =	sld [smem:$0x3FAA]  }
0x31: {  	[smem:$0x3FB3] =	sst s10  }
0x32: {  	s10 =	sld [smem:$0x3FB1];
	_ =	sdelay $0x3  }
0x33: {  	p0 =	seq.s32 s10, $0x1;
	s10 =	sld [smem:$0x3FB3];
	_ =	sdelay $0x3  }
0x34: {  	[smem:$0x3FB3] =	sst s10  }
0x35: {  	s10 =	sld [smem:$0x3FB2];
	_ =	sdelay $0x3  }
0x36: {  	p1 =	seq.s32 s10, $0x1;
	s10 =	sld [smem:$0x3FB3];
	_ =	sdelay $0x3  }
0x37: {  	[smem:$0x3FB3] =	sst s10  }
0x38: {  	s10 =	sld [smem:$0x3FB4]  }
0x39: {  	_ = 	snop;
	(pc) =	sbr.ind lr, $3  }
0x3a: {  	_ = 	snop  }
0x3b: {  	_ = 	snop  }
0x3c: {  	p2 =	seq.s32 s10, $0x1;
	s10 =	sld [smem:$0x3FB3]  }
0x3d: {  	_ =	shalt  }
0x3e: {  	_ =	shalt  }
0x3f: {  	_ =	shalt  }
0x40: {  	_ =	shalt  }
0x41: {  	_ =	shalt  }
0x42: {  	_ =	shalt  }
0x43: {  	_ =	shalt  }
0x44: {  	_ =	shalt  }
0x45: {  	_ =	shalt  }
0x46: {  	_ =	shalt  }
0x47: {  	_ =	shalt  }
0x48: {  	_ =	shalt  }
0x49: {  	_ =	shalt  }
0x4a: {  	_ =	shalt  }
0x4b: {  	_ =	shalt  }
0x4c: {  	_ =	shalt  }
0x4d: {  	_ =	shalt  }
0x4e: {  	_ =	shalt  }
0x4f: {  	_ =	shalt  }
0x50: {  	_ =	shalt  }
0x51: {  	_ =	shalt  }
0x52: {  	_ =	shalt  }
0x53: {  	_ =	shalt  }
0x54: {  	_ =	shalt  }
0x55: {  	_ =	shalt  }
0x56: {  	_ =	shalt  }
0x57: {  	_ =	shalt  }
0x58: {  	_ =	shalt  }
0x59: {  	_ =	shalt  }
0x5a: {  	_ =	shalt  }
0x5b: {  	_ =	shalt  }
0x5c: {  	_ =	shalt  }
0x5d: {  	_ =	shalt  }
0x5e: {  	_ =	shalt  }
0x5f: {  	_ =	shalt  }
0x60: {  	_ =	shalt  }
0x61: {  	_ =	shalt  }
0x62: {  	_ =	shalt  }
0x63: {  	_ =	shalt  }
0x64: {  	_ =	shalt  }
0x65: {  	_ =	shalt  }
0x66: {  	_ =	shalt  }
0x67: {  	_ =	shalt  }
0x68: {  	_ =	shalt  }
0x69: {  	_ =	shalt  }
0x6a: {  	_ =	shalt  }
0x6b: {  	_ =	shalt  }
0x6c: {  	_ =	shalt  }
0x6d: {  	_ =	shalt  }
0x6e: {  	_ =	shalt  }
0x6f: {  	_ =	shalt  }
0x70: {  	_ =	shalt  }
0x71: {  	_ =	shalt  }
0x72: {  	_ =	shalt  }
0x73: {  	_ =	shalt  }
0x74: {  	_ =	shalt  }
0x75: {  	_ =	shalt  }
0x76: {  	_ =	shalt  }
0x77: {  	_ =	shalt  }
0x78: {  	_ =	shalt  }
0x79: {  	_ =	shalt  }
0x7a: {  	_ =	shalt  }
0x7b: {  	_ =	shalt  }
0x7c: {  	_ =	shalt  }
0x7d: {  	_ =	shalt  }
0x7e: {  	_ =	shalt  }
0x7f: {  	_ =	shalt  }
0x80: {  	_ =	shalt  }
0x81: {  	_ =	shalt  }
0x82: {  	_ =	shalt  }
0x83: {  	_ =	shalt  }
0x84: {  	_ =	shalt  }
0x85: {  	_ =	shalt  }
0x86: {  	_ =	shalt  }
0x87: {  	_ =	shalt  }
.Lfunc_end0:
.L_simem_size_0:
called_computation_lowered:
.L_overlay_start_0:
0x88: {  	s2 =	sld [smem:$0x3FD9]  }
0x89: {  	s3 =	sld [smem:$0x3FFE];
	_ =	sdelay $0x1  }
0x8a: {  	s1 =	srdreg.scid  }
0x8b: {  	s0 =	sand.u32 $0x1, s1  }
0x8c: {  	s17 =	sshll.u32 s0, $0xA;
	s2 =	sadd.s32 s3, s2  }
0x8d: {  	s2 =	sadd.s32 s2, s17  }
0x8e: {  	[smem:$0x3FBF] =	sst s2  }
0x8f: {  	_ = 	snop  }
0x90: {  	s2 =	sld [smem:$0x3FC9];
	(tm) =	ssettm $0x1  }
0x91: {  	s18 =	sld [smem:$0x3FFB];
	_ =	sdelay $0x3  }
0x92: {  	_ =	strace s18  }
0x93: {  	s3 =	sld [smem:$0x3FFC];
	_ =	sdelay $0x3  }
0x94: {  	_ =	strace s3  }
0x95: {  	s3 =	sld [smem:$0x3FFD];
	_ =	sdelay $0x3  }
0x96: {  	_ =	strace s3  }
0x97: {  	_ =	strace $0x8FFFFFFF  }
0x98: {  	s19 =	sld [smem:$0x3FDB];
	_ =	sdelay $0x1  }
0x99: {  	s4 =	simm.s32 $_scs_section_size  }
0x9a: {  	s5 =	simm.s32 $_size__tile_overlayer_lowered;
	s6 =	simm.s32 $_tile_overlayer_lowered  }
0x9b: {  	s22 =	simm.s32 $0x1BFF;
	s21 =	sshll.u32 s6, $0x1;
	s3 =	sadd.s32 s4, s19  }
0x9c: {  	s7 =	simm.s32 $0x0;
	s20 =	sshll.u32 s5, $0x1;
	s5 =	sadd.s32 s21, s3  }
0x9d: {  	[timem:s7], [sflag:s22] =	dma.local [hbm:s5], s20  }
0x9e: {  	_ =	swait.ge [sflag:s22], s20  }
0x9f: {  	s4 =	ssub.s32 $0x0, s20;
	[sflag:s22] =	ssyncset.done $0x0  }
0xa0: {  	[sflag:s22] =	ssyncadd.s32 s4;
	_ =	sdelay $0x1  }
0xa1: {  	s23 =	simm.s32 $0x1B8B  }
0xa2: {  	_ =	swait.ge [sflag:s23], $0x1  }
0xa3: {  	[sflag:s23] =	ssyncset.done $0x0  }
0xa4: {  	s25 =	simm.s32 $0x1B8E;
	s24 =	sld [smem:$0x3FFE];
	[sflag:s23] =	ssyncadd.s32 $0xFFFFFFFF  }
0xa5: {  	s26 =	simm.s32 $execute0_lowered;
	[smem:$0x3FD2] =	sst s25  }
0xa6: {  	s5 =	sshll.u32 s26, $0x1;
	_ =	strace $0x80000046;
	[dreg:$0x1] =	wrdreg $0xFFFFFFFF  }
0xa7: {  	s28 =	simm.s32 $_size_execute0_lowered;
	s3 =	sadd.s32 s3, s5;
	[dreg:$0x0] =	wrdreg $0x0  }
0xa8: {  	s5 =	sshll.u32 s28, $0x1;
	[dreg:$0x2] =	wrdreg s3  }
0xa9: {  	[dreg:$0x3] =	wrdreg s5  }
0xaa: {  	[dreg:$0x4] =	wrdreg $0xC0  }
0xab: {  	_ =	task [dreg:s7], $0x5FFFF  }
0xac: {  	[dreg:$0x1] =	wrdreg $0xFFFFFFFF  }
0xad: {  	[dreg:$0x0] =	wrdreg $0x60  }
0xae: {  	[dreg:$0x2] =	wrdreg s2  }
0xaf: {  	[dreg:$0x3] =	wrdreg s24  }
0xb0: {  	[dreg:$0x4] =	wrdreg $0x9  }
0xb1: {  	_ =	task.clear_ibuf [dreg:s7], $0x5FFFF;
	_ =	strace $0x90000046  }
0xb2: {  	s29 =	simm.s32 $0x9;
	_ =	strace $0x80000048  }
0xb3: {  	_ =	swait.ge [sflag:s29], $0x1  }
0xb4: {  	[sflag:s29] =	ssyncadd.s32 $0xFFFFFFFF  }
0xb5: {  	_ =	strace $0x90000048  }
0xb6: {  	_ =	sfence  }
0xb7: {  	s30 =	sld [smem:$0x0];
	_ =	sdelay $0x2  }
0xb8: {  	s31 =	sshll.u32 s1, $0xD;
	s1 =	sshrl.u32 s1, $0x2  }
0xb9: {  	s3 =	sand.u32 $0x4000, s31;
	s1 =	sadd.s32 s1, s30  }
0xba: {  	s0 =	sor.u32 s3, s0;
	s1 =	sshll.u32 s1, $0x11  }
0xbb: {  	s0 =	sor.u32 s1, s0  }
0xbc: {  	s0 =	sadd.s32 $0x8F2B, s0  }
0xbd: {  	[sflag:s0] =	ssyncadd.remote.s32 $0x1  }
0xbe: {  	_ =	sfence.sel $0xFFFF  }
0xbf: {  	[dreg:$0x0] =	wrdreg $0xFFFFFFFF;
	(pc) =	sbr.abs _section_cstart, $3  }
0xc0: {  	[dreg:$0x1] =	wrdreg $0xFFFFFFFF  }
0xc1: {  	_ =	task.clear_ibuf [dreg:s7], $0x2FFFF;
	_ =	strace $0x9FFFFFFF  }
0xc2: {  	(tm) =	ssettm $0x7FFFFFFF  }
0xc3: {  	_ =	shalt  }
tec
execute0_lowered:
.L_overlay_start_1:
0x0: {  	(tag) =	ssettag $0x1  }
0x1: {  	s0 =	srdreg.scid  }
0x2: {  	s7 =	stileid.u32;
	s2 =	rddreg [dreg:$0x0]  }
0x3: {  	s5 =	rddreg [dreg:$0x1];
	s3 =	simm.s32 $0x0;
	s15 =	simm.s32 $0x7  }
0x4: {  	s16 =	simm.s32 $0x8;
	s17 =	simm.s32 $0x9;
	s18 =	simm.s32 $0xA  }
0x5: {  	s19 =	simm.s32 $0xB;
	s20 =	simm.s32 $0xC;
	s6 =	smul.u32 $0x50000, s7  }
0x6: {  	s0 =	sand.u32 $0x1, s0;
	s1 =	sshll.u32 s7, $0x1;
	s7 =	smul.u32 $0xA0, s7  }
0x7: {  	s21 =	simm.s32 $0x0;
	[smem:$0x7FF] =	sst s3;
	s9 =	smul.u32 $0x50, s0  }
0x8: {  	s1 =	sor.u32 s0, s1;
	s8 =	ssub.s32 $0x2, s0;
	s0 =	smul.u32 $0x28000, s0  }
0x9: {  	_ =	strace $0x80000047;
	s4 =	smul.u32 $0x500, s1;
	s11 =	sshrl.u32 s8, $0x1  }
0xa: {  	s1 =	smul.u32 $0x50, s1;
	s8 =	ssub.s32 s8, s11;
	s29 =	sadd.s32 s9, s7  }
0xb: {  	s0 =	sadd.s32 s0, s6;
	s9 =	simm.s32 $0xD;
	s10 =	sadd.s32 s4, s5  }
0xc: {  	s4 =	sadd.s32 $0xC200, s5;
	s1 =	ssub.s32 $0x9C4, s1;
	s5 =	sshll.u32 s29, $0xB  }
0xd: {  	[dreg:$0x3] =	wrdreg s0;
	s8 =	smax.u32 s8, $0x1;
	s30 =	sor.u32 $0x1000, s5  }
0xe: {  	s6 =	smin.u32 s1, $0x50;
	s31 =	sor.u32 $0x2000, s5;
	[dreg:$0x4] =	wrdreg s30  }
0xf: {  	s7 =	sadd.s32 $0x2200, s10;
	s10 =	simm.s32 $0x80;
	[dreg:$0x5] =	wrdreg s31  }
.LBB2_1:
0x10: {  	[tilespmem:s3], [sflag:$0xD] =	stream.linear.gather [hbm4b:s7+s3], $0x2800, $0x38;
	[tilespmem:$0x1A800] =	vst v63  }
0x11: {  	_ =	swait.ge [sflag:s9], $0x2800  }
0x12: {  	[sflag:s9] =	ssyncset.done $0x0  }
0x13: {  	s0 =	simm.s32 $0x2800;
	s30 =	simm.s32 $0x6800;
	[sflag:s9] =	ssyncadd.s32 $0xFFFFD800  }
0x14: {  	[tilespmem:s0], [sflag:$0x1] =	stream.indirect.gather [hbm4b:s2+s10], $0x80, s3, s10, $0xb8;
	[tilespmem:$0x1A800] =	vst v63  }
0x15: {  	s31 =	simm.s32 $0x100;
	p1 =	sle.u32 s6, $0x0;
	p0 =	sle.u32 s6, $0x3  }
0x16: {  	[tilespmem:s30], [sflag:$0x2] =	stream.indirect.gather [hbm4b:s2+s10], $0x80, s10, s10, $0xb8;
	[tilespmem:$0x1A800] =	vst v63  }
0x17: {  	s1 =	simm.s32 $0xA800;
	p2 =	por @!p0 $0x1, $0x1;
	s0 =	simm.s32 @!p1 $0x1  }
0x18: {  	[tilespmem:s1], [sflag:$0x3] =	stream.indirect.gather [hbm4b:s2+s10], $0x80, s31, s10, $0xb8;
	[tilespmem:$0x1A800] =	vst v63  }
0x19: {  	s22 =	simm.s32 @!p1 $0x2800;
	p2 =	por p2, p0;
	_ =	swait.ge @!p1 [sflag:s0], $0x4000  }
0x1a: {  	s23 =	simm.s32 @!p2 $0xA;
	s1 =	rddreg [dreg:$0x3];
	[sflag:s0] =	ssyncset.done @!p1 $0x0  }
0x1b: {  	[sflag:s0] =	ssyncadd.s32 @!p1 $0xFFFFC000;
	s0 =	simm.s32 @!p1 $0x0;
	s1 =	sadd.s32 @!p1 s4, s1  }
0x1c: {  	[hbm4b:s1+s0] =	stream.linear.scatter @!p1 [tilespmem:s22], [sflag:$0x7], $0x4000, $0x38;
	[tilespmem:$0x1A800] =	vst v63  }
0x1d: {  	s0 =	simm.s32 @!p0 $0x80;
	s1 =	simm.s32 @!p0 $0xE800;
	_ =	swait.ge @!p2 [sflag:s23], $0x4000  }
0x1e: {  	s22 =	simm.s32 @!p0 $0x180;
	p1 =	sle.u32 s6, $0x4;
	[sflag:s23] =	ssyncset.done @!p2 $0x0  }
0x1f: {  	p3 =	por @!p1 $0x1, $0x1;
	[sflag:s23] =	ssyncadd.s32 @!p2 $0xFFFFC000;
	p2 =	sle.u32 s6, $0x1  }
0x20: {  	[tilespmem:s1], [sflag:$0x4] =	stream.indirect.gather @!p0 [hbm4b:s2+s0], $0x80, s22, s0, $0xb8;
	[tilespmem:$0x1A800] =	vst v63  }
0x21: {  	p4 =	por p3, p1;
	s0 =	simm.s32 @!p2 $0x2  }
0x22: {  	p3 =	sle.u32 s6, $0x2;
	s24 =	simm.s32 @!p4 $0xB;
	_ =	swait.ge @!p2 [sflag:s0], $0x4000  }
0x23: {  	s22 =	sadd.s32 @!p2 s4, s5;
	s23 =	simm.s32 @!p2 $0x0;
	[sflag:s0] =	ssyncset.done @!p2 $0x0  }
0x24: {  	s22 =	sadd.s32 @!p2 $0x800, s22;
	[sflag:s0] =	ssyncadd.s32 @!p2 $0xFFFFC000;
	s0 =	simm.s32 @!p2 $0x6800  }
0x25: {  	[hbm4b:s22+s23] =	stream.linear.scatter @!p2 [tilespmem:s0], [sflag:$0x8], $0x4000, $0x38;
	[tilespmem:$0x1A800] =	vst v63  }
0x26: {  	s0 =	simm.s32 @!p1 $0x12800;
	s22 =	simm.s32 @!p1 $0x200;
	_ =	swait.ge @!p4 [sflag:s24], $0x4000  }
0x27: {  	s23 =	simm.s32 @!p1 $0x80;
	p2 =	sle.u32 s6, $0x5;
	[sflag:s24] =	ssyncset.done @!p4 $0x0  }
0x28: {  	[sflag:s24] =	ssyncadd.s32 @!p4 $0xFFFFC000;
	s24 =	simm.s32 @!p3 $0x3;
	p4 =	por @!p2 $0x1, $0x1  }
0x29: {  	[tilespmem:s0], [sflag:$0x5] =	stream.indirect.gather @!p1 [hbm4b:s2+s23], $0x80, s22, s23, $0xb8;
	[tilespmem:$0x1A800] =	vst v63  }
0x2a: {  	s23 =	simm.s32 @!p3 $0x0;
	p4 =	por p4, p2;
	_ =	swait.ge @!p3 [sflag:s24], $0x4000  }
0x2b: {  	s25 =	simm.s32 @!p4 $0xC;
	s22 =	rddreg [dreg:$0x4];
	[sflag:s24] =	ssyncset.done @!p3 $0x0  }
0x2c: {  	[sflag:s24] =	ssyncadd.s32 @!p3 $0xFFFFC000;
	s24 =	simm.s32 @!p3 $0xA800;
	s22 =	sadd.s32 @!p3 s4, s22  }
0x2d: {  	[hbm4b:s22+s23] =	stream.linear.scatter @!p3 [tilespmem:s24], [sflag:$0x9], $0x4000, $0x38;
	[tilespmem:$0x1A800] =	vst v63  }
0x2e: {  	_ =	swait.ge @!p4 [sflag:s25], $0x4000  }
0x2f: {  	s26 =	simm.s32 @!p0 $0x4;
	s22 =	simm.s32 @!p2 $0x80;
	[sflag:s25] =	ssyncset.done @!p4 $0x0  }
0x30: {  	s24 =	simm.s32 @!p2 $0x16800;
	s23 =	simm.s32 @!p2 $0x280;
	[sflag:s25] =	ssyncadd.s32 @!p4 $0xFFFFC000  }
0x31: {  	[tilespmem:s24], [sflag:$0x6] =	stream.indirect.gather @!p2 [hbm4b:s2+s22], $0x80, s23, s22, $0xb8;
	[tilespmem:$0x1A800] =	vst v63  }
0x32: {  	p3 =	sle.u32 s6, $0x6;
	_ =	swait.ge @!p0 [sflag:s26], $0x4000  }
0x33: {  	s25 =	simm.s32 @!p3 $0x7;
	s22 =	sadd.s32 @!p0 s4, s5;
	[sflag:s26] =	ssyncset.done @!p0 $0x0  }
0x34: {  	s23 =	simm.s32 @!p0 $0x0;
	s22 =	sadd.s32 @!p0 $0x1800, s22;
	[sflag:s26] =	ssyncadd.s32 @!p0 $0xFFFFC000  }
0x35: {  	[hbm4b:s22+s23] =	stream.linear.scatter @!p0 [tilespmem:s1], [sflag:$0xA], $0x4000, $0x38;
	[tilespmem:$0x1A800] =	vst v63  }
0x36: {  	_ =	swait.ge @!p3 [sflag:s25], $0x4000  }
0x37: {  	s1 =	simm.s32 @!p3 $0x2800;
	s22 =	simm.s32 @!p3 $0x300;
	[sflag:s25] =	ssyncset.done @!p3 $0x0  }
0x38: {  	s23 =	simm.s32 @!p3 $0x80;
	[sflag:s25] =	ssyncadd.s32 @!p3 $0xFFFFC000;
	s25 =	simm.s32 @!p1 $0x5  }
0x39: {  	[tilespmem:s1], [sflag:$0x1] =	stream.indirect.gather @!p3 [hbm4b:s2+s23], $0x80, s22, s23, $0xb8;
	[tilespmem:$0x1A800] =	vst v63  }
0x3a: {  	p0 =	sle.u32 s6, $0x7;
	_ =	swait.ge @!p1 [sflag:s25], $0x4000  }
0x3b: {  	s22 =	simm.s32 @!p1 $0x0;
	s1 =	rddreg [dreg:$0x5];
	[sflag:s25] =	ssyncset.done @!p1 $0x0  }
0x3c: {  	s23 =	simm.s32 @!p0 $0x8;
	[sflag:s25] =	ssyncadd.s32 @!p1 $0xFFFFC000;
	s1 =	sadd.s32 @!p1 s4, s1  }
0x3d: {  	[hbm4b:s1+s22] =	stream.linear.scatter @!p1 [tilespmem:s0], [sflag:$0xB], $0x4000, $0x38;
	[tilespmem:$0x1A800] =	vst v63  }
0x3e: {  	s29 =	simm.s32 $0x400;
	s26 =	simm.s32 $0x6;
	_ =	swait.ge @!p0 [sflag:s23], $0x4000  }
0x3f: {  	s25 =	simm.s32 @!p2 $0x6;
	s0 =	simm.s32 @!p0 $0x6800;
	[sflag:s23] =	ssyncset.done @!p0 $0x0  }
0x40: {  	s1 =	simm.s32 @!p0 $0x380;
	s22 =	simm.s32 @!p0 $0x80;
	[sflag:s23] =	ssyncadd.s32 @!p0 $0xFFFFC000  }
0x41: {  	[tilespmem:s0], [sflag:$0x2] =	stream.indirect.gather @!p0 [hbm4b:s2+s22], $0x80, s1, s22, $0xb8;
	[tilespmem:$0x1A800] =	vst v63  }
0x42: {  	p1 =	sle.u32 s6, $0x8;
	s23 =	simm.s32 $0xE;
	_ =	swait.ge @!p2 [sflag:s25], $0x4000  }
0x43: {  	s0 =	sadd.s32 @!p2 s4, s5;
	s1 =	simm.s32 @!p2 $0x0;
	[sflag:s25] =	ssyncset.done @!p2 $0x0  }
0x44: {  	s22 =	simm.s32 $0x700;
	s0 =	sadd.s32 @!p2 $0x2800, s0;
	[sflag:s25] =	ssyncadd.s32 @!p2 $0xFFFFC000  }
0x45: {  	[hbm4b:s0+s1] =	stream.linear.scatter @!p2 [tilespmem:s24], [sflag:$0xC], $0x4000, $0x38;
	[tilespmem:$0x1A800] =	vst v63  }
0x46: {  	s25 =	simm.s32 $0x14;
	s24 =	sadd.s32 $0x3000, s4;
	s1 =	simm.s32 @!p1 $0x9  }
.LBB2_2:
0x47: {  	p2 =	sge.u32 s26, s6  }
0x48: {  	_ =	swait.ge @!p1 [sflag:s1], $0x4000;
	s0 =	simm.s32 @!p1 $0xA800;
	s26 =	smov.u32 s23  }
0x49: {  	s31 =	simm.s32 @!p1 $0x80;
	s30 =	simm.s32 @!p2 $0x1;
	[sflag:s1] =	ssyncset.done @!p1 $0x0  }
0x4a: {  	s11 =	sadd.s32 $0xFFFFFFFB, s26;
	s12 =	sadd.s32 $0xFFFFFFFC, s26;
	[sflag:s1] =	ssyncadd.s32 @!p1 $0xFFFFC000  }
0x4b: {  	[tilespmem:s0], [sflag:$0x3] =	stream.indirect.gather @!p1 [hbm4b:s2+s31], $0x80, s29, s31, $0xb8;
	[tilespmem:$0x1A800] =	vst v63  }
0x4c: {  	s13 =	sadd.s32 $0xFFFFFFFA, s26;
	p1 =	sge.u32 s11, s6;
	s0 =	simm.s32 @!p2 $0x2800  }
0x4d: {  	s31 =	simm.s32 @!p2 $0x0;
	_ =	swait.ge @!p2 [sflag:s30], $0x4000;
	p3 =	seq.s32 @!p1 s26, $0x8  }
0x4e: {  	s29 =	sadd.s32 @!p1 s24, s5;
	[sflag:s30] =	ssyncset.done @!p2 $0x0;
	s1 =	rddreg [dreg:$0x3]  }
0x4f: {  	p3 =	por p3, p1;
	[sflag:s30] =	ssyncadd.s32 @!p2 $0xFFFFC000;
	s1 =	sadd.s32 @!p2 s24, s1  }
0x50: {  	s11 =	simm.s32 @!p3 $0xA;
	s30 =	sadd.s32 @!p1 $0x1800, s29;
	s29 =	sadd.s32 $0xFFFFFFF9, s26  }
0x51: {  	[hbm4b:s1+s31] =	stream.linear.scatter @!p2 [tilespmem:s0], [sflag:$0x7], $0x4000, $0x38;
	[tilespmem:$0x1A800] =	vst v63  }
0x52: {  	s0 =	simm.s32 @!p1 $0x80;
	p2 =	sge.u32 s12, s6;
	_ =	swait.ge @!p3 [sflag:s11], $0x4000  }
0x53: {  	s31 =	simm.s32 @!p1 $0xE800;
	p4 =	seq.s32 @!p2 s26, $0x8;
	[sflag:s11] =	ssyncset.done @!p3 $0x0  }
0x54: {  	[sflag:s11] =	ssyncadd.s32 @!p3 $0xFFFFC000;
	s11 =	sadd.s32 @!p1 $0xFFFFFD80, s22;
	p3 =	sge.u32 s29, s6  }
0x55: {  	[tilespmem:s31], [sflag:$0x4] =	stream.indirect.gather @!p1 [hbm4b:s2+s0], $0x80, s11, s0, $0xb8;
	[tilespmem:$0x1A800] =	vst v63  }
0x56: {  	s14 =	sadd.s32 $0xFFFFFFFD, s26;
	p5 =	por p4, p2;
	s0 =	simm.s32 @!p3 $0x2  }
0x57: {  	p4 =	sge.u32 s13, s6;
	s11 =	sadd.s32 @!p3 s24, s5;
	_ =	swait.ge @!p3 [sflag:s0], $0x4000  }
0x58: {  	s29 =	simm.s32 @!p5 $0xB;
	s1 =	sadd.s32 @!p3 $0x800, s11;
	[sflag:s0] =	ssyncset.done @!p3 $0x0  }
0x59: {  	s11 =	simm.s32 @!p3 $0x0;
	[sflag:s0] =	ssyncadd.s32 @!p3 $0xFFFFC000;
	s0 =	simm.s32 @!p3 $0x6800  }
0x5a: {  	[hbm4b:s1+s11] =	stream.linear.scatter @!p3 [tilespmem:s0], [sflag:$0x8], $0x4000, $0x38;
	[tilespmem:$0x1A800] =	vst v63  }
0x5b: {  	s12 =	simm.s32 @!p4 $0x3;
	s1 =	simm.s32 @!p2 $0x12800;
	_ =	swait.ge @!p5 [sflag:s29], $0x4000  }
0x5c: {  	s11 =	sadd.s32 @!p2 $0xFFFFFE00, s22;
	p3 =	sge.u32 s14, s6;
	[sflag:s29] =	ssyncset.done @!p5 $0x0  }
0x5d: {  	s0 =	simm.s32 @!p2 $0x80;
	[sflag:s29] =	ssyncadd.s32 @!p5 $0xFFFFC000;
	p5 =	seq.s32 @!p3 s26, $0x8  }
0x5e: {  	[tilespmem:s1], [sflag:$0x5] =	stream.indirect.gather @!p2 [hbm4b:s2+s0], $0x80, s11, s0, $0xb8;
	[tilespmem:$0x1A800] =	vst v63  }
0x5f: {  	s0 =	simm.s32 @!p4 $0x0;
	p5 =	por p5, p3;
	_ =	swait.ge @!p4 [sflag:s12], $0x4000  }
0x60: {  	s13 =	simm.s32 @!p5 $0xC;
	[sflag:s12] =	ssyncset.done @!p4 $0x0;
	s11 =	rddreg [dreg:$0x4]  }
0x61: {  	[sflag:s12] =	ssyncadd.s32 @!p4 $0xFFFFC000;
	s12 =	simm.s32 @!p4 $0xA800;
	s11 =	sadd.s32 @!p4 s24, s11  }
0x62: {  	[hbm4b:s11+s0] =	stream.linear.scatter @!p4 [tilespmem:s12], [sflag:$0x9], $0x4000, $0x38;
	[tilespmem:$0x1A800] =	vst v63  }
0x63: {  	_ =	swait.ge @!p5 [sflag:s13], $0x4000  }
0x64: {  	s14 =	simm.s32 @!p1 $0x4;
	s11 =	simm.s32 @!p3 $0x80;
	[sflag:s13] =	ssyncset.done @!p5 $0x0  }
0x65: {  	s0 =	simm.s32 @!p3 $0x16800;
	s12 =	sadd.s32 @!p3 $0xFFFFFE80, s22;
	[sflag:s13] =	ssyncadd.s32 @!p5 $0xFFFFC000  }
0x66: {  	[tilespmem:s0], [sflag:$0x6] =	stream.indirect.gather @!p3 [hbm4b:s2+s11], $0x80, s12, s11, $0xb8;
	[tilespmem:$0x1A800] =	vst v63  }
0x67: {  	s13 =	sadd.s32 $0xFFFFFFFE, s26;
	_ =	swait.ge @!p1 [sflag:s14], $0x4000  }
0x68: {  	s23 =	smov.u32 s25;
	p4 =	sge.u32 s13, s6;
	[sflag:s14] =	ssyncset.done @!p1 $0x0  }
0x69: {  	s12 =	simm.s32 @!p1 $0x0;
	s11 =	simm.s32 @!p4 $0x7;
	[sflag:s14] =	ssyncadd.s32 @!p1 $0xFFFFC000  }
0x6a: {  	[hbm4b:s30+s12] =	stream.linear.scatter @!p1 [tilespmem:s31], [sflag:$0xA], $0x4000, $0x38;
	[tilespmem:$0x1A800] =	vst v63  }
0x6b: {  	s28 =	smov.u32 s24;
	s13 =	sadd.s32 @!p4 $0xFFFFFF00, s22;
	_ =	swait.ge @!p4 [sflag:s11], $0x4000  }
0x6c: {  	s14 =	simm.s32 @!p4 $0x80;
	s12 =	simm.s32 @!p4 $0x2800;
	[sflag:s11] =	ssyncset.done @!p4 $0x0  }
0x6d: {  	s31 =	sadd.s32 $0xFFFFFFFF, s26;
	[sflag:s11] =	ssyncadd.s32 @!p4 $0xFFFFC000;
	s11 =	simm.s32 @!p2 $0x5  }
0x6e: {  	[tilespmem:s12], [sflag:$0x1] =	stream.indirect.gather @!p4 [hbm4b:s2+s14], $0x80, s13, s14, $0xb8;
	[tilespmem:$0x1A800] =	vst v63  }
0x6f: {  	s25 =	sadd.s32 $0x6, s25;
	p1 =	sge.u32 s31, s6;
	_ =	swait.ge @!p2 [sflag:s11], $0x4000  }
0x70: {  	s13 =	simm.s32 @!p2 $0x0;
	[sflag:s11] =	ssyncset.done @!p2 $0x0;
	s12 =	rddreg [dreg:$0x5]  }
0x71: {  	[sflag:s11] =	ssyncadd.s32 @!p2 $0xFFFFC000;
	s11 =	sadd.s32 @!p2 s24, s12;
	s12 =	simm.s32 @!p1 $0x8  }
0x72: {  	[hbm4b:s11+s13] =	stream.linear.scatter @!p2 [tilespmem:s1], [sflag:$0xB], $0x4000, $0x38;
	[tilespmem:$0x1A800] =	vst v63  }
0x73: {  	p0 =	sne.s32 s25, $0x5C;
	s29 =	smov.u32 s22;
	_ =	swait.ge @!p1 [sflag:s12], $0x4000  }
0x74: {  	s22 =	sadd.s32 $0x300, s22;
	s1 =	simm.s32 @!p1 $0x6800;
	[sflag:s12] =	ssyncset.done @!p1 $0x0  }
0x75: {  	s11 =	sadd.s32 @!p1 $0xFFFFFF80, s29;
	s13 =	simm.s32 @!p1 $0x80;
	[sflag:s12] =	ssyncadd.s32 @!p1 $0xFFFFC000  }
0x76: {  	[tilespmem:s1], [sflag:$0x2] =	stream.indirect.gather @!p1 [hbm4b:s2+s13], $0x80, s11, s13, $0xb8;
	[tilespmem:$0x1A800] =	vst v63  }
.Ltmp0:
0x77: {  	s24 =	sadd.s32 $0x3000, s24;
	s12 =	simm.s32 @!p3 $0x6;
	(pc) =	sbr.rel @p0 .LBB2_2-.Ltmp0, $4  }
0x78: {  	s1 =	sadd.s32 @!p3 s28, s5;
	p1 =	sge.u32 s26, s6;
	_ =	swait.ge @!p3 [sflag:s12], $0x4000  }
0x79: {  	s13 =	simm.s32 @!p3 $0x0;
	s26 =	sadd.s32 $0xFFFFFFF8, s23;
	[sflag:s12] =	ssyncset.done @!p3 $0x0  }
0x7a: {  	s11 =	sadd.s32 @!p3 $0x2800, s1;
	s1 =	simm.s32 @!p1 $0x9;
	[sflag:s12] =	ssyncadd.s32 @!p3 $0xFFFFC000  }
0x7b: {  	[hbm4b:s11+s13] =	stream.linear.scatter @!p3 [tilespmem:s0], [sflag:$0xC], $0x4000, $0x38;
	[tilespmem:$0x1A800] =	vst v63  }
0x7c: {  	_ =	swait.ge @!p1 [sflag:s1], $0x4000  }
0x7d: {  	p2 =	sge.u32 s26, s6;
	s0 =	simm.s32 @!p1 $0xA800;
	s12 =	simm.s32 @!p1 $0x80  }
0x7e: {  	s25 =	sadd.s32 $0xFFFFFFFB, s23;
	s26 =	sadd.s32 $0xFFFFFFFC, s23;
	[sflag:s1] =	ssyncset.done @!p1 $0x0  }
0x7f: {  	s13 =	sadd.s32 $0xFFFFFFF9, s23;
	p0 =	sge.u32 s25, s6;
	[sflag:s1] =	ssyncadd.s32 @!p1 $0xFFFFC000  }
0x80: {  	[tilespmem:s0], [sflag:$0x3] =	stream.indirect.gather @!p1 [hbm4b:s2+s12], $0x80, s29, s12, $0xb8;
	[tilespmem:$0x1A800] =	vst v63  }
0x81: {  	s28 =	sadd.s32 $0xFFFFFFFA, s23;
	s11 =	simm.s32 @!p2 $0x1;
	p1 =	seq.s32 @!p0 s23, $0x8  }
0x82: {  	s0 =	simm.s32 @!p2 $0x2800;
	_ =	swait.ge @!p2 [sflag:s11], $0x4000;
	p1 =	por p1, p0  }
0x83: {  	s1 =	rddreg [dreg:$0x3];
	[sflag:s11] =	ssyncset.done @!p2 $0x0;
	s12 =	simm.s32 @!p1 $0xA  }
0x84: {  	[sflag:s11] =	ssyncadd.s32 @!p2 $0xFFFFC000;
	s11 =	simm.s32 @!p2 $0x0;
	s1 =	sadd.s32 @!p2 s24, s1  }
0x85: {  	[hbm4b:s1+s11] =	stream.linear.scatter @!p2 [tilespmem:s0], [sflag:$0x7], $0x4000, $0x38;
	[tilespmem:$0x1A800] =	vst v63  }
0x86: {  	s29 =	sadd.s32 $0xFFFFFFFD, s23;
	s0 =	simm.s32 @!p0 $0x80;
	_ =	swait.ge @!p1 [sflag:s12], $0x4000  }
0x87: {  	s11 =	simm.s32 @!p0 $0xE800;
	p2 =	sge.u32 s13, s6;
	[sflag:s12] =	ssyncset.done @!p1 $0x0  }
0x88: {  	[sflag:s12] =	ssyncadd.s32 @!p1 $0xFFFFC000;
	s12 =	sadd.s32 @!p0 $0xFFFFFD80, s22;
	p1 =	sge.u32 s26, s6  }
0x89: {  	[tilespmem:s11], [sflag:$0x4] =	stream.indirect.gather @!p0 [hbm4b:s2+s0], $0x80, s12, s0, $0xb8;
	[tilespmem:$0x1A800] =	vst v63  }
0x8a: {  	s0 =	simm.s32 @!p2 $0x2;
	s12 =	sadd.s32 @!p2 s24, s5;
	p3 =	seq.s32 @!p1 s23, $0x8  }
0x8b: {  	_ =	swait.ge @!p2 [sflag:s0], $0x4000;
	s1 =	sadd.s32 @!p2 $0x800, s12;
	s12 =	simm.s32 @!p2 $0x0  }
0x8c: {  	p4 =	por p3, p1;
	p3 =	sge.u32 s28, s6;
	[sflag:s0] =	ssyncset.done @!p2 $0x0  }
0x8d: {  	s13 =	simm.s32 @!p4 $0xB;
	[sflag:s0] =	ssyncadd.s32 @!p2 $0xFFFFC000;
	s0 =	simm.s32 @!p2 $0x6800  }
0x8e: {  	[hbm4b:s1+s12] =	stream.linear.scatter @!p2 [tilespmem:s0], [sflag:$0x8], $0x4000, $0x38;
	[tilespmem:$0x1A800] =	vst v63  }
0x8f: {  	s0 =	simm.s32 @!p1 $0x12800;
	s12 =	sadd.s32 @!p1 $0xFFFFFE00, s22;
	_ =	swait.ge @!p4 [sflag:s13], $0x4000  }
0x90: {  	s1 =	simm.s32 @!p1 $0x80;
	p2 =	sge.u32 s29, s6;
	[sflag:s13] =	ssyncset.done @!p4 $0x0  }
0x91: {  	[sflag:s13] =	ssyncadd.s32 @!p4 $0xFFFFC000;
	s13 =	simm.s32 @!p3 $0x3;
	p4 =	seq.s32 @!p2 s23, $0x8  }
0x92: {  	[tilespmem:s0], [sflag:$0x5] =	stream.indirect.gather @!p1 [hbm4b:s2+s1], $0x80, s12, s1, $0xb8;
	[tilespmem:$0x1A800] =	vst v63  }
0x93: {  	s1 =	simm.s32 @!p3 $0x0;
	p4 =	por p4, p2;
	_ =	swait.ge @!p3 [sflag:s13], $0x4000  }
0x94: {  	s14 =	simm.s32 @!p4 $0xC;
	s12 =	rddreg [dreg:$0x4];
	[sflag:s13] =	ssyncset.done @!p3 $0x0  }
0x95: {  	[sflag:s13] =	ssyncadd.s32 @!p3 $0xFFFFC000;
	s13 =	simm.s32 @!p3 $0xA800;
	s12 =	sadd.s32 @!p3 s24, s12  }
0x96: {  	[hbm4b:s12+s1] =	stream.linear.scatter @!p3 [tilespmem:s13], [sflag:$0x9], $0x4000, $0x38;
	[tilespmem:$0x1A800] =	vst v63  }
0x97: {  	s30 =	sadd.s32 $0xFFFFFFFE, s23;
	_ =	swait.ge @!p4 [sflag:s14], $0x4000  }
0x98: {  	s25 =	simm.s32 @!p0 $0x4;
	s1 =	simm.s32 @!p2 $0x80;
	[sflag:s14] =	ssyncset.done @!p4 $0x0  }
0x99: {  	s12 =	simm.s32 @!p2 $0x16800;
	s13 =	sadd.s32 @!p2 $0xFFFFFE80, s22;
	[sflag:s14] =	ssyncadd.s32 @!p4 $0xFFFFC000  }
0x9a: {  	[tilespmem:s12], [sflag:$0x6] =	stream.indirect.gather @!p2 [hbm4b:s2+s1], $0x80, s13, s1, $0xb8;
	[tilespmem:$0x1A800] =	vst v63  }
0x9b: {  	p3 =	sge.u32 s30, s6;
	_ =	swait.ge @!p0 [sflag:s25], $0x4000  }
0x9c: {  	s14 =	simm.s32 @!p3 $0x7;
	s1 =	sadd.s32 @!p0 s24, s5;
	[sflag:s25] =	ssyncset.done @!p0 $0x0  }
0x9d: {  	s13 =	simm.s32 @!p0 $0x0;
	s1 =	sadd.s32 @!p0 $0x1800, s1;
	[sflag:s25] =	ssyncadd.s32 @!p0 $0xFFFFC000  }
0x9e: {  	[hbm4b:s1+s13] =	stream.linear.scatter @!p0 [tilespmem:s11], [sflag:$0xA], $0x4000, $0x38;
	[tilespmem:$0x1A800] =	vst v63  }
0x9f: {  	s31 =	sadd.s32 $0xFFFFFFFF, s23;
	_ =	swait.ge @!p3 [sflag:s14], $0x4000  }
0xa0: {  	s1 =	simm.s32 @!p3 $0x2800;
	s11 =	sadd.s32 @!p3 $0xFFFFFF00, s22;
	[sflag:s14] =	ssyncset.done @!p3 $0x0  }
0xa1: {  	s13 =	simm.s32 @!p3 $0x80;
	[sflag:s14] =	ssyncadd.s32 @!p3 $0xFFFFC000;
	s14 =	simm.s32 @!p1 $0x5  }
0xa2: {  	[tilespmem:s1], [sflag:$0x1] =	stream.indirect.gather @!p3 [hbm4b:s2+s13], $0x80, s11, s13, $0xb8;
	[tilespmem:$0x1A800] =	vst v63  }
0xa3: {  	p0 =	sge.u32 s31, s6;
	_ =	swait.ge @!p1 [sflag:s14], $0x4000  }
0xa4: {  	s11 =	simm.s32 @!p1 $0x0;
	s1 =	rddreg [dreg:$0x5];
	[sflag:s14] =	ssyncset.done @!p1 $0x0  }
0xa5: {  	s13 =	simm.s32 @!p0 $0x8;
	[sflag:s14] =	ssyncadd.s32 @!p1 $0xFFFFC000;
	s1 =	sadd.s32 @!p1 s24, s1  }
0xa6: {  	[hbm4b:s1+s11] =	stream.linear.scatter @!p1 [tilespmem:s0], [sflag:$0xB], $0x4000, $0x38;
	[tilespmem:$0x1A800] =	vst v63  }
0xa7: {  	_ =	swait.ge @!p0 [sflag:s13], $0x4000  }
0xa8: {  	s0 =	simm.s32 @!p0 $0x6800;
	s1 =	sadd.s32 @!p0 $0xFFFFFF80, s22;
	[sflag:s13] =	ssyncset.done @!p0 $0x0  }
0xa9: {  	s11 =	simm.s32 @!p0 $0x80;
	[sflag:s13] =	ssyncadd.s32 @!p0 $0xFFFFC000;
	s13 =	simm.s32 @!p2 $0x6  }
0xaa: {  	[tilespmem:s0], [sflag:$0x2] =	stream.indirect.gather @!p0 [hbm4b:s2+s11], $0x80, s1, s11, $0xb8;
	[tilespmem:$0x1A800] =	vst v63  }
0xab: {  	s0 =	sadd.s32 @!p2 s24, s5;
	_ =	swait.ge @!p2 [sflag:s13], $0x4000  }
0xac: {  	p0 =	sge.u32 s23, s6;
	s1 =	simm.s32 @!p2 $0x0;
	[sflag:s13] =	ssyncset.done @!p2 $0x0  }
0xad: {  	s0 =	sadd.s32 @!p2 $0x2800, s0;
	s11 =	simm.s32 @!p0 $0x9;
	[sflag:s13] =	ssyncadd.s32 @!p2 $0xFFFFC000  }
0xae: {  	[hbm4b:s0+s1] =	stream.linear.scatter @!p2 [tilespmem:s12], [sflag:$0xC], $0x4000, $0x38;
	[tilespmem:$0x1A800] =	vst v63  }
0xaf: {  	_ =	swait.ge @!p0 [sflag:s11], $0x4000  }
0xb0: {  	[sflag:s11] =	ssyncset.done @!p0 $0x0  }
0xb1: {  	s0 =	simm.s32 @!p0 $0xA800;
	s1 =	simm.s32 @!p0 $0x80;
	[sflag:s11] =	ssyncadd.s32 @!p0 $0xFFFFC000  }
0xb2: {  	[tilespmem:s0], [sflag:$0x3] =	stream.indirect.gather @!p0 [hbm4b:s2+s1], $0x80, s22, s1, $0xb8;
	[tilespmem:$0x1A800] =	vst v63  }
0xb3: {  	_ =	swait.ge [sflag:s15], $0x4000  }
0xb4: {  	[sflag:s15] =	ssyncset.done $0x0  }
0xb5: {  	[sflag:s15] =	ssyncadd.s32 $0xFFFFC000  }
0xb6: {  	_ =	swait.ge [sflag:s16], $0x4000  }
0xb7: {  	[sflag:s16] =	ssyncset.done $0x0  }
0xb8: {  	[sflag:s16] =	ssyncadd.s32 $0xFFFFC000  }
0xb9: {  	_ =	swait.ge [sflag:s17], $0x4000  }
0xba: {  	[sflag:s17] =	ssyncset.done $0x0  }
0xbb: {  	[sflag:s17] =	ssyncadd.s32 $0xFFFFC000  }
0xbc: {  	_ =	swait.ge [sflag:s18], $0x4000  }
0xbd: {  	[sflag:s18] =	ssyncset.done $0x0  }
0xbe: {  	s21 =	sadd.s32 $0x1, s21;
	[sflag:s18] =	ssyncadd.s32 $0xFFFFC000  }
0xbf: {  	p0 =	sne.s32 s21, s8;
	_ =	swait.ge [sflag:s19], $0x4000  }
.Ltmp1:
0xc0: {  	[sflag:s19] =	ssyncset.done $0x0;
	(pc) =	sbr.rel @p0 .LBB2_1-.Ltmp1, $4  }
0xc1: {  	[sflag:s19] =	ssyncadd.s32 $0xFFFFC000  }
0xc2: {  	_ =	swait.ge [sflag:s20], $0x4000  }
0xc3: {  	[sflag:s20] =	ssyncset.done $0x0  }
0xc4: {  	[sflag:s20] =	ssyncadd.s32 $0xFFFFC000  }
0xc5: {  	_ =	sfence.sel $0x180000  }
0xc6: {  	[bflag:$0x0] =	sbarrier.arrive $0xFFFF  }
0xc7: {  	_ =	strace $0x90000047  }
0xc8: {  	s0 =	stileid.u32;
	[bflag:$0x2] =	sbarrier.arrive $0xFFFF  }
0xc9: {  	p0 =	sne.s32 s0, $0x0;
	s0 =	rddreg [dreg:$0x2]  }
0xca: {  	s0 =	sadd.s32 @!p0 $0x100000, s0  }
0xcb: {  	[sflag:s0] =	ssyncadd.tile.s32 @!p0 $0x1;
	_ =	shalt  }
.Lfunc_end2:
_tile_overlayer_lowered:
.L_overlay_start_2:
0xcc: {  	(tag) =	ssettag $0x2  }
0xcd: {  	s0 =	rddreg [dreg:$0x0];
	s2 =	stileid.u32  }
0xce: {  	s1 =	rddreg [dreg:$0x1];
	p0 =	sne.s32 s2, $0x0  }
0xcf: {  	s3 =	rddreg [dreg:$0x2];
	[bflag:$0x3] =	sbarrier.arrive $0xFFFF;
	s2 =	simm.s32 @!p0 $0x1C0D  }
0xd0: {  	[timem:s3], [sflag:s2] =	dma.local @!p0 [hbm:s0], s1  }
0xd1: {  	s0 =	simm.s32 @!p0 $0xD  }
0xd2: {  	_ =	swait.ge @!p0 [sflag:s0], s1  }
0xd3: {  	s1 =	ssub.s32 @!p0 $0x0, s1;
	[sflag:s0] =	ssyncset.done @!p0 $0x0  }
0xd4: {  	[sflag:s0] =	ssyncadd.s32 @!p0 s1  }
0xd5: {  	[bflag:$0x3] =	sbarrier.arrive $0xFFFF  }
0xd6: {  	_ =	shalt  }

// kernel: kernel.13.cloned.1.call-start
scs
__scs_entry_jumppad:
0x0: {  	(pc) =	sbr.rel $0x88, $3  }
0x1: {  	(tag) =	ssettag $0x0;
	lr =	simm.s32 $0x1  }
0x2: {  	[smem:$0x3F98] =	sst lr;
	_ =	strace $0xD0000000  }
0x3: {  	_ = 	snop  }
0x4: {  	_ = 	snop  }
0x5: {  	_ = 	snop  }
0x6: {  	_ = 	snop  }
0x7: {  	_ = 	snop  }
__scs_overlays_trampoline_lowered:
0x8: {  	[smem:$0x3FA7] =	sst s0  }
0x9: {  	[smem:$0x3FA8] =	sst s1  }
0xa: {  	[smem:$0x3FA9] =	sst s2  }
0xb: {  	[smem:$0x3FAA] =	sst s3  }
0xc: {  	[smem:$0x3FAB] =	sst s4  }
0xd: {  	[smem:$0x3FAC] =	sst s5  }
0xe: {  	[smem:$0x3FAD] =	sst s6  }
0xf: {  	[smem:$0x3FAE] =	sst s7  }
0x10: {  	[smem:$0x3FAF] =	sst s8  }
0x11: {  	[smem:$0x3FB0] =	sst s9;
	s0 =	simm.s32 @!p0 $0x0  }
0x12: {  	s1 =	sld [smem:$0x3F96];
	s0 =	simm.s32 @p0 $0x1  }
0x13: {  	[smem:$0x3FB1] =	sst s0;
	s0 =	simm.s32 @!p1 $0x0  }
0x14: {  	s2 =	sld [smem:$0x3F95];
	s0 =	simm.s32 @p1 $0x1  }
0x15: {  	[smem:$0x3FB2] =	sst s0;
	s0 =	simm.s32 @!p2 $0x0  }
0x16: {  	s3 =	sld [smem:$0x3FDB];
	s0 =	simm.s32 @p2 $0x1  }
0x17: {  	s4 =	simm.s32 $0x1BF5;
	[smem:$0x3FB4] =	sst s0  }
0x18: {  	s0 =	sld [smem:$0x3F97];
	_ =	swait.ge [sflag:s4], $0x0  }
0x19: {  	s7 =	sld [smem:$0x3F98]  }
0x1a: {  	s8 =	sadd.s32 $0xFFFFE003, lr  }
0x1b: {  	s9 =	sadd.s32 $0xFFFFFEF7, lr;
	s5 =	simm.s32 $0xFFFFFFFF;
	p2 =	slt.u32 s8, $0xFFFFF086  }
0x1c: {  	p1 =	slt.u32 s9, $0xF7A;
	s5 =	simm.s32 @!p2 $0x0  }
0x1d: {  	s5 =	simm.s32 @p1 $0x1;
	p0 =	seq.s32 s7, s2  }
0x1e: {  	s7 =	smul.u32 @!p0 $0xF7A, s2;
	p2 =	seq.s32 @!p0 s5, $0x0  }
0x1f: {  	s9 =	smul.u32 $0xF7A, s1;
	s8 =	simm.s32 @!p0 $0x1BF5;
	p2 =	por !p2, p0  }
0x20: {  	[sflag:s8] =	ssyncset.s32 @!p0 $0xFFFFF086;
	s6 =	sadd.s32 @!p0 s3, s7;
	s7 =	simm.s32 @!p0 $0x108  }
0x21: {  	s3 =	sadd.s32 s3, s9;
	s6 =	sadd.s32 @!p0 $0x88, s6;
	s7 =	simm.s32 @p2 $0x1082  }
0x22: {  	[simem:s7], [sflag:s8] =	dma.local @!p0 [hbm:s6], $0xF7A  }
0x23: {  	s9 =	sor.u32 $0xD0000000, s2;
	s6 =	simm.s32 $0x108;
	_ =	swait.ge @!p0 [sflag:s8], $0x0  }
0x24: {  	s3 =	sadd.s32 $0x88, s3;
	s6 =	simm.s32 @!p1 $0x1082;
	[sflag:s4] =	ssyncset.s32 $0xFFFFF086  }
0x25: {  	[simem:s6], [sflag:s4] =	dma.local [hbm:s3], $0xF7A  }
0x26: {  	[smem:$0x3F98] =	sst s1;
	(tag) =	ssettag s2;
	_ =	strace s9  }
0x27: {  	s1 =	sld [smem:$0x3FA8]  }
0x28: {  	s2 =	sld [smem:$0x3FA9]  }
0x29: {  	s4 =	sld [smem:$0x3FAB]  }
0x2a: {  	p0 =	seq.s32 s5, $0x0;
	s5 =	sld [smem:$0x3FAC]  }
0x2b: {  	s6 =	sld [smem:$0x3FAD]  }
0x2c: {  	s7 =	sld [smem:$0x3FAE]  }
0x2d: {  	s3 =	simm.s32 $0x108;
	s8 =	sld [smem:$0x3FAF]  }
0x2e: {  	s3 =	simm.s32 @!p0 $0x1082;
	s9 =	sld [smem:$0x3FB0]  }
0x2f: {  	lr =	sadd.s32 s0, s3;
	s0 =	sld [smem:$0x3FA7]  }
0x30: {  	s3 =	sld [smem:$0x3FAA]  }
0x31: {  	[smem:$0x3FB3] =	sst s10  }
0x32: {  	s10 =	sld [smem:$0x3FB1];
	_ =	sdelay $0x3  }
0x33: {  	p0 =	seq.s32 s10, $0x1;
	s10 =	sld [smem:$0x3FB3];
	_ =	sdelay $0x3  }
0x34: {  	[smem:$0x3FB3] =	sst s10  }
0x35: {  	s10 =	sld [smem:$0x3FB2];
	_ =	sdelay $0x3  }
0x36: {  	p1 =	seq.s32 s10, $0x1;
	s10 =	sld [smem:$0x3FB3];
	_ =	sdelay $0x3  }
0x37: {  	[smem:$0x3FB3] =	sst s10  }
0x38: {  	s10 =	sld [smem:$0x3FB4]  }
0x39: {  	_ = 	snop;
	(pc) =	sbr.ind lr, $3  }
0x3a: {  	_ = 	snop  }
0x3b: {  	_ = 	snop  }
0x3c: {  	p2 =	seq.s32 s10, $0x1;
	s10 =	sld [smem:$0x3FB3]  }
0x3d: {  	_ =	shalt  }
0x3e: {  	_ =	shalt  }
0x3f: {  	_ =	shalt  }
0x40: {  	_ =	shalt  }
0x41: {  	_ =	shalt  }
0x42: {  	_ =	shalt  }
0x43: {  	_ =	shalt  }
0x44: {  	_ =	shalt  }
0x45: {  	_ =	shalt  }
0x46: {  	_ =	shalt  }
0x47: {  	_ =	shalt  }
0x48: {  	_ =	shalt  }
0x49: {  	_ =	shalt  }
0x4a: {  	_ =	shalt  }
0x4b: {  	_ =	shalt  }
0x4c: {  	_ =	shalt  }
0x4d: {  	_ =	shalt  }
0x4e: {  	_ =	shalt  }
0x4f: {  	_ =	shalt  }
0x50: {  	_ =	shalt  }
0x51: {  	_ =	shalt  }
0x52: {  	_ =	shalt  }
0x53: {  	_ =	shalt  }
0x54: {  	_ =	shalt  }
0x55: {  	_ =	shalt  }
0x56: {  	_ =	shalt  }
0x57: {  	_ =	shalt  }
0x58: {  	_ =	shalt  }
0x59: {  	_ =	shalt  }
0x5a: {  	_ =	shalt  }
0x5b: {  	_ =	shalt  }
0x5c: {  	_ =	shalt  }
0x5d: {  	_ =	shalt  }
0x5e: {  	_ =	shalt  }
0x5f: {  	_ =	shalt  }
0x60: {  	_ =	shalt  }
0x61: {  	_ =	shalt  }
0x62: {  	_ =	shalt  }
0x63: {  	_ =	shalt  }
0x64: {  	_ =	shalt  }
0x65: {  	_ =	shalt  }
0x66: {  	_ =	shalt  }
0x67: {  	_ =	shalt  }
0x68: {  	_ =	shalt  }
0x69: {  	_ =	shalt  }
0x6a: {  	_ =	shalt  }
0x6b: {  	_ =	shalt  }
0x6c: {  	_ =	shalt  }
0x6d: {  	_ =	shalt  }
0x6e: {  	_ =	shalt  }
0x6f: {  	_ =	shalt  }
0x70: {  	_ =	shalt  }
0x71: {  	_ =	shalt  }
0x72: {  	_ =	shalt  }
0x73: {  	_ =	shalt  }
0x74: {  	_ =	shalt  }
0x75: {  	_ =	shalt  }
0x76: {  	_ =	shalt  }
0x77: {  	_ =	shalt  }
0x78: {  	_ =	shalt  }
0x79: {  	_ =	shalt  }
0x7a: {  	_ =	shalt  }
0x7b: {  	_ =	shalt  }
0x7c: {  	_ =	shalt  }
0x7d: {  	_ =	shalt  }
0x7e: {  	_ =	shalt  }
0x7f: {  	_ =	shalt  }
0x80: {  	_ =	shalt  }
0x81: {  	_ =	shalt  }
0x82: {  	_ =	shalt  }
0x83: {  	_ =	shalt  }
0x84: {  	_ =	shalt  }
0x85: {  	_ =	shalt  }
0x86: {  	_ =	shalt  }
0x87: {  	_ =	shalt  }
.Lfunc_end0:
.L_simem_size_0:
called_computation.1_lowered:
.L_overlay_start_0:
0x88: {  	s2 =	sld [smem:$0x3FD9]  }
0x89: {  	s3 =	sld [smem:$0x3FFE];
	_ =	sdelay $0x1  }
0x8a: {  	s1 =	srdreg.scid  }
0x8b: {  	s0 =	sand.u32 $0x1, s1  }
0x8c: {  	s16 =	sshll.u32 s0, $0xA;
	s2 =	sadd.s32 s3, s2  }
0x8d: {  	s2 =	sadd.s32 s2, s16  }
0x8e: {  	[smem:$0x3FBF] =	sst s2  }
0x8f: {  	_ = 	snop  }
0x90: {  	(tm) =	ssettm $0x1  }
0x91: {  	s17 =	sld [smem:$0x3FFB];
	_ =	sdelay $0x3  }
0x92: {  	_ =	strace s17  }
0x93: {  	s2 =	sld [smem:$0x3FFC];
	_ =	sdelay $0x3  }
0x94: {  	_ =	strace s2  }
0x95: {  	s2 =	sld [smem:$0x3FFD];
	_ =	sdelay $0x3  }
0x96: {  	_ =	strace s2  }
0x97: {  	_ =	strace $0x8FFFFFFF  }
0x98: {  	s18 =	sld [smem:$0x3FDB];
	_ =	sdelay $0x1  }
0x99: {  	s19 =	simm.s32 $_scs_section_size  }
0x9a: {  	s4 =	simm.s32 $_size__tile_overlayer_lowered;
	s5 =	simm.s32 $_tile_overlayer_lowered  }
0x9b: {  	s22 =	simm.s32 $0x1BFF;
	s21 =	sshll.u32 s5, $0x1;
	s2 =	sadd.s32 s19, s18  }
0x9c: {  	s6 =	simm.s32 $0x0;
	s20 =	sshll.u32 s4, $0x1;
	s4 =	sadd.s32 s21, s2  }
0x9d: {  	[timem:s6], [sflag:s22] =	dma.local [hbm:s4], s20  }
0x9e: {  	_ =	swait.ge [sflag:s22], s20  }
0x9f: {  	s3 =	ssub.s32 $0x0, s20;
	[sflag:s22] =	ssyncset.done $0x0  }
0xa0: {  	[sflag:s22] =	ssyncadd.s32 s3;
	_ =	sdelay $0x1  }
0xa1: {  	s23 =	simm.s32 $0x1B8B  }
0xa2: {  	_ =	swait.ge [sflag:s23], $0x1  }
0xa3: {  	[sflag:s23] =	ssyncset.done $0x0  }
0xa4: {  	s25 =	simm.s32 $0x1B8E;
	s24 =	sld [smem:$0x3FFE];
	[sflag:s23] =	ssyncadd.s32 $0xFFFFFFFF  }
0xa5: {  	s26 =	simm.s32 $execute0_lowered;
	[smem:$0x3FD2] =	sst s25  }
0xa6: {  	s4 =	sshll.u32 s26, $0x1;
	_ =	strace $0x80000049;
	[dreg:$0x1] =	wrdreg $0xFFFFFFFF  }
0xa7: {  	s28 =	simm.s32 $_size_execute0_lowered;
	s2 =	sadd.s32 s2, s4;
	[dreg:$0x0] =	wrdreg $0x0  }
0xa8: {  	s4 =	sshll.u32 s28, $0x1;
	[dreg:$0x2] =	wrdreg s2  }
0xa9: {  	[dreg:$0x3] =	wrdreg s4  }
0xaa: {  	[dreg:$0x4] =	wrdreg $0xC0  }
0xab: {  	_ =	task [dreg:s6], $0x5FFFF  }
0xac: {  	[dreg:$0x1] =	wrdreg $0xFFFFFFFF  }
0xad: {  	[dreg:$0x0] =	wrdreg $0x60  }
0xae: {  	[dreg:$0x2] =	wrdreg s24  }
0xaf: {  	[dreg:$0x3] =	wrdreg $0x82000  }
0xb0: {  	[dreg:$0x4] =	wrdreg $0x9  }
0xb1: {  	_ =	task.clear_ibuf [dreg:s6], $0x5FFFF;
	_ =	strace $0x90000049  }
0xb2: {  	s29 =	simm.s32 $0x9;
	_ =	strace $0x8000004B  }
0xb3: {  	_ =	swait.ge [sflag:s29], $0x1  }
0xb4: {  	[sflag:s29] =	ssyncadd.s32 $0xFFFFFFFF  }
0xb5: {  	_ =	strace $0x9000004B  }
0xb6: {  	_ =	sfence  }
0xb7: {  	s30 =	sld [smem:$0x0];
	_ =	sdelay $0x2  }
0xb8: {  	s31 =	sshll.u32 s1, $0xD;
	s1 =	sshrl.u32 s1, $0x2  }
0xb9: {  	s3 =	sand.u32 $0x4000, s31;
	s1 =	sadd.s32 s1, s30  }
0xba: {  	s0 =	sor.u32 s3, s0;
	s1 =	sshll.u32 s1, $0x11  }
0xbb: {  	s0 =	sor.u32 s1, s0  }
0xbc: {  	s0 =	sadd.s32 $0x8F2B, s0  }
0xbd: {  	[sflag:s0] =	ssyncadd.remote.s32 $0x1  }
0xbe: {  	_ =	sfence.sel $0xFFFF  }
0xbf: {  	[dreg:$0x0] =	wrdreg $0xFFFFFFFF;
	(pc) =	sbr.abs _section_cstart, $3  }
0xc0: {  	[dreg:$0x1] =	wrdreg $0xFFFFFFFF  }
0xc1: {  	_ =	task.clear_ibuf [dreg:s6], $0x2FFFF;
	_ =	strace $0x9FFFFFFF  }
0xc2: {  	(tm) =	ssettm $0x7FFFFFFF  }
0xc3: {  	_ =	shalt  }
tec
execute0_lowered:
.L_overlay_start_1:
0x0: {  	(tag) =	ssettag $0x1  }
0x1: {  	s0 =	rddreg [dreg:$0x0]  }
0x2: {  	s2 =	rddreg [dreg:$0x1];
	s3 =	stileid.u32  }
0x3: {  	s4 =	simm.s32 $0x0;
	s1 =	srdreg.scid;
	s31 =	smul.u32 $0x4F000, s3  }
0x4: {  	s28 =	simm.s32 $0x0;
	[smem:$0x7FF] =	sst s4;
	s14 =	smul.u32 $0x140, s3  }
0x5: {  	s1 =	sand.u32 $0x1, s1;
	s8 =	sadd.s32 $0x9E4200, s0;
	s22 =	smul.u32 $0x2780, s3  }
0x6: {  	s30 =	sshll.u32 s3, $0x1;
	s4 =	sadd.s32 $0x4EE200, s0;
	s25 =	smul.u32 $0x1400, s3  }
0x7: {  	s9 =	sadd.s32 $0xC200, s0;
	s5 =	smul.u32 $0x27800, s1;
	s6 =	sor.u32 s1, s30  }
0x8: {  	s17 =	sshll.u32 s3, $0x6;
	_ =	strace $0x8000004A;
	s7 =	smul.u32 $0xA0, s6  }
0x9: {  	[dreg:$0x5] =	wrdreg s9;
	s13 =	ssub.s32 $0x2, s1;
	s10 =	smul.u32 $0xA00, s6  }
0xa: {  	s11 =	sshrl.u32 s13, $0x1;
	s12 =	smul.u32 $0x28000, s6;
	s16 =	sshrl.u32 s31, $0x2  }
0xb: {  	s0 =	sadd.s32 s5, s0;
	s5 =	ssub.s32 s13, s11;
	s13 =	smul.u32 $0xA0, s1  }
0xc: {  	s15 =	sadd.s32 s16, s2;
	s1 =	smul.u32 $0xA00, s1;
	s18 =	sadd.s32 s4, s10  }
0xd: {  	s7 =	ssub.s32 $0x1388, s7;
	s19 =	sadd.s32 s8, s12;
	[dreg:$0x6] =	wrdreg s18  }
0xe: {  	s0 =	sadd.s32 $0xEA00, s0;
	s5 =	smax.u32 s5, $0x1;
	[dreg:$0x7] =	wrdreg s19  }
0xf: {  	s6 =	smin.u32 s7, $0xA0;
	s9 =	sadd.s32 $0x10, s18;
	[dreg:$0xa] =	wrdreg s5  }
0x10: {  	s7 =	sor.u32 $0x1C0D, s17;
	s10 =	sadd.s32 $0x400, s19;
	[dreg:$0x8] =	wrdreg s9  }
0x11: {  	s20 =	sadd.s32 s13, s14;
	s0 =	sadd.s32 s22, s0;
	[dreg:$0x9] =	wrdreg s10  }
0x12: {  	s21 =	sshll.u32 s20, $0xA;
	s24 =	sshll.u32 s20, $0x4;
	s9 =	sor.u32 $0x4, s20  }
0x13: {  	[dreg:$0xd] =	wrdreg s0;
	s10 =	sadd.s32 s24, s4;
	s9 =	sshrl.u32 s9, $0x2  }
0x14: {  	s23 =	sadd.s32 s21, s8;
	s10 =	sadd.s32 $0x50, s10;
	s26 =	sshll.u32 s9, $0x6  }
0x15: {  	s9 =	sshll.u32 s9, $0xC;
	s31 =	sadd.s32 $0x800, s23;
	[dreg:$0x4] =	wrdreg s10  }
0x16: {  	s14 =	sadd.s32 s1, s25;
	s30 =	sadd.s32 s9, s8;
	[dreg:$0xc] =	wrdreg s31  }
0x17: {  	s17 =	sshrl.u32 s15, $0x3;
	s29 =	sadd.s32 s26, s4;
	[dreg:$0xb] =	wrdreg s30  }
0x18: {  	s18 =	simm.s32 $0xD;
	s21 =	sadd.s32 $0x1400, s23;
	[dreg:$0x3] =	wrdreg s29  }
.LBB2_1:
0x19: {  	s0 =	rddreg [dreg:$0x5];
	s20 =	simm.s32 $0x0  }
0x1a: {  	s3 =	simm.s32 $0x200;
	s24 =	simm.s32 $0x80;
	s26 =	simm.s32 $0x2200  }
0x1b: {  	p0 =	sle.u32 s6, $0x3;
	p2 =	sle.u32 s6, $0x2;
	s11 =	simm.s32 $0x8  }
0x1c: {  	[spmem:s17], [sflag:s7] =	dma.local [hbm:s0], $0x2780  }
0x1d: {  	p3 =	sle.u32 s6, $0x0;
	s29 =	simm.s32 $0x40;
	_ =	swait.ge [sflag:s18], $0x2780  }
0x1e: {  	s12 =	simm.s32 $0x0;
	s13 =	smov.u32 s21;
	[sflag:s18] =	ssyncset.done $0x0  }
0x1f: {  	s30 =	simm.s32 $0x4;
	s0 =	sadd.s32 @!p0 $0x0, s14;
	[sflag:s18] =	ssyncadd.s32 $0xFFFFD880  }
0x20: {  	s5 =	simm.s32 @!p3 $0x1;
	p4 =	por @!p2 $0x1, $0x1;
	[bflag:$0x0] =	sbarrier.arrive $0xFFFF  }
0x21: {  	s15 =	simm.s32 @!p2 $0x0;
	s8 =	simm.s32 @!p2 $0x100;
	s1 =	rddreg [dreg:$0x6]  }
0x22: {  	[tilespmem:s20], [sflag:$0x1] =	stream.linear.gather [hbm4b:s1+s20], $0x80, $0x38;
	[tilespmem:$0x1BE00] =	vst v63  }
0x23: {  	p1 =	por p0, p0;
	s9 =	simm.s32 @!p3 $0x40;
	s1 =	sadd.s32 @!p0 $0x10, s0  }
0x24: {  	s22 =	rddreg [dreg:$0x7];
	s0 =	sadd.s32 @!p0 $0x30, s0;
	s1 =	sand.u32 @!p0 $0xFFFFF80, s1  }
0x25: {  	[tilespmem:s3], [sflag:$0x5] =	stream.linear.gather [hbm4b:s22+s20], $0x2000, $0x38;
	[tilespmem:$0x1BE00] =	vst v63  }
0x26: {  	s23 =	rddreg [dreg:$0x8];
	s0 =	sand.u32 @!p0 $0x70, s0;
	s1 =	sadd.s32 @!p0 s4, s1  }
0x27: {  	[tilespmem:s24], [sflag:$0x2] =	stream.linear.gather [hbm4b:s23+s20], $0x80, $0x38;
	[tilespmem:$0x1BE00] =	vst v63  }
0x28: {  	s25 =	rddreg [dreg:$0x9];
	s10 =	sadd.s32 @!p0 s0, s1;
	s0 =	sadd.s32 @!p2 $0x0, s14  }
0x29: {  	[tilespmem:s26], [sflag:$0x6] =	stream.linear.gather [hbm4b:s25+s20], $0x2000, $0x38;
	[tilespmem:$0x1BE00] =	vst v63  }
0x2a: {  	s1 =	sand.u32 @!p2 $0xFFFFF80, s0;
	s0 =	sadd.s32 @!p2 $0x20, s0;
	_ =	swait.ge @!p3 [sflag:s5], $0x80  }
0x2b: {  	s0 =	sand.u32 @!p2 $0x60, s0;
	s1 =	sadd.s32 @!p2 s4, s1;
	[sflag:s5] =	ssyncset.done @!p3 $0x0  }
0x2c: {  	s19 =	sadd.s32 @!p2 s0, s1;
	s0 =	simm.s32 @!p3 $0x5;
	[sflag:s5] =	ssyncadd.s32 @!p3 $0xFFFFFF80  }
0x2d: {  	p5 =	por p4, p2;
	p4 =	sle.u32 s6, $0x1;
	_ =	swait.ge @!p3 [sflag:s0], $0x2000  }
0x2e: {  	s22 =	simm.s32 @!p5 $0xB;
	p0 =	sle.u32 s6, $0x7;
	[sflag:s0] =	ssyncset.done @!p3 $0x0  }
0x2f: {  	s1 =	simm.s32 @!p3 $0x200;
	s5 =	simm.s32 @!p3 $0x0;
	[sflag:s0] =	ssyncadd.s32 @!p3 $0xFFFFE000  }
0x30: {  	[spmem:s2] =	stream.indirect.scatter.add.f32 @!p3 [tilespmem:s1], [sflag:$0x9], $0x80, s5, s9, $0xb8;
	[tilespmem:$0x1BE00] =	vst v63  }
0x31: {  	s20 =	simm.s32 $0x4;
	s0 =	simm.s32 $0x8;
	_ =	swait.ge @!p5 [sflag:s22], $0x2000  }
0x32: {  	s9 =	sadd.s32 @!p0 $0x40, s14;
	s5 =	simm.s32 $0x0;
	s16 =	rddreg [dreg:$0xc]  }
0x33: {  	s1 =	smov.u32 s21;
	[sflag:s22] =	ssyncset.done @!p5 $0x0;
	s31 =	rddreg [dreg:$0xb]  }
.LBB2_2:
0x34: {  	[sflag:s22] =	ssyncadd.s32 @!p5 $0xFFFFE000  }
0x35: {  	[tilespmem:s8], [sflag:$0x3] =	stream.linear.gather @!p2 [hbm4b:s19+s15], $0x80, $0x38;
	[tilespmem:$0x1BE00] =	vst v63  }
0x36: {  	s23 =	simm.s32 @!p2 $0x4200;
	s22 =	simm.s32 @!p4 $0x2  }
0x37: {  	[tilespmem:s23], [sflag:$0x7] =	stream.linear.gather @!p2 [hbm4b:s16+s15], $0x2000, $0x38;
	[tilespmem:$0x1BE00] =	vst v63  }
0x38: {  	_ =	swait.ge @!p4 [sflag:s22], $0x80  }
0x39: {  	p3 =	seq.s32 @!p1 s12, $0x0;
	s24 =	simm.s32 @!p4 $0x2200;
	[sflag:s22] =	ssyncset.done @!p4 $0x0  }
0x3a: {  	s25 =	simm.s32 @!p4 $0x40;
	s15 =	simm.s32 @!p4 $0x6;
	[sflag:s22] =	ssyncadd.s32 @!p4 $0xFFFFFF80  }
0x3b: {  	s26 =	simm.s32 @!p4 $0x80;
	s19 =	sadd.s32 @!p0 $0x10, s9;
	_ =	swait.ge @!p4 [sflag:s15], $0x2000  }
0x3c: {  	s9 =	sadd.s32 @!p0 $0x30, s9;
	p5 =	por p3, p1;
	[sflag:s15] =	ssyncset.done @!p4 $0x0  }
0x3d: {  	s19 =	sand.u32 @!p0 $0xFFFFF80, s19;
	s3 =	simm.s32 @!p5 $0xC;
	[sflag:s15] =	ssyncadd.s32 @!p4 $0xFFFFE000  }
0x3e: {  	[spmem:s2] =	stream.indirect.scatter.add.f32 @!p4 [tilespmem:s24], [sflag:$0xA], $0x80, s26, s25, $0xb8;
	[tilespmem:$0x1BE00] =	vst v63  }
0x3f: {  	s9 =	sand.u32 @!p0 $0x70, s9;
	s19 =	sadd.s32 @!p0 s4, s19;
	_ =	swait.ge @!p5 [sflag:s3], $0x2000  }
0x40: {  	s16 =	sadd.s32 $0x1000, s16;
	s19 =	sadd.s32 @!p0 s9, s19;
	[sflag:s3] =	ssyncset.done @!p5 $0x0  }
0x41: {  	s15 =	simm.s32 @!p1 $0x0;
	s24 =	simm.s32 @!p1 $0x180;
	[sflag:s3] =	ssyncadd.s32 @!p5 $0xFFFFE000  }
0x42: {  	[tilespmem:s24], [sflag:$0x4] =	stream.linear.gather @!p1 [hbm4b:s10+s15], $0x80, $0x38;
	[tilespmem:$0x1BE00] =	vst v63  }
0x43: {  	s22 =	simm.s32 @!p1 $0x6200;
	s25 =	sadd.s32 @!p1 $0xFFFFF800, s13;
	s3 =	simm.s32 @!p2 $0x3  }
0x44: {  	[tilespmem:s22], [sflag:$0x8] =	stream.linear.gather @!p1 [hbm4b:s25+s15], $0x2000, $0x38;
	[tilespmem:$0x1BE00] =	vst v63  }
0x45: {  	s9 =	smov.u32 s11;
	s11 =	sadd.s32 $0x4, s11;
	_ =	swait.ge @!p2 [sflag:s3], $0x80  }
0x46: {  	p3 =	sne.s32 s11, $0xA0;
	p4 =	sge.u32 s20, s6;
	[sflag:s3] =	ssyncset.done @!p2 $0x0  }
0x47: {  	s20 =	smov.u32 s0;
	[sflag:s3] =	ssyncadd.s32 @!p2 $0xFFFFFF80;
	s3 =	simm.s32 @!p2 $0x7  }
0x48: {  	s0 =	simm.s32 @!p2 $0x40;
	s26 =	sadd.s32 $0x5, s12;
	_ =	swait.ge @!p2 [sflag:s3], $0x2000  }
0x49: {  	s12 =	smov.u32 s30;
	s13 =	sadd.s32 $0x1000, s13;
	[sflag:s3] =	ssyncset.done @!p2 $0x0  }
0x4a: {  	p6 =	sge.u32 s12, s6;
	[sflag:s3] =	ssyncadd.s32 @!p2 $0xFFFFE000;
	s3 =	simm.s32 @!p4 $0x9  }
0x4b: {  	[spmem:s2] =	stream.indirect.scatter.add.f32 @!p2 [tilespmem:s23], [sflag:$0xB], $0x80, s8, s0, $0xb8;
	[tilespmem:$0x1BE00] =	vst v63  }
0x4c: {  	p5 =	sge.u32 s26, s6;
	s26 =	sadd.s32 $0x1, s12;
	_ =	swait.ge @!p4 [sflag:s3], $0x2000  }
0x4d: {  	s10 =	smov.u32 s19;
	[sflag:s3] =	ssyncset.done @!p4 $0x0;
	s8 =	rddreg [dreg:$0x3]  }
0x4e: {  	[sflag:s3] =	ssyncadd.s32 @!p4 $0xFFFFE000;
	s3 =	simm.s32 @!p4 $0x0;
	s8 =	sadd.s32 @!p4 s5, s8  }
0x4f: {  	[tilespmem:s3], [sflag:$0x1] =	stream.linear.gather @!p4 [hbm4b:s8+s3], $0x80, $0x38;
	[tilespmem:$0x1BE00] =	vst v63  }
0x50: {  	s19 =	simm.s32 @!p1 $0x4;
	s15 =	simm.s32 @!p4 $0x200;
	s25 =	sadd.s32 $0x2, s30  }
0x51: {  	[tilespmem:s15], [sflag:$0x5] =	stream.linear.gather @!p4 [hbm4b:s31+s3], $0x2000, $0x38;
	[tilespmem:$0x1BE00] =	vst v63  }
0x52: {  	s0 =	smov.u32 s11;
	p2 =	sge.u32 s25, s6;
	_ =	swait.ge @!p1 [sflag:s19], $0x80  }
0x53: {  	s23 =	simm.s32 @!p1 $0x8;
	s3 =	sadd.s32 @!p2 s29, s14;
	[sflag:s19] =	ssyncset.done @!p1 $0x0  }
0x54: {  	s8 =	sand.u32 @!p2 $0xFFFFF80, s3;
	s3 =	sadd.s32 @!p2 $0x20, s3;
	[sflag:s19] =	ssyncadd.s32 @!p1 $0xFFFFFF80  }
0x55: {  	s3 =	sand.u32 @!p2 $0x60, s3;
	s8 =	sadd.s32 @!p2 s4, s8;
	_ =	swait.ge @!p1 [sflag:s23], $0x2000  }
0x56: {  	p4 =	seq.s32 @!p2 s30, $0x0;
	s19 =	sadd.s32 @!p2 s3, s8;
	[sflag:s23] =	ssyncset.done @!p1 $0x0  }
0x57: {  	s3 =	simm.s32 @!p1 $0x40;
	[sflag:s23] =	ssyncadd.s32 @!p1 $0xFFFFE000;
	s23 =	simm.s32 @!p5 $0xA  }
0x58: {  	[spmem:s2] =	stream.indirect.scatter.add.f32 @!p1 [tilespmem:s22], [sflag:$0xC], $0x80, s24, s3, $0xb8;
	[tilespmem:$0x1BE00] =	vst v63  }
0x59: {  	s15 =	simm.s32 @!p2 $0x0;
	s30 =	smov.u32 s9;
	_ =	swait.ge @!p5 [sflag:s23], $0x2000  }
0x5a: {  	s9 =	simm.s32 @!p5 $0x0;
	[sflag:s23] =	ssyncset.done @!p5 $0x0;
	s3 =	rddreg [dreg:$0x4]  }
0x5b: {  	s22 =	simm.s32 @!p5 $0x80;
	[sflag:s23] =	ssyncadd.s32 @!p5 $0xFFFFE000;
	s3 =	sadd.s32 @!p5 s5, s3  }
0x5c: {  	[tilespmem:s22], [sflag:$0x2] =	stream.linear.gather @!p5 [hbm4b:s3+s9], $0x80, $0x38;
	[tilespmem:$0x1BE00] =	vst v63  }
0x5d: {  	s31 =	sadd.s32 $0x1000, s31;
	s23 =	simm.s32 @!p5 $0x2200;
	s3 =	simm.s32 @!p6 $0x1  }
0x5e: {  	[tilespmem:s23], [sflag:$0x6] =	stream.linear.gather @!p5 [hbm4b:s1+s9], $0x2000, $0x38;
	[tilespmem:$0x1BE00] =	vst v63  }
0x5f: {  	s25 =	sadd.s32 $0x3, s30;
	s8 =	simm.s32 @!p2 $0x100;
	_ =	swait.ge @!p6 [sflag:s3], $0x80  }
0x60: {  	p1 =	por p0, p0;
	s24 =	simm.s32 @!p6 $0x40;
	[sflag:s3] =	ssyncset.done @!p6 $0x0  }
0x61: {  	p0 =	sge.u32 s25, s6;
	[sflag:s3] =	ssyncadd.s32 @!p6 $0xFFFFFF80;
	s3 =	simm.s32 @!p6 $0x5  }
0x62: {  	s5 =	smov.u32 s29;
	s9 =	simm.s32 @!p6 $0x200;
	_ =	swait.ge @!p6 [sflag:s3], $0x2000  }
.Ltmp0:
0x63: {  	p5 =	por p4, p2;
	[sflag:s3] =	ssyncset.done @!p6 $0x0;
	(pc) =	sbr.rel @p3 .LBB2_2-.Ltmp0, $4  }
0x64: {  	s23 =	simm.s32 @!p6 $0x0;
	s22 =	simm.s32 @!p5 $0xB;
	[sflag:s3] =	ssyncadd.s32 @!p6 $0xFFFFE000  }
0x65: {  	[spmem:s2] =	stream.indirect.scatter.add.f32 @!p6 [tilespmem:s9], [sflag:$0x9], $0x80, s23, s24, $0xb8;
	[tilespmem:$0x1BE00] =	vst v63  }
0x66: {  	s29 =	sadd.s32 $0x40, s29;
	s1 =	smov.u32 s13;
	_ =	swait.ge @!p5 [sflag:s22], $0x2000  }
0x67: {  	p4 =	sge.u32 s26, s6;
	s9 =	sadd.s32 @!p0 s29, s14;
	[sflag:s22] =	ssyncset.done @!p5 $0x0  }
0x68: {  	[sflag:s22] =	ssyncadd.s32 @!p5 $0xFFFFE000  }
0x69: {  	[tilespmem:s8], [sflag:$0x3] =	stream.linear.gather @!p2 [hbm4b:s19+s15], $0x80, $0x38;
	[tilespmem:$0x1BE00] =	vst v63  }
0x6a: {  	s3 =	simm.s32 @!p2 $0x4200;
	s11 =	simm.s32 @!p4 $0x2  }
0x6b: {  	[tilespmem:s3], [sflag:$0x7] =	stream.linear.gather @!p2 [hbm4b:s16+s15], $0x2000, $0x38;
	[tilespmem:$0x1BE00] =	vst v63  }
0x6c: {  	_ =	swait.ge @!p4 [sflag:s11], $0x80  }
0x6d: {  	[sflag:s11] =	ssyncset.done @!p4 $0x0  }
0x6e: {  	s15 =	simm.s32 @!p4 $0x6;
	[sflag:s11] =	ssyncadd.s32 @!p4 $0xFFFFFF80  }
0x6f: {  	p3 =	seq.s32 @!p1 s12, $0x0;
	_ =	swait.ge @!p4 [sflag:s15], $0x2000  }
0x70: {  	s19 =	simm.s32 @!p4 $0x40;
	p3 =	por p3, p1;
	[sflag:s15] =	ssyncset.done @!p4 $0x0  }
0x71: {  	s11 =	simm.s32 @!p4 $0x2200;
	[sflag:s15] =	ssyncadd.s32 @!p4 $0xFFFFE000;
	s15 =	simm.s32 @!p4 $0x80  }
0x72: {  	[spmem:s2] =	stream.indirect.scatter.add.f32 @!p4 [tilespmem:s11], [sflag:$0xA], $0x80, s15, s19, $0xb8;
	[tilespmem:$0x1BE00] =	vst v63  }
0x73: {  	s11 =	simm.s32 @!p3 $0xC  }
0x74: {  	_ =	swait.ge @!p3 [sflag:s11], $0x2000  }
0x75: {  	[sflag:s11] =	ssyncset.done @!p3 $0x0  }
0x76: {  	s15 =	simm.s32 @!p1 $0x0;
	s19 =	simm.s32 @!p1 $0x180;
	[sflag:s11] =	ssyncadd.s32 @!p3 $0xFFFFE000  }
0x77: {  	[tilespmem:s19], [sflag:$0x4] =	stream.linear.gather @!p1 [hbm4b:s10+s15], $0x80, $0x38;
	[tilespmem:$0x1BE00] =	vst v63  }
0x78: {  	s11 =	simm.s32 @!p1 $0x6200;
	s10 =	sadd.s32 @!p1 $0xFFFFF800, s13  }
0x79: {  	[tilespmem:s11], [sflag:$0x8] =	stream.linear.gather @!p1 [hbm4b:s10+s15], $0x2000, $0x38;
	[tilespmem:$0x1BE00] =	vst v63  }
0x7a: {  	s10 =	simm.s32 @!p2 $0x3  }
0x7b: {  	_ =	swait.ge @!p2 [sflag:s10], $0x80  }
0x7c: {  	[sflag:s10] =	ssyncset.done @!p2 $0x0  }
0x7d: {  	[sflag:s10] =	ssyncadd.s32 @!p2 $0xFFFFFF80;
	s10 =	simm.s32 @!p2 $0x7  }
0x7e: {  	_ =	swait.ge @!p2 [sflag:s10], $0x2000  }
0x7f: {  	[sflag:s10] =	ssyncset.done @!p2 $0x0  }
0x80: {  	[sflag:s10] =	ssyncadd.s32 @!p2 $0xFFFFE000;
	s10 =	simm.s32 @!p2 $0x40  }
0x81: {  	[spmem:s2] =	stream.indirect.scatter.add.f32 @!p2 [tilespmem:s3], [sflag:$0xB], $0x80, s8, s10, $0xb8;
	[tilespmem:$0x1BE00] =	vst v63  }
0x82: {  	p2 =	sge.u32 s20, s6  }
0x83: {  	s3 =	simm.s32 @!p2 $0x9  }
0x84: {  	_ =	swait.ge @!p2 [sflag:s3], $0x2000  }
0x85: {  	s8 =	rddreg [dreg:$0x3];
	[sflag:s3] =	ssyncset.done @!p2 $0x0  }
0x86: {  	[sflag:s3] =	ssyncadd.s32 @!p2 $0xFFFFE000;
	s3 =	simm.s32 @!p2 $0x0;
	s8 =	sadd.s32 @!p2 s5, s8  }
0x87: {  	[tilespmem:s3], [sflag:$0x1] =	stream.linear.gather @!p2 [hbm4b:s8+s3], $0x80, $0x38;
	[tilespmem:$0x1BE00] =	vst v63  }
0x88: {  	s8 =	simm.s32 @!p2 $0x200  }
0x89: {  	[tilespmem:s8], [sflag:$0x5] =	stream.linear.gather @!p2 [hbm4b:s31+s3], $0x2000, $0x38;
	[tilespmem:$0x1BE00] =	vst v63  }
0x8a: {  	s3 =	simm.s32 @!p1 $0x4  }
0x8b: {  	_ =	swait.ge @!p1 [sflag:s3], $0x80  }
0x8c: {  	[sflag:s3] =	ssyncset.done @!p1 $0x0  }
0x8d: {  	[sflag:s3] =	ssyncadd.s32 @!p1 $0xFFFFFF80;
	s3 =	simm.s32 @!p1 $0x8  }
0x8e: {  	_ =	swait.ge @!p1 [sflag:s3], $0x2000  }
0x8f: {  	[sflag:s3] =	ssyncset.done @!p1 $0x0  }
0x90: {  	[sflag:s3] =	ssyncadd.s32 @!p1 $0xFFFFE000;
	s3 =	simm.s32 @!p1 $0x40  }
0x91: {  	[spmem:s2] =	stream.indirect.scatter.add.f32 @!p1 [tilespmem:s11], [sflag:$0xC], $0x80, s19, s3, $0xb8;
	[tilespmem:$0x1BE00] =	vst v63  }
0x92: {  	s19 =	sadd.s32 $0x5, s12  }
0x93: {  	p1 =	sge.u32 s19, s6  }
0x94: {  	s3 =	simm.s32 @!p1 $0xA  }
0x95: {  	_ =	swait.ge @!p1 [sflag:s3], $0x2000  }
0x96: {  	[sflag:s3] =	ssyncset.done @!p1 $0x0  }
0x97: {  	p2 =	sge.u32 s30, s6;
	s8 =	rddreg [dreg:$0x4];
	[sflag:s3] =	ssyncadd.s32 @!p1 $0xFFFFE000  }
0x98: {  	s3 =	simm.s32 @!p1 $0x0;
	s5 =	sadd.s32 @!p1 s5, s8;
	s8 =	simm.s32 @!p1 $0x80  }
0x99: {  	[tilespmem:s8], [sflag:$0x2] =	stream.linear.gather @!p1 [hbm4b:s5+s3], $0x80, $0x38;
	[tilespmem:$0x1BE00] =	vst v63  }
0x9a: {  	s5 =	simm.s32 @!p1 $0x2200;
	s8 =	simm.s32 @!p2 $0x1  }
0x9b: {  	[tilespmem:s5], [sflag:$0x6] =	stream.linear.gather @!p1 [hbm4b:s1+s3], $0x2000, $0x38;
	[tilespmem:$0x1BE00] =	vst v63  }
0x9c: {  	_ =	swait.ge @!p2 [sflag:s8], $0x80  }
0x9d: {  	[sflag:s8] =	ssyncset.done @!p2 $0x0  }
0x9e: {  	s20 =	sadd.s32 $0x2, s30;
	s1 =	simm.s32 @!p2 $0x5;
	[sflag:s8] =	ssyncadd.s32 @!p2 $0xFFFFFF80  }
0x9f: {  	p1 =	sge.u32 s20, s6;
	_ =	swait.ge @!p2 [sflag:s1], $0x2000  }
0xa0: {  	s5 =	simm.s32 @!p2 $0x200;
	p3 =	seq.s32 @!p1 s30, $0x0;
	[sflag:s1] =	ssyncset.done @!p2 $0x0  }
0xa1: {  	s8 =	simm.s32 @!p2 $0x0;
	[sflag:s1] =	ssyncadd.s32 @!p2 $0xFFFFE000;
	s1 =	simm.s32 @!p2 $0x40  }
0xa2: {  	[spmem:s2] =	stream.indirect.scatter.add.f32 @!p2 [tilespmem:s5], [sflag:$0x9], $0x80, s8, s1, $0xb8;
	[tilespmem:$0x1BE00] =	vst v63  }
0xa3: {  	s22 =	sadd.s32 $0x1, s30;
	s3 =	sadd.s32 @!p1 s29, s14;
	p2 =	por p3, p1  }
0xa4: {  	s1 =	sand.u32 @!p1 $0xFFFFF80, s3;
	s3 =	sadd.s32 @!p1 $0x20, s3;
	s5 =	simm.s32 @!p2 $0xB  }
0xa5: {  	p3 =	sge.u32 s22, s6;
	s8 =	simm.s32 @!p1 $0x100;
	_ =	swait.ge @!p2 [sflag:s5], $0x2000  }
0xa6: {  	s3 =	sand.u32 @!p1 $0x60, s3;
	s1 =	sadd.s32 @!p1 s4, s1;
	[sflag:s5] =	ssyncset.done @!p2 $0x0  }
0xa7: {  	s1 =	sadd.s32 @!p1 s3, s1;
	s3 =	simm.s32 @!p1 $0x0;
	[sflag:s5] =	ssyncadd.s32 @!p2 $0xFFFFE000  }
0xa8: {  	[tilespmem:s8], [sflag:$0x3] =	stream.linear.gather @!p1 [hbm4b:s1+s3], $0x80, $0x38;
	[tilespmem:$0x1BE00] =	vst v63  }
0xa9: {  	s10 =	simm.s32 @!p3 $0x2;
	s5 =	simm.s32 @!p1 $0x4200;
	s1 =	sadd.s32 $0x1000, s16  }
0xaa: {  	[tilespmem:s5], [sflag:$0x7] =	stream.linear.gather @!p1 [hbm4b:s1+s3], $0x2000, $0x38;
	[tilespmem:$0x1BE00] =	vst v63  }
0xab: {  	_ =	swait.ge @!p3 [sflag:s10], $0x80  }
0xac: {  	[sflag:s10] =	ssyncset.done @!p3 $0x0  }
0xad: {  	s1 =	simm.s32 @!p3 $0x6;
	[sflag:s10] =	ssyncadd.s32 @!p3 $0xFFFFFF80  }
0xae: {  	p2 =	por p0, p0;
	_ =	swait.ge @!p3 [sflag:s1], $0x2000  }
0xaf: {  	p4 =	seq.s32 @!p2 s30, $0x0;
	s3 =	simm.s32 @!p3 $0x2200;
	[sflag:s1] =	ssyncset.done @!p3 $0x0  }
0xb0: {  	s10 =	simm.s32 @!p3 $0x40;
	[sflag:s1] =	ssyncadd.s32 @!p3 $0xFFFFE000;
	s1 =	simm.s32 @!p3 $0x80  }
0xb1: {  	[spmem:s2] =	stream.indirect.scatter.add.f32 @!p3 [tilespmem:s3], [sflag:$0xA], $0x80, s1, s10, $0xb8;
	[tilespmem:$0x1BE00] =	vst v63  }
0xb2: {  	s11 =	simm.s32 @!p2 $0x180;
	p3 =	por p4, p2  }
0xb3: {  	s1 =	sadd.s32 @!p0 $0x10, s9;
	s3 =	sadd.s32 @!p0 $0x30, s9;
	s9 =	simm.s32 @!p3 $0xC  }
0xb4: {  	s10 =	simm.s32 @!p2 $0x0;
	s1 =	sand.u32 @!p0 $0xFFFFF80, s1;
	_ =	swait.ge @!p3 [sflag:s9], $0x2000  }
0xb5: {  	s3 =	sand.u32 @!p0 $0x70, s3;
	s1 =	sadd.s32 @!p0 s4, s1;
	[sflag:s9] =	ssyncset.done @!p3 $0x0  }
0xb6: {  	s1 =	sadd.s32 @!p0 s3, s1;
	s3 =	sadd.s32 $0x1000, s13;
	[sflag:s9] =	ssyncadd.s32 @!p3 $0xFFFFE000  }
0xb7: {  	[tilespmem:s11], [sflag:$0x4] =	stream.linear.gather @!p2 [hbm4b:s1+s10], $0x80, $0x38;
	[tilespmem:$0x1BE00] =	vst v63  }
0xb8: {  	s9 =	simm.s32 @!p2 $0x6200;
	s1 =	sadd.s32 @!p2 $0xFFFFF800, s3  }
0xb9: {  	[tilespmem:s9], [sflag:$0x8] =	stream.linear.gather @!p2 [hbm4b:s1+s10], $0x2000, $0x38;
	[tilespmem:$0x1BE00] =	vst v63  }
0xba: {  	s1 =	simm.s32 @!p1 $0x3  }
0xbb: {  	_ =	swait.ge @!p1 [sflag:s1], $0x80  }
0xbc: {  	[sflag:s1] =	ssyncset.done @!p1 $0x0  }
0xbd: {  	[sflag:s1] =	ssyncadd.s32 @!p1 $0xFFFFFF80;
	s1 =	simm.s32 @!p1 $0x7  }
0xbe: {  	_ =	swait.ge @!p1 [sflag:s1], $0x2000  }
0xbf: {  	p0 =	sge.u32 s0, s6;
	[sflag:s1] =	ssyncset.done @!p1 $0x0  }
0xc0: {  	s0 =	simm.s32 @!p0 $0x9;
	[sflag:s1] =	ssyncadd.s32 @!p1 $0xFFFFE000;
	s1 =	simm.s32 @!p1 $0x40  }
0xc1: {  	[spmem:s2] =	stream.indirect.scatter.add.f32 @!p1 [tilespmem:s5], [sflag:$0xB], $0x80, s8, s1, $0xb8;
	[tilespmem:$0x1BE00] =	vst v63  }
0xc2: {  	_ =	swait.ge @!p0 [sflag:s0], $0x2000  }
0xc3: {  	s1 =	rddreg [dreg:$0x3];
	[sflag:s0] =	ssyncset.done @!p0 $0x0  }
0xc4: {  	[sflag:s0] =	ssyncadd.s32 @!p0 $0xFFFFE000;
	s0 =	simm.s32 @!p0 $0x0;
	s1 =	sadd.s32 @!p0 s29, s1  }
0xc5: {  	[tilespmem:s0], [sflag:$0x1] =	stream.linear.gather @!p0 [hbm4b:s1+s0], $0x80, $0x38;
	[tilespmem:$0x1BE00] =	vst v63  }
0xc6: {  	s5 =	simm.s32 @!p0 $0x200;
	s1 =	sadd.s32 $0x1000, s31  }
0xc7: {  	[tilespmem:s5], [sflag:$0x5] =	stream.linear.gather @!p0 [hbm4b:s1+s0], $0x2000, $0x38;
	[tilespmem:$0x1BE00] =	vst v63  }
0xc8: {  	s0 =	simm.s32 @!p2 $0x4  }
0xc9: {  	_ =	swait.ge @!p2 [sflag:s0], $0x80  }
0xca: {  	[sflag:s0] =	ssyncset.done @!p2 $0x0  }
0xcb: {  	[sflag:s0] =	ssyncadd.s32 @!p2 $0xFFFFFF80;
	s0 =	simm.s32 @!p2 $0x8  }
0xcc: {  	_ =	swait.ge @!p2 [sflag:s0], $0x2000  }
0xcd: {  	s23 =	sadd.s32 $0x5, s30;
	[sflag:s0] =	ssyncset.done @!p2 $0x0  }
0xce: {  	p0 =	sge.u32 s23, s6;
	[sflag:s0] =	ssyncadd.s32 @!p2 $0xFFFFE000;
	s0 =	simm.s32 @!p2 $0x40  }
0xcf: {  	[spmem:s2] =	stream.indirect.scatter.add.f32 @!p2 [tilespmem:s9], [sflag:$0xC], $0x80, s11, s0, $0xb8;
	[tilespmem:$0x1BE00] =	vst v63  }
0xd0: {  	s0 =	simm.s32 @!p0 $0xA  }
0xd1: {  	_ =	swait.ge @!p0 [sflag:s0], $0x2000  }
0xd2: {  	s5 =	simm.s32 @!p0 $0x80;
	s1 =	rddreg [dreg:$0x4];
	[sflag:s0] =	ssyncset.done @!p0 $0x0  }
0xd3: {  	[sflag:s0] =	ssyncadd.s32 @!p0 $0xFFFFE000;
	s0 =	simm.s32 @!p0 $0x0;
	s1 =	sadd.s32 @!p0 s29, s1  }
0xd4: {  	[tilespmem:s5], [sflag:$0x2] =	stream.linear.gather @!p0 [hbm4b:s1+s0], $0x80, $0x38;
	[tilespmem:$0x1BE00] =	vst v63  }
0xd5: {  	s24 =	simm.s32 $0x9;
	s1 =	simm.s32 @!p0 $0x2200  }
0xd6: {  	[tilespmem:s1], [sflag:$0x6] =	stream.linear.gather @!p0 [hbm4b:s3+s0], $0x2000, $0x38;
	[tilespmem:$0x1BE00] =	vst v63  }
0xd7: {  	_ =	swait.ge [sflag:s24], $0x2000  }
0xd8: {  	[sflag:s24] =	ssyncset.done $0x0  }
0xd9: {  	s25 =	simm.s32 $0xA;
	[sflag:s24] =	ssyncadd.s32 $0xFFFFE000  }
0xda: {  	_ =	swait.ge [sflag:s25], $0x2000  }
0xdb: {  	[sflag:s25] =	ssyncset.done $0x0  }
0xdc: {  	s26 =	simm.s32 $0xB;
	[sflag:s25] =	ssyncadd.s32 $0xFFFFE000  }
0xdd: {  	_ =	swait.ge [sflag:s26], $0x2000  }
0xde: {  	[sflag:s26] =	ssyncset.done $0x0  }
0xdf: {  	s29 =	simm.s32 $0xC;
	[sflag:s26] =	ssyncadd.s32 $0xFFFFE000  }
0xe0: {  	_ =	swait.ge [sflag:s29], $0x2000  }
0xe1: {  	[sflag:s29] =	ssyncset.done $0x0  }
0xe2: {  	[sflag:s29] =	ssyncadd.s32 $0xFFFFE000  }
0xe3: {  	[bflag:$0x0] =	sbarrier.arrive $0xFFFF  }
0xe4: {  	s30 =	rddreg [dreg:$0xd]  }
0xe5: {  	[hbm:s30], [sflag:s7] =	dma.local [spmem:s17], $0x2780  }
0xe6: {  	_ =	swait.ge [sflag:s18], $0x2780  }
0xe7: {  	s28 =	sadd.s32 $0x1, s28;
	s31 =	rddreg [dreg:$0xa]  }
0xe8: {  	p0 =	sne.s32 s28, s31  }
.Ltmp1:
0xe9: {  	_ = 	snop;
	(pc) =	sbr.rel @p0 .LBB2_1-.Ltmp1, $3  }
0xea: {  	_ =	sdelay $0x1  }
0xeb: {  	[sflag:s18] =	ssyncset.done $0x0  }
0xec: {  	[sflag:s18] =	ssyncadd.s32 $0xFFFFD880  }
0xed: {  	_ =	sfence.sel $0x180000  }
0xee: {  	[bflag:$0x0] =	sbarrier.arrive $0xFFFF  }
0xef: {  	_ =	strace $0x9000004A  }
0xf0: {  	s0 =	stileid.u32;
	[bflag:$0x2] =	sbarrier.arrive $0xFFFF  }
0xf1: {  	p0 =	sne.s32 s0, $0x0;
	s0 =	rddreg [dreg:$0x2]  }
0xf2: {  	s0 =	sadd.s32 @!p0 $0x100000, s0  }
0xf3: {  	[sflag:s0] =	ssyncadd.tile.s32 @!p0 $0x1;
	_ =	shalt  }
.Lfunc_end2:
_tile_overlayer_lowered:
.L_overlay_start_2:
0xf4: {  	(tag) =	ssettag $0x2  }
0xf5: {  	s0 =	rddreg [dreg:$0x0];
	s2 =	stileid.u32  }
0xf6: {  	s1 =	rddreg [dreg:$0x1];
	p0 =	sne.s32 s2, $0x0  }
0xf7: {  	s3 =	rddreg [dreg:$0x2];
	[bflag:$0x3] =	sbarrier.arrive $0xFFFF;
	s2 =	simm.s32 @!p0 $0x1C0D  }
0xf8: {  	[timem:s3], [sflag:s2] =	dma.local @!p0 [hbm:s0], s1  }
0xf9: {  	s0 =	simm.s32 @!p0 $0xD  }
0xfa: {  	_ =	swait.ge @!p0 [sflag:s0], s1  }
0xfb: {  	s1 =	ssub.s32 @!p0 $0x0, s1;
	[sflag:s0] =	ssyncset.done @!p0 $0x0  }
0xfc: {  	[sflag:s0] =	ssyncadd.s32 @!p0 s1  }
0xfd: {  	[bflag:$0x3] =	sbarrier.arrive $0xFFFF  }
0xfe: {  	_ =	shalt  }

// kernel: kernel.16.cloned.1.call-start
scs
__scs_entry_jumppad:
0x0: {  	(pc) =	sbr.rel $0x88, $3  }
0x1: {  	(tag) =	ssettag $0x0;
	lr =	simm.s32 $0x1  }
0x2: {  	[smem:$0x3F98] =	sst lr;
	_ =	strace $0xD0000000  }
0x3: {  	_ = 	snop  }
0x4: {  	_ = 	snop  }
0x5: {  	_ = 	snop  }
0x6: {  	_ = 	snop  }
0x7: {  	_ = 	snop  }
__scs_overlays_trampoline_lowered:
0x8: {  	[smem:$0x3FA7] =	sst s0  }
0x9: {  	[smem:$0x3FA8] =	sst s1  }
0xa: {  	[smem:$0x3FA9] =	sst s2  }
0xb: {  	[smem:$0x3FAA] =	sst s3  }
0xc: {  	[smem:$0x3FAB] =	sst s4  }
0xd: {  	[smem:$0x3FAC] =	sst s5  }
0xe: {  	[smem:$0x3FAD] =	sst s6  }
0xf: {  	[smem:$0x3FAE] =	sst s7  }
0x10: {  	[smem:$0x3FAF] =	sst s8  }
0x11: {  	[smem:$0x3FB0] =	sst s9;
	s0 =	simm.s32 @!p0 $0x0  }
0x12: {  	s1 =	sld [smem:$0x3F96];
	s0 =	simm.s32 @p0 $0x1  }
0x13: {  	[smem:$0x3FB1] =	sst s0;
	s0 =	simm.s32 @!p1 $0x0  }
0x14: {  	s2 =	sld [smem:$0x3F95];
	s0 =	simm.s32 @p1 $0x1  }
0x15: {  	[smem:$0x3FB2] =	sst s0;
	s0 =	simm.s32 @!p2 $0x0  }
0x16: {  	s3 =	sld [smem:$0x3FDB];
	s0 =	simm.s32 @p2 $0x1  }
0x17: {  	s4 =	simm.s32 $0x1BF5;
	[smem:$0x3FB4] =	sst s0  }
0x18: {  	s0 =	sld [smem:$0x3F97];
	_ =	swait.ge [sflag:s4], $0x0  }
0x19: {  	s7 =	sld [smem:$0x3F98]  }
0x1a: {  	s8 =	sadd.s32 $0xFFFFE003, lr  }
0x1b: {  	s9 =	sadd.s32 $0xFFFFFEF7, lr;
	s5 =	simm.s32 $0xFFFFFFFF;
	p2 =	slt.u32 s8, $0xFFFFF086  }
0x1c: {  	p1 =	slt.u32 s9, $0xF7A;
	s5 =	simm.s32 @!p2 $0x0  }
0x1d: {  	s5 =	simm.s32 @p1 $0x1;
	p0 =	seq.s32 s7, s2  }
0x1e: {  	s7 =	smul.u32 @!p0 $0xF7A, s2;
	p2 =	seq.s32 @!p0 s5, $0x0  }
0x1f: {  	s9 =	smul.u32 $0xF7A, s1;
	s8 =	simm.s32 @!p0 $0x1BF5;
	p2 =	por !p2, p0  }
0x20: {  	[sflag:s8] =	ssyncset.s32 @!p0 $0xFFFFF086;
	s6 =	sadd.s32 @!p0 s3, s7;
	s7 =	simm.s32 @!p0 $0x108  }
0x21: {  	s3 =	sadd.s32 s3, s9;
	s6 =	sadd.s32 @!p0 $0x88, s6;
	s7 =	simm.s32 @p2 $0x1082  }
0x22: {  	[simem:s7], [sflag:s8] =	dma.local @!p0 [hbm:s6], $0xF7A  }
0x23: {  	s9 =	sor.u32 $0xD0000000, s2;
	s6 =	simm.s32 $0x108;
	_ =	swait.ge @!p0 [sflag:s8], $0x0  }
0x24: {  	s3 =	sadd.s32 $0x88, s3;
	s6 =	simm.s32 @!p1 $0x1082;
	[sflag:s4] =	ssyncset.s32 $0xFFFFF086  }
0x25: {  	[simem:s6], [sflag:s4] =	dma.local [hbm:s3], $0xF7A  }
0x26: {  	[smem:$0x3F98] =	sst s1;
	(tag) =	ssettag s2;
	_ =	strace s9  }
0x27: {  	s1 =	sld [smem:$0x3FA8]  }
0x28: {  	s2 =	sld [smem:$0x3FA9]  }
0x29: {  	s4 =	sld [smem:$0x3FAB]  }
0x2a: {  	p0 =	seq.s32 s5, $0x0;
	s5 =	sld [smem:$0x3FAC]  }
0x2b: {  	s6 =	sld [smem:$0x3FAD]  }
0x2c: {  	s7 =	sld [smem:$0x3FAE]  }
0x2d: {  	s3 =	simm.s32 $0x108;
	s8 =	sld [smem:$0x3FAF]  }
0x2e: {  	s3 =	simm.s32 @!p0 $0x1082;
	s9 =	sld [smem:$0x3FB0]  }
0x2f: {  	lr =	sadd.s32 s0, s3;
	s0 =	sld [smem:$0x3FA7]  }
0x30: {  	s3 =	sld [smem:$0x3FAA]  }
0x31: {  	[smem:$0x3FB3] =	sst s10  }
0x32: {  	s10 =	sld [smem:$0x3FB1];
	_ =	sdelay $0x3  }
0x33: {  	p0 =	seq.s32 s10, $0x1;
	s10 =	sld [smem:$0x3FB3];
	_ =	sdelay $0x3  }
0x34: {  	[smem:$0x3FB3] =	sst s10  }
0x35: {  	s10 =	sld [smem:$0x3FB2];
	_ =	sdelay $0x3  }
0x36: {  	p1 =	seq.s32 s10, $0x1;
	s10 =	sld [smem:$0x3FB3];
	_ =	sdelay $0x3  }
0x37: {  	[smem:$0x3FB3] =	sst s10  }
0x38: {  	s10 =	sld [smem:$0x3FB4]  }
0x39: {  	_ = 	snop;
	(pc) =	sbr.ind lr, $3  }
0x3a: {  	_ = 	snop  }
0x3b: {  	_ = 	snop  }
0x3c: {  	p2 =	seq.s32 s10, $0x1;
	s10 =	sld [smem:$0x3FB3]  }
0x3d: {  	_ =	shalt  }
0x3e: {  	_ =	shalt  }
0x3f: {  	_ =	shalt  }
0x40: {  	_ =	shalt  }
0x41: {  	_ =	shalt  }
0x42: {  	_ =	shalt  }
0x43: {  	_ =	shalt  }
0x44: {  	_ =	shalt  }
0x45: {  	_ =	shalt  }
0x46: {  	_ =	shalt  }
0x47: {  	_ =	shalt  }
0x48: {  	_ =	shalt  }
0x49: {  	_ =	shalt  }
0x4a: {  	_ =	shalt  }
0x4b: {  	_ =	shalt  }
0x4c: {  	_ =	shalt  }
0x4d: {  	_ =	shalt  }
0x4e: {  	_ =	shalt  }
0x4f: {  	_ =	shalt  }
0x50: {  	_ =	shalt  }
0x51: {  	_ =	shalt  }
0x52: {  	_ =	shalt  }
0x53: {  	_ =	shalt  }
0x54: {  	_ =	shalt  }
0x55: {  	_ =	shalt  }
0x56: {  	_ =	shalt  }
0x57: {  	_ =	shalt  }
0x58: {  	_ =	shalt  }
0x59: {  	_ =	shalt  }
0x5a: {  	_ =	shalt  }
0x5b: {  	_ =	shalt  }
0x5c: {  	_ =	shalt  }
0x5d: {  	_ =	shalt  }
0x5e: {  	_ =	shalt  }
0x5f: {  	_ =	shalt  }
0x60: {  	_ =	shalt  }
0x61: {  	_ =	shalt  }
0x62: {  	_ =	shalt  }
0x63: {  	_ =	shalt  }
0x64: {  	_ =	shalt  }
0x65: {  	_ =	shalt  }
0x66: {  	_ =	shalt  }
0x67: {  	_ =	shalt  }
0x68: {  	_ =	shalt  }
0x69: {  	_ =	shalt  }
0x6a: {  	_ =	shalt  }
0x6b: {  	_ =	shalt  }
0x6c: {  	_ =	shalt  }
0x6d: {  	_ =	shalt  }
0x6e: {  	_ =	shalt  }
0x6f: {  	_ =	shalt  }
0x70: {  	_ =	shalt  }
0x71: {  	_ =	shalt  }
0x72: {  	_ =	shalt  }
0x73: {  	_ =	shalt  }
0x74: {  	_ =	shalt  }
0x75: {  	_ =	shalt  }
0x76: {  	_ =	shalt  }
0x77: {  	_ =	shalt  }
0x78: {  	_ =	shalt  }
0x79: {  	_ =	shalt  }
0x7a: {  	_ =	shalt  }
0x7b: {  	_ =	shalt  }
0x7c: {  	_ =	shalt  }
0x7d: {  	_ =	shalt  }
0x7e: {  	_ =	shalt  }
0x7f: {  	_ =	shalt  }
0x80: {  	_ =	shalt  }
0x81: {  	_ =	shalt  }
0x82: {  	_ =	shalt  }
0x83: {  	_ =	shalt  }
0x84: {  	_ =	shalt  }
0x85: {  	_ =	shalt  }
0x86: {  	_ =	shalt  }
0x87: {  	_ =	shalt  }
.Lfunc_end0:
.L_simem_size_0:
called_computation.2_lowered:
.L_overlay_start_0:
0x88: {  	s2 =	sld [smem:$0x3FD9]  }
0x89: {  	s3 =	sld [smem:$0x3FFE];
	_ =	sdelay $0x1  }
0x8a: {  	s1 =	srdreg.scid  }
0x8b: {  	s0 =	sand.u32 $0x1, s1  }
0x8c: {  	s17 =	sshll.u32 s0, $0xA;
	s2 =	sadd.s32 s3, s2  }
0x8d: {  	s2 =	sadd.s32 s2, s17  }
0x8e: {  	[smem:$0x3FBF] =	sst s2  }
0x8f: {  	_ = 	snop  }
0x90: {  	s2 =	sld [smem:$0x3FD0];
	(tm) =	ssettm $0x1  }
0x91: {  	s18 =	sld [smem:$0x3FFB];
	_ =	sdelay $0x3  }
0x92: {  	_ =	strace s18  }
0x93: {  	s3 =	sld [smem:$0x3FFC];
	_ =	sdelay $0x3  }
0x94: {  	_ =	strace s3  }
0x95: {  	s3 =	sld [smem:$0x3FFD];
	_ =	sdelay $0x3  }
0x96: {  	_ =	strace s3  }
0x97: {  	_ =	strace $0x8FFFFFFF  }
0x98: {  	s19 =	sld [smem:$0x3FDB];
	_ =	sdelay $0x1  }
0x99: {  	s4 =	simm.s32 $_scs_section_size  }
0x9a: {  	s5 =	simm.s32 $_size__tile_overlayer_lowered;
	s6 =	simm.s32 $_tile_overlayer_lowered  }
0x9b: {  	s22 =	simm.s32 $0x1BFF;
	s21 =	sshll.u32 s6, $0x1;
	s3 =	sadd.s32 s4, s19  }
0x9c: {  	s7 =	simm.s32 $0x0;
	s20 =	sshll.u32 s5, $0x1;
	s5 =	sadd.s32 s21, s3  }
0x9d: {  	[timem:s7], [sflag:s22] =	dma.local [hbm:s5], s20  }
0x9e: {  	_ =	swait.ge [sflag:s22], s20  }
0x9f: {  	s4 =	ssub.s32 $0x0, s20;
	[sflag:s22] =	ssyncset.done $0x0  }
0xa0: {  	[sflag:s22] =	ssyncadd.s32 s4;
	_ =	sdelay $0x1  }
0xa1: {  	s23 =	simm.s32 $0x1B8B  }
0xa2: {  	_ =	swait.ge [sflag:s23], $0x1  }
0xa3: {  	[sflag:s23] =	ssyncset.done $0x0  }
0xa4: {  	s25 =	simm.s32 $0x1B8E;
	s24 =	sld [smem:$0x3FFE];
	[sflag:s23] =	ssyncadd.s32 $0xFFFFFFFF  }
0xa5: {  	s26 =	simm.s32 $execute0_lowered;
	[smem:$0x3FD2] =	sst s25  }
0xa6: {  	s5 =	sshll.u32 s26, $0x1;
	_ =	strace $0x8000004C;
	[dreg:$0x1] =	wrdreg $0xFFFFFFFF  }
0xa7: {  	s28 =	simm.s32 $_size_execute0_lowered;
	s3 =	sadd.s32 s3, s5;
	[dreg:$0x0] =	wrdreg $0x0  }
0xa8: {  	s5 =	sshll.u32 s28, $0x1;
	[dreg:$0x2] =	wrdreg s3  }
0xa9: {  	[dreg:$0x3] =	wrdreg s5  }
0xaa: {  	[dreg:$0x4] =	wrdreg $0xC0  }
0xab: {  	_ =	task [dreg:s7], $0x5FFFF  }
0xac: {  	[dreg:$0x1] =	wrdreg $0xFFFFFFFF  }
0xad: {  	[dreg:$0x0] =	wrdreg $0x60  }
0xae: {  	[dreg:$0x2] =	wrdreg s2  }
0xaf: {  	[dreg:$0x3] =	wrdreg s24  }
0xb0: {  	[dreg:$0x4] =	wrdreg $0x9  }
0xb1: {  	_ =	task.clear_ibuf [dreg:s7], $0x5FFFF;
	_ =	strace $0x9000004C  }
0xb2: {  	s29 =	simm.s32 $0x9;
	_ =	strace $0x8000004E  }
0xb3: {  	_ =	swait.ge [sflag:s29], $0x1  }
0xb4: {  	[sflag:s29] =	ssyncadd.s32 $0xFFFFFFFF  }
0xb5: {  	_ =	strace $0x9000004E  }
0xb6: {  	_ =	sfence  }
0xb7: {  	s30 =	sld [smem:$0x0];
	_ =	sdelay $0x2  }
0xb8: {  	s31 =	sshll.u32 s1, $0xD;
	s1 =	sshrl.u32 s1, $0x2  }
0xb9: {  	s3 =	sand.u32 $0x4000, s31;
	s1 =	sadd.s32 s1, s30  }
0xba: {  	s0 =	sor.u32 s3, s0;
	s1 =	sshll.u32 s1, $0x11  }
0xbb: {  	s0 =	sor.u32 s1, s0  }
0xbc: {  	s0 =	sadd.s32 $0x8F2B, s0  }
0xbd: {  	[sflag:s0] =	ssyncadd.remote.s32 $0x1  }
0xbe: {  	_ =	sfence.sel $0xFFFF  }
0xbf: {  	[dreg:$0x0] =	wrdreg $0xFFFFFFFF;
	(pc) =	sbr.abs _section_cstart, $3  }
0xc0: {  	[dreg:$0x1] =	wrdreg $0xFFFFFFFF  }
0xc1: {  	_ =	task.clear_ibuf [dreg:s7], $0x2FFFF;
	_ =	strace $0x9FFFFFFF  }
0xc2: {  	(tm) =	ssettm $0x7FFFFFFF  }
0xc3: {  	_ =	shalt  }
tec
execute0_lowered:
.L_overlay_start_1:
0x0: {  	(tag) =	ssettag $0x1  }
0x1: {  	s0 =	srdreg.scid  }
0x2: {  	s7 =	stileid.u32;
	s2 =	rddreg [dreg:$0x0]  }
0x3: {  	s5 =	rddreg [dreg:$0x1];
	s3 =	simm.s32 $0x0;
	s15 =	simm.s32 $0x7  }
0x4: {  	s16 =	simm.s32 $0x8;
	s17 =	simm.s32 $0x9;
	s18 =	simm.s32 $0xA  }
0x5: {  	s19 =	simm.s32 $0xB;
	s20 =	simm.s32 $0xC;
	s6 =	smul.u32 $0x50000, s7  }
0x6: {  	s0 =	sand.u32 $0x1, s0;
	s1 =	sshll.u32 s7, $0x1;
	s7 =	smul.u32 $0xA0, s7  }
0x7: {  	s21 =	simm.s32 $0x0;
	[smem:$0x7FF] =	sst s3;
	s9 =	smul.u32 $0x50, s0  }
0x8: {  	s1 =	sor.u32 s0, s1;
	s8 =	ssub.s32 $0x2, s0;
	s0 =	smul.u32 $0x28000, s0  }
0x9: {  	_ =	strace $0x8000004D;
	s4 =	smul.u32 $0x500, s1;
	s11 =	sshrl.u32 s8, $0x1  }
0xa: {  	s1 =	smul.u32 $0x50, s1;
	s8 =	ssub.s32 s8, s11;
	s29 =	sadd.s32 s9, s7  }
0xb: {  	s0 =	sadd.s32 s0, s6;
	s9 =	simm.s32 $0xD;
	s10 =	sadd.s32 s4, s5  }
0xc: {  	s4 =	sadd.s32 $0x9E4200, s5;
	s1 =	ssub.s32 $0x9C4, s1;
	s5 =	sshll.u32 s29, $0xB  }
0xd: {  	[dreg:$0x3] =	wrdreg s0;
	s8 =	smax.u32 s8, $0x1;
	s30 =	sor.u32 $0x1000, s5  }
0xe: {  	s6 =	smin.u32 s1, $0x50;
	s31 =	sor.u32 $0x2000, s5;
	[dreg:$0x4] =	wrdreg s30  }
0xf: {  	s7 =	sadd.s32 $0x2200, s10;
	s10 =	simm.s32 $0x80;
	[dreg:$0x5] =	wrdreg s31  }
.LBB2_1:
0x10: {  	[tilespmem:s3], [sflag:$0xD] =	stream.linear.gather [hbm4b:s7+s3], $0x2800, $0x38;
	[tilespmem:$0x1A800] =	vst v63  }
0x11: {  	_ =	swait.ge [sflag:s9], $0x2800  }
0x12: {  	[sflag:s9] =	ssyncset.done $0x0  }
0x13: {  	s0 =	simm.s32 $0x2800;
	s30 =	simm.s32 $0x6800;
	[sflag:s9] =	ssyncadd.s32 $0xFFFFD800  }
0x14: {  	[tilespmem:s0], [sflag:$0x1] =	stream.indirect.gather [hbm4b:s2+s10], $0x80, s3, s10, $0xb8;
	[tilespmem:$0x1A800] =	vst v63  }
0x15: {  	s31 =	simm.s32 $0x100;
	p1 =	sle.u32 s6, $0x0;
	p0 =	sle.u32 s6, $0x3  }
0x16: {  	[tilespmem:s30], [sflag:$0x2] =	stream.indirect.gather [hbm4b:s2+s10], $0x80, s10, s10, $0xb8;
	[tilespmem:$0x1A800] =	vst v63  }
0x17: {  	s1 =	simm.s32 $0xA800;
	p2 =	por @!p0 $0x1, $0x1;
	s0 =	simm.s32 @!p1 $0x1  }
0x18: {  	[tilespmem:s1], [sflag:$0x3] =	stream.indirect.gather [hbm4b:s2+s10], $0x80, s31, s10, $0xb8;
	[tilespmem:$0x1A800] =	vst v63  }
0x19: {  	s22 =	simm.s32 @!p1 $0x2800;
	p2 =	por p2, p0;
	_ =	swait.ge @!p1 [sflag:s0], $0x4000  }
0x1a: {  	s23 =	simm.s32 @!p2 $0xA;
	s1 =	rddreg [dreg:$0x3];
	[sflag:s0] =	ssyncset.done @!p1 $0x0  }
0x1b: {  	[sflag:s0] =	ssyncadd.s32 @!p1 $0xFFFFC000;
	s0 =	simm.s32 @!p1 $0x0;
	s1 =	sadd.s32 @!p1 s4, s1  }
0x1c: {  	[hbm4b:s1+s0] =	stream.linear.scatter @!p1 [tilespmem:s22], [sflag:$0x7], $0x4000, $0x38;
	[tilespmem:$0x1A800] =	vst v63  }
0x1d: {  	s0 =	simm.s32 @!p0 $0x80;
	s1 =	simm.s32 @!p0 $0xE800;
	_ =	swait.ge @!p2 [sflag:s23], $0x4000  }
0x1e: {  	s22 =	simm.s32 @!p0 $0x180;
	p1 =	sle.u32 s6, $0x4;
	[sflag:s23] =	ssyncset.done @!p2 $0x0  }
0x1f: {  	p3 =	por @!p1 $0x1, $0x1;
	[sflag:s23] =	ssyncadd.s32 @!p2 $0xFFFFC000;
	p2 =	sle.u32 s6, $0x1  }
0x20: {  	[tilespmem:s1], [sflag:$0x4] =	stream.indirect.gather @!p0 [hbm4b:s2+s0], $0x80, s22, s0, $0xb8;
	[tilespmem:$0x1A800] =	vst v63  }
0x21: {  	p4 =	por p3, p1;
	s0 =	simm.s32 @!p2 $0x2  }
0x22: {  	p3 =	sle.u32 s6, $0x2;
	s24 =	simm.s32 @!p4 $0xB;
	_ =	swait.ge @!p2 [sflag:s0], $0x4000  }
0x23: {  	s22 =	sadd.s32 @!p2 s4, s5;
	s23 =	simm.s32 @!p2 $0x0;
	[sflag:s0] =	ssyncset.done @!p2 $0x0  }
0x24: {  	s22 =	sadd.s32 @!p2 $0x800, s22;
	[sflag:s0] =	ssyncadd.s32 @!p2 $0xFFFFC000;
	s0 =	simm.s32 @!p2 $0x6800  }
0x25: {  	[hbm4b:s22+s23] =	stream.linear.scatter @!p2 [tilespmem:s0], [sflag:$0x8], $0x4000, $0x38;
	[tilespmem:$0x1A800] =	vst v63  }
0x26: {  	s0 =	simm.s32 @!p1 $0x12800;
	s22 =	simm.s32 @!p1 $0x200;
	_ =	swait.ge @!p4 [sflag:s24], $0x4000  }
0x27: {  	s23 =	simm.s32 @!p1 $0x80;
	p2 =	sle.u32 s6, $0x5;
	[sflag:s24] =	ssyncset.done @!p4 $0x0  }
0x28: {  	[sflag:s24] =	ssyncadd.s32 @!p4 $0xFFFFC000;
	s24 =	simm.s32 @!p3 $0x3;
	p4 =	por @!p2 $0x1, $0x1  }
0x29: {  	[tilespmem:s0], [sflag:$0x5] =	stream.indirect.gather @!p1 [hbm4b:s2+s23], $0x80, s22, s23, $0xb8;
	[tilespmem:$0x1A800] =	vst v63  }
0x2a: {  	s23 =	simm.s32 @!p3 $0x0;
	p4 =	por p4, p2;
	_ =	swait.ge @!p3 [sflag:s24], $0x4000  }
0x2b: {  	s25 =	simm.s32 @!p4 $0xC;
	s22 =	rddreg [dreg:$0x4];
	[sflag:s24] =	ssyncset.done @!p3 $0x0  }
0x2c: {  	[sflag:s24] =	ssyncadd.s32 @!p3 $0xFFFFC000;
	s24 =	simm.s32 @!p3 $0xA800;
	s22 =	sadd.s32 @!p3 s4, s22  }
0x2d: {  	[hbm4b:s22+s23] =	stream.linear.scatter @!p3 [tilespmem:s24], [sflag:$0x9], $0x4000, $0x38;
	[tilespmem:$0x1A800] =	vst v63  }
0x2e: {  	_ =	swait.ge @!p4 [sflag:s25], $0x4000  }
0x2f: {  	s26 =	simm.s32 @!p0 $0x4;
	s22 =	simm.s32 @!p2 $0x80;
	[sflag:s25] =	ssyncset.done @!p4 $0x0  }
0x30: {  	s24 =	simm.s32 @!p2 $0x16800;
	s23 =	simm.s32 @!p2 $0x280;
	[sflag:s25] =	ssyncadd.s32 @!p4 $0xFFFFC000  }
0x31: {  	[tilespmem:s24], [sflag:$0x6] =	stream.indirect.gather @!p2 [hbm4b:s2+s22], $0x80, s23, s22, $0xb8;
	[tilespmem:$0x1A800] =	vst v63  }
0x32: {  	p3 =	sle.u32 s6, $0x6;
	_ =	swait.ge @!p0 [sflag:s26], $0x4000  }
0x33: {  	s25 =	simm.s32 @!p3 $0x7;
	s22 =	sadd.s32 @!p0 s4, s5;
	[sflag:s26] =	ssyncset.done @!p0 $0x0  }
0x34: {  	s23 =	simm.s32 @!p0 $0x0;
	s22 =	sadd.s32 @!p0 $0x1800, s22;
	[sflag:s26] =	ssyncadd.s32 @!p0 $0xFFFFC000  }
0x35: {  	[hbm4b:s22+s23] =	stream.linear.scatter @!p0 [tilespmem:s1], [sflag:$0xA], $0x4000, $0x38;
	[tilespmem:$0x1A800] =	vst v63  }
0x36: {  	_ =	swait.ge @!p3 [sflag:s25], $0x4000  }
0x37: {  	s1 =	simm.s32 @!p3 $0x2800;
	s22 =	simm.s32 @!p3 $0x300;
	[sflag:s25] =	ssyncset.done @!p3 $0x0  }
0x38: {  	s23 =	simm.s32 @!p3 $0x80;
	[sflag:s25] =	ssyncadd.s32 @!p3 $0xFFFFC000;
	s25 =	simm.s32 @!p1 $0x5  }
0x39: {  	[tilespmem:s1], [sflag:$0x1] =	stream.indirect.gather @!p3 [hbm4b:s2+s23], $0x80, s22, s23, $0xb8;
	[tilespmem:$0x1A800] =	vst v63  }
0x3a: {  	p0 =	sle.u32 s6, $0x7;
	_ =	swait.ge @!p1 [sflag:s25], $0x4000  }
0x3b: {  	s22 =	simm.s32 @!p1 $0x0;
	s1 =	rddreg [dreg:$0x5];
	[sflag:s25] =	ssyncset.done @!p1 $0x0  }
0x3c: {  	s23 =	simm.s32 @!p0 $0x8;
	[sflag:s25] =	ssyncadd.s32 @!p1 $0xFFFFC000;
	s1 =	sadd.s32 @!p1 s4, s1  }
0x3d: {  	[hbm4b:s1+s22] =	stream.linear.scatter @!p1 [tilespmem:s0], [sflag:$0xB], $0x4000, $0x38;
	[tilespmem:$0x1A800] =	vst v63  }
0x3e: {  	s29 =	simm.s32 $0x400;
	s26 =	simm.s32 $0x6;
	_ =	swait.ge @!p0 [sflag:s23], $0x4000  }
0x3f: {  	s25 =	simm.s32 @!p2 $0x6;
	s0 =	simm.s32 @!p0 $0x6800;
	[sflag:s23] =	ssyncset.done @!p0 $0x0  }
0x40: {  	s1 =	simm.s32 @!p0 $0x380;
	s22 =	simm.s32 @!p0 $0x80;
	[sflag:s23] =	ssyncadd.s32 @!p0 $0xFFFFC000  }
0x41: {  	[tilespmem:s0], [sflag:$0x2] =	stream.indirect.gather @!p0 [hbm4b:s2+s22], $0x80, s1, s22, $0xb8;
	[tilespmem:$0x1A800] =	vst v63  }
0x42: {  	p1 =	sle.u32 s6, $0x8;
	s23 =	simm.s32 $0xE;
	_ =	swait.ge @!p2 [sflag:s25], $0x4000  }
0x43: {  	s0 =	sadd.s32 @!p2 s4, s5;
	s1 =	simm.s32 @!p2 $0x0;
	[sflag:s25] =	ssyncset.done @!p2 $0x0  }
0x44: {  	s22 =	simm.s32 $0x700;
	s0 =	sadd.s32 @!p2 $0x2800, s0;
	[sflag:s25] =	ssyncadd.s32 @!p2 $0xFFFFC000  }
0x45: {  	[hbm4b:s0+s1] =	stream.linear.scatter @!p2 [tilespmem:s24], [sflag:$0xC], $0x4000, $0x38;
	[tilespmem:$0x1A800] =	vst v63  }
0x46: {  	s25 =	simm.s32 $0x14;
	s24 =	sadd.s32 $0x3000, s4;
	s1 =	simm.s32 @!p1 $0x9  }
.LBB2_2:
0x47: {  	p2 =	sge.u32 s26, s6  }
0x48: {  	_ =	swait.ge @!p1 [sflag:s1], $0x4000;
	s0 =	simm.s32 @!p1 $0xA800;
	s26 =	smov.u32 s23  }
0x49: {  	s31 =	simm.s32 @!p1 $0x80;
	s30 =	simm.s32 @!p2 $0x1;
	[sflag:s1] =	ssyncset.done @!p1 $0x0  }
0x4a: {  	s11 =	sadd.s32 $0xFFFFFFFB, s26;
	s12 =	sadd.s32 $0xFFFFFFFC, s26;
	[sflag:s1] =	ssyncadd.s32 @!p1 $0xFFFFC000  }
0x4b: {  	[tilespmem:s0], [sflag:$0x3] =	stream.indirect.gather @!p1 [hbm4b:s2+s31], $0x80, s29, s31, $0xb8;
	[tilespmem:$0x1A800] =	vst v63  }
0x4c: {  	s13 =	sadd.s32 $0xFFFFFFFA, s26;
	p1 =	sge.u32 s11, s6;
	s0 =	simm.s32 @!p2 $0x2800  }
0x4d: {  	s31 =	simm.s32 @!p2 $0x0;
	_ =	swait.ge @!p2 [sflag:s30], $0x4000;
	p3 =	seq.s32 @!p1 s26, $0x8  }
0x4e: {  	s29 =	sadd.s32 @!p1 s24, s5;
	[sflag:s30] =	ssyncset.done @!p2 $0x0;
	s1 =	rddreg [dreg:$0x3]  }
0x4f: {  	p3 =	por p3, p1;
	[sflag:s30] =	ssyncadd.s32 @!p2 $0xFFFFC000;
	s1 =	sadd.s32 @!p2 s24, s1  }
0x50: {  	s11 =	simm.s32 @!p3 $0xA;
	s30 =	sadd.s32 @!p1 $0x1800, s29;
	s29 =	sadd.s32 $0xFFFFFFF9, s26  }
0x51: {  	[hbm4b:s1+s31] =	stream.linear.scatter @!p2 [tilespmem:s0], [sflag:$0x7], $0x4000, $0x38;
	[tilespmem:$0x1A800] =	vst v63  }
0x52: {  	s0 =	simm.s32 @!p1 $0x80;
	p2 =	sge.u32 s12, s6;
	_ =	swait.ge @!p3 [sflag:s11], $0x4000  }
0x53: {  	s31 =	simm.s32 @!p1 $0xE800;
	p4 =	seq.s32 @!p2 s26, $0x8;
	[sflag:s11] =	ssyncset.done @!p3 $0x0  }
0x54: {  	[sflag:s11] =	ssyncadd.s32 @!p3 $0xFFFFC000;
	s11 =	sadd.s32 @!p1 $0xFFFFFD80, s22;
	p3 =	sge.u32 s29, s6  }
0x55: {  	[tilespmem:s31], [sflag:$0x4] =	stream.indirect.gather @!p1 [hbm4b:s2+s0], $0x80, s11, s0, $0xb8;
	[tilespmem:$0x1A800] =	vst v63  }
0x56: {  	s14 =	sadd.s32 $0xFFFFFFFD, s26;
	p5 =	por p4, p2;
	s0 =	simm.s32 @!p3 $0x2  }
0x57: {  	p4 =	sge.u32 s13, s6;
	s11 =	sadd.s32 @!p3 s24, s5;
	_ =	swait.ge @!p3 [sflag:s0], $0x4000  }
0x58: {  	s29 =	simm.s32 @!p5 $0xB;
	s1 =	sadd.s32 @!p3 $0x800, s11;
	[sflag:s0] =	ssyncset.done @!p3 $0x0  }
0x59: {  	s11 =	simm.s32 @!p3 $0x0;
	[sflag:s0] =	ssyncadd.s32 @!p3 $0xFFFFC000;
	s0 =	simm.s32 @!p3 $0x6800  }
0x5a: {  	[hbm4b:s1+s11] =	stream.linear.scatter @!p3 [tilespmem:s0], [sflag:$0x8], $0x4000, $0x38;
	[tilespmem:$0x1A800] =	vst v63  }
0x5b: {  	s12 =	simm.s32 @!p4 $0x3;
	s1 =	simm.s32 @!p2 $0x12800;
	_ =	swait.ge @!p5 [sflag:s29], $0x4000  }
0x5c: {  	s11 =	sadd.s32 @!p2 $0xFFFFFE00, s22;
	p3 =	sge.u32 s14, s6;
	[sflag:s29] =	ssyncset.done @!p5 $0x0  }
0x5d: {  	s0 =	simm.s32 @!p2 $0x80;
	[sflag:s29] =	ssyncadd.s32 @!p5 $0xFFFFC000;
	p5 =	seq.s32 @!p3 s26, $0x8  }
0x5e: {  	[tilespmem:s1], [sflag:$0x5] =	stream.indirect.gather @!p2 [hbm4b:s2+s0], $0x80, s11, s0, $0xb8;
	[tilespmem:$0x1A800] =	vst v63  }
0x5f: {  	s0 =	simm.s32 @!p4 $0x0;
	p5 =	por p5, p3;
	_ =	swait.ge @!p4 [sflag:s12], $0x4000  }
0x60: {  	s13 =	simm.s32 @!p5 $0xC;
	[sflag:s12] =	ssyncset.done @!p4 $0x0;
	s11 =	rddreg [dreg:$0x4]  }
0x61: {  	[sflag:s12] =	ssyncadd.s32 @!p4 $0xFFFFC000;
	s12 =	simm.s32 @!p4 $0xA800;
	s11 =	sadd.s32 @!p4 s24, s11  }
0x62: {  	[hbm4b:s11+s0] =	stream.linear.scatter @!p4 [tilespmem:s12], [sflag:$0x9], $0x4000, $0x38;
	[tilespmem:$0x1A800] =	vst v63  }
0x63: {  	_ =	swait.ge @!p5 [sflag:s13], $0x4000  }
0x64: {  	s14 =	simm.s32 @!p1 $0x4;
	s11 =	simm.s32 @!p3 $0x80;
	[sflag:s13] =	ssyncset.done @!p5 $0x0  }
0x65: {  	s0 =	simm.s32 @!p3 $0x16800;
	s12 =	sadd.s32 @!p3 $0xFFFFFE80, s22;
	[sflag:s13] =	ssyncadd.s32 @!p5 $0xFFFFC000  }
0x66: {  	[tilespmem:s0], [sflag:$0x6] =	stream.indirect.gather @!p3 [hbm4b:s2+s11], $0x80, s12, s11, $0xb8;
	[tilespmem:$0x1A800] =	vst v63  }
0x67: {  	s13 =	sadd.s32 $0xFFFFFFFE, s26;
	_ =	swait.ge @!p1 [sflag:s14], $0x4000  }
0x68: {  	s23 =	smov.u32 s25;
	p4 =	sge.u32 s13, s6;
	[sflag:s14] =	ssyncset.done @!p1 $0x0  }
0x69: {  	s12 =	simm.s32 @!p1 $0x0;
	s11 =	simm.s32 @!p4 $0x7;
	[sflag:s14] =	ssyncadd.s32 @!p1 $0xFFFFC000  }
0x6a: {  	[hbm4b:s30+s12] =	stream.linear.scatter @!p1 [tilespmem:s31], [sflag:$0xA], $0x4000, $0x38;
	[tilespmem:$0x1A800] =	vst v63  }
0x6b: {  	s28 =	smov.u32 s24;
	s13 =	sadd.s32 @!p4 $0xFFFFFF00, s22;
	_ =	swait.ge @!p4 [sflag:s11], $0x4000  }
0x6c: {  	s14 =	simm.s32 @!p4 $0x80;
	s12 =	simm.s32 @!p4 $0x2800;
	[sflag:s11] =	ssyncset.done @!p4 $0x0  }
0x6d: {  	s31 =	sadd.s32 $0xFFFFFFFF, s26;
	[sflag:s11] =	ssyncadd.s32 @!p4 $0xFFFFC000;
	s11 =	simm.s32 @!p2 $0x5  }
0x6e: {  	[tilespmem:s12], [sflag:$0x1] =	stream.indirect.gather @!p4 [hbm4b:s2+s14], $0x80, s13, s14, $0xb8;
	[tilespmem:$0x1A800] =	vst v63  }
0x6f: {  	s25 =	sadd.s32 $0x6, s25;
	p1 =	sge.u32 s31, s6;
	_ =	swait.ge @!p2 [sflag:s11], $0x4000  }
0x70: {  	s13 =	simm.s32 @!p2 $0x0;
	[sflag:s11] =	ssyncset.done @!p2 $0x0;
	s12 =	rddreg [dreg:$0x5]  }
0x71: {  	[sflag:s11] =	ssyncadd.s32 @!p2 $0xFFFFC000;
	s11 =	sadd.s32 @!p2 s24, s12;
	s12 =	simm.s32 @!p1 $0x8  }
0x72: {  	[hbm4b:s11+s13] =	stream.linear.scatter @!p2 [tilespmem:s1], [sflag:$0xB], $0x4000, $0x38;
	[tilespmem:$0x1A800] =	vst v63  }
0x73: {  	p0 =	sne.s32 s25, $0x5C;
	s29 =	smov.u32 s22;
	_ =	swait.ge @!p1 [sflag:s12], $0x4000  }
0x74: {  	s22 =	sadd.s32 $0x300, s22;
	s1 =	simm.s32 @!p1 $0x6800;
	[sflag:s12] =	ssyncset.done @!p1 $0x0  }
0x75: {  	s11 =	sadd.s32 @!p1 $0xFFFFFF80, s29;
	s13 =	simm.s32 @!p1 $0x80;
	[sflag:s12] =	ssyncadd.s32 @!p1 $0xFFFFC000  }
0x76: {  	[tilespmem:s1], [sflag:$0x2] =	stream.indirect.gather @!p1 [hbm4b:s2+s13], $0x80, s11, s13, $0xb8;
	[tilespmem:$0x1A800] =	vst v63  }
.Ltmp0:
0x77: {  	s24 =	sadd.s32 $0x3000, s24;
	s12 =	simm.s32 @!p3 $0x6;
	(pc) =	sbr.rel @p0 .LBB2_2-.Ltmp0, $4  }
0x78: {  	s1 =	sadd.s32 @!p3 s28, s5;
	p1 =	sge.u32 s26, s6;
	_ =	swait.ge @!p3 [sflag:s12], $0x4000  }
0x79: {  	s13 =	simm.s32 @!p3 $0x0;
	s26 =	sadd.s32 $0xFFFFFFF8, s23;
	[sflag:s12] =	ssyncset.done @!p3 $0x0  }
0x7a: {  	s11 =	sadd.s32 @!p3 $0x2800, s1;
	s1 =	simm.s32 @!p1 $0x9;
	[sflag:s12] =	ssyncadd.s32 @!p3 $0xFFFFC000  }
0x7b: {  	[hbm4b:s11+s13] =	stream.linear.scatter @!p3 [tilespmem:s0], [sflag:$0xC], $0x4000, $0x38;
	[tilespmem:$0x1A800] =	vst v63  }
0x7c: {  	_ =	swait.ge @!p1 [sflag:s1], $0x4000  }
0x7d: {  	p2 =	sge.u32 s26, s6;
	s0 =	simm.s32 @!p1 $0xA800;
	s12 =	simm.s32 @!p1 $0x80  }
0x7e: {  	s25 =	sadd.s32 $0xFFFFFFFB, s23;
	s26 =	sadd.s32 $0xFFFFFFFC, s23;
	[sflag:s1] =	ssyncset.done @!p1 $0x0  }
0x7f: {  	s13 =	sadd.s32 $0xFFFFFFF9, s23;
	p0 =	sge.u32 s25, s6;
	[sflag:s1] =	ssyncadd.s32 @!p1 $0xFFFFC000  }
0x80: {  	[tilespmem:s0], [sflag:$0x3] =	stream.indirect.gather @!p1 [hbm4b:s2+s12], $0x80, s29, s12, $0xb8;
	[tilespmem:$0x1A800] =	vst v63  }
0x81: {  	s28 =	sadd.s32 $0xFFFFFFFA, s23;
	s11 =	simm.s32 @!p2 $0x1;
	p1 =	seq.s32 @!p0 s23, $0x8  }
0x82: {  	s0 =	simm.s32 @!p2 $0x2800;
	_ =	swait.ge @!p2 [sflag:s11], $0x4000;
	p1 =	por p1, p0  }
0x83: {  	s1 =	rddreg [dreg:$0x3];
	[sflag:s11] =	ssyncset.done @!p2 $0x0;
	s12 =	simm.s32 @!p1 $0xA  }
0x84: {  	[sflag:s11] =	ssyncadd.s32 @!p2 $0xFFFFC000;
	s11 =	simm.s32 @!p2 $0x0;
	s1 =	sadd.s32 @!p2 s24, s1  }
0x85: {  	[hbm4b:s1+s11] =	stream.linear.scatter @!p2 [tilespmem:s0], [sflag:$0x7], $0x4000, $0x38;
	[tilespmem:$0x1A800] =	vst v63  }
0x86: {  	s29 =	sadd.s32 $0xFFFFFFFD, s23;
	s0 =	simm.s32 @!p0 $0x80;
	_ =	swait.ge @!p1 [sflag:s12], $0x4000  }
0x87: {  	s11 =	simm.s32 @!p0 $0xE800;
	p2 =	sge.u32 s13, s6;
	[sflag:s12] =	ssyncset.done @!p1 $0x0  }
0x88: {  	[sflag:s12] =	ssyncadd.s32 @!p1 $0xFFFFC000;
	s12 =	sadd.s32 @!p0 $0xFFFFFD80, s22;
	p1 =	sge.u32 s26, s6  }
0x89: {  	[tilespmem:s11], [sflag:$0x4] =	stream.indirect.gather @!p0 [hbm4b:s2+s0], $0x80, s12, s0, $0xb8;
	[tilespmem:$0x1A800] =	vst v63  }
0x8a: {  	s0 =	simm.s32 @!p2 $0x2;
	s12 =	sadd.s32 @!p2 s24, s5;
	p3 =	seq.s32 @!p1 s23, $0x8  }
0x8b: {  	_ =	swait.ge @!p2 [sflag:s0], $0x4000;
	s1 =	sadd.s32 @!p2 $0x800, s12;
	s12 =	simm.s32 @!p2 $0x0  }
0x8c: {  	p4 =	por p3, p1;
	p3 =	sge.u32 s28, s6;
	[sflag:s0] =	ssyncset.done @!p2 $0x0  }
0x8d: {  	s13 =	simm.s32 @!p4 $0xB;
	[sflag:s0] =	ssyncadd.s32 @!p2 $0xFFFFC000;
	s0 =	simm.s32 @!p2 $0x6800  }
0x8e: {  	[hbm4b:s1+s12] =	stream.linear.scatter @!p2 [tilespmem:s0], [sflag:$0x8], $0x4000, $0x38;
	[tilespmem:$0x1A800] =	vst v63  }
0x8f: {  	s0 =	simm.s32 @!p1 $0x12800;
	s12 =	sadd.s32 @!p1 $0xFFFFFE00, s22;
	_ =	swait.ge @!p4 [sflag:s13], $0x4000  }
0x90: {  	s1 =	simm.s32 @!p1 $0x80;
	p2 =	sge.u32 s29, s6;
	[sflag:s13] =	ssyncset.done @!p4 $0x0  }
0x91: {  	[sflag:s13] =	ssyncadd.s32 @!p4 $0xFFFFC000;
	s13 =	simm.s32 @!p3 $0x3;
	p4 =	seq.s32 @!p2 s23, $0x8  }
0x92: {  	[tilespmem:s0], [sflag:$0x5] =	stream.indirect.gather @!p1 [hbm4b:s2+s1], $0x80, s12, s1, $0xb8;
	[tilespmem:$0x1A800] =	vst v63  }
0x93: {  	s1 =	simm.s32 @!p3 $0x0;
	p4 =	por p4, p2;
	_ =	swait.ge @!p3 [sflag:s13], $0x4000  }
0x94: {  	s14 =	simm.s32 @!p4 $0xC;
	s12 =	rddreg [dreg:$0x4];
	[sflag:s13] =	ssyncset.done @!p3 $0x0  }
0x95: {  	[sflag:s13] =	ssyncadd.s32 @!p3 $0xFFFFC000;
	s13 =	simm.s32 @!p3 $0xA800;
	s12 =	sadd.s32 @!p3 s24, s12  }
0x96: {  	[hbm4b:s12+s1] =	stream.linear.scatter @!p3 [tilespmem:s13], [sflag:$0x9], $0x4000, $0x38;
	[tilespmem:$0x1A800] =	vst v63  }
0x97: {  	s30 =	sadd.s32 $0xFFFFFFFE, s23;
	_ =	swait.ge @!p4 [sflag:s14], $0x4000  }
0x98: {  	s25 =	simm.s32 @!p0 $0x4;
	s1 =	simm.s32 @!p2 $0x80;
	[sflag:s14] =	ssyncset.done @!p4 $0x0  }
0x99: {  	s12 =	simm.s32 @!p2 $0x16800;
	s13 =	sadd.s32 @!p2 $0xFFFFFE80, s22;
	[sflag:s14] =	ssyncadd.s32 @!p4 $0xFFFFC000  }
0x9a: {  	[tilespmem:s12], [sflag:$0x6] =	stream.indirect.gather @!p2 [hbm4b:s2+s1], $0x80, s13, s1, $0xb8;
	[tilespmem:$0x1A800] =	vst v63  }
0x9b: {  	p3 =	sge.u32 s30, s6;
	_ =	swait.ge @!p0 [sflag:s25], $0x4000  }
0x9c: {  	s14 =	simm.s32 @!p3 $0x7;
	s1 =	sadd.s32 @!p0 s24, s5;
	[sflag:s25] =	ssyncset.done @!p0 $0x0  }
0x9d: {  	s13 =	simm.s32 @!p0 $0x0;
	s1 =	sadd.s32 @!p0 $0x1800, s1;
	[sflag:s25] =	ssyncadd.s32 @!p0 $0xFFFFC000  }
0x9e: {  	[hbm4b:s1+s13] =	stream.linear.scatter @!p0 [tilespmem:s11], [sflag:$0xA], $0x4000, $0x38;
	[tilespmem:$0x1A800] =	vst v63  }
0x9f: {  	s31 =	sadd.s32 $0xFFFFFFFF, s23;
	_ =	swait.ge @!p3 [sflag:s14], $0x4000  }
0xa0: {  	s1 =	simm.s32 @!p3 $0x2800;
	s11 =	sadd.s32 @!p3 $0xFFFFFF00, s22;
	[sflag:s14] =	ssyncset.done @!p3 $0x0  }
0xa1: {  	s13 =	simm.s32 @!p3 $0x80;
	[sflag:s14] =	ssyncadd.s32 @!p3 $0xFFFFC000;
	s14 =	simm.s32 @!p1 $0x5  }
0xa2: {  	[tilespmem:s1], [sflag:$0x1] =	stream.indirect.gather @!p3 [hbm4b:s2+s13], $0x80, s11, s13, $0xb8;
	[tilespmem:$0x1A800] =	vst v63  }
0xa3: {  	p0 =	sge.u32 s31, s6;
	_ =	swait.ge @!p1 [sflag:s14], $0x4000  }
0xa4: {  	s11 =	simm.s32 @!p1 $0x0;
	s1 =	rddreg [dreg:$0x5];
	[sflag:s14] =	ssyncset.done @!p1 $0x0  }
0xa5: {  	s13 =	simm.s32 @!p0 $0x8;
	[sflag:s14] =	ssyncadd.s32 @!p1 $0xFFFFC000;
	s1 =	sadd.s32 @!p1 s24, s1  }
0xa6: {  	[hbm4b:s1+s11] =	stream.linear.scatter @!p1 [tilespmem:s0], [sflag:$0xB], $0x4000, $0x38;
	[tilespmem:$0x1A800] =	vst v63  }
0xa7: {  	_ =	swait.ge @!p0 [sflag:s13], $0x4000  }
0xa8: {  	s0 =	simm.s32 @!p0 $0x6800;
	s1 =	sadd.s32 @!p0 $0xFFFFFF80, s22;
	[sflag:s13] =	ssyncset.done @!p0 $0x0  }
0xa9: {  	s11 =	simm.s32 @!p0 $0x80;
	[sflag:s13] =	ssyncadd.s32 @!p0 $0xFFFFC000;
	s13 =	simm.s32 @!p2 $0x6  }
0xaa: {  	[tilespmem:s0], [sflag:$0x2] =	stream.indirect.gather @!p0 [hbm4b:s2+s11], $0x80, s1, s11, $0xb8;
	[tilespmem:$0x1A800] =	vst v63  }
0xab: {  	s0 =	sadd.s32 @!p2 s24, s5;
	_ =	swait.ge @!p2 [sflag:s13], $0x4000  }
0xac: {  	p0 =	sge.u32 s23, s6;
	s1 =	simm.s32 @!p2 $0x0;
	[sflag:s13] =	ssyncset.done @!p2 $0x0  }
0xad: {  	s0 =	sadd.s32 @!p2 $0x2800, s0;
	s11 =	simm.s32 @!p0 $0x9;
	[sflag:s13] =	ssyncadd.s32 @!p2 $0xFFFFC000  }
0xae: {  	[hbm4b:s0+s1] =	stream.linear.scatter @!p2 [tilespmem:s12], [sflag:$0xC], $0x4000, $0x38;
	[tilespmem:$0x1A800] =	vst v63  }
0xaf: {  	_ =	swait.ge @!p0 [sflag:s11], $0x4000  }
0xb0: {  	[sflag:s11] =	ssyncset.done @!p0 $0x0  }
0xb1: {  	s0 =	simm.s32 @!p0 $0xA800;
	s1 =	simm.s32 @!p0 $0x80;
	[sflag:s11] =	ssyncadd.s32 @!p0 $0xFFFFC000  }
0xb2: {  	[tilespmem:s0], [sflag:$0x3] =	stream.indirect.gather @!p0 [hbm4b:s2+s1], $0x80, s22, s1, $0xb8;
	[tilespmem:$0x1A800] =	vst v63  }
0xb3: {  	_ =	swait.ge [sflag:s15], $0x4000  }
0xb4: {  	[sflag:s15] =	ssyncset.done $0x0  }
0xb5: {  	[sflag:s15] =	ssyncadd.s32 $0xFFFFC000  }
0xb6: {  	_ =	swait.ge [sflag:s16], $0x4000  }
0xb7: {  	[sflag:s16] =	ssyncset.done $0x0  }
0xb8: {  	[sflag:s16] =	ssyncadd.s32 $0xFFFFC000  }
0xb9: {  	_ =	swait.ge [sflag:s17], $0x4000  }
0xba: {  	[sflag:s17] =	ssyncset.done $0x0  }
0xbb: {  	[sflag:s17] =	ssyncadd.s32 $0xFFFFC000  }
0xbc: {  	_ =	swait.ge [sflag:s18], $0x4000  }
0xbd: {  	[sflag:s18] =	ssyncset.done $0x0  }
0xbe: {  	s21 =	sadd.s32 $0x1, s21;
	[sflag:s18] =	ssyncadd.s32 $0xFFFFC000  }
0xbf: {  	p0 =	sne.s32 s21, s8;
	_ =	swait.ge [sflag:s19], $0x4000  }
.Ltmp1:
0xc0: {  	[sflag:s19] =	ssyncset.done $0x0;
	(pc) =	sbr.rel @p0 .LBB2_1-.Ltmp1, $4  }
0xc1: {  	[sflag:s19] =	ssyncadd.s32 $0xFFFFC000  }
0xc2: {  	_ =	swait.ge [sflag:s20], $0x4000  }
0xc3: {  	[sflag:s20] =	ssyncset.done $0x0  }
0xc4: {  	[sflag:s20] =	ssyncadd.s32 $0xFFFFC000  }
0xc5: {  	_ =	sfence.sel $0x180000  }
0xc6: {  	[bflag:$0x0] =	sbarrier.arrive $0xFFFF  }
0xc7: {  	_ =	strace $0x9000004D  }
0xc8: {  	s0 =	stileid.u32;
	[bflag:$0x2] =	sbarrier.arrive $0xFFFF  }
0xc9: {  	p0 =	sne.s32 s0, $0x0;
	s0 =	rddreg [dreg:$0x2]  }
0xca: {  	s0 =	sadd.s32 @!p0 $0x100000, s0  }
0xcb: {  	[sflag:s0] =	ssyncadd.tile.s32 @!p0 $0x1;
	_ =	shalt  }
.Lfunc_end2:
_tile_overlayer_lowered:
.L_overlay_start_2:
0xcc: {  	(tag) =	ssettag $0x2  }
0xcd: {  	s0 =	rddreg [dreg:$0x0];
	s2 =	stileid.u32  }
0xce: {  	s1 =	rddreg [dreg:$0x1];
	p0 =	sne.s32 s2, $0x0  }
0xcf: {  	s3 =	rddreg [dreg:$0x2];
	[bflag:$0x3] =	sbarrier.arrive $0xFFFF;
	s2 =	simm.s32 @!p0 $0x1C0D  }
0xd0: {  	[timem:s3], [sflag:s2] =	dma.local @!p0 [hbm:s0], s1  }
0xd1: {  	s0 =	simm.s32 @!p0 $0xD  }
0xd2: {  	_ =	swait.ge @!p0 [sflag:s0], s1  }
0xd3: {  	s1 =	ssub.s32 @!p0 $0x0, s1;
	[sflag:s0] =	ssyncset.done @!p0 $0x0  }
0xd4: {  	[sflag:s0] =	ssyncadd.s32 @!p0 s1  }
0xd5: {  	[bflag:$0x3] =	sbarrier.arrive $0xFFFF  }
0xd6: {  	_ =	shalt  }

// kernel: kernel.19.cloned.1.call-start
scs
__scs_entry_jumppad:
0x0: {  	(pc) =	sbr.rel $0x88, $3  }
0x1: {  	(tag) =	ssettag $0x0;
	lr =	simm.s32 $0x1  }
0x2: {  	[smem:$0x3F98] =	sst lr;
	_ =	strace $0xD0000000  }
0x3: {  	_ = 	snop  }
0x4: {  	_ = 	snop  }
0x5: {  	_ = 	snop  }
0x6: {  	_ = 	snop  }
0x7: {  	_ = 	snop  }
__scs_overlays_trampoline_lowered:
0x8: {  	[smem:$0x3FA7] =	sst s0  }
0x9: {  	[smem:$0x3FA8] =	sst s1  }
0xa: {  	[smem:$0x3FA9] =	sst s2  }
0xb: {  	[smem:$0x3FAA] =	sst s3  }
0xc: {  	[smem:$0x3FAB] =	sst s4  }
0xd: {  	[smem:$0x3FAC] =	sst s5  }
0xe: {  	[smem:$0x3FAD] =	sst s6  }
0xf: {  	[smem:$0x3FAE] =	sst s7  }
0x10: {  	[smem:$0x3FAF] =	sst s8  }
0x11: {  	[smem:$0x3FB0] =	sst s9;
	s0 =	simm.s32 @!p0 $0x0  }
0x12: {  	s1 =	sld [smem:$0x3F96];
	s0 =	simm.s32 @p0 $0x1  }
0x13: {  	[smem:$0x3FB1] =	sst s0;
	s0 =	simm.s32 @!p1 $0x0  }
0x14: {  	s2 =	sld [smem:$0x3F95];
	s0 =	simm.s32 @p1 $0x1  }
0x15: {  	[smem:$0x3FB2] =	sst s0;
	s0 =	simm.s32 @!p2 $0x0  }
0x16: {  	s3 =	sld [smem:$0x3FDB];
	s0 =	simm.s32 @p2 $0x1  }
0x17: {  	s4 =	simm.s32 $0x1BF5;
	[smem:$0x3FB4] =	sst s0  }
0x18: {  	s0 =	sld [smem:$0x3F97];
	_ =	swait.ge [sflag:s4], $0x0  }
0x19: {  	s7 =	sld [smem:$0x3F98]  }
0x1a: {  	s8 =	sadd.s32 $0xFFFFE003, lr  }
0x1b: {  	s9 =	sadd.s32 $0xFFFFFEF7, lr;
	s5 =	simm.s32 $0xFFFFFFFF;
	p2 =	slt.u32 s8, $0xFFFFF086  }
0x1c: {  	p1 =	slt.u32 s9, $0xF7A;
	s5 =	simm.s32 @!p2 $0x0  }
0x1d: {  	s5 =	simm.s32 @p1 $0x1;
	p0 =	seq.s32 s7, s2  }
0x1e: {  	s7 =	smul.u32 @!p0 $0xF7A, s2;
	p2 =	seq.s32 @!p0 s5, $0x0  }
0x1f: {  	s9 =	smul.u32 $0xF7A, s1;
	s8 =	simm.s32 @!p0 $0x1BF5;
	p2 =	por !p2, p0  }
0x20: {  	[sflag:s8] =	ssyncset.s32 @!p0 $0xFFFFF086;
	s6 =	sadd.s32 @!p0 s3, s7;
	s7 =	simm.s32 @!p0 $0x108  }
0x21: {  	s3 =	sadd.s32 s3, s9;
	s6 =	sadd.s32 @!p0 $0x88, s6;
	s7 =	simm.s32 @p2 $0x1082  }
0x22: {  	[simem:s7], [sflag:s8] =	dma.local @!p0 [hbm:s6], $0xF7A  }
0x23: {  	s9 =	sor.u32 $0xD0000000, s2;
	s6 =	simm.s32 $0x108;
	_ =	swait.ge @!p0 [sflag:s8], $0x0  }
0x24: {  	s3 =	sadd.s32 $0x88, s3;
	s6 =	simm.s32 @!p1 $0x1082;
	[sflag:s4] =	ssyncset.s32 $0xFFFFF086  }
0x25: {  	[simem:s6], [sflag:s4] =	dma.local [hbm:s3], $0xF7A  }
0x26: {  	[smem:$0x3F98] =	sst s1;
	(tag) =	ssettag s2;
	_ =	strace s9  }
0x27: {  	s1 =	sld [smem:$0x3FA8]  }
0x28: {  	s2 =	sld [smem:$0x3FA9]  }
0x29: {  	s4 =	sld [smem:$0x3FAB]  }
0x2a: {  	p0 =	seq.s32 s5, $0x0;
	s5 =	sld [smem:$0x3FAC]  }
0x2b: {  	s6 =	sld [smem:$0x3FAD]  }
0x2c: {  	s7 =	sld [smem:$0x3FAE]  }
0x2d: {  	s3 =	simm.s32 $0x108;
	s8 =	sld [smem:$0x3FAF]  }
0x2e: {  	s3 =	simm.s32 @!p0 $0x1082;
	s9 =	sld [smem:$0x3FB0]  }
0x2f: {  	lr =	sadd.s32 s0, s3;
	s0 =	sld [smem:$0x3FA7]  }
0x30: {  	s3 =	sld [smem:$0x3FAA]  }
0x31: {  	[smem:$0x3FB3] =	sst s10  }
0x32: {  	s10 =	sld [smem:$0x3FB1];
	_ =	sdelay $0x3  }
0x33: {  	p0 =	seq.s32 s10, $0x1;
	s10 =	sld [smem:$0x3FB3];
	_ =	sdelay $0x3  }
0x34: {  	[smem:$0x3FB3] =	sst s10  }
0x35: {  	s10 =	sld [smem:$0x3FB2];
	_ =	sdelay $0x3  }
0x36: {  	p1 =	seq.s32 s10, $0x1;
	s10 =	sld [smem:$0x3FB3];
	_ =	sdelay $0x3  }
0x37: {  	[smem:$0x3FB3] =	sst s10  }
0x38: {  	s10 =	sld [smem:$0x3FB4]  }
0x39: {  	_ = 	snop;
	(pc) =	sbr.ind lr, $3  }
0x3a: {  	_ = 	snop  }
0x3b: {  	_ = 	snop  }
0x3c: {  	p2 =	seq.s32 s10, $0x1;
	s10 =	sld [smem:$0x3FB3]  }
0x3d: {  	_ =	shalt  }
0x3e: {  	_ =	shalt  }
0x3f: {  	_ =	shalt  }
0x40: {  	_ =	shalt  }
0x41: {  	_ =	shalt  }
0x42: {  	_ =	shalt  }
0x43: {  	_ =	shalt  }
0x44: {  	_ =	shalt  }
0x45: {  	_ =	shalt  }
0x46: {  	_ =	shalt  }
0x47: {  	_ =	shalt  }
0x48: {  	_ =	shalt  }
0x49: {  	_ =	shalt  }
0x4a: {  	_ =	shalt  }
0x4b: {  	_ =	shalt  }
0x4c: {  	_ =	shalt  }
0x4d: {  	_ =	shalt  }
0x4e: {  	_ =	shalt  }
0x4f: {  	_ =	shalt  }
0x50: {  	_ =	shalt  }
0x51: {  	_ =	shalt  }
0x52: {  	_ =	shalt  }
0x53: {  	_ =	shalt  }
0x54: {  	_ =	shalt  }
0x55: {  	_ =	shalt  }
0x56: {  	_ =	shalt  }
0x57: {  	_ =	shalt  }
0x58: {  	_ =	shalt  }
0x59: {  	_ =	shalt  }
0x5a: {  	_ =	shalt  }
0x5b: {  	_ =	shalt  }
0x5c: {  	_ =	shalt  }
0x5d: {  	_ =	shalt  }
0x5e: {  	_ =	shalt  }
0x5f: {  	_ =	shalt  }
0x60: {  	_ =	shalt  }
0x61: {  	_ =	shalt  }
0x62: {  	_ =	shalt  }
0x63: {  	_ =	shalt  }
0x64: {  	_ =	shalt  }
0x65: {  	_ =	shalt  }
0x66: {  	_ =	shalt  }
0x67: {  	_ =	shalt  }
0x68: {  	_ =	shalt  }
0x69: {  	_ =	shalt  }
0x6a: {  	_ =	shalt  }
0x6b: {  	_ =	shalt  }
0x6c: {  	_ =	shalt  }
0x6d: {  	_ =	shalt  }
0x6e: {  	_ =	shalt  }
0x6f: {  	_ =	shalt  }
0x70: {  	_ =	shalt  }
0x71: {  	_ =	shalt  }
0x72: {  	_ =	shalt  }
0x73: {  	_ =	shalt  }
0x74: {  	_ =	shalt  }
0x75: {  	_ =	shalt  }
0x76: {  	_ =	shalt  }
0x77: {  	_ =	shalt  }
0x78: {  	_ =	shalt  }
0x79: {  	_ =	shalt  }
0x7a: {  	_ =	shalt  }
0x7b: {  	_ =	shalt  }
0x7c: {  	_ =	shalt  }
0x7d: {  	_ =	shalt  }
0x7e: {  	_ =	shalt  }
0x7f: {  	_ =	shalt  }
0x80: {  	_ =	shalt  }
0x81: {  	_ =	shalt  }
0x82: {  	_ =	shalt  }
0x83: {  	_ =	shalt  }
0x84: {  	_ =	shalt  }
0x85: {  	_ =	shalt  }
0x86: {  	_ =	shalt  }
0x87: {  	_ =	shalt  }
.Lfunc_end0:
.L_simem_size_0:
called_computation.3_lowered:
.L_overlay_start_0:
0x88: {  	s2 =	sld [smem:$0x3FD9]  }
0x89: {  	s3 =	sld [smem:$0x3FFE];
	_ =	sdelay $0x1  }
0x8a: {  	s1 =	srdreg.scid  }
0x8b: {  	s0 =	sand.u32 $0x1, s1  }
0x8c: {  	s16 =	sshll.u32 s0, $0xA;
	s2 =	sadd.s32 s3, s2  }
0x8d: {  	s2 =	sadd.s32 s2, s16  }
0x8e: {  	[smem:$0x3FBF] =	sst s2  }
0x8f: {  	_ = 	snop  }
0x90: {  	(tm) =	ssettm $0x1  }
0x91: {  	s17 =	sld [smem:$0x3FFB];
	_ =	sdelay $0x3  }
0x92: {  	_ =	strace s17  }
0x93: {  	s2 =	sld [smem:$0x3FFC];
	_ =	sdelay $0x3  }
0x94: {  	_ =	strace s2  }
0x95: {  	s2 =	sld [smem:$0x3FFD];
	_ =	sdelay $0x3  }
0x96: {  	_ =	strace s2  }
0x97: {  	_ =	strace $0x8FFFFFFF  }
0x98: {  	s18 =	sld [smem:$0x3FDB];
	_ =	sdelay $0x1  }
0x99: {  	s19 =	simm.s32 $_scs_section_size  }
0x9a: {  	s4 =	simm.s32 $_size__tile_overlayer_lowered;
	s5 =	simm.s32 $_tile_overlayer_lowered  }
0x9b: {  	s22 =	simm.s32 $0x1BFF;
	s21 =	sshll.u32 s5, $0x1;
	s2 =	sadd.s32 s19, s18  }
0x9c: {  	s6 =	simm.s32 $0x0;
	s20 =	sshll.u32 s4, $0x1;
	s4 =	sadd.s32 s21, s2  }
0x9d: {  	[timem:s6], [sflag:s22] =	dma.local [hbm:s4], s20  }
0x9e: {  	_ =	swait.ge [sflag:s22], s20  }
0x9f: {  	s3 =	ssub.s32 $0x0, s20;
	[sflag:s22] =	ssyncset.done $0x0  }
0xa0: {  	[sflag:s22] =	ssyncadd.s32 s3;
	_ =	sdelay $0x1  }
0xa1: {  	s23 =	simm.s32 $0x1B8B  }
0xa2: {  	_ =	swait.ge [sflag:s23], $0x1  }
0xa3: {  	[sflag:s23] =	ssyncset.done $0x0  }
0xa4: {  	s25 =	simm.s32 $0x1B8E;
	s24 =	sld [smem:$0x3FFE];
	[sflag:s23] =	ssyncadd.s32 $0xFFFFFFFF  }
0xa5: {  	s26 =	simm.s32 $execute0_lowered;
	[smem:$0x3FD2] =	sst s25  }
0xa6: {  	s4 =	sshll.u32 s26, $0x1;
	_ =	strace $0x8000004F;
	[dreg:$0x1] =	wrdreg $0xFFFFFFFF  }
0xa7: {  	s28 =	simm.s32 $_size_execute0_lowered;
	s2 =	sadd.s32 s2, s4;
	[dreg:$0x0] =	wrdreg $0x0  }
0xa8: {  	s4 =	sshll.u32 s28, $0x1;
	[dreg:$0x2] =	wrdreg s2  }
0xa9: {  	[dreg:$0x3] =	wrdreg s4  }
0xaa: {  	[dreg:$0x4] =	wrdreg $0xC0  }
0xab: {  	_ =	task [dreg:s6], $0x5FFFF  }
0xac: {  	[dreg:$0x1] =	wrdreg $0xFFFFFFFF  }
0xad: {  	[dreg:$0x0] =	wrdreg $0x60  }
0xae: {  	[dreg:$0x2] =	wrdreg s24  }
0xaf: {  	[dreg:$0x3] =	wrdreg $0x82000  }
0xb0: {  	[dreg:$0x4] =	wrdreg $0x9  }
0xb1: {  	_ =	task.clear_ibuf [dreg:s6], $0x5FFFF;
	_ =	strace $0x9000004F  }
0xb2: {  	s29 =	simm.s32 $0x9;
	_ =	strace $0x80000051  }
0xb3: {  	_ =	swait.ge [sflag:s29], $0x1  }
0xb4: {  	[sflag:s29] =	ssyncadd.s32 $0xFFFFFFFF  }
0xb5: {  	_ =	strace $0x90000051  }
0xb6: {  	_ =	sfence  }
0xb7: {  	s30 =	sld [smem:$0x0];
	_ =	sdelay $0x2  }
0xb8: {  	s31 =	sshll.u32 s1, $0xD;
	s1 =	sshrl.u32 s1, $0x2  }
0xb9: {  	s3 =	sand.u32 $0x4000, s31;
	s1 =	sadd.s32 s1, s30  }
0xba: {  	s0 =	sor.u32 s3, s0;
	s1 =	sshll.u32 s1, $0x11  }
0xbb: {  	s0 =	sor.u32 s1, s0  }
0xbc: {  	s0 =	sadd.s32 $0x8F2B, s0  }
0xbd: {  	[sflag:s0] =	ssyncadd.remote.s32 $0x1  }
0xbe: {  	_ =	sfence.sel $0xFFFF  }
0xbf: {  	[dreg:$0x0] =	wrdreg $0xFFFFFFFF;
	(pc) =	sbr.abs _section_cstart, $3  }
0xc0: {  	[dreg:$0x1] =	wrdreg $0xFFFFFFFF  }
0xc1: {  	_ =	task.clear_ibuf [dreg:s6], $0x2FFFF;
	_ =	strace $0x9FFFFFFF  }
0xc2: {  	(tm) =	ssettm $0x7FFFFFFF  }
0xc3: {  	_ =	shalt  }
tec
execute0_lowered:
.L_overlay_start_1:
0x0: {  	(tag) =	ssettag $0x1  }
0x1: {  	s0 =	rddreg [dreg:$0x0]  }
0x2: {  	s2 =	rddreg [dreg:$0x1];
	s3 =	stileid.u32  }
0x3: {  	s4 =	simm.s32 $0x0;
	s1 =	srdreg.scid;
	s31 =	smul.u32 $0x4F000, s3  }
0x4: {  	s28 =	simm.s32 $0x0;
	[smem:$0x7FF] =	sst s4;
	s14 =	smul.u32 $0x140, s3  }
0x5: {  	s1 =	sand.u32 $0x1, s1;
	s8 =	sadd.s32 $0xEC6200, s0;
	s22 =	smul.u32 $0x2780, s3  }
0x6: {  	s30 =	sshll.u32 s3, $0x1;
	s4 =	sadd.s32 $0x4EE200, s0;
	s25 =	smul.u32 $0x1400, s3  }
0x7: {  	s9 =	sadd.s32 $0xC200, s0;
	s5 =	smul.u32 $0x27800, s1;
	s6 =	sor.u32 s1, s30  }
0x8: {  	s17 =	sshll.u32 s3, $0x6;
	_ =	strace $0x80000050;
	s7 =	smul.u32 $0xA0, s6  }
0x9: {  	[dreg:$0x5] =	wrdreg s9;
	s13 =	ssub.s32 $0x2, s1;
	s10 =	smul.u32 $0xA00, s6  }
0xa: {  	s11 =	sshrl.u32 s13, $0x1;
	s12 =	smul.u32 $0x28000, s6;
	s16 =	sshrl.u32 s31, $0x2  }
0xb: {  	s0 =	sadd.s32 s5, s0;
	s5 =	ssub.s32 s13, s11;
	s13 =	smul.u32 $0xA0, s1  }
0xc: {  	s15 =	sadd.s32 s16, s2;
	s1 =	smul.u32 $0xA00, s1;
	s18 =	sadd.s32 s4, s10  }
0xd: {  	s7 =	ssub.s32 $0x1388, s7;
	s19 =	sadd.s32 s8, s12;
	[dreg:$0x6] =	wrdreg s18  }
0xe: {  	s0 =	sadd.s32 $0xEA00, s0;
	s5 =	smax.u32 s5, $0x1;
	[dreg:$0x7] =	wrdreg s19  }
0xf: {  	s6 =	smin.u32 s7, $0xA0;
	s9 =	sadd.s32 $0x10, s18;
	[dreg:$0xa] =	wrdreg s5  }
0x10: {  	s7 =	sor.u32 $0x1C0D, s17;
	s10 =	sadd.s32 $0x400, s19;
	[dreg:$0x8] =	wrdreg s9  }
0x11: {  	s20 =	sadd.s32 s13, s14;
	s0 =	sadd.s32 s22, s0;
	[dreg:$0x9] =	wrdreg s10  }
0x12: {  	s21 =	sshll.u32 s20, $0xA;
	s24 =	sshll.u32 s20, $0x4;
	s9 =	sor.u32 $0x4, s20  }
0x13: {  	[dreg:$0xd] =	wrdreg s0;
	s10 =	sadd.s32 s24, s4;
	s9 =	sshrl.u32 s9, $0x2  }
0x14: {  	s23 =	sadd.s32 s21, s8;
	s10 =	sadd.s32 $0x50, s10;
	s26 =	sshll.u32 s9, $0x6  }
0x15: {  	s9 =	sshll.u32 s9, $0xC;
	s31 =	sadd.s32 $0x800, s23;
	[dreg:$0x4] =	wrdreg s10  }
0x16: {  	s14 =	sadd.s32 s1, s25;
	s30 =	sadd.s32 s9, s8;
	[dreg:$0xc] =	wrdreg s31  }
0x17: {  	s17 =	sshrl.u32 s15, $0x3;
	s29 =	sadd.s32 s26, s4;
	[dreg:$0xb] =	wrdreg s30  }
0x18: {  	s18 =	simm.s32 $0xD;
	s21 =	sadd.s32 $0x1400, s23;
	[dreg:$0x3] =	wrdreg s29  }
.LBB2_1:
0x19: {  	s0 =	rddreg [dreg:$0x5];
	s20 =	simm.s32 $0x0  }
0x1a: {  	s3 =	simm.s32 $0x200;
	s24 =	simm.s32 $0x80;
	s26 =	simm.s32 $0x2200  }
0x1b: {  	p0 =	sle.u32 s6, $0x3;
	p2 =	sle.u32 s6, $0x2;
	s11 =	simm.s32 $0x8  }
0x1c: {  	[spmem:s17], [sflag:s7] =	dma.local [hbm:s0], $0x2780  }
0x1d: {  	p3 =	sle.u32 s6, $0x0;
	s29 =	simm.s32 $0x40;
	_ =	swait.ge [sflag:s18], $0x2780  }
0x1e: {  	s12 =	simm.s32 $0x0;
	s13 =	smov.u32 s21;
	[sflag:s18] =	ssyncset.done $0x0  }
0x1f: {  	s30 =	simm.s32 $0x4;
	s0 =	sadd.s32 @!p0 $0x0, s14;
	[sflag:s18] =	ssyncadd.s32 $0xFFFFD880  }
0x20: {  	s5 =	simm.s32 @!p3 $0x1;
	p4 =	por @!p2 $0x1, $0x1;
	[bflag:$0x0] =	sbarrier.arrive $0xFFFF  }
0x21: {  	s15 =	simm.s32 @!p2 $0x0;
	s8 =	simm.s32 @!p2 $0x100;
	s1 =	rddreg [dreg:$0x6]  }
0x22: {  	[tilespmem:s20], [sflag:$0x1] =	stream.linear.gather [hbm4b:s1+s20], $0x80, $0x38;
	[tilespmem:$0x1BE00] =	vst v63  }
0x23: {  	p1 =	por p0, p0;
	s9 =	simm.s32 @!p3 $0x40;
	s1 =	sadd.s32 @!p0 $0x10, s0  }
0x24: {  	s22 =	rddreg [dreg:$0x7];
	s0 =	sadd.s32 @!p0 $0x30, s0;
	s1 =	sand.u32 @!p0 $0xFFFFF80, s1  }
0x25: {  	[tilespmem:s3], [sflag:$0x5] =	stream.linear.gather [hbm4b:s22+s20], $0x2000, $0x38;
	[tilespmem:$0x1BE00] =	vst v63  }
0x26: {  	s23 =	rddreg [dreg:$0x8];
	s0 =	sand.u32 @!p0 $0x70, s0;
	s1 =	sadd.s32 @!p0 s4, s1  }
0x27: {  	[tilespmem:s24], [sflag:$0x2] =	stream.linear.gather [hbm4b:s23+s20], $0x80, $0x38;
	[tilespmem:$0x1BE00] =	vst v63  }
0x28: {  	s25 =	rddreg [dreg:$0x9];
	s10 =	sadd.s32 @!p0 s0, s1;
	s0 =	sadd.s32 @!p2 $0x0, s14  }
0x29: {  	[tilespmem:s26], [sflag:$0x6] =	stream.linear.gather [hbm4b:s25+s20], $0x2000, $0x38;
	[tilespmem:$0x1BE00] =	vst v63  }
0x2a: {  	s1 =	sand.u32 @!p2 $0xFFFFF80, s0;
	s0 =	sadd.s32 @!p2 $0x20, s0;
	_ =	swait.ge @!p3 [sflag:s5], $0x80  }
0x2b: {  	s0 =	sand.u32 @!p2 $0x60, s0;
	s1 =	sadd.s32 @!p2 s4, s1;
	[sflag:s5] =	ssyncset.done @!p3 $0x0  }
0x2c: {  	s19 =	sadd.s32 @!p2 s0, s1;
	s0 =	simm.s32 @!p3 $0x5;
	[sflag:s5] =	ssyncadd.s32 @!p3 $0xFFFFFF80  }
0x2d: {  	p5 =	por p4, p2;
	p4 =	sle.u32 s6, $0x1;
	_ =	swait.ge @!p3 [sflag:s0], $0x2000  }
0x2e: {  	s22 =	simm.s32 @!p5 $0xB;
	p0 =	sle.u32 s6, $0x7;
	[sflag:s0] =	ssyncset.done @!p3 $0x0  }
0x2f: {  	s1 =	simm.s32 @!p3 $0x200;
	s5 =	simm.s32 @!p3 $0x0;
	[sflag:s0] =	ssyncadd.s32 @!p3 $0xFFFFE000  }
0x30: {  	[spmem:s2] =	stream.indirect.scatter.add.f32 @!p3 [tilespmem:s1], [sflag:$0x9], $0x80, s5, s9, $0xb8;
	[tilespmem:$0x1BE00] =	vst v63  }
0x31: {  	s20 =	simm.s32 $0x4;
	s0 =	simm.s32 $0x8;
	_ =	swait.ge @!p5 [sflag:s22], $0x2000  }
0x32: {  	s9 =	sadd.s32 @!p0 $0x40, s14;
	s5 =	simm.s32 $0x0;
	s16 =	rddreg [dreg:$0xc]  }
0x33: {  	s1 =	smov.u32 s21;
	[sflag:s22] =	ssyncset.done @!p5 $0x0;
	s31 =	rddreg [dreg:$0xb]  }
.LBB2_2:
0x34: {  	[sflag:s22] =	ssyncadd.s32 @!p5 $0xFFFFE000  }
0x35: {  	[tilespmem:s8], [sflag:$0x3] =	stream.linear.gather @!p2 [hbm4b:s19+s15], $0x80, $0x38;
	[tilespmem:$0x1BE00] =	vst v63  }
0x36: {  	s23 =	simm.s32 @!p2 $0x4200;
	s22 =	simm.s32 @!p4 $0x2  }
0x37: {  	[tilespmem:s23], [sflag:$0x7] =	stream.linear.gather @!p2 [hbm4b:s16+s15], $0x2000, $0x38;
	[tilespmem:$0x1BE00] =	vst v63  }
0x38: {  	_ =	swait.ge @!p4 [sflag:s22], $0x80  }
0x39: {  	p3 =	seq.s32 @!p1 s12, $0x0;
	s24 =	simm.s32 @!p4 $0x2200;
	[sflag:s22] =	ssyncset.done @!p4 $0x0  }
0x3a: {  	s25 =	simm.s32 @!p4 $0x40;
	s15 =	simm.s32 @!p4 $0x6;
	[sflag:s22] =	ssyncadd.s32 @!p4 $0xFFFFFF80  }
0x3b: {  	s26 =	simm.s32 @!p4 $0x80;
	s19 =	sadd.s32 @!p0 $0x10, s9;
	_ =	swait.ge @!p4 [sflag:s15], $0x2000  }
0x3c: {  	s9 =	sadd.s32 @!p0 $0x30, s9;
	p5 =	por p3, p1;
	[sflag:s15] =	ssyncset.done @!p4 $0x0  }
0x3d: {  	s19 =	sand.u32 @!p0 $0xFFFFF80, s19;
	s3 =	simm.s32 @!p5 $0xC;
	[sflag:s15] =	ssyncadd.s32 @!p4 $0xFFFFE000  }
0x3e: {  	[spmem:s2] =	stream.indirect.scatter.add.f32 @!p4 [tilespmem:s24], [sflag:$0xA], $0x80, s26, s25, $0xb8;
	[tilespmem:$0x1BE00] =	vst v63  }
0x3f: {  	s9 =	sand.u32 @!p0 $0x70, s9;
	s19 =	sadd.s32 @!p0 s4, s19;
	_ =	swait.ge @!p5 [sflag:s3], $0x2000  }
0x40: {  	s16 =	sadd.s32 $0x1000, s16;
	s19 =	sadd.s32 @!p0 s9, s19;
	[sflag:s3] =	ssyncset.done @!p5 $0x0  }
0x41: {  	s15 =	simm.s32 @!p1 $0x0;
	s24 =	simm.s32 @!p1 $0x180;
	[sflag:s3] =	ssyncadd.s32 @!p5 $0xFFFFE000  }
0x42: {  	[tilespmem:s24], [sflag:$0x4] =	stream.linear.gather @!p1 [hbm4b:s10+s15], $0x80, $0x38;
	[tilespmem:$0x1BE00] =	vst v63  }
0x43: {  	s22 =	simm.s32 @!p1 $0x6200;
	s25 =	sadd.s32 @!p1 $0xFFFFF800, s13;
	s3 =	simm.s32 @!p2 $0x3  }
0x44: {  	[tilespmem:s22], [sflag:$0x8] =	stream.linear.gather @!p1 [hbm4b:s25+s15], $0x2000, $0x38;
	[tilespmem:$0x1BE00] =	vst v63  }
0x45: {  	s9 =	smov.u32 s11;
	s11 =	sadd.s32 $0x4, s11;
	_ =	swait.ge @!p2 [sflag:s3], $0x80  }
0x46: {  	p3 =	sne.s32 s11, $0xA0;
	p4 =	sge.u32 s20, s6;
	[sflag:s3] =	ssyncset.done @!p2 $0x0  }
0x47: {  	s20 =	smov.u32 s0;
	[sflag:s3] =	ssyncadd.s32 @!p2 $0xFFFFFF80;
	s3 =	simm.s32 @!p2 $0x7  }
0x48: {  	s0 =	simm.s32 @!p2 $0x40;
	s26 =	sadd.s32 $0x5, s12;
	_ =	swait.ge @!p2 [sflag:s3], $0x2000  }
0x49: {  	s12 =	smov.u32 s30;
	s13 =	sadd.s32 $0x1000, s13;
	[sflag:s3] =	ssyncset.done @!p2 $0x0  }
0x4a: {  	p6 =	sge.u32 s12, s6;
	[sflag:s3] =	ssyncadd.s32 @!p2 $0xFFFFE000;
	s3 =	simm.s32 @!p4 $0x9  }
0x4b: {  	[spmem:s2] =	stream.indirect.scatter.add.f32 @!p2 [tilespmem:s23], [sflag:$0xB], $0x80, s8, s0, $0xb8;
	[tilespmem:$0x1BE00] =	vst v63  }
0x4c: {  	p5 =	sge.u32 s26, s6;
	s26 =	sadd.s32 $0x1, s12;
	_ =	swait.ge @!p4 [sflag:s3], $0x2000  }
0x4d: {  	s10 =	smov.u32 s19;
	[sflag:s3] =	ssyncset.done @!p4 $0x0;
	s8 =	rddreg [dreg:$0x3]  }
0x4e: {  	[sflag:s3] =	ssyncadd.s32 @!p4 $0xFFFFE000;
	s3 =	simm.s32 @!p4 $0x0;
	s8 =	sadd.s32 @!p4 s5, s8  }
0x4f: {  	[tilespmem:s3], [sflag:$0x1] =	stream.linear.gather @!p4 [hbm4b:s8+s3], $0x80, $0x38;
	[tilespmem:$0x1BE00] =	vst v63  }
0x50: {  	s19 =	simm.s32 @!p1 $0x4;
	s15 =	simm.s32 @!p4 $0x200;
	s25 =	sadd.s32 $0x2, s30  }
0x51: {  	[tilespmem:s15], [sflag:$0x5] =	stream.linear.gather @!p4 [hbm4b:s31+s3], $0x2000, $0x38;
	[tilespmem:$0x1BE00] =	vst v63  }
0x52: {  	s0 =	smov.u32 s11;
	p2 =	sge.u32 s25, s6;
	_ =	swait.ge @!p1 [sflag:s19], $0x80  }
0x53: {  	s23 =	simm.s32 @!p1 $0x8;
	s3 =	sadd.s32 @!p2 s29, s14;
	[sflag:s19] =	ssyncset.done @!p1 $0x0  }
0x54: {  	s8 =	sand.u32 @!p2 $0xFFFFF80, s3;
	s3 =	sadd.s32 @!p2 $0x20, s3;
	[sflag:s19] =	ssyncadd.s32 @!p1 $0xFFFFFF80  }
0x55: {  	s3 =	sand.u32 @!p2 $0x60, s3;
	s8 =	sadd.s32 @!p2 s4, s8;
	_ =	swait.ge @!p1 [sflag:s23], $0x2000  }
0x56: {  	p4 =	seq.s32 @!p2 s30, $0x0;
	s19 =	sadd.s32 @!p2 s3, s8;
	[sflag:s23] =	ssyncset.done @!p1 $0x0  }
0x57: {  	s3 =	simm.s32 @!p1 $0x40;
	[sflag:s23] =	ssyncadd.s32 @!p1 $0xFFFFE000;
	s23 =	simm.s32 @!p5 $0xA  }
0x58: {  	[spmem:s2] =	stream.indirect.scatter.add.f32 @!p1 [tilespmem:s22], [sflag:$0xC], $0x80, s24, s3, $0xb8;
	[tilespmem:$0x1BE00] =	vst v63  }
0x59: {  	s15 =	simm.s32 @!p2 $0x0;
	s30 =	smov.u32 s9;
	_ =	swait.ge @!p5 [sflag:s23], $0x2000  }
0x5a: {  	s9 =	simm.s32 @!p5 $0x0;
	[sflag:s23] =	ssyncset.done @!p5 $0x0;
	s3 =	rddreg [dreg:$0x4]  }
0x5b: {  	s22 =	simm.s32 @!p5 $0x80;
	[sflag:s23] =	ssyncadd.s32 @!p5 $0xFFFFE000;
	s3 =	sadd.s32 @!p5 s5, s3  }
0x5c: {  	[tilespmem:s22], [sflag:$0x2] =	stream.linear.gather @!p5 [hbm4b:s3+s9], $0x80, $0x38;
	[tilespmem:$0x1BE00] =	vst v63  }
0x5d: {  	s31 =	sadd.s32 $0x1000, s31;
	s23 =	simm.s32 @!p5 $0x2200;
	s3 =	simm.s32 @!p6 $0x1  }
0x5e: {  	[tilespmem:s23], [sflag:$0x6] =	stream.linear.gather @!p5 [hbm4b:s1+s9], $0x2000, $0x38;
	[tilespmem:$0x1BE00] =	vst v63  }
0x5f: {  	s25 =	sadd.s32 $0x3, s30;
	s8 =	simm.s32 @!p2 $0x100;
	_ =	swait.ge @!p6 [sflag:s3], $0x80  }
0x60: {  	p1 =	por p0, p0;
	s24 =	simm.s32 @!p6 $0x40;
	[sflag:s3] =	ssyncset.done @!p6 $0x0  }
0x61: {  	p0 =	sge.u32 s25, s6;
	[sflag:s3] =	ssyncadd.s32 @!p6 $0xFFFFFF80;
	s3 =	simm.s32 @!p6 $0x5  }
0x62: {  	s5 =	smov.u32 s29;
	s9 =	simm.s32 @!p6 $0x200;
	_ =	swait.ge @!p6 [sflag:s3], $0x2000  }
.Ltmp0:
0x63: {  	p5 =	por p4, p2;
	[sflag:s3] =	ssyncset.done @!p6 $0x0;
	(pc) =	sbr.rel @p3 .LBB2_2-.Ltmp0, $4  }
0x64: {  	s23 =	simm.s32 @!p6 $0x0;
	s22 =	simm.s32 @!p5 $0xB;
	[sflag:s3] =	ssyncadd.s32 @!p6 $0xFFFFE000  }
0x65: {  	[spmem:s2] =	stream.indirect.scatter.add.f32 @!p6 [tilespmem:s9], [sflag:$0x9], $0x80, s23, s24, $0xb8;
	[tilespmem:$0x1BE00] =	vst v63  }
0x66: {  	s29 =	sadd.s32 $0x40, s29;
	s1 =	smov.u32 s13;
	_ =	swait.ge @!p5 [sflag:s22], $0x2000  }
0x67: {  	p4 =	sge.u32 s26, s6;
	s9 =	sadd.s32 @!p0 s29, s14;
	[sflag:s22] =	ssyncset.done @!p5 $0x0  }
0x68: {  	[sflag:s22] =	ssyncadd.s32 @!p5 $0xFFFFE000  }
0x69: {  	[tilespmem:s8], [sflag:$0x3] =	stream.linear.gather @!p2 [hbm4b:s19+s15], $0x80, $0x38;
	[tilespmem:$0x1BE00] =	vst v63  }
0x6a: {  	s3 =	simm.s32 @!p2 $0x4200;
	s11 =	simm.s32 @!p4 $0x2  }
0x6b: {  	[tilespmem:s3], [sflag:$0x7] =	stream.linear.gather @!p2 [hbm4b:s16+s15], $0x2000, $0x38;
	[tilespmem:$0x1BE00] =	vst v63  }
0x6c: {  	_ =	swait.ge @!p4 [sflag:s11], $0x80  }
0x6d: {  	[sflag:s11] =	ssyncset.done @!p4 $0x0  }
0x6e: {  	s15 =	simm.s32 @!p4 $0x6;
	[sflag:s11] =	ssyncadd.s32 @!p4 $0xFFFFFF80  }
0x6f: {  	p3 =	seq.s32 @!p1 s12, $0x0;
	_ =	swait.ge @!p4 [sflag:s15], $0x2000  }
0x70: {  	s19 =	simm.s32 @!p4 $0x40;
	p3 =	por p3, p1;
	[sflag:s15] =	ssyncset.done @!p4 $0x0  }
0x71: {  	s11 =	simm.s32 @!p4 $0x2200;
	[sflag:s15] =	ssyncadd.s32 @!p4 $0xFFFFE000;
	s15 =	simm.s32 @!p4 $0x80  }
0x72: {  	[spmem:s2] =	stream.indirect.scatter.add.f32 @!p4 [tilespmem:s11], [sflag:$0xA], $0x80, s15, s19, $0xb8;
	[tilespmem:$0x1BE00] =	vst v63  }
0x73: {  	s11 =	simm.s32 @!p3 $0xC  }
0x74: {  	_ =	swait.ge @!p3 [sflag:s11], $0x2000  }
0x75: {  	[sflag:s11] =	ssyncset.done @!p3 $0x0  }
0x76: {  	s15 =	simm.s32 @!p1 $0x0;
	s19 =	simm.s32 @!p1 $0x180;
	[sflag:s11] =	ssyncadd.s32 @!p3 $0xFFFFE000  }
0x77: {  	[tilespmem:s19], [sflag:$0x4] =	stream.linear.gather @!p1 [hbm4b:s10+s15], $0x80, $0x38;
	[tilespmem:$0x1BE00] =	vst v63  }
0x78: {  	s11 =	simm.s32 @!p1 $0x6200;
	s10 =	sadd.s32 @!p1 $0xFFFFF800, s13  }
0x79: {  	[tilespmem:s11], [sflag:$0x8] =	stream.linear.gather @!p1 [hbm4b:s10+s15], $0x2000, $0x38;
	[tilespmem:$0x1BE00] =	vst v63  }
0x7a: {  	s10 =	simm.s32 @!p2 $0x3  }
0x7b: {  	_ =	swait.ge @!p2 [sflag:s10], $0x80  }
0x7c: {  	[sflag:s10] =	ssyncset.done @!p2 $0x0  }
0x7d: {  	[sflag:s10] =	ssyncadd.s32 @!p2 $0xFFFFFF80;
	s10 =	simm.s32 @!p2 $0x7  }
0x7e: {  	_ =	swait.ge @!p2 [sflag:s10], $0x2000  }
0x7f: {  	[sflag:s10] =	ssyncset.done @!p2 $0x0  }
0x80: {  	[sflag:s10] =	ssyncadd.s32 @!p2 $0xFFFFE000;
	s10 =	simm.s32 @!p2 $0x40  }
0x81: {  	[spmem:s2] =	stream.indirect.scatter.add.f32 @!p2 [tilespmem:s3], [sflag:$0xB], $0x80, s8, s10, $0xb8;
	[tilespmem:$0x1BE00] =	vst v63  }
0x82: {  	p2 =	sge.u32 s20, s6  }
0x83: {  	s3 =	simm.s32 @!p2 $0x9  }
0x84: {  	_ =	swait.ge @!p2 [sflag:s3], $0x2000  }
0x85: {  	s8 =	rddreg [dreg:$0x3];
	[sflag:s3] =	ssyncset.done @!p2 $0x0  }
0x86: {  	[sflag:s3] =	ssyncadd.s32 @!p2 $0xFFFFE000;
	s3 =	simm.s32 @!p2 $0x0;
	s8 =	sadd.s32 @!p2 s5, s8  }
0x87: {  	[tilespmem:s3], [sflag:$0x1] =	stream.linear.gather @!p2 [hbm4b:s8+s3], $0x80, $0x38;
	[tilespmem:$0x1BE00] =	vst v63  }
0x88: {  	s8 =	simm.s32 @!p2 $0x200  }
0x89: {  	[tilespmem:s8], [sflag:$0x5] =	stream.linear.gather @!p2 [hbm4b:s31+s3], $0x2000, $0x38;
	[tilespmem:$0x1BE00] =	vst v63  }
0x8a: {  	s3 =	simm.s32 @!p1 $0x4  }
0x8b: {  	_ =	swait.ge @!p1 [sflag:s3], $0x80  }
0x8c: {  	[sflag:s3] =	ssyncset.done @!p1 $0x0  }
0x8d: {  	[sflag:s3] =	ssyncadd.s32 @!p1 $0xFFFFFF80;
	s3 =	simm.s32 @!p1 $0x8  }
0x8e: {  	_ =	swait.ge @!p1 [sflag:s3], $0x2000  }
0x8f: {  	[sflag:s3] =	ssyncset.done @!p1 $0x0  }
0x90: {  	[sflag:s3] =	ssyncadd.s32 @!p1 $0xFFFFE000;
	s3 =	simm.s32 @!p1 $0x40  }
0x91: {  	[spmem:s2] =	stream.indirect.scatter.add.f32 @!p1 [tilespmem:s11], [sflag:$0xC], $0x80, s19, s3, $0xb8;
	[tilespmem:$0x1BE00] =	vst v63  }
0x92: {  	s19 =	sadd.s32 $0x5, s12  }
0x93: {  	p1 =	sge.u32 s19, s6  }
0x94: {  	s3 =	simm.s32 @!p1 $0xA  }
0x95: {  	_ =	swait.ge @!p1 [sflag:s3], $0x2000  }
0x96: {  	[sflag:s3] =	ssyncset.done @!p1 $0x0  }
0x97: {  	p2 =	sge.u32 s30, s6;
	s8 =	rddreg [dreg:$0x4];
	[sflag:s3] =	ssyncadd.s32 @!p1 $0xFFFFE000  }
0x98: {  	s3 =	simm.s32 @!p1 $0x0;
	s5 =	sadd.s32 @!p1 s5, s8;
	s8 =	simm.s32 @!p1 $0x80  }
0x99: {  	[tilespmem:s8], [sflag:$0x2] =	stream.linear.gather @!p1 [hbm4b:s5+s3], $0x80, $0x38;
	[tilespmem:$0x1BE00] =	vst v63  }
0x9a: {  	s5 =	simm.s32 @!p1 $0x2200;
	s8 =	simm.s32 @!p2 $0x1  }
0x9b: {  	[tilespmem:s5], [sflag:$0x6] =	stream.linear.gather @!p1 [hbm4b:s1+s3], $0x2000, $0x38;
	[tilespmem:$0x1BE00] =	vst v63  }
0x9c: {  	_ =	swait.ge @!p2 [sflag:s8], $0x80  }
0x9d: {  	[sflag:s8] =	ssyncset.done @!p2 $0x0  }
0x9e: {  	s20 =	sadd.s32 $0x2, s30;
	s1 =	simm.s32 @!p2 $0x5;
	[sflag:s8] =	ssyncadd.s32 @!p2 $0xFFFFFF80  }
0x9f: {  	p1 =	sge.u32 s20, s6;
	_ =	swait.ge @!p2 [sflag:s1], $0x2000  }
0xa0: {  	s5 =	simm.s32 @!p2 $0x200;
	p3 =	seq.s32 @!p1 s30, $0x0;
	[sflag:s1] =	ssyncset.done @!p2 $0x0  }
0xa1: {  	s8 =	simm.s32 @!p2 $0x0;
	[sflag:s1] =	ssyncadd.s32 @!p2 $0xFFFFE000;
	s1 =	simm.s32 @!p2 $0x40  }
0xa2: {  	[spmem:s2] =	stream.indirect.scatter.add.f32 @!p2 [tilespmem:s5], [sflag:$0x9], $0x80, s8, s1, $0xb8;
	[tilespmem:$0x1BE00] =	vst v63  }
0xa3: {  	s22 =	sadd.s32 $0x1, s30;
	s3 =	sadd.s32 @!p1 s29, s14;
	p2 =	por p3, p1  }
0xa4: {  	s1 =	sand.u32 @!p1 $0xFFFFF80, s3;
	s3 =	sadd.s32 @!p1 $0x20, s3;
	s5 =	simm.s32 @!p2 $0xB  }
0xa5: {  	p3 =	sge.u32 s22, s6;
	s8 =	simm.s32 @!p1 $0x100;
	_ =	swait.ge @!p2 [sflag:s5], $0x2000  }
0xa6: {  	s3 =	sand.u32 @!p1 $0x60, s3;
	s1 =	sadd.s32 @!p1 s4, s1;
	[sflag:s5] =	ssyncset.done @!p2 $0x0  }
0xa7: {  	s1 =	sadd.s32 @!p1 s3, s1;
	s3 =	simm.s32 @!p1 $0x0;
	[sflag:s5] =	ssyncadd.s32 @!p2 $0xFFFFE000  }
0xa8: {  	[tilespmem:s8], [sflag:$0x3] =	stream.linear.gather @!p1 [hbm4b:s1+s3], $0x80, $0x38;
	[tilespmem:$0x1BE00] =	vst v63  }
0xa9: {  	s10 =	simm.s32 @!p3 $0x2;
	s5 =	simm.s32 @!p1 $0x4200;
	s1 =	sadd.s32 $0x1000, s16  }
0xaa: {  	[tilespmem:s5], [sflag:$0x7] =	stream.linear.gather @!p1 [hbm4b:s1+s3], $0x2000, $0x38;
	[tilespmem:$0x1BE00] =	vst v63  }
0xab: {  	_ =	swait.ge @!p3 [sflag:s10], $0x80  }
0xac: {  	[sflag:s10] =	ssyncset.done @!p3 $0x0  }
0xad: {  	s1 =	simm.s32 @!p3 $0x6;
	[sflag:s10] =	ssyncadd.s32 @!p3 $0xFFFFFF80  }
0xae: {  	p2 =	por p0, p0;
	_ =	swait.ge @!p3 [sflag:s1], $0x2000  }
0xaf: {  	p4 =	seq.s32 @!p2 s30, $0x0;
	s3 =	simm.s32 @!p3 $0x2200;
	[sflag:s1] =	ssyncset.done @!p3 $0x0  }
0xb0: {  	s10 =	simm.s32 @!p3 $0x40;
	[sflag:s1] =	ssyncadd.s32 @!p3 $0xFFFFE000;
	s1 =	simm.s32 @!p3 $0x80  }
0xb1: {  	[spmem:s2] =	stream.indirect.scatter.add.f32 @!p3 [tilespmem:s3], [sflag:$0xA], $0x80, s1, s10, $0xb8;
	[tilespmem:$0x1BE00] =	vst v63  }
0xb2: {  	s11 =	simm.s32 @!p2 $0x180;
	p3 =	por p4, p2  }
0xb3: {  	s1 =	sadd.s32 @!p0 $0x10, s9;
	s3 =	sadd.s32 @!p0 $0x30, s9;
	s9 =	simm.s32 @!p3 $0xC  }
0xb4: {  	s10 =	simm.s32 @!p2 $0x0;
	s1 =	sand.u32 @!p0 $0xFFFFF80, s1;
	_ =	swait.ge @!p3 [sflag:s9], $0x2000  }
0xb5: {  	s3 =	sand.u32 @!p0 $0x70, s3;
	s1 =	sadd.s32 @!p0 s4, s1;
	[sflag:s9] =	ssyncset.done @!p3 $0x0  }
0xb6: {  	s1 =	sadd.s32 @!p0 s3, s1;
	s3 =	sadd.s32 $0x1000, s13;
	[sflag:s9] =	ssyncadd.s32 @!p3 $0xFFFFE000  }
0xb7: {  	[tilespmem:s11], [sflag:$0x4] =	stream.linear.gather @!p2 [hbm4b:s1+s10], $0x80, $0x38;
	[tilespmem:$0x1BE00] =	vst v63  }
0xb8: {  	s9 =	simm.s32 @!p2 $0x6200;
	s1 =	sadd.s32 @!p2 $0xFFFFF800, s3  }
0xb9: {  	[tilespmem:s9], [sflag:$0x8] =	stream.linear.gather @!p2 [hbm4b:s1+s10], $0x2000, $0x38;
	[tilespmem:$0x1BE00] =	vst v63  }
0xba: {  	s1 =	simm.s32 @!p1 $0x3  }
0xbb: {  	_ =	swait.ge @!p1 [sflag:s1], $0x80  }
0xbc: {  	[sflag:s1] =	ssyncset.done @!p1 $0x0  }
0xbd: {  	[sflag:s1] =	ssyncadd.s32 @!p1 $0xFFFFFF80;
	s1 =	simm.s32 @!p1 $0x7  }
0xbe: {  	_ =	swait.ge @!p1 [sflag:s1], $0x2000  }
0xbf: {  	p0 =	sge.u32 s0, s6;
	[sflag:s1] =	ssyncset.done @!p1 $0x0  }
0xc0: {  	s0 =	simm.s32 @!p0 $0x9;
	[sflag:s1] =	ssyncadd.s32 @!p1 $0xFFFFE000;
	s1 =	simm.s32 @!p1 $0x40  }
0xc1: {  	[spmem:s2] =	stream.indirect.scatter.add.f32 @!p1 [tilespmem:s5], [sflag:$0xB], $0x80, s8, s1, $0xb8;
	[tilespmem:$0x1BE00] =	vst v63  }
0xc2: {  	_ =	swait.ge @!p0 [sflag:s0], $0x2000  }
0xc3: {  	s1 =	rddreg [dreg:$0x3];
	[sflag:s0] =	ssyncset.done @!p0 $0x0  }
0xc4: {  	[sflag:s0] =	ssyncadd.s32 @!p0 $0xFFFFE000;
	s0 =	simm.s32 @!p0 $0x0;
	s1 =	sadd.s32 @!p0 s29, s1  }
0xc5: {  	[tilespmem:s0], [sflag:$0x1] =	stream.linear.gather @!p0 [hbm4b:s1+s0], $0x80, $0x38;
	[tilespmem:$0x1BE00] =	vst v63  }
0xc6: {  	s5 =	simm.s32 @!p0 $0x200;
	s1 =	sadd.s32 $0x1000, s31  }
0xc7: {  	[tilespmem:s5], [sflag:$0x5] =	stream.linear.gather @!p0 [hbm4b:s1+s0], $0x2000, $0x38;
	[tilespmem:$0x1BE00] =	vst v63  }
0xc8: {  	s0 =	simm.s32 @!p2 $0x4  }
0xc9: {  	_ =	swait.ge @!p2 [sflag:s0], $0x80  }
0xca: {  	[sflag:s0] =	ssyncset.done @!p2 $0x0  }
0xcb: {  	[sflag:s0] =	ssyncadd.s32 @!p2 $0xFFFFFF80;
	s0 =	simm.s32 @!p2 $0x8  }
0xcc: {  	_ =	swait.ge @!p2 [sflag:s0], $0x2000  }
0xcd: {  	s23 =	sadd.s32 $0x5, s30;
	[sflag:s0] =	ssyncset.done @!p2 $0x0  }
0xce: {  	p0 =	sge.u32 s23, s6;
	[sflag:s0] =	ssyncadd.s32 @!p2 $0xFFFFE000;
	s0 =	simm.s32 @!p2 $0x40  }
0xcf: {  	[spmem:s2] =	stream.indirect.scatter.add.f32 @!p2 [tilespmem:s9], [sflag:$0xC], $0x80, s11, s0, $0xb8;
	[tilespmem:$0x1BE00] =	vst v63  }
0xd0: {  	s0 =	simm.s32 @!p0 $0xA  }
0xd1: {  	_ =	swait.ge @!p0 [sflag:s0], $0x2000  }
0xd2: {  	s5 =	simm.s32 @!p0 $0x80;
	s1 =	rddreg [dreg:$0x4];
	[sflag:s0] =	ssyncset.done @!p0 $0x0  }
0xd3: {  	[sflag:s0] =	ssyncadd.s32 @!p0 $0xFFFFE000;
	s0 =	simm.s32 @!p0 $0x0;
	s1 =	sadd.s32 @!p0 s29, s1  }
0xd4: {  	[tilespmem:s5], [sflag:$0x2] =	stream.linear.gather @!p0 [hbm4b:s1+s0], $0x80, $0x38;
	[tilespmem:$0x1BE00] =	vst v63  }
0xd5: {  	s24 =	simm.s32 $0x9;
	s1 =	simm.s32 @!p0 $0x2200  }
0xd6: {  	[tilespmem:s1], [sflag:$0x6] =	stream.linear.gather @!p0 [hbm4b:s3+s0], $0x2000, $0x38;
	[tilespmem:$0x1BE00] =	vst v63  }
0xd7: {  	_ =	swait.ge [sflag:s24], $0x2000  }
0xd8: {  	[sflag:s24] =	ssyncset.done $0x0  }
0xd9: {  	s25 =	simm.s32 $0xA;
	[sflag:s24] =	ssyncadd.s32 $0xFFFFE000  }
0xda: {  	_ =	swait.ge [sflag:s25], $0x2000  }
0xdb: {  	[sflag:s25] =	ssyncset.done $0x0  }
0xdc: {  	s26 =	simm.s32 $0xB;
	[sflag:s25] =	ssyncadd.s32 $0xFFFFE000  }
0xdd: {  	_ =	swait.ge [sflag:s26], $0x2000  }
0xde: {  	[sflag:s26] =	ssyncset.done $0x0  }
0xdf: {  	s29 =	simm.s32 $0xC;
	[sflag:s26] =	ssyncadd.s32 $0xFFFFE000  }
0xe0: {  	_ =	swait.ge [sflag:s29], $0x2000  }
0xe1: {  	[sflag:s29] =	ssyncset.done $0x0  }
0xe2: {  	[sflag:s29] =	ssyncadd.s32 $0xFFFFE000  }
0xe3: {  	[bflag:$0x0] =	sbarrier.arrive $0xFFFF  }
0xe4: {  	s30 =	rddreg [dreg:$0xd]  }
0xe5: {  	[hbm:s30], [sflag:s7] =	dma.local [spmem:s17], $0x2780  }
0xe6: {  	_ =	swait.ge [sflag:s18], $0x2780  }
0xe7: {  	s28 =	sadd.s32 $0x1, s28;
	s31 =	rddreg [dreg:$0xa]  }
0xe8: {  	p0 =	sne.s32 s28, s31  }
.Ltmp1:
0xe9: {  	_ = 	snop;
	(pc) =	sbr.rel @p0 .LBB2_1-.Ltmp1, $3  }
0xea: {  	_ =	sdelay $0x1  }
0xeb: {  	[sflag:s18] =	ssyncset.done $0x0  }
0xec: {  	[sflag:s18] =	ssyncadd.s32 $0xFFFFD880  }
0xed: {  	_ =	sfence.sel $0x180000  }
0xee: {  	[bflag:$0x0] =	sbarrier.arrive $0xFFFF  }
0xef: {  	_ =	strace $0x90000050  }
0xf0: {  	s0 =	stileid.u32;
	[bflag:$0x2] =	sbarrier.arrive $0xFFFF  }
0xf1: {  	p0 =	sne.s32 s0, $0x0;
	s0 =	rddreg [dreg:$0x2]  }
0xf2: {  	s0 =	sadd.s32 @!p0 $0x100000, s0  }
0xf3: {  	[sflag:s0] =	ssyncadd.tile.s32 @!p0 $0x1;
	_ =	shalt  }
.Lfunc_end2:
_tile_overlayer_lowered:
.L_overlay_start_2:
0xf4: {  	(tag) =	ssettag $0x2  }
0xf5: {  	s0 =	rddreg [dreg:$0x0];
	s2 =	stileid.u32  }
0xf6: {  	s1 =	rddreg [dreg:$0x1];
	p0 =	sne.s32 s2, $0x0  }
0xf7: {  	s3 =	rddreg [dreg:$0x2];
	[bflag:$0x3] =	sbarrier.arrive $0xFFFF;
	s2 =	simm.s32 @!p0 $0x1C0D  }
0xf8: {  	[timem:s3], [sflag:s2] =	dma.local @!p0 [hbm:s0], s1  }
0xf9: {  	s0 =	simm.s32 @!p0 $0xD  }
0xfa: {  	_ =	swait.ge @!p0 [sflag:s0], s1  }
0xfb: {  	s1 =	ssub.s32 @!p0 $0x0, s1;
	[sflag:s0] =	ssyncset.done @!p0 $0x0  }
0xfc: {  	[sflag:s0] =	ssyncadd.s32 @!p0 s1  }
0xfd: {  	[bflag:$0x3] =	sbarrier.arrive $0xFFFF  }
0xfe: {  	_ =	shalt  }

</sc_bundles>
